<compile_context>
chip_gen: v7x
topology: tpu7x:2x2x1
jax: 0.10.2.dev20260603
libtpu: 0.0.44.dev20260713+nightly
codegen_flags: <defaults>
</compile_context>

<pallas_src>
import functools

import jax
import jax.numpy as jnp
from jax import lax
from jax.experimental import pallas as pl
from jax.experimental.pallas import tpu as pltpu
from jax.experimental.pallas import tpu_sc as plsc

N1, N2, N3 = 50000, 10000, 2048
E1, E2 = 320000, 65536
D_IN, D_H, N_CLS = 128, 128, 64

NC, NS = 2, 16
NW = NC * NS
L = 16
CHUNK = 128

C1 = 2560
E1P = C1 * CHUNK
PAD1 = E1P - E1
C2 = E2 // CHUNK

N1H = 51200
N2H = 10240
N3H = 2048
ACC1 = 10240

_mesh = plsc.VectorSubcoreMesh(core_axis_name="c", subcore_axis_name="s")


def _fill(ref, value):
    v = jnp.full((L,), value, jnp.float32)
    if len(ref.shape) == 1:
        def body(i, c):
            ref[pl.ds(i * L, L)] = v
            return c
        lax.fori_loop(0, ref.shape[0] // L, body, 0)
    else:
        def body(r, c):
            for k in range(ref.shape[1] // L):
                ref[r, pl.ds(k * L, L)] = v
            return c
        lax.fori_loop(0, ref.shape[0], body, 0)


def _hist_body(s1_ref, s2_ref, d1_ref, d2_ref,
               o_s1, o_s2, o_d1, o_d2,
               h_s1, h_s2, h_d1, h_d2, idx_v, ones_v, buf_v, sem):
    cid = lax.axis_index("c")
    sid = lax.axis_index("s")
    _fill(ones_v, 1.0)
    _fill(buf_v, 0.0)

    def _zero(hist):
        n = hist.shape[0] // NS
        for r in range(n // CHUNK):
            pltpu.sync_copy(buf_v.at[pl.ds(0, CHUNK)],
                            hist.at[pl.ds(sid * n + r * CHUNK, CHUNK)])

    def _count(edge2d, hist, nchunks):
        nph = idx_v.shape[0]

        def fire(j, carry):
            pltpu.sync_copy(ones_v, hist.at[idx_v.at[j]], add=True)
            return carry

        for ph in range(nchunks // nph):
            pltpu.sync_copy(edge2d.at[pl.ds(sid * nchunks + ph * nph, nph)],
                            idx_v)
            lax.fori_loop(0, nph, fire, 0)

    def _drain(hist, out):
        n = hist.shape[0] // NS
        nb = min(buf_v.shape[0], n)
        for r in range(n // nb):
            pltpu.sync_copy(hist.at[pl.ds(sid * n + r * nb, nb)],
                            buf_v.at[pl.ds(0, nb)])
            pltpu.sync_copy(buf_v.at[pl.ds(0, nb)],
                            out.at[pl.ds(sid * n + r * nb, nb)])

    @pl.when(cid == 0)
    def _():
        _zero(h_s1)
        _zero(h_s2)

    @pl.when(cid == 1)
    def _():
        _zero(h_d1)
        _zero(h_d2)

    plsc.subcore_barrier()

    @pl.when(cid == 0)
    def _():
        _count(s1_ref, h_s1, C1 // NS)
        _count(s2_ref, h_s2, C2 // NS)

    @pl.when(cid == 1)
    def _():
        _count(d1_ref, h_d1, C1 // NS)
        _count(d2_ref, h_d2, C2 // NS)

    plsc.subcore_barrier()

    @pl.when(cid == 0)
    def _():
        _drain(h_s1, o_s1)
        _drain(h_s2, o_s2)

    @pl.when(cid == 1)
    def _():
        _drain(h_d1, o_d1)
        _drain(h_d2, o_d2)


_hist_call = pl.kernel(
    _hist_body,
    out_type=[jax.ShapeDtypeStruct((N1H,), jnp.float32),
              jax.ShapeDtypeStruct((N2H,), jnp.float32),
              jax.ShapeDtypeStruct((N2H,), jnp.float32),
              jax.ShapeDtypeStruct((N3H,), jnp.float32)],
    mesh=_mesh,
    scratch_types=[pltpu.VMEM_SHARED((N1H,), jnp.float32),
                   pltpu.VMEM_SHARED((N2H,), jnp.float32),
                   pltpu.VMEM_SHARED((N2H,), jnp.float32),
                   pltpu.VMEM_SHARED((N3H,), jnp.float32),
                   pltpu.VMEM((32, CHUNK), jnp.int32),
                   pltpu.VMEM((CHUNK,), jnp.float32),
                   pltpu.VMEM((640,), jnp.float32),
                   pltpu.SemaphoreType.DMA],
)


def _agg_body(nchunks, nphase, nacc, kbuf, feat_ref, src_ref, dst_ref,
              out_ref, acc, src_v, dst_v, *bufs):
    cid = lax.axis_index("c")
    sid = lax.axis_index("s")
    wid = sid * NC + cid
    rows = list(bufs[:kbuf])
    sems = list(bufs[kbuf:])
    r0 = rows[0]
    nph = nchunks // nphase

    _fill(r0, 0.0)
    rows_per_tile = nacc // NS
    for r in range(rows_per_tile // CHUNK):
        pltpu.sync_copy(
            r0, acc.at[pl.ds(sid * rows_per_tile + r * CHUNK, CHUNK)])
    plsc.subcore_barrier()

    def _gather(j, k):
        return pltpu.make_async_copy(feat_ref.at[src_v.at[j]],
                                     rows[k], sems[k])

    for ph in range(nphase):
        base = wid * nchunks + ph * nph
        pltpu.sync_copy(src_ref.at[pl.ds(base, nph)], src_v)
        pltpu.sync_copy(dst_ref.at[pl.ds(base, nph)], dst_v)

        for k in range(kbuf):
            _gather(k, k).start()

        nblk = nph // kbuf

        def body(blk, carry):
            for k in range(kbuf):
                j = blk * kbuf + k
                _gather(j, k).wait()
                pltpu.sync_copy(rows[k], acc.at[dst_v.at[j]], add=True)

                @pl.when(blk < nblk - 1)
                def _():
                    _gather(j + kbuf, k).start()
            return carry

        lax.fori_loop(0, nblk, body, 0)

    plsc.subcore_barrier()

    out_rows = nacc // NS
    for r in range(out_rows // CHUNK):
        pltpu.sync_copy(acc.at[pl.ds(sid * out_rows + r * CHUNK, CHUNK)], r0)
        pltpu.sync_copy(
            r0,
            out_ref.at[pl.ds(cid * nacc + sid * out_rows + r * CHUNK, CHUNK)])


def _make_agg(nchunks_per_worker, nphase, nacc, d, kbuf):
    body = functools.partial(_agg_body, nchunks_per_worker, nphase, nacc,
                             kbuf)
    nph = nchunks_per_worker // nphase
    return pl.kernel(
        body,
        out_type=jax.ShapeDtypeStruct((NC * nacc, d), jnp.float32),
        mesh=_mesh,
        scratch_types=[pltpu.VMEM_SHARED((nacc, d), jnp.float32),
                       pltpu.VMEM((nph, CHUNK), jnp.int32),
                       pltpu.VMEM((nph, CHUNK), jnp.int32)]
                      + [pltpu.VMEM((CHUNK, d), jnp.float32)] * kbuf
                      + [pltpu.SemaphoreType.DMA] * kbuf,
    )


_agg1_call = _make_agg(C1 // NW, 2, ACC1, D_H, 2)
_agg2_call = _make_agg(C2 // NW, 2, N3, D_H, 4)



def _scale_body(x_ref, deg_ref, o_ref):
    norm = lax.rsqrt(jnp.maximum(deg_ref[...], 1.0))
    o_ref[...] = x_ref[...] * norm


def _mlp_body(a0_ref, a1_ref, di_ref, do_ref, w1_ref, b1_ref, w2_ref, p_ref):
    a = a0_ref[...] + a1_ref[...]
    h = jnp.dot(a, w1_ref[...], preferred_element_type=jnp.float32)
    h = h * lax.rsqrt(jnp.maximum(di_ref[...], 1.0)) + b1_ref[...]
    h = jnp.maximum(h, 0.0)
    h = h * lax.rsqrt(jnp.maximum(do_ref[...], 1.0))
    p_ref[...] = jnp.dot(h, w2_ref[...], preferred_element_type=jnp.float32)


def _final_body(e0_ref, e1_ref, deg_ref, b2_ref, o_ref):
    agg = e0_ref[:, :N_CLS] + e1_ref[:, :N_CLS]
    o_ref[...] = agg * lax.rsqrt(jnp.maximum(deg_ref[...], 1.0)) + b2_ref[...]


def kernel(in_feat, mfg1_src, mfg1_dst, mfg2_src, mfg2_dst, W1, b1, W2, b2):
    i32 = jnp.int32
    s1 = mfg1_src.astype(i32)
    d1 = mfg1_dst.astype(i32)
    s2 = mfg2_src.astype(i32)
    d2 = mfg2_dst.astype(i32)

    pad = jnp.arange(PAD1, dtype=i32)
    s1h = jnp.concatenate([s1, N1 + pad % 1024]).reshape(C1, CHUNK)
    s1g = jnp.concatenate([s1, pad % N1]).reshape(C1, CHUNK)
    d1p = jnp.concatenate([d1, N2 + pad % 224]).reshape(C1, CHUNK)
    s2r = s2.reshape(C2, CHUNK)
    d2r = d2.reshape(C2, CHUNK)

    h_s1, h_s2, h_d1, h_d2 = _hist_call(s1h, s2r, d1p, d2r)
    deg1o = h_s1[:N1].reshape(N1, 1)
    deg2o = h_s2[:N2].reshape(N2, 1)
    deg1i = h_d1[:N2].reshape(N2, 1)
    deg2i = h_d2[:N3].reshape(N3, 1)

    blk = 1000
    feat_scaled = pl.pallas_call(
        _scale_body,
        grid=(N1 // blk,),
        in_specs=[pl.BlockSpec((blk, D_IN), lambda i: (i, 0)),
                  pl.BlockSpec((blk, 1), lambda i: (i, 0))],
        out_specs=pl.BlockSpec((blk, D_IN), lambda i: (i, 0)),
        out_shape=jax.ShapeDtypeStruct((N1, D_IN), jnp.float32),
        compiler_params=pltpu.CompilerParams(
            dimension_semantics=("parallel",)),
    )(in_feat, deg1o)

    agg1 = _agg1_call(feat_scaled, s1g, d1p)

    p = pl.pallas_call(
        _mlp_body,
        grid=(N2 // blk,),
        in_specs=[pl.BlockSpec((blk, D_H), lambda i: (i, 0)),
                  pl.BlockSpec((blk, D_H), lambda i: (i, 0)),
                  pl.BlockSpec((blk, 1), lambda i: (i, 0)),
                  pl.BlockSpec((blk, 1), lambda i: (i, 0)),
                  pl.BlockSpec((D_H, D_H), lambda i: (0, 0)),
                  pl.BlockSpec((1, D_H), lambda i: (0, 0)),
                  pl.BlockSpec((D_H, D_H), lambda i: (0, 0))],
        out_specs=pl.BlockSpec((blk, D_H), lambda i: (i, 0)),
        out_shape=jax.ShapeDtypeStruct((N2, D_H), jnp.float32),
        compiler_params=pltpu.CompilerParams(
            dimension_semantics=("parallel",)),
    )(agg1[:N2], agg1[ACC1:ACC1 + N2], deg1i, deg2o, W1,
      b1.reshape(1, D_H), jnp.pad(W2, ((0, 0), (0, D_H - N_CLS))))

    agg2 = _agg2_call(p, s2r, d2r)

    out = pl.pallas_call(
        _final_body,
        in_specs=[pl.BlockSpec((N3, D_H), lambda: (0, 0)),
                  pl.BlockSpec((N3, D_H), lambda: (0, 0)),
                  pl.BlockSpec((N3, 1), lambda: (0, 0)),
                  pl.BlockSpec((1, N_CLS), lambda: (0, 0))],
        out_specs=pl.BlockSpec((N3, N_CLS), lambda: (0, 0)),
        out_shape=jax.ShapeDtypeStruct((N3, N_CLS), jnp.float32),
    )(agg2[:N3], agg2[N3:2 * N3], deg2i, b2.reshape(1, N_CLS))

    return out

# --- scband reference (transcript-rebuilt; emitter-appended) ---
"""Pipeline reference for scband-gcn-43585328119848 (READ-ONLY COPY).

The authoritative reference and input builder live on the scoring server;
editing this copy changes nothing except your own understanding.
"""

import jax, jax.numpy as jnp
import numpy as np

N1, N2, N3 = 50000, 10000, 2048
E1, E2 = 320000, 65536
D_IN, D_H, N_CLS = 128, 128, 64


def setup_inputs(seed: int = 0) -> dict:
    key = jax.random.key(seed)
    ks = jax.random.split(key, 8)
    in_feat = jax.random.normal(ks[0], (N1, D_IN), dtype=jnp.float32)
    mfg1_src = jax.random.randint(ks[1], (E1,), 0, N1, dtype=jnp.int64 if jax.config.jax_enable_x64 else jnp.int32)
    mfg1_dst = jax.random.randint(ks[2], (E1,), 0, N2, dtype=mfg1_src.dtype)
    mfg2_src = jax.random.randint(ks[3], (E2,), 0, N2, dtype=mfg1_src.dtype)
    mfg2_dst = jax.random.randint(ks[4], (E2,), 0, N3, dtype=mfg1_src.dtype)
    # GraphConv parameters (Glorot-style init as in DGL GraphConv)
    W1 = jax.random.normal(ks[5], (D_IN, D_H), dtype=jnp.float32) * (1.0 / np.sqrt(D_IN))
    b1 = jnp.zeros((D_H,), dtype=jnp.float32)
    W2 = jax.random.normal(ks[6], (D_H, N_CLS), dtype=jnp.float32) * (1.0 / np.sqrt(D_H))
    b2 = jnp.zeros((N_CLS,), dtype=jnp.float32)
    return {
        "in_feat": in_feat,
        "mfg1_src": mfg1_src,
        "mfg1_dst": mfg1_dst,
        "mfg2_src": mfg2_src,
        "mfg2_dst": mfg2_dst,
        "W1": W1,
        "b1": b1,
        "W2": W2,
        "b2": b2,
    }


def _graph_conv(feat_src, src, dst, n_src, n_dst, W, b):
    # DGL GraphConv with norm='both':
    # h_dst = D_in^{-1/2} * A^T * D_out^{-1/2} * feat_src * W + b
    ones_e = jnp.ones(src.shape[0], dtype=feat_src.dtype)
    deg_out = jax.ops.segment_sum(ones_e, src, num_segments=n_src)
    norm_src = jax.lax.rsqrt(jnp.maximum(deg_out, 1.0))
    h = feat_src * norm_src[:, None]
    h = h @ W  # project first (in_feats >= out_feats path); math-equivalent either way
    msg = jnp.take(h, src, axis=0)            # gather along edges
    agg = jax.ops.segment_sum(msg, dst, num_segments=n_dst)  # scatter-add to dst
    deg_in = jax.ops.segment_sum(ones_e, dst, num_segments=n_dst)
    norm_dst = jax.lax.rsqrt(jnp.maximum(deg_in, 1.0))
    return agg * norm_dst[:, None] + b


def reference(in_feat, mfg1_src, mfg1_dst, mfg2_src, mfg2_dst, W1, b1, W2, b2):
    # Layer 1: block (N1 src -> N2 dst). feat_dst tuple element in DGL GraphConv
    # is unused by the computation, so only feat_src matters.
    h = _graph_conv(in_feat, mfg1_src, mfg1_dst, N1, N2, W1, b1)
    h = jax.nn.relu(h)
    # Layer 2: block (N2 src -> N3 dst)
    h = _graph_conv(h, mfg2_src, mfg2_dst, N2, N3, W2, b2)
    return h

if __name__ == "__main__":
    import jax
    _d = setup_inputs()
    print(jax.jit(kernel)(*tuple(_d.values())))

</pallas_src>

<mosaic_0001>
#map = affine_map<(d0, d1) -> (0, 0)>
#map1 = affine_map<(d0, d1) -> (0)>
module attributes {stable_mosaic.version = 14 : i64} {
  func.func @_hist_body(%arg0: i32, %arg1: i32, %arg2: memref<2560x128xi32, #tpu.memory_space<hbm>>, %arg3: memref<512x128xi32, #tpu.memory_space<hbm>>, %arg4: memref<2560x128xi32, #tpu.memory_space<hbm>>, %arg5: memref<512x128xi32, #tpu.memory_space<hbm>>, %arg6: memref<51200xf32, #tpu.memory_space<hbm>>, %arg7: memref<10240xf32, #tpu.memory_space<hbm>>, %arg8: memref<10240xf32, #tpu.memory_space<hbm>>, %arg9: memref<2048xf32, #tpu.memory_space<hbm>>, %arg10: memref<51200xf32, #tpu.memory_space<vmem_shared>>, %arg11: memref<10240xf32, #tpu.memory_space<vmem_shared>>, %arg12: memref<10240xf32, #tpu.memory_space<vmem_shared>>, %arg13: memref<2048xf32, #tpu.memory_space<vmem_shared>>, %arg14: memref<32x128xi32, #tpu.memory_space<vmem>>, %arg15: memref<128xf32, #tpu.memory_space<vmem>>, %arg16: memref<640xf32, #tpu.memory_space<vmem>>, %arg17: memref<!tpu.dma_semaphore, #tpu.memory_space<semaphore_mem>>) attributes {dimension_semantics = [#tpu.dimension_semantics<core_parallel>, #tpu.dimension_semantics<subcore_parallel>], iteration_bounds = array<i64: 2, 16>, scalar_prefetch = 0 : i64, scratch_operands = 8 : i64, tpu.core_type = #tpu.core_type<sc_vector_subcore>, window_params = [{transform_indices = #map}, {transform_indices = #map}, {transform_indices = #map}, {transform_indices = #map}, {transform_indices = #map1}, {transform_indices = #map1}, {transform_indices = #map1}, {transform_indices = #map1}]} {
    %broadcast_in_dim3A = arith.constant 1.000000e+00 : f32
    %broadcast_in_dim3A_0 = vector.broadcast %broadcast_in_dim3A : f32 to vector<16xf32>
    %scan3A = arith.constant 0 : i32
    %scan3A_1 = arith.constant 0 : i32
    %scan3A_2 = arith.constant 8 : i32
    %scan3A_3 = arith.addi %scan3A_1, %scan3A_2 : i32
    %scan3A_4 = arith.constant 1 : i32
    scf.for %scan3A_42 = %scan3A_1 to %scan3A_3 step %scan3A_4  : i32 {
      %mul3A = arith.constant 16 : i32
      %mul3A_43 = arith.muli %scan3A_42, %mul3A : i32
      %swap3A = arith.index_cast %mul3A_43 : i32 to index
      %swap3A_44 = tpu.vector_load %arg15[%swap3A] {strides = array<i32>} : memref<128xf32, #tpu.memory_space<vmem>>, vector<16xf32>,
      %swap3A_45 = vector.shape_cast %swap3A_44 : vector<16xf32> to vector<16xf32>
      %swap3A_46 = vector.shape_cast %broadcast_in_dim3A_0 : vector<16xf32> to vector<16xf32>
      tpu.vector_store %arg15[%swap3A], %swap3A_46 {strides = array<i32>} : memref<128xf32, #tpu.memory_space<vmem>>, vector<16xf32>,
    }
    %scan3A_5 = arith.constant 8 : i32
    %broadcast_in_dim3A_6 = arith.constant 0.000000e+00 : f32
    %broadcast_in_dim3A_7 = vector.broadcast %broadcast_in_dim3A_6 : f32 to vector<16xf32>
    %scan3A_8 = arith.constant 0 : i32
    %scan3A_9 = arith.constant 0 : i32
    %scan3A_10 = arith.constant 40 : i32
    %scan3A_11 = arith.addi %scan3A_9, %scan3A_10 : i32
    %scan3A_12 = arith.constant 1 : i32
    scf.for %scan3A_42 = %scan3A_9 to %scan3A_11 step %scan3A_12  : i32 {
      %mul3A = arith.constant 16 : i32
      %mul3A_43 = arith.muli %scan3A_42, %mul3A : i32
      %swap3A = arith.index_cast %mul3A_43 : i32 to index
      %swap3A_44 = tpu.vector_load %arg16[%swap3A] {strides = array<i32>} : memref<640xf32, #tpu.memory_space<vmem>>, vector<16xf32>,
      %swap3A_45 = vector.shape_cast %swap3A_44 : vector<16xf32> to vector<16xf32>
      %swap3A_46 = vector.shape_cast %broadcast_in_dim3A_7 : vector<16xf32> to vector<16xf32>
      tpu.vector_store %arg16[%swap3A], %swap3A_46 {strides = array<i32>} : memref<640xf32, #tpu.memory_space<vmem>>, vector<16xf32>,
    }
    %scan3A_13 = arith.constant 40 : i32
    %eq3A = arith.constant 0 : i32
    %eq3A_14 = arith.cmpi eq, %arg0, %eq3A : i32
    %convert_element_type3A = arith.extui %eq3A_14 : i1 to i32
    %cond3A = arith.constant 0 : i32
    %cond3A_15 = arith.cmpi ne, %convert_element_type3A, %cond3A : i32
    scf.if %cond3A_15 {
      %mul3A = arith.constant 3200 : i32
      %mul3A_42 = arith.muli %arg1, %mul3A : i32
      %add3A = arith.constant 0 : i32
      %add3A_43 = arith.addi %mul3A_42, %add3A : i32
      "tpu.region"() ({
        %run_scoped3A = tpu.sem_alloc : memref<!tpu.dma_semaphore, #tpu.memory_space<semaphore_mem>>
        %dma_start3A = arith.constant 0 : i32
        %dma_start3A_160 = tpu.memref_slice %arg16[%dma_start3A] : memref<640xf32, #tpu.memory_space<vmem>> -> memref<128xf32, #tpu.memory_space<vmem>>
        %dma_start3A_161 = tpu.memref_slice %arg10[%add3A_43] : memref<51200xf32, #tpu.memory_space<vmem_shared>> -> memref<128xf32, #tpu.memory_space<vmem_shared>>
        %dma_start3A_162 = tpu.memref_slice %arg10[%add3A_43] : memref<51200xf32, #tpu.memory_space<vmem_shared>> -> memref<128xf32, #tpu.memory_space<vmem_shared>>
        %dma_start3A_163 = arith.constant 0 : i32
        %dma_start3A_164 = tpu.memref_slice %arg16[%dma_start3A_163] : memref<640xf32, #tpu.memory_space<vmem>> -> memref<128xf32, #tpu.memory_space<vmem>>
        tpu.enqueue_dma source(%dma_start3A_164 : memref<128xf32, #tpu.memory_space<vmem>>) target(%dma_start3A_162 : memref<128xf32, #tpu.memory_space<vmem_shared>>) target_semaphore(%run_scoped3A : memref<!tpu.dma_semaphore, #tpu.memory_space<semaphore_mem>>)
        %dma_wait3A = arith.constant 0 : i32
        %dma_wait3A_165 = tpu.memref_slice %arg16[%dma_wait3A] : memref<640xf32, #tpu.memory_space<vmem>> -> memref<128xf32, #tpu.memory_space<vmem>>
        %dma_wait3A_166 = tpu.memref_slice %arg10[%add3A_43] : memref<51200xf32, #tpu.memory_space<vmem_shared>> -> memref<128xf32, #tpu.memory_space<vmem_shared>>
        %dma_wait3A_167 = tpu.memref_slice %arg10[%add3A_43] : memref<51200xf32, #tpu.memory_space<vmem_shared>> -> memref<128xf32, #tpu.memory_space<vmem_shared>>
        %dma_wait3A_168 = arith.constant 0 : i32
        %dma_wait3A_169 = tpu.memref_slice %arg16[%dma_wait3A_168] : memref<640xf32, #tpu.memory_space<vmem>> -> memref<128xf32, #tpu.memory_space<vmem>>
        tpu.wait_dma2 semaphore(%run_scoped3A : memref<!tpu.dma_semaphore, #tpu.memory_space<semaphore_mem>>) src(%dma_wait3A_169 : memref<128xf32, #tpu.memory_space<vmem>>) dst(%dma_wait3A_167 : memref<128xf32, #tpu.memory_space<vmem_shared>>)
        tpu.yield
      }) : () -> ()
      %mul3A_44 = arith.constant 3200 : i32
      %mul3A_45 = arith.muli %arg1, %mul3A_44 : i32
      %add3A_46 = arith.constant 128 : i32
      %add3A_47 = arith.addi %mul3A_45, %add3A_46 : i32
      "tpu.region"() ({
        %run_scoped3A = tpu.sem_alloc : memref<!tpu.dma_semaphore, #tpu.memory_space<semaphore_mem>>
        %dma_start3A = arith.constant 0 : i32
        %dma_start3A_160 = tpu.memref_slice %arg16[%dma_start3A] : memref<640xf32, #tpu.memory_space<vmem>> -> memref<128xf32, #tpu.memory_space<vmem>>
        %dma_start3A_161 = tpu.memref_slice %arg10[%add3A_47] : memref<51200xf32, #tpu.memory_space<vmem_shared>> -> memref<128xf32, #tpu.memory_space<vmem_shared>>
        %dma_start3A_162 = tpu.memref_slice %arg10[%add3A_47] : memref<51200xf32, #tpu.memory_space<vmem_shared>> -> memref<128xf32, #tpu.memory_space<vmem_shared>>
        %dma_start3A_163 = arith.constant 0 : i32
        %dma_start3A_164 = tpu.memref_slice %arg16[%dma_start3A_163] : memref<640xf32, #tpu.memory_space<vmem>> -> memref<128xf32, #tpu.memory_space<vmem>>
        tpu.enqueue_dma source(%dma_start3A_164 : memref<128xf32, #tpu.memory_space<vmem>>) target(%dma_start3A_162 : memref<128xf32, #tpu.memory_space<vmem_shared>>) target_semaphore(%run_scoped3A : memref<!tpu.dma_semaphore, #tpu.memory_space<semaphore_mem>>)
        %dma_wait3A = arith.constant 0 : i32
        %dma_wait3A_165 = tpu.memref_slice %arg16[%dma_wait3A] : memref<640xf32, #tpu.memory_space<vmem>> -> memref<128xf32, #tpu.memory_space<vmem>>
        %dma_wait3A_166 = tpu.memref_slice %arg10[%add3A_47] : memref<51200xf32, #tpu.memory_space<vmem_shared>> -> memref<128xf32, #tpu.memory_space<vmem_shared>>
        %dma_wait3A_167 = tpu.memref_slice %arg10[%add3A_47] : memref<51200xf32, #tpu.memory_space<vmem_shared>> -> memref<128xf32, #tpu.memory_space<vmem_shared>>
        %dma_wait3A_168 = arith.constant 0 : i32
        %dma_wait3A_169 = tpu.memref_slice %arg16[%dma_wait3A_168] : memref<640xf32, #tpu.memory_space<vmem>> -> memref<128xf32, #tpu.memory_space<vmem>>
        tpu.wait_dma2 semaphore(%run_scoped3A : memref<!tpu.dma_semaphore, #tpu.memory_space<semaphore_mem>>) src(%dma_wait3A_169 : memref<128xf32, #tpu.memory_space<vmem>>) dst(%dma_wait3A_167 : memref<128xf32, #tpu.memory_space<vmem_shared>>)
        tpu.yield
      }) : () -> ()
      %mul3A_48 = arith.constant 3200 : i32
      %mul3A_49 = arith.muli %arg1, %mul3A_48 : i32
      %add3A_50 = arith.constant 256 : i32
      %add3A_51 = arith.addi %mul3A_49, %add3A_50 : i32
      "tpu.region"() ({
        %run_scoped3A = tpu.sem_alloc : memref<!tpu.dma_semaphore, #tpu.memory_space<semaphore_mem>>
        %dma_start3A = arith.constant 0 : i32
        %dma_start3A_160 = tpu.memref_slice %arg16[%dma_start3A] : memref<640xf32, #tpu.memory_space<vmem>> -> memref<128xf32, #tpu.memory_space<vmem>>
        %dma_start3A_161 = tpu.memref_slice %arg10[%add3A_51] : memref<51200xf32, #tpu.memory_space<vmem_shared>> -> memref<128xf32, #tpu.memory_space<vmem_shared>>
        %dma_start3A_162 = tpu.memref_slice %arg10[%add3A_51] : memref<51200xf32, #tpu.memory_space<vmem_shared>> -> memref<128xf32, #tpu.memory_space<vmem_shared>>
        %dma_start3A_163 = arith.constant 0 : i32
        %dma_start3A_164 = tpu.memref_slice %arg16[%dma_start3A_163] : memref<640xf32, #tpu.memory_space<vmem>> -> memref<128xf32, #tpu.memory_space<vmem>>
        tpu.enqueue_dma source(%dma_start3A_164 : memref<128xf32, #tpu.memory_space<vmem>>) target(%dma_start3A_162 : memref<128xf32, #tpu.memory_space<vmem_shared>>) target_semaphore(%run_scoped3A : memref<!tpu.dma_semaphore, #tpu.memory_space<semaphore_mem>>)
        %dma_wait3A = arith.constant 0 : i32
        %dma_wait3A_165 = tpu.memref_slice %arg16[%dma_wait3A] : memref<640xf32, #tpu.memory_space<vmem>> -> memref<128xf32, #tpu.memory_space<vmem>>
        %dma_wait3A_166 = tpu.memref_slice %arg10[%add3A_51] : memref<51200xf32, #tpu.memory_space<vmem_shared>> -> memref<128xf32, #tpu.memory_space<vmem_shared>>
        %dma_wait3A_167 = tpu.memref_slice %arg10[%add3A_51] : memref<51200xf32, #tpu.memory_space<vmem_shared>> -> memref<128xf32, #tpu.memory_space<vmem_shared>>
        %dma_wait3A_168 = arith.constant 0 : i32
        %dma_wait3A_169 = tpu.memref_slice %arg16[%dma_wait3A_168] : memref<640xf32, #tpu.memory_space<vmem>> -> memref<128xf32, #tpu.memory_space<vmem>>
        tpu.wait_dma2 semaphore(%run_scoped3A : memref<!tpu.dma_semaphore, #tpu.memory_space<semaphore_mem>>) src(%dma_wait3A_169 : memref<128xf32, #tpu.memory_space<vmem>>) dst(%dma_wait3A_167 : memref<128xf32, #tpu.memory_space<vmem_shared>>)
        tpu.yield
      }) : () -> ()
      %mul3A_52 = arith.constant 3200 : i32
      %mul3A_53 = arith.muli %arg1, %mul3A_52 : i32
      %add3A_54 = arith.constant 384 : i32
      %add3A_55 = arith.addi %mul3A_53, %add3A_54 : i32
      "tpu.region"() ({
        %run_scoped3A = tpu.sem_alloc : memref<!tpu.dma_semaphore, #tpu.memory_space<semaphore_mem>>
        %dma_start3A = arith.constant 0 : i32
        %dma_start3A_160 = tpu.memref_slice %arg16[%dma_start3A] : memref<640xf32, #tpu.memory_space<vmem>> -> memref<128xf32, #tpu.memory_space<vmem>>
        %dma_start3A_161 = tpu.memref_slice %arg10[%add3A_55] : memref<51200xf32, #tpu.memory_space<vmem_shared>> -> memref<128xf32, #tpu.memory_space<vmem_shared>>
        %dma_start3A_162 = tpu.memref_slice %arg10[%add3A_55] : memref<51200xf32, #tpu.memory_space<vmem_shared>> -> memref<128xf32, #tpu.memory_space<vmem_shared>>
        %dma_start3A_163 = arith.constant 0 : i32
        %dma_start3A_164 = tpu.memref_slice %arg16[%dma_start3A_163] : memref<640xf32, #tpu.memory_space<vmem>> -> memref<128xf32, #tpu.memory_space<vmem>>
        tpu.enqueue_dma source(%dma_start3A_164 : memref<128xf32, #tpu.memory_space<vmem>>) target(%dma_start3A_162 : memref<128xf32, #tpu.memory_space<vmem_shared>>) target_semaphore(%run_scoped3A : memref<!tpu.dma_semaphore, #tpu.memory_space<semaphore_mem>>)
        %dma_wait3A = arith.constant 0 : i32
        %dma_wait3A_165 = tpu.memref_slice %arg16[%dma_wait3A] : memref<640xf32, #tpu.memory_space<vmem>> -> memref<128xf32, #tpu.memory_space<vmem>>
        %dma_wait3A_166 = tpu.memref_slice %arg10[%add3A_55] : memref<51200xf32, #tpu.memory_space<vmem_shared>> -> memref<128xf32, #tpu.memory_space<vmem_shared>>
        %dma_wait3A_167 = tpu.memref_slice %arg10[%add3A_55] : memref<51200xf32, #tpu.memory_space<vmem_shared>> -> memref<128xf32, #tpu.memory_space<vmem_shared>>
        %dma_wait3A_168 = arith.constant 0 : i32
        %dma_wait3A_169 = tpu.memref_slice %arg16[%dma_wait3A_168] : memref<640xf32, #tpu.memory_space<vmem>> -> memref<128xf32, #tpu.memory_space<vmem>>
        tpu.wait_dma2 semaphore(%run_scoped3A : memref<!tpu.dma_semaphore, #tpu.memory_space<semaphore_mem>>) src(%dma_wait3A_169 : memref<128xf32, #tpu.memory_space<vmem>>) dst(%dma_wait3A_167 : memref<128xf32, #tpu.memory_space<vmem_shared>>)
        tpu.yield
      }) : () -> ()
      %mul3A_56 = arith.constant 3200 : i32
      %mul3A_57 = arith.muli %arg1, %mul3A_56 : i32
      %add3A_58 = arith.constant 512 : i32
      %add3A_59 = arith.addi %mul3A_57, %add3A_58 : i32
      "tpu.region"() ({
        %run_scoped3A = tpu.sem_alloc : memref<!tpu.dma_semaphore, #tpu.memory_space<semaphore_mem>>
        %dma_start3A = arith.constant 0 : i32
        %dma_start3A_160 = tpu.memref_slice %arg16[%dma_start3A] : memref<640xf32, #tpu.memory_space<vmem>> -> memref<128xf32, #tpu.memory_space<vmem>>
        %dma_start3A_161 = tpu.memref_slice %arg10[%add3A_59] : memref<51200xf32, #tpu.memory_space<vmem_shared>> -> memref<128xf32, #tpu.memory_space<vmem_shared>>
        %dma_start3A_162 = tpu.memref_slice %arg10[%add3A_59] : memref<51200xf32, #tpu.memory_space<vmem_shared>> -> memref<128xf32, #tpu.memory_space<vmem_shared>>
        %dma_start3A_163 = arith.constant 0 : i32
        %dma_start3A_164 = tpu.memref_slice %arg16[%dma_start3A_163] : memref<640xf32, #tpu.memory_space<vmem>> -> memref<128xf32, #tpu.memory_space<vmem>>
        tpu.enqueue_dma source(%dma_start3A_164 : memref<128xf32, #tpu.memory_space<vmem>>) target(%dma_start3A_162 : memref<128xf32, #tpu.memory_space<vmem_shared>>) target_semaphore(%run_scoped3A : memref<!tpu.dma_semaphore, #tpu.memory_space<semaphore_mem>>)
        %dma_wait3A = arith.constant 0 : i32
        %dma_wait3A_165 = tpu.memref_slice %arg16[%dma_wait3A] : memref<640xf32, #tpu.memory_space<vmem>> -> memref<128xf32, #tpu.memory_space<vmem>>
        %dma_wait3A_166 = tpu.memref_slice %arg10[%add3A_59] : memref<51200xf32, #tpu.memory_space<vmem_shared>> -> memref<128xf32, #tpu.memory_space<vmem_shared>>
        %dma_wait3A_167 = tpu.memref_slice %arg10[%add3A_59] : memref<51200xf32, #tpu.memory_space<vmem_shared>> -> memref<128xf32, #tpu.memory_space<vmem_shared>>
        %dma_wait3A_168 = arith.constant 0 : i32
        %dma_wait3A_169 = tpu.memref_slice %arg16[%dma_wait3A_168] : memref<640xf32, #tpu.memory_space<vmem>> -> memref<128xf32, #tpu.memory_space<vmem>>
        tpu.wait_dma2 semaphore(%run_scoped3A : memref<!tpu.dma_semaphore, #tpu.memory_space<semaphore_mem>>) src(%dma_wait3A_169 : memref<128xf32, #tpu.memory_space<vmem>>) dst(%dma_wait3A_167 : memref<128xf32, #tpu.memory_space<vmem_shared>>)
        tpu.yield
      }) : () -> ()
      %mul3A_60 = arith.constant 3200 : i32
      %mul3A_61 = arith.muli %arg1, %mul3A_60 : i32
      %add3A_62 = arith.constant 640 : i32
      %add3A_63 = arith.addi %mul3A_61, %add3A_62 : i32
      "tpu.region"() ({
        %run_scoped3A = tpu.sem_alloc : memref<!tpu.dma_semaphore, #tpu.memory_space<semaphore_mem>>
        %dma_start3A = arith.constant 0 : i32
        %dma_start3A_160 = tpu.memref_slice %arg16[%dma_start3A] : memref<640xf32, #tpu.memory_space<vmem>> -> memref<128xf32, #tpu.memory_space<vmem>>
        %dma_start3A_161 = tpu.memref_slice %arg10[%add3A_63] : memref<51200xf32, #tpu.memory_space<vmem_shared>> -> memref<128xf32, #tpu.memory_space<vmem_shared>>
        %dma_start3A_162 = tpu.memref_slice %arg10[%add3A_63] : memref<51200xf32, #tpu.memory_space<vmem_shared>> -> memref<128xf32, #tpu.memory_space<vmem_shared>>
        %dma_start3A_163 = arith.constant 0 : i32
        %dma_start3A_164 = tpu.memref_slice %arg16[%dma_start3A_163] : memref<640xf32, #tpu.memory_space<vmem>> -> memref<128xf32, #tpu.memory_space<vmem>>
        tpu.enqueue_dma source(%dma_start3A_164 : memref<128xf32, #tpu.memory_space<vmem>>) target(%dma_start3A_162 : memref<128xf32, #tpu.memory_space<vmem_shared>>) target_semaphore(%run_scoped3A : memref<!tpu.dma_semaphore, #tpu.memory_space<semaphore_mem>>)
        %dma_wait3A = arith.constant 0 : i32
        %dma_wait3A_165 = tpu.memref_slice %arg16[%dma_wait3A] : memref<640xf32, #tpu.memory_space<vmem>> -> memref<128xf32, #tpu.memory_space<vmem>>
        %dma_wait3A_166 = tpu.memref_slice %arg10[%add3A_63] : memref<51200xf32, #tpu.memory_space<vmem_shared>> -> memref<128xf32, #tpu.memory_space<vmem_shared>>
        %dma_wait3A_167 = tpu.memref_slice %arg10[%add3A_63] : memref<51200xf32, #tpu.memory_space<vmem_shared>> -> memref<128xf32, #tpu.memory_space<vmem_shared>>
        %dma_wait3A_168 = arith.constant 0 : i32
        %dma_wait3A_169 = tpu.memref_slice %arg16[%dma_wait3A_168] : memref<640xf32, #tpu.memory_space<vmem>> -> memref<128xf32, #tpu.memory_space<vmem>>
        tpu.wait_dma2 semaphore(%run_scoped3A : memref<!tpu.dma_semaphore, #tpu.memory_space<semaphore_mem>>) src(%dma_wait3A_169 : memref<128xf32, #tpu.memory_space<vmem>>) dst(%dma_wait3A_167 : memref<128xf32, #tpu.memory_space<vmem_shared>>)
        tpu.yield
      }) : () -> ()
      %mul3A_64 = arith.constant 3200 : i32
      %mul3A_65 = arith.muli %arg1, %mul3A_64 : i32
      %add3A_66 = arith.constant 768 : i32
      %add3A_67 = arith.addi %mul3A_65, %add3A_66 : i32
      "tpu.region"() ({
        %run_scoped3A = tpu.sem_alloc : memref<!tpu.dma_semaphore, #tpu.memory_space<semaphore_mem>>
        %dma_start3A = arith.constant 0 : i32
        %dma_start3A_160 = tpu.memref_slice %arg16[%dma_start3A] : memref<640xf32, #tpu.memory_space<vmem>> -> memref<128xf32, #tpu.memory_space<vmem>>
        %dma_start3A_161 = tpu.memref_slice %arg10[%add3A_67] : memref<51200xf32, #tpu.memory_space<vmem_shared>> -> memref<128xf32, #tpu.memory_space<vmem_shared>>
        %dma_start3A_162 = tpu.memref_slice %arg10[%add3A_67] : memref<51200xf32, #tpu.memory_space<vmem_shared>> -> memref<128xf32, #tpu.memory_space<vmem_shared>>
        %dma_start3A_163 = arith.constant 0 : i32
        %dma_start3A_164 = tpu.memref_slice %arg16[%dma_start3A_163] : memref<640xf32, #tpu.memory_space<vmem>> -> memref<128xf32, #tpu.memory_space<vmem>>
        tpu.enqueue_dma source(%dma_start3A_164 : memref<128xf32, #tpu.memory_space<vmem>>) target(%dma_start3A_162 : memref<128xf32, #tpu.memory_space<vmem_shared>>) target_semaphore(%run_scoped3A : memref<!tpu.dma_semaphore, #tpu.memory_space<semaphore_mem>>)
        %dma_wait3A = arith.constant 0 : i32
        %dma_wait3A_165 = tpu.memref_slice %arg16[%dma_wait3A] : memref<640xf32, #tpu.memory_space<vmem>> -> memref<128xf32, #tpu.memory_space<vmem>>
        %dma_wait3A_166 = tpu.memref_slice %arg10[%add3A_67] : memref<51200xf32, #tpu.memory_space<vmem_shared>> -> memref<128xf32, #tpu.memory_space<vmem_shared>>
        %dma_wait3A_167 = tpu.memref_slice %arg10[%add3A_67] : memref<51200xf32, #tpu.memory_space<vmem_shared>> -> memref<128xf32, #tpu.memory_space<vmem_shared>>
        %dma_wait3A_168 = arith.constant 0 : i32
        %dma_wait3A_169 = tpu.memref_slice %arg16[%dma_wait3A_168] : memref<640xf32, #tpu.memory_space<vmem>> -> memref<128xf32, #tpu.memory_space<vmem>>
        tpu.wait_dma2 semaphore(%run_scoped3A : memref<!tpu.dma_semaphore, #tpu.memory_space<semaphore_mem>>) src(%dma_wait3A_169 : memref<128xf32, #tpu.memory_space<vmem>>) dst(%dma_wait3A_167 : memref<128xf32, #tpu.memory_space<vmem_shared>>)
        tpu.yield
      }) : () -> ()
      %mul3A_68 = arith.constant 3200 : i32
      %mul3A_69 = arith.muli %arg1, %mul3A_68 : i32
      %add3A_70 = arith.constant 896 : i32
      %add3A_71 = arith.addi %mul3A_69, %add3A_70 : i32
      "tpu.region"() ({
        %run_scoped3A = tpu.sem_alloc : memref<!tpu.dma_semaphore, #tpu.memory_space<semaphore_mem>>
        %dma_start3A = arith.constant 0 : i32
        %dma_start3A_160 = tpu.memref_slice %arg16[%dma_start3A] : memref<640xf32, #tpu.memory_space<vmem>> -> memref<128xf32, #tpu.memory_space<vmem>>
        %dma_start3A_161 = tpu.memref_slice %arg10[%add3A_71] : memref<51200xf32, #tpu.memory_space<vmem_shared>> -> memref<128xf32, #tpu.memory_space<vmem_shared>>
        %dma_start3A_162 = tpu.memref_slice %arg10[%add3A_71] : memref<51200xf32, #tpu.memory_space<vmem_shared>> -> memref<128xf32, #tpu.memory_space<vmem_shared>>
        %dma_start3A_163 = arith.constant 0 : i32
        %dma_start3A_164 = tpu.memref_slice %arg16[%dma_start3A_163] : memref<640xf32, #tpu.memory_space<vmem>> -> memref<128xf32, #tpu.memory_space<vmem>>
        tpu.enqueue_dma source(%dma_start3A_164 : memref<128xf32, #tpu.memory_space<vmem>>) target(%dma_start3A_162 : memref<128xf32, #tpu.memory_space<vmem_shared>>) target_semaphore(%run_scoped3A : memref<!tpu.dma_semaphore, #tpu.memory_space<semaphore_mem>>)
        %dma_wait3A = arith.constant 0 : i32
        %dma_wait3A_165 = tpu.memref_slice %arg16[%dma_wait3A] : memref<640xf32, #tpu.memory_space<vmem>> -> memref<128xf32, #tpu.memory_space<vmem>>
        %dma_wait3A_166 = tpu.memref_slice %arg10[%add3A_71] : memref<51200xf32, #tpu.memory_space<vmem_shared>> -> memref<128xf32, #tpu.memory_space<vmem_shared>>
        %dma_wait3A_167 = tpu.memref_slice %arg10[%add3A_71] : memref<51200xf32, #tpu.memory_space<vmem_shared>> -> memref<128xf32, #tpu.memory_space<vmem_shared>>
        %dma_wait3A_168 = arith.constant 0 : i32
        %dma_wait3A_169 = tpu.memref_slice %arg16[%dma_wait3A_168] : memref<640xf32, #tpu.memory_space<vmem>> -> memref<128xf32, #tpu.memory_space<vmem>>
        tpu.wait_dma2 semaphore(%run_scoped3A : memref<!tpu.dma_semaphore, #tpu.memory_space<semaphore_mem>>) src(%dma_wait3A_169 : memref<128xf32, #tpu.memory_space<vmem>>) dst(%dma_wait3A_167 : memref<128xf32, #tpu.memory_space<vmem_shared>>)
        tpu.yield
      }) : () -> ()
      %mul3A_72 = arith.constant 3200 : i32
      %mul3A_73 = arith.muli %arg1, %mul3A_72 : i32
      %add3A_74 = arith.constant 1024 : i32
      %add3A_75 = arith.addi %mul3A_73, %add3A_74 : i32
      "tpu.region"() ({
        %run_scoped3A = tpu.sem_alloc : memref<!tpu.dma_semaphore, #tpu.memory_space<semaphore_mem>>
        %dma_start3A = arith.constant 0 : i32
        %dma_start3A_160 = tpu.memref_slice %arg16[%dma_start3A] : memref<640xf32, #tpu.memory_space<vmem>> -> memref<128xf32, #tpu.memory_space<vmem>>
        %dma_start3A_161 = tpu.memref_slice %arg10[%add3A_75] : memref<51200xf32, #tpu.memory_space<vmem_shared>> -> memref<128xf32, #tpu.memory_space<vmem_shared>>
        %dma_start3A_162 = tpu.memref_slice %arg10[%add3A_75] : memref<51200xf32, #tpu.memory_space<vmem_shared>> -> memref<128xf32, #tpu.memory_space<vmem_shared>>
        %dma_start3A_163 = arith.constant 0 : i32
        %dma_start3A_164 = tpu.memref_slice %arg16[%dma_start3A_163] : memref<640xf32, #tpu.memory_space<vmem>> -> memref<128xf32, #tpu.memory_space<vmem>>
        tpu.enqueue_dma source(%dma_start3A_164 : memref<128xf32, #tpu.memory_space<vmem>>) target(%dma_start3A_162 : memref<128xf32, #tpu.memory_space<vmem_shared>>) target_semaphore(%run_scoped3A : memref<!tpu.dma_semaphore, #tpu.memory_space<semaphore_mem>>)
        %dma_wait3A = arith.constant 0 : i32
        %dma_wait3A_165 = tpu.memref_slice %arg16[%dma_wait3A] : memref<640xf32, #tpu.memory_space<vmem>> -> memref<128xf32, #tpu.memory_space<vmem>>
        %dma_wait3A_166 = tpu.memref_slice %arg10[%add3A_75] : memref<51200xf32, #tpu.memory_space<vmem_shared>> -> memref<128xf32, #tpu.memory_space<vmem_shared>>
        %dma_wait3A_167 = tpu.memref_slice %arg10[%add3A_75] : memref<51200xf32, #tpu.memory_space<vmem_shared>> -> memref<128xf32, #tpu.memory_space<vmem_shared>>
        %dma_wait3A_168 = arith.constant 0 : i32
        %dma_wait3A_169 = tpu.memref_slice %arg16[%dma_wait3A_168] : memref<640xf32, #tpu.memory_space<vmem>> -> memref<128xf32, #tpu.memory_space<vmem>>
        tpu.wait_dma2 semaphore(%run_scoped3A : memref<!tpu.dma_semaphore, #tpu.memory_space<semaphore_mem>>) src(%dma_wait3A_169 : memref<128xf32, #tpu.memory_space<vmem>>) dst(%dma_wait3A_167 : memref<128xf32, #tpu.memory_space<vmem_shared>>)
        tpu.yield
      }) : () -> ()
      %mul3A_76 = arith.constant 3200 : i32
      %mul3A_77 = arith.muli %arg1, %mul3A_76 : i32
      %add3A_78 = arith.constant 1152 : i32
      %add3A_79 = arith.addi %mul3A_77, %add3A_78 : i32
      "tpu.region"() ({
        %run_scoped3A = tpu.sem_alloc : memref<!tpu.dma_semaphore, #tpu.memory_space<semaphore_mem>>
        %dma_start3A = arith.constant 0 : i32
        %dma_start3A_160 = tpu.memref_slice %arg16[%dma_start3A] : memref<640xf32, #tpu.memory_space<vmem>> -> memref<128xf32, #tpu.memory_space<vmem>>
        %dma_start3A_161 = tpu.memref_slice %arg10[%add3A_79] : memref<51200xf32, #tpu.memory_space<vmem_shared>> -> memref<128xf32, #tpu.memory_space<vmem_shared>>
        %dma_start3A_162 = tpu.memref_slice %arg10[%add3A_79] : memref<51200xf32, #tpu.memory_space<vmem_shared>> -> memref<128xf32, #tpu.memory_space<vmem_shared>>
        %dma_start3A_163 = arith.constant 0 : i32
        %dma_start3A_164 = tpu.memref_slice %arg16[%dma_start3A_163] : memref<640xf32, #tpu.memory_space<vmem>> -> memref<128xf32, #tpu.memory_space<vmem>>
        tpu.enqueue_dma source(%dma_start3A_164 : memref<128xf32, #tpu.memory_space<vmem>>) target(%dma_start3A_162 : memref<128xf32, #tpu.memory_space<vmem_shared>>) target_semaphore(%run_scoped3A : memref<!tpu.dma_semaphore, #tpu.memory_space<semaphore_mem>>)
        %dma_wait3A = arith.constant 0 : i32
        %dma_wait3A_165 = tpu.memref_slice %arg16[%dma_wait3A] : memref<640xf32, #tpu.memory_space<vmem>> -> memref<128xf32, #tpu.memory_space<vmem>>
        %dma_wait3A_166 = tpu.memref_slice %arg10[%add3A_79] : memref<51200xf32, #tpu.memory_space<vmem_shared>> -> memref<128xf32, #tpu.memory_space<vmem_shared>>
        %dma_wait3A_167 = tpu.memref_slice %arg10[%add3A_79] : memref<51200xf32, #tpu.memory_space<vmem_shared>> -> memref<128xf32, #tpu.memory_space<vmem_shared>>
        %dma_wait3A_168 = arith.constant 0 : i32
        %dma_wait3A_169 = tpu.memref_slice %arg16[%dma_wait3A_168] : memref<640xf32, #tpu.memory_space<vmem>> -> memref<128xf32, #tpu.memory_space<vmem>>
        tpu.wait_dma2 semaphore(%run_scoped3A : memref<!tpu.dma_semaphore, #tpu.memory_space<semaphore_mem>>) src(%dma_wait3A_169 : memref<128xf32, #tpu.memory_space<vmem>>) dst(%dma_wait3A_167 : memref<128xf32, #tpu.memory_space<vmem_shared>>)
        tpu.yield
      }) : () -> ()
      %mul3A_80 = arith.constant 3200 : i32
      %mul3A_81 = arith.muli %arg1, %mul3A_80 : i32
      %add3A_82 = arith.constant 1280 : i32
      %add3A_83 = arith.addi %mul3A_81, %add3A_82 : i32
      "tpu.region"() ({
        %run_scoped3A = tpu.sem_alloc : memref<!tpu.dma_semaphore, #tpu.memory_space<semaphore_mem>>
        %dma_start3A = arith.constant 0 : i32
        %dma_start3A_160 = tpu.memref_slice %arg16[%dma_start3A] : memref<640xf32, #tpu.memory_space<vmem>> -> memref<128xf32, #tpu.memory_space<vmem>>
        %dma_start3A_161 = tpu.memref_slice %arg10[%add3A_83] : memref<51200xf32, #tpu.memory_space<vmem_shared>> -> memref<128xf32, #tpu.memory_space<vmem_shared>>
        %dma_start3A_162 = tpu.memref_slice %arg10[%add3A_83] : memref<51200xf32, #tpu.memory_space<vmem_shared>> -> memref<128xf32, #tpu.memory_space<vmem_shared>>
        %dma_start3A_163 = arith.constant 0 : i32
        %dma_start3A_164 = tpu.memref_slice %arg16[%dma_start3A_163] : memref<640xf32, #tpu.memory_space<vmem>> -> memref<128xf32, #tpu.memory_space<vmem>>
        tpu.enqueue_dma source(%dma_start3A_164 : memref<128xf32, #tpu.memory_space<vmem>>) target(%dma_start3A_162 : memref<128xf32, #tpu.memory_space<vmem_shared>>) target_semaphore(%run_scoped3A : memref<!tpu.dma_semaphore, #tpu.memory_space<semaphore_mem>>)
        %dma_wait3A = arith.constant 0 : i32
        %dma_wait3A_165 = tpu.memref_slice %arg16[%dma_wait3A] : memref<640xf32, #tpu.memory_space<vmem>> -> memref<128xf32, #tpu.memory_space<vmem>>
        %dma_wait3A_166 = tpu.memref_slice %arg10[%add3A_83] : memref<51200xf32, #tpu.memory_space<vmem_shared>> -> memref<128xf32, #tpu.memory_space<vmem_shared>>
        %dma_wait3A_167 = tpu.memref_slice %arg10[%add3A_83] : memref<51200xf32, #tpu.memory_space<vmem_shared>> -> memref<128xf32, #tpu.memory_space<vmem_shared>>
        %dma_wait3A_168 = arith.constant 0 : i32
        %dma_wait3A_169 = tpu.memref_slice %arg16[%dma_wait3A_168] : memref<640xf32, #tpu.memory_space<vmem>> -> memref<128xf32, #tpu.memory_space<vmem>>
        tpu.wait_dma2 semaphore(%run_scoped3A : memref<!tpu.dma_semaphore, #tpu.memory_space<semaphore_mem>>) src(%dma_wait3A_169 : memref<128xf32, #tpu.memory_space<vmem>>) dst(%dma_wait3A_167 : memref<128xf32, #tpu.memory_space<vmem_shared>>)
        tpu.yield
      }) : () -> ()
      %mul3A_84 = arith.constant 3200 : i32
      %mul3A_85 = arith.muli %arg1, %mul3A_84 : i32
      %add3A_86 = arith.constant 1408 : i32
      %add3A_87 = arith.addi %mul3A_85, %add3A_86 : i32
      "tpu.region"() ({
        %run_scoped3A = tpu.sem_alloc : memref<!tpu.dma_semaphore, #tpu.memory_space<semaphore_mem>>
        %dma_start3A = arith.constant 0 : i32
        %dma_start3A_160 = tpu.memref_slice %arg16[%dma_start3A] : memref<640xf32, #tpu.memory_space<vmem>> -> memref<128xf32, #tpu.memory_space<vmem>>
        %dma_start3A_161 = tpu.memref_slice %arg10[%add3A_87] : memref<51200xf32, #tpu.memory_space<vmem_shared>> -> memref<128xf32, #tpu.memory_space<vmem_shared>>
        %dma_start3A_162 = tpu.memref_slice %arg10[%add3A_87] : memref<51200xf32, #tpu.memory_space<vmem_shared>> -> memref<128xf32, #tpu.memory_space<vmem_shared>>
        %dma_start3A_163 = arith.constant 0 : i32
        %dma_start3A_164 = tpu.memref_slice %arg16[%dma_start3A_163] : memref<640xf32, #tpu.memory_space<vmem>> -> memref<128xf32, #tpu.memory_space<vmem>>
        tpu.enqueue_dma source(%dma_start3A_164 : memref<128xf32, #tpu.memory_space<vmem>>) target(%dma_start3A_162 : memref<128xf32, #tpu.memory_space<vmem_shared>>) target_semaphore(%run_scoped3A : memref<!tpu.dma_semaphore, #tpu.memory_space<semaphore_mem>>)
        %dma_wait3A = arith.constant 0 : i32
        %dma_wait3A_165 = tpu.memref_slice %arg16[%dma_wait3A] : memref<640xf32, #tpu.memory_space<vmem>> -> memref<128xf32, #tpu.memory_space<vmem>>
        %dma_wait3A_166 = tpu.memref_slice %arg10[%add3A_87] : memref<51200xf32, #tpu.memory_space<vmem_shared>> -> memref<128xf32, #tpu.memory_space<vmem_shared>>
        %dma_wait3A_167 = tpu.memref_slice %arg10[%add3A_87] : memref<51200xf32, #tpu.memory_space<vmem_shared>> -> memref<128xf32, #tpu.memory_space<vmem_shared>>
        %dma_wait3A_168 = arith.constant 0 : i32
        %dma_wait3A_169 = tpu.memref_slice %arg16[%dma_wait3A_168] : memref<640xf32, #tpu.memory_space<vmem>> -> memref<128xf32, #tpu.memory_space<vmem>>
        tpu.wait_dma2 semaphore(%run_scoped3A : memref<!tpu.dma_semaphore, #tpu.memory_space<semaphore_mem>>) src(%dma_wait3A_169 : memref<128xf32, #tpu.memory_space<vmem>>) dst(%dma_wait3A_167 : memref<128xf32, #tpu.memory_space<vmem_shared>>)
        tpu.yield
      }) : () -> ()
      %mul3A_88 = arith.constant 3200 : i32
      %mul3A_89 = arith.muli %arg1, %mul3A_88 : i32
      %add3A_90 = arith.constant 1536 : i32
      %add3A_91 = arith.addi %mul3A_89, %add3A_90 : i32
      "tpu.region"() ({
        %run_scoped3A = tpu.sem_alloc : memref<!tpu.dma_semaphore, #tpu.memory_space<semaphore_mem>>
        %dma_start3A = arith.constant 0 : i32
        %dma_start3A_160 = tpu.memref_slice %arg16[%dma_start3A] : memref<640xf32, #tpu.memory_space<vmem>> -> memref<128xf32, #tpu.memory_space<vmem>>
        %dma_start3A_161 = tpu.memref_slice %arg10[%add3A_91] : memref<51200xf32, #tpu.memory_space<vmem_shared>> -> memref<128xf32, #tpu.memory_space<vmem_shared>>
        %dma_start3A_162 = tpu.memref_slice %arg10[%add3A_91] : memref<51200xf32, #tpu.memory_space<vmem_shared>> -> memref<128xf32, #tpu.memory_space<vmem_shared>>
        %dma_start3A_163 = arith.constant 0 : i32
        %dma_start3A_164 = tpu.memref_slice %arg16[%dma_start3A_163] : memref<640xf32, #tpu.memory_space<vmem>> -> memref<128xf32, #tpu.memory_space<vmem>>
        tpu.enqueue_dma source(%dma_start3A_164 : memref<128xf32, #tpu.memory_space<vmem>>) target(%dma_start3A_162 : memref<128xf32, #tpu.memory_space<vmem_shared>>) target_semaphore(%run_scoped3A : memref<!tpu.dma_semaphore, #tpu.memory_space<semaphore_mem>>)
        %dma_wait3A = arith.constant 0 : i32
        %dma_wait3A_165 = tpu.memref_slice %arg16[%dma_wait3A] : memref<640xf32, #tpu.memory_space<vmem>> -> memref<128xf32, #tpu.memory_space<vmem>>
        %dma_wait3A_166 = tpu.memref_slice %arg10[%add3A_91] : memref<51200xf32, #tpu.memory_space<vmem_shared>> -> memref<128xf32, #tpu.memory_space<vmem_shared>>
        %dma_wait3A_167 = tpu.memref_slice %arg10[%add3A_91] : memref<51200xf32, #tpu.memory_space<vmem_shared>> -> memref<128xf32, #tpu.memory_space<vmem_shared>>
        %dma_wait3A_168 = arith.constant 0 : i32
        %dma_wait3A_169 = tpu.memref_slice %arg16[%dma_wait3A_168] : memref<640xf32, #tpu.memory_space<vmem>> -> memref<128xf32, #tpu.memory_space<vmem>>
        tpu.wait_dma2 semaphore(%run_scoped3A : memref<!tpu.dma_semaphore, #tpu.memory_space<semaphore_mem>>) src(%dma_wait3A_169 : memref<128xf32, #tpu.memory_space<vmem>>) dst(%dma_wait3A_167 : memref<128xf32, #tpu.memory_space<vmem_shared>>)
        tpu.yield
      }) : () -> ()
      %mul3A_92 = arith.constant 3200 : i32
      %mul3A_93 = arith.muli %arg1, %mul3A_92 : i32
      %add3A_94 = arith.constant 1664 : i32
      %add3A_95 = arith.addi %mul3A_93, %add3A_94 : i32
      "tpu.region"() ({
        %run_scoped3A = tpu.sem_alloc : memref<!tpu.dma_semaphore, #tpu.memory_space<semaphore_mem>>
        %dma_start3A = arith.constant 0 : i32
        %dma_start3A_160 = tpu.memref_slice %arg16[%dma_start3A] : memref<640xf32, #tpu.memory_space<vmem>> -> memref<128xf32, #tpu.memory_space<vmem>>
        %dma_start3A_161 = tpu.memref_slice %arg10[%add3A_95] : memref<51200xf32, #tpu.memory_space<vmem_shared>> -> memref<128xf32, #tpu.memory_space<vmem_shared>>
        %dma_start3A_162 = tpu.memref_slice %arg10[%add3A_95] : memref<51200xf32, #tpu.memory_space<vmem_shared>> -> memref<128xf32, #tpu.memory_space<vmem_shared>>
        %dma_start3A_163 = arith.constant 0 : i32
        %dma_start3A_164 = tpu.memref_slice %arg16[%dma_start3A_163] : memref<640xf32, #tpu.memory_space<vmem>> -> memref<128xf32, #tpu.memory_space<vmem>>
        tpu.enqueue_dma source(%dma_start3A_164 : memref<128xf32, #tpu.memory_space<vmem>>) target(%dma_start3A_162 : memref<128xf32, #tpu.memory_space<vmem_shared>>) target_semaphore(%run_scoped3A : memref<!tpu.dma_semaphore, #tpu.memory_space<semaphore_mem>>)
        %dma_wait3A = arith.constant 0 : i32
        %dma_wait3A_165 = tpu.memref_slice %arg16[%dma_wait3A] : memref<640xf32, #tpu.memory_space<vmem>> -> memref<128xf32, #tpu.memory_space<vmem>>
        %dma_wait3A_166 = tpu.memref_slice %arg10[%add3A_95] : memref<51200xf32, #tpu.memory_space<vmem_shared>> -> memref<128xf32, #tpu.memory_space<vmem_shared>>
        %dma_wait3A_167 = tpu.memref_slice %arg10[%add3A_95] : memref<51200xf32, #tpu.memory_space<vmem_shared>> -> memref<128xf32, #tpu.memory_space<vmem_shared>>
        %dma_wait3A_168 = arith.constant 0 : i32
        %dma_wait3A_169 = tpu.memref_slice %arg16[%dma_wait3A_168] : memref<640xf32, #tpu.memory_space<vmem>> -> memref<128xf32, #tpu.memory_space<vmem>>
        tpu.wait_dma2 semaphore(%run_scoped3A : memref<!tpu.dma_semaphore, #tpu.memory_space<semaphore_mem>>) src(%dma_wait3A_169 : memref<128xf32, #tpu.memory_space<vmem>>) dst(%dma_wait3A_167 : memref<128xf32, #tpu.memory_space<vmem_shared>>)
        tpu.yield
      }) : () -> ()
      %mul3A_96 = arith.constant 3200 : i32
      %mul3A_97 = arith.muli %arg1, %mul3A_96 : i32
      %add3A_98 = arith.constant 1792 : i32
      %add3A_99 = arith.addi %mul3A_97, %add3A_98 : i32
      "tpu.region"() ({
        %run_scoped3A = tpu.sem_alloc : memref<!tpu.dma_semaphore, #tpu.memory_space<semaphore_mem>>
        %dma_start3A = arith.constant 0 : i32
        %dma_start3A_160 = tpu.memref_slice %arg16[%dma_start3A] : memref<640xf32, #tpu.memory_space<vmem>> -> memref<128xf32, #tpu.memory_space<vmem>>
        %dma_start3A_161 = tpu.memref_slice %arg10[%add3A_99] : memref<51200xf32, #tpu.memory_space<vmem_shared>> -> memref<128xf32, #tpu.memory_space<vmem_shared>>
        %dma_start3A_162 = tpu.memref_slice %arg10[%add3A_99] : memref<51200xf32, #tpu.memory_space<vmem_shared>> -> memref<128xf32, #tpu.memory_space<vmem_shared>>
        %dma_start3A_163 = arith.constant 0 : i32
        %dma_start3A_164 = tpu.memref_slice %arg16[%dma_start3A_163] : memref<640xf32, #tpu.memory_space<vmem>> -> memref<128xf32, #tpu.memory_space<vmem>>
        tpu.enqueue_dma source(%dma_start3A_164 : memref<128xf32, #tpu.memory_space<vmem>>) target(%dma_start3A_162 : memref<128xf32, #tpu.memory_space<vmem_shared>>) target_semaphore(%run_scoped3A : memref<!tpu.dma_semaphore, #tpu.memory_space<semaphore_mem>>)
        %dma_wait3A = arith.constant 0 : i32
        %dma_wait3A_165 = tpu.memref_slice %arg16[%dma_wait3A] : memref<640xf32, #tpu.memory_space<vmem>> -> memref<128xf32, #tpu.memory_space<vmem>>
        %dma_wait3A_166 = tpu.memref_slice %arg10[%add3A_99] : memref<51200xf32, #tpu.memory_space<vmem_shared>> -> memref<128xf32, #tpu.memory_space<vmem_shared>>
        %dma_wait3A_167 = tpu.memref_slice %arg10[%add3A_99] : memref<51200xf32, #tpu.memory_space<vmem_shared>> -> memref<128xf32, #tpu.memory_space<vmem_shared>>
        %dma_wait3A_168 = arith.constant 0 : i32
        %dma_wait3A_169 = tpu.memref_slice %arg16[%dma_wait3A_168] : memref<640xf32, #tpu.memory_space<vmem>> -> memref<128xf32, #tpu.memory_space<vmem>>
        tpu.wait_dma2 semaphore(%run_scoped3A : memref<!tpu.dma_semaphore, #tpu.memory_space<semaphore_mem>>) src(%dma_wait3A_169 : memref<128xf32, #tpu.memory_space<vmem>>) dst(%dma_wait3A_167 : memref<128xf32, #tpu.memory_space<vmem_shared>>)
        tpu.yield
      }) : () -> ()
      %mul3A_100 = arith.constant 3200 : i32
      %mul3A_101 = arith.muli %arg1, %mul3A_100 : i32
      %add3A_102 = arith.constant 1920 : i32
      %add3A_103 = arith.addi %mul3A_101, %add3A_102 : i32
      "tpu.region"() ({
        %run_scoped3A = tpu.sem_alloc : memref<!tpu.dma_semaphore, #tpu.memory_space<semaphore_mem>>
        %dma_start3A = arith.constant 0 : i32
        %dma_start3A_160 = tpu.memref_slice %arg16[%dma_start3A] : memref<640xf32, #tpu.memory_space<vmem>> -> memref<128xf32, #tpu.memory_space<vmem>>
        %dma_start3A_161 = tpu.memref_slice %arg10[%add3A_103] : memref<51200xf32, #tpu.memory_space<vmem_shared>> -> memref<128xf32, #tpu.memory_space<vmem_shared>>
        %dma_start3A_162 = tpu.memref_slice %arg10[%add3A_103] : memref<51200xf32, #tpu.memory_space<vmem_shared>> -> memref<128xf32, #tpu.memory_space<vmem_shared>>
        %dma_start3A_163 = arith.constant 0 : i32
        %dma_start3A_164 = tpu.memref_slice %arg16[%dma_start3A_163] : memref<640xf32, #tpu.memory_space<vmem>> -> memref<128xf32, #tpu.memory_space<vmem>>
        tpu.enqueue_dma source(%dma_start3A_164 : memref<128xf32, #tpu.memory_space<vmem>>) target(%dma_start3A_162 : memref<128xf32, #tpu.memory_space<vmem_shared>>) target_semaphore(%run_scoped3A : memref<!tpu.dma_semaphore, #tpu.memory_space<semaphore_mem>>)
        %dma_wait3A = arith.constant 0 : i32
        %dma_wait3A_165 = tpu.memref_slice %arg16[%dma_wait3A] : memref<640xf32, #tpu.memory_space<vmem>> -> memref<128xf32, #tpu.memory_space<vmem>>
        %dma_wait3A_166 = tpu.memref_slice %arg10[%add3A_103] : memref<51200xf32, #tpu.memory_space<vmem_shared>> -> memref<128xf32, #tpu.memory_space<vmem_shared>>
        %dma_wait3A_167 = tpu.memref_slice %arg10[%add3A_103] : memref<51200xf32, #tpu.memory_space<vmem_shared>> -> memref<128xf32, #tpu.memory_space<vmem_shared>>
        %dma_wait3A_168 = arith.constant 0 : i32
        %dma_wait3A_169 = tpu.memref_slice %arg16[%dma_wait3A_168] : memref<640xf32, #tpu.memory_space<vmem>> -> memref<128xf32, #tpu.memory_space<vmem>>
        tpu.wait_dma2 semaphore(%run_scoped3A : memref<!tpu.dma_semaphore, #tpu.memory_space<semaphore_mem>>) src(%dma_wait3A_169 : memref<128xf32, #tpu.memory_space<vmem>>) dst(%dma_wait3A_167 : memref<128xf32, #tpu.memory_space<vmem_shared>>)
        tpu.yield
      }) : () -> ()
      %mul3A_104 = arith.constant 3200 : i32
      %mul3A_105 = arith.muli %arg1, %mul3A_104 : i32
      %add3A_106 = arith.constant 2048 : i32
      %add3A_107 = arith.addi %mul3A_105, %add3A_106 : i32
      "tpu.region"() ({
        %run_scoped3A = tpu.sem_alloc : memref<!tpu.dma_semaphore, #tpu.memory_space<semaphore_mem>>
        %dma_start3A = arith.constant 0 : i32
        %dma_start3A_160 = tpu.memref_slice %arg16[%dma_start3A] : memref<640xf32, #tpu.memory_space<vmem>> -> memref<128xf32, #tpu.memory_space<vmem>>
        %dma_start3A_161 = tpu.memref_slice %arg10[%add3A_107] : memref<51200xf32, #tpu.memory_space<vmem_shared>> -> memref<128xf32, #tpu.memory_space<vmem_shared>>
        %dma_start3A_162 = tpu.memref_slice %arg10[%add3A_107] : memref<51200xf32, #tpu.memory_space<vmem_shared>> -> memref<128xf32, #tpu.memory_space<vmem_shared>>
        %dma_start3A_163 = arith.constant 0 : i32
        %dma_start3A_164 = tpu.memref_slice %arg16[%dma_start3A_163] : memref<640xf32, #tpu.memory_space<vmem>> -> memref<128xf32, #tpu.memory_space<vmem>>
        tpu.enqueue_dma source(%dma_start3A_164 : memref<128xf32, #tpu.memory_space<vmem>>) target(%dma_start3A_162 : memref<128xf32, #tpu.memory_space<vmem_shared>>) target_semaphore(%run_scoped3A : memref<!tpu.dma_semaphore, #tpu.memory_space<semaphore_mem>>)
        %dma_wait3A = arith.constant 0 : i32
        %dma_wait3A_165 = tpu.memref_slice %arg16[%dma_wait3A] : memref<640xf32, #tpu.memory_space<vmem>> -> memref<128xf32, #tpu.memory_space<vmem>>
        %dma_wait3A_166 = tpu.memref_slice %arg10[%add3A_107] : memref<51200xf32, #tpu.memory_space<vmem_shared>> -> memref<128xf32, #tpu.memory_space<vmem_shared>>
        %dma_wait3A_167 = tpu.memref_slice %arg10[%add3A_107] : memref<51200xf32, #tpu.memory_space<vmem_shared>> -> memref<128xf32, #tpu.memory_space<vmem_shared>>
        %dma_wait3A_168 = arith.constant 0 : i32
        %dma_wait3A_169 = tpu.memref_slice %arg16[%dma_wait3A_168] : memref<640xf32, #tpu.memory_space<vmem>> -> memref<128xf32, #tpu.memory_space<vmem>>
        tpu.wait_dma2 semaphore(%run_scoped3A : memref<!tpu.dma_semaphore, #tpu.memory_space<semaphore_mem>>) src(%dma_wait3A_169 : memref<128xf32, #tpu.memory_space<vmem>>) dst(%dma_wait3A_167 : memref<128xf32, #tpu.memory_space<vmem_shared>>)
        tpu.yield
      }) : () -> ()
      %mul3A_108 = arith.constant 3200 : i32
      %mul3A_109 = arith.muli %arg1, %mul3A_108 : i32
      %add3A_110 = arith.constant 2176 : i32
      %add3A_111 = arith.addi %mul3A_109, %add3A_110 : i32
      "tpu.region"() ({
        %run_scoped3A = tpu.sem_alloc : memref<!tpu.dma_semaphore, #tpu.memory_space<semaphore_mem>>
        %dma_start3A = arith.constant 0 : i32
        %dma_start3A_160 = tpu.memref_slice %arg16[%dma_start3A] : memref<640xf32, #tpu.memory_space<vmem>> -> memref<128xf32, #tpu.memory_space<vmem>>
        %dma_start3A_161 = tpu.memref_slice %arg10[%add3A_111] : memref<51200xf32, #tpu.memory_space<vmem_shared>> -> memref<128xf32, #tpu.memory_space<vmem_shared>>
        %dma_start3A_162 = tpu.memref_slice %arg10[%add3A_111] : memref<51200xf32, #tpu.memory_space<vmem_shared>> -> memref<128xf32, #tpu.memory_space<vmem_shared>>
        %dma_start3A_163 = arith.constant 0 : i32
        %dma_start3A_164 = tpu.memref_slice %arg16[%dma_start3A_163] : memref<640xf32, #tpu.memory_space<vmem>> -> memref<128xf32, #tpu.memory_space<vmem>>
        tpu.enqueue_dma source(%dma_start3A_164 : memref<128xf32, #tpu.memory_space<vmem>>) target(%dma_start3A_162 : memref<128xf32, #tpu.memory_space<vmem_shared>>) target_semaphore(%run_scoped3A : memref<!tpu.dma_semaphore, #tpu.memory_space<semaphore_mem>>)
        %dma_wait3A = arith.constant 0 : i32
        %dma_wait3A_165 = tpu.memref_slice %arg16[%dma_wait3A] : memref<640xf32, #tpu.memory_space<vmem>> -> memref<128xf32, #tpu.memory_space<vmem>>
        %dma_wait3A_166 = tpu.memref_slice %arg10[%add3A_111] : memref<51200xf32, #tpu.memory_space<vmem_shared>> -> memref<128xf32, #tpu.memory_space<vmem_shared>>
        %dma_wait3A_167 = tpu.memref_slice %arg10[%add3A_111] : memref<51200xf32, #tpu.memory_space<vmem_shared>> -> memref<128xf32, #tpu.memory_space<vmem_shared>>
        %dma_wait3A_168 = arith.constant 0 : i32
        %dma_wait3A_169 = tpu.memref_slice %arg16[%dma_wait3A_168] : memref<640xf32, #tpu.memory_space<vmem>> -> memref<128xf32, #tpu.memory_space<vmem>>
        tpu.wait_dma2 semaphore(%run_scoped3A : memref<!tpu.dma_semaphore, #tpu.memory_space<semaphore_mem>>) src(%dma_wait3A_169 : memref<128xf32, #tpu.memory_space<vmem>>) dst(%dma_wait3A_167 : memref<128xf32, #tpu.memory_space<vmem_shared>>)
        tpu.yield
      }) : () -> ()
      %mul3A_112 = arith.constant 3200 : i32
      %mul3A_113 = arith.muli %arg1, %mul3A_112 : i32
      %add3A_114 = arith.constant 2304 : i32
      %add3A_115 = arith.addi %mul3A_113, %add3A_114 : i32
      "tpu.region"() ({
        %run_scoped3A = tpu.sem_alloc : memref<!tpu.dma_semaphore, #tpu.memory_space<semaphore_mem>>
        %dma_start3A = arith.constant 0 : i32
        %dma_start3A_160 = tpu.memref_slice %arg16[%dma_start3A] : memref<640xf32, #tpu.memory_space<vmem>> -> memref<128xf32, #tpu.memory_space<vmem>>
        %dma_start3A_161 = tpu.memref_slice %arg10[%add3A_115] : memref<51200xf32, #tpu.memory_space<vmem_shared>> -> memref<128xf32, #tpu.memory_space<vmem_shared>>
        %dma_start3A_162 = tpu.memref_slice %arg10[%add3A_115] : memref<51200xf32, #tpu.memory_space<vmem_shared>> -> memref<128xf32, #tpu.memory_space<vmem_shared>>
        %dma_start3A_163 = arith.constant 0 : i32
        %dma_start3A_164 = tpu.memref_slice %arg16[%dma_start3A_163] : memref<640xf32, #tpu.memory_space<vmem>> -> memref<128xf32, #tpu.memory_space<vmem>>
        tpu.enqueue_dma source(%dma_start3A_164 : memref<128xf32, #tpu.memory_space<vmem>>) target(%dma_start3A_162 : memref<128xf32, #tpu.memory_space<vmem_shared>>) target_semaphore(%run_scoped3A : memref<!tpu.dma_semaphore, #tpu.memory_space<semaphore_mem>>)
        %dma_wait3A = arith.constant 0 : i32
        %dma_wait3A_165 = tpu.memref_slice %arg16[%dma_wait3A] : memref<640xf32, #tpu.memory_space<vmem>> -> memref<128xf32, #tpu.memory_space<vmem>>
        %dma_wait3A_166 = tpu.memref_slice %arg10[%add3A_115] : memref<51200xf32, #tpu.memory_space<vmem_shared>> -> memref<128xf32, #tpu.memory_space<vmem_shared>>
        %dma_wait3A_167 = tpu.memref_slice %arg10[%add3A_115] : memref<51200xf32, #tpu.memory_space<vmem_shared>> -> memref<128xf32, #tpu.memory_space<vmem_shared>>
        %dma_wait3A_168 = arith.constant 0 : i32
        %dma_wait3A_169 = tpu.memref_slice %arg16[%dma_wait3A_168] : memref<640xf32, #tpu.memory_space<vmem>> -> memref<128xf32, #tpu.memory_space<vmem>>
        tpu.wait_dma2 semaphore(%run_scoped3A : memref<!tpu.dma_semaphore, #tpu.memory_space<semaphore_mem>>) src(%dma_wait3A_169 : memref<128xf32, #tpu.memory_space<vmem>>) dst(%dma_wait3A_167 : memref<128xf32, #tpu.memory_space<vmem_shared>>)
        tpu.yield
      }) : () -> ()
      %mul3A_116 = arith.constant 3200 : i32
      %mul3A_117 = arith.muli %arg1, %mul3A_116 : i32
      %add3A_118 = arith.constant 2432 : i32
      %add3A_119 = arith.addi %mul3A_117, %add3A_118 : i32
      "tpu.region"() ({
        %run_scoped3A = tpu.sem_alloc : memref<!tpu.dma_semaphore, #tpu.memory_space<semaphore_mem>>
        %dma_start3A = arith.constant 0 : i32
        %dma_start3A_160 = tpu.memref_slice %arg16[%dma_start3A] : memref<640xf32, #tpu.memory_space<vmem>> -> memref<128xf32, #tpu.memory_space<vmem>>
        %dma_start3A_161 = tpu.memref_slice %arg10[%add3A_119] : memref<51200xf32, #tpu.memory_space<vmem_shared>> -> memref<128xf32, #tpu.memory_space<vmem_shared>>
        %dma_start3A_162 = tpu.memref_slice %arg10[%add3A_119] : memref<51200xf32, #tpu.memory_space<vmem_shared>> -> memref<128xf32, #tpu.memory_space<vmem_shared>>
        %dma_start3A_163 = arith.constant 0 : i32
        %dma_start3A_164 = tpu.memref_slice %arg16[%dma_start3A_163] : memref<640xf32, #tpu.memory_space<vmem>> -> memref<128xf32, #tpu.memory_space<vmem>>
        tpu.enqueue_dma source(%dma_start3A_164 : memref<128xf32, #tpu.memory_space<vmem>>) target(%dma_start3A_162 : memref<128xf32, #tpu.memory_space<vmem_shared>>) target_semaphore(%run_scoped3A : memref<!tpu.dma_semaphore, #tpu.memory_space<semaphore_mem>>)
        %dma_wait3A = arith.constant 0 : i32
        %dma_wait3A_165 = tpu.memref_slice %arg16[%dma_wait3A] : memref<640xf32, #tpu.memory_space<vmem>> -> memref<128xf32, #tpu.memory_space<vmem>>
        %dma_wait3A_166 = tpu.memref_slice %arg10[%add3A_119] : memref<51200xf32, #tpu.memory_space<vmem_shared>> -> memref<128xf32, #tpu.memory_space<vmem_shared>>
        %dma_wait3A_167 = tpu.memref_slice %arg10[%add3A_119] : memref<51200xf32, #tpu.memory_space<vmem_shared>> -> memref<128xf32, #tpu.memory_space<vmem_shared>>
        %dma_wait3A_168 = arith.constant 0 : i32
        %dma_wait3A_169 = tpu.memref_slice %arg16[%dma_wait3A_168] : memref<640xf32, #tpu.memory_space<vmem>> -> memref<128xf32, #tpu.memory_space<vmem>>
        tpu.wait_dma2 semaphore(%run_scoped3A : memref<!tpu.dma_semaphore, #tpu.memory_space<semaphore_mem>>) src(%dma_wait3A_169 : memref<128xf32, #tpu.memory_space<vmem>>) dst(%dma_wait3A_167 : memref<128xf32, #tpu.memory_space<vmem_shared>>)
        tpu.yield
      }) : () -> ()
      %mul3A_120 = arith.constant 3200 : i32
      %mul3A_121 = arith.muli %arg1, %mul3A_120 : i32
      %add3A_122 = arith.constant 2560 : i32
      %add3A_123 = arith.addi %mul3A_121, %add3A_122 : i32
      "tpu.region"() ({
        %run_scoped3A = tpu.sem_alloc : memref<!tpu.dma_semaphore, #tpu.memory_space<semaphore_mem>>
        %dma_start3A = arith.constant 0 : i32
        %dma_start3A_160 = tpu.memref_slice %arg16[%dma_start3A] : memref<640xf32, #tpu.memory_space<vmem>> -> memref<128xf32, #tpu.memory_space<vmem>>
        %dma_start3A_161 = tpu.memref_slice %arg10[%add3A_123] : memref<51200xf32, #tpu.memory_space<vmem_shared>> -> memref<128xf32, #tpu.memory_space<vmem_shared>>
        %dma_start3A_162 = tpu.memref_slice %arg10[%add3A_123] : memref<51200xf32, #tpu.memory_space<vmem_shared>> -> memref<128xf32, #tpu.memory_space<vmem_shared>>
        %dma_start3A_163 = arith.constant 0 : i32
        %dma_start3A_164 = tpu.memref_slice %arg16[%dma_start3A_163] : memref<640xf32, #tpu.memory_space<vmem>> -> memref<128xf32, #tpu.memory_space<vmem>>
        tpu.enqueue_dma source(%dma_start3A_164 : memref<128xf32, #tpu.memory_space<vmem>>) target(%dma_start3A_162 : memref<128xf32, #tpu.memory_space<vmem_shared>>) target_semaphore(%run_scoped3A : memref<!tpu.dma_semaphore, #tpu.memory_space<semaphore_mem>>)
        %dma_wait3A = arith.constant 0 : i32
        %dma_wait3A_165 = tpu.memref_slice %arg16[%dma_wait3A] : memref<640xf32, #tpu.memory_space<vmem>> -> memref<128xf32, #tpu.memory_space<vmem>>
        %dma_wait3A_166 = tpu.memref_slice %arg10[%add3A_123] : memref<51200xf32, #tpu.memory_space<vmem_shared>> -> memref<128xf32, #tpu.memory_space<vmem_shared>>
        %dma_wait3A_167 = tpu.memref_slice %arg10[%add3A_123] : memref<51200xf32, #tpu.memory_space<vmem_shared>> -> memref<128xf32, #tpu.memory_space<vmem_shared>>
        %dma_wait3A_168 = arith.constant 0 : i32
        %dma_wait3A_169 = tpu.memref_slice %arg16[%dma_wait3A_168] : memref<640xf32, #tpu.memory_space<vmem>> -> memref<128xf32, #tpu.memory_space<vmem>>
        tpu.wait_dma2 semaphore(%run_scoped3A : memref<!tpu.dma_semaphore, #tpu.memory_space<semaphore_mem>>) src(%dma_wait3A_169 : memref<128xf32, #tpu.memory_space<vmem>>) dst(%dma_wait3A_167 : memref<128xf32, #tpu.memory_space<vmem_shared>>)
        tpu.yield
      }) : () -> ()
      %mul3A_124 = arith.constant 3200 : i32
      %mul3A_125 = arith.muli %arg1, %mul3A_124 : i32
      %add3A_126 = arith.constant 2688 : i32
      %add3A_127 = arith.addi %mul3A_125, %add3A_126 : i32
      "tpu.region"() ({
        %run_scoped3A = tpu.sem_alloc : memref<!tpu.dma_semaphore, #tpu.memory_space<semaphore_mem>>
        %dma_start3A = arith.constant 0 : i32
        %dma_start3A_160 = tpu.memref_slice %arg16[%dma_start3A] : memref<640xf32, #tpu.memory_space<vmem>> -> memref<128xf32, #tpu.memory_space<vmem>>
        %dma_start3A_161 = tpu.memref_slice %arg10[%add3A_127] : memref<51200xf32, #tpu.memory_space<vmem_shared>> -> memref<128xf32, #tpu.memory_space<vmem_shared>>
        %dma_start3A_162 = tpu.memref_slice %arg10[%add3A_127] : memref<51200xf32, #tpu.memory_space<vmem_shared>> -> memref<128xf32, #tpu.memory_space<vmem_shared>>
        %dma_start3A_163 = arith.constant 0 : i32
        %dma_start3A_164 = tpu.memref_slice %arg16[%dma_start3A_163] : memref<640xf32, #tpu.memory_space<vmem>> -> memref<128xf32, #tpu.memory_space<vmem>>
        tpu.enqueue_dma source(%dma_start3A_164 : memref<128xf32, #tpu.memory_space<vmem>>) target(%dma_start3A_162 : memref<128xf32, #tpu.memory_space<vmem_shared>>) target_semaphore(%run_scoped3A : memref<!tpu.dma_semaphore, #tpu.memory_space<semaphore_mem>>)
        %dma_wait3A = arith.constant 0 : i32
        %dma_wait3A_165 = tpu.memref_slice %arg16[%dma_wait3A] : memref<640xf32, #tpu.memory_space<vmem>> -> memref<128xf32, #tpu.memory_space<vmem>>
        %dma_wait3A_166 = tpu.memref_slice %arg10[%add3A_127] : memref<51200xf32, #tpu.memory_space<vmem_shared>> -> memref<128xf32, #tpu.memory_space<vmem_shared>>
        %dma_wait3A_167 = tpu.memref_slice %arg10[%add3A_127] : memref<51200xf32, #tpu.memory_space<vmem_shared>> -> memref<128xf32, #tpu.memory_space<vmem_shared>>
        %dma_wait3A_168 = arith.constant 0 : i32
        %dma_wait3A_169 = tpu.memref_slice %arg16[%dma_wait3A_168] : memref<640xf32, #tpu.memory_space<vmem>> -> memref<128xf32, #tpu.memory_space<vmem>>
        tpu.wait_dma2 semaphore(%run_scoped3A : memref<!tpu.dma_semaphore, #tpu.memory_space<semaphore_mem>>) src(%dma_wait3A_169 : memref<128xf32, #tpu.memory_space<vmem>>) dst(%dma_wait3A_167 : memref<128xf32, #tpu.memory_space<vmem_shared>>)
        tpu.yield
      }) : () -> ()
      %mul3A_128 = arith.constant 3200 : i32
      %mul3A_129 = arith.muli %arg1, %mul3A_128 : i32
      %add3A_130 = arith.constant 2816 : i32
      %add3A_131 = arith.addi %mul3A_129, %add3A_130 : i32
      "tpu.region"() ({
        %run_scoped3A = tpu.sem_alloc : memref<!tpu.dma_semaphore, #tpu.memory_space<semaphore_mem>>
        %dma_start3A = arith.constant 0 : i32
        %dma_start3A_160 = tpu.memref_slice %arg16[%dma_start3A] : memref<640xf32, #tpu.memory_space<vmem>> -> memref<128xf32, #tpu.memory_space<vmem>>
        %dma_start3A_161 = tpu.memref_slice %arg10[%add3A_131] : memref<51200xf32, #tpu.memory_space<vmem_shared>> -> memref<128xf32, #tpu.memory_space<vmem_shared>>
        %dma_start3A_162 = tpu.memref_slice %arg10[%add3A_131] : memref<51200xf32, #tpu.memory_space<vmem_shared>> -> memref<128xf32, #tpu.memory_space<vmem_shared>>
        %dma_start3A_163 = arith.constant 0 : i32
        %dma_start3A_164 = tpu.memref_slice %arg16[%dma_start3A_163] : memref<640xf32, #tpu.memory_space<vmem>> -> memref<128xf32, #tpu.memory_space<vmem>>
        tpu.enqueue_dma source(%dma_start3A_164 : memref<128xf32, #tpu.memory_space<vmem>>) target(%dma_start3A_162 : memref<128xf32, #tpu.memory_space<vmem_shared>>) target_semaphore(%run_scoped3A : memref<!tpu.dma_semaphore, #tpu.memory_space<semaphore_mem>>)
        %dma_wait3A = arith.constant 0 : i32
        %dma_wait3A_165 = tpu.memref_slice %arg16[%dma_wait3A] : memref<640xf32, #tpu.memory_space<vmem>> -> memref<128xf32, #tpu.memory_space<vmem>>
        %dma_wait3A_166 = tpu.memref_slice %arg10[%add3A_131] : memref<51200xf32, #tpu.memory_space<vmem_shared>> -> memref<128xf32, #tpu.memory_space<vmem_shared>>
        %dma_wait3A_167 = tpu.memref_slice %arg10[%add3A_131] : memref<51200xf32, #tpu.memory_space<vmem_shared>> -> memref<128xf32, #tpu.memory_space<vmem_shared>>
        %dma_wait3A_168 = arith.constant 0 : i32
        %dma_wait3A_169 = tpu.memref_slice %arg16[%dma_wait3A_168] : memref<640xf32, #tpu.memory_space<vmem>> -> memref<128xf32, #tpu.memory_space<vmem>>
        tpu.wait_dma2 semaphore(%run_scoped3A : memref<!tpu.dma_semaphore, #tpu.memory_space<semaphore_mem>>) src(%dma_wait3A_169 : memref<128xf32, #tpu.memory_space<vmem>>) dst(%dma_wait3A_167 : memref<128xf32, #tpu.memory_space<vmem_shared>>)
        tpu.yield
      }) : () -> ()
      %mul3A_132 = arith.constant 3200 : i32
      %mul3A_133 = arith.muli %arg1, %mul3A_132 : i32
      %add3A_134 = arith.constant 2944 : i32
      %add3A_135 = arith.addi %mul3A_133, %add3A_134 : i32
      "tpu.region"() ({
        %run_scoped3A = tpu.sem_alloc : memref<!tpu.dma_semaphore, #tpu.memory_space<semaphore_mem>>
        %dma_start3A = arith.constant 0 : i32
        %dma_start3A_160 = tpu.memref_slice %arg16[%dma_start3A] : memref<640xf32, #tpu.memory_space<vmem>> -> memref<128xf32, #tpu.memory_space<vmem>>
        %dma_start3A_161 = tpu.memref_slice %arg10[%add3A_135] : memref<51200xf32, #tpu.memory_space<vmem_shared>> -> memref<128xf32, #tpu.memory_space<vmem_shared>>
        %dma_start3A_162 = tpu.memref_slice %arg10[%add3A_135] : memref<51200xf32, #tpu.memory_space<vmem_shared>> -> memref<128xf32, #tpu.memory_space<vmem_shared>>
        %dma_start3A_163 = arith.constant 0 : i32
        %dma_start3A_164 = tpu.memref_slice %arg16[%dma_start3A_163] : memref<640xf32, #tpu.memory_space<vmem>> -> memref<128xf32, #tpu.memory_space<vmem>>
        tpu.enqueue_dma source(%dma_start3A_164 : memref<128xf32, #tpu.memory_space<vmem>>) target(%dma_start3A_162 : memref<128xf32, #tpu.memory_space<vmem_shared>>) target_semaphore(%run_scoped3A : memref<!tpu.dma_semaphore, #tpu.memory_space<semaphore_mem>>)
        %dma_wait3A = arith.constant 0 : i32
        %dma_wait3A_165 = tpu.memref_slice %arg16[%dma_wait3A] : memref<640xf32, #tpu.memory_space<vmem>> -> memref<128xf32, #tpu.memory_space<vmem>>
        %dma_wait3A_166 = tpu.memref_slice %arg10[%add3A_135] : memref<51200xf32, #tpu.memory_space<vmem_shared>> -> memref<128xf32, #tpu.memory_space<vmem_shared>>
        %dma_wait3A_167 = tpu.memref_slice %arg10[%add3A_135] : memref<51200xf32, #tpu.memory_space<vmem_shared>> -> memref<128xf32, #tpu.memory_space<vmem_shared>>
        %dma_wait3A_168 = arith.constant 0 : i32
        %dma_wait3A_169 = tpu.memref_slice %arg16[%dma_wait3A_168] : memref<640xf32, #tpu.memory_space<vmem>> -> memref<128xf32, #tpu.memory_space<vmem>>
        tpu.wait_dma2 semaphore(%run_scoped3A : memref<!tpu.dma_semaphore, #tpu.memory_space<semaphore_mem>>) src(%dma_wait3A_169 : memref<128xf32, #tpu.memory_space<vmem>>) dst(%dma_wait3A_167 : memref<128xf32, #tpu.memory_space<vmem_shared>>)
        tpu.yield
      }) : () -> ()
      %mul3A_136 = arith.constant 3200 : i32
      %mul3A_137 = arith.muli %arg1, %mul3A_136 : i32
      %add3A_138 = arith.constant 3072 : i32
      %add3A_139 = arith.addi %mul3A_137, %add3A_138 : i32
      "tpu.region"() ({
        %run_scoped3A = tpu.sem_alloc : memref<!tpu.dma_semaphore, #tpu.memory_space<semaphore_mem>>
        %dma_start3A = arith.constant 0 : i32
        %dma_start3A_160 = tpu.memref_slice %arg16[%dma_start3A] : memref<640xf32, #tpu.memory_space<vmem>> -> memref<128xf32, #tpu.memory_space<vmem>>
        %dma_start3A_161 = tpu.memref_slice %arg10[%add3A_139] : memref<51200xf32, #tpu.memory_space<vmem_shared>> -> memref<128xf32, #tpu.memory_space<vmem_shared>>
        %dma_start3A_162 = tpu.memref_slice %arg10[%add3A_139] : memref<51200xf32, #tpu.memory_space<vmem_shared>> -> memref<128xf32, #tpu.memory_space<vmem_shared>>
        %dma_start3A_163 = arith.constant 0 : i32
        %dma_start3A_164 = tpu.memref_slice %arg16[%dma_start3A_163] : memref<640xf32, #tpu.memory_space<vmem>> -> memref<128xf32, #tpu.memory_space<vmem>>
        tpu.enqueue_dma source(%dma_start3A_164 : memref<128xf32, #tpu.memory_space<vmem>>) target(%dma_start3A_162 : memref<128xf32, #tpu.memory_space<vmem_shared>>) target_semaphore(%run_scoped3A : memref<!tpu.dma_semaphore, #tpu.memory_space<semaphore_mem>>)
        %dma_wait3A = arith.constant 0 : i32
        %dma_wait3A_165 = tpu.memref_slice %arg16[%dma_wait3A] : memref<640xf32, #tpu.memory_space<vmem>> -> memref<128xf32, #tpu.memory_space<vmem>>
        %dma_wait3A_166 = tpu.memref_slice %arg10[%add3A_139] : memref<51200xf32, #tpu.memory_space<vmem_shared>> -> memref<128xf32, #tpu.memory_space<vmem_shared>>
        %dma_wait3A_167 = tpu.memref_slice %arg10[%add3A_139] : memref<51200xf32, #tpu.memory_space<vmem_shared>> -> memref<128xf32, #tpu.memory_space<vmem_shared>>
        %dma_wait3A_168 = arith.constant 0 : i32
        %dma_wait3A_169 = tpu.memref_slice %arg16[%dma_wait3A_168] : memref<640xf32, #tpu.memory_space<vmem>> -> memref<128xf32, #tpu.memory_space<vmem>>
        tpu.wait_dma2 semaphore(%run_scoped3A : memref<!tpu.dma_semaphore, #tpu.memory_space<semaphore_mem>>) src(%dma_wait3A_169 : memref<128xf32, #tpu.memory_space<vmem>>) dst(%dma_wait3A_167 : memref<128xf32, #tpu.memory_space<vmem_shared>>)
        tpu.yield
      }) : () -> ()
      %mul3A_140 = arith.constant 640 : i32
      %mul3A_141 = arith.muli %arg1, %mul3A_140 : i32
      %add3A_142 = arith.constant 0 : i32
      %add3A_143 = arith.addi %mul3A_141, %add3A_142 : i32
      "tpu.region"() ({
        %run_scoped3A = tpu.sem_alloc : memref<!tpu.dma_semaphore, #tpu.memory_space<semaphore_mem>>
        %dma_start3A = arith.constant 0 : i32
        %dma_start3A_160 = tpu.memref_slice %arg16[%dma_start3A] : memref<640xf32, #tpu.memory_space<vmem>> -> memref<128xf32, #tpu.memory_space<vmem>>
        %dma_start3A_161 = tpu.memref_slice %arg11[%add3A_143] : memref<10240xf32, #tpu.memory_space<vmem_shared>> -> memref<128xf32, #tpu.memory_space<vmem_shared>>
        %dma_start3A_162 = tpu.memref_slice %arg11[%add3A_143] : memref<10240xf32, #tpu.memory_space<vmem_shared>> -> memref<128xf32, #tpu.memory_space<vmem_shared>>
        %dma_start3A_163 = arith.constant 0 : i32
        %dma_start3A_164 = tpu.memref_slice %arg16[%dma_start3A_163] : memref<640xf32, #tpu.memory_space<vmem>> -> memref<128xf32, #tpu.memory_space<vmem>>
        tpu.enqueue_dma source(%dma_start3A_164 : memref<128xf32, #tpu.memory_space<vmem>>) target(%dma_start3A_162 : memref<128xf32, #tpu.memory_space<vmem_shared>>) target_semaphore(%run_scoped3A : memref<!tpu.dma_semaphore, #tpu.memory_space<semaphore_mem>>)
        %dma_wait3A = arith.constant 0 : i32
        %dma_wait3A_165 = tpu.memref_slice %arg16[%dma_wait3A] : memref<640xf32, #tpu.memory_space<vmem>> -> memref<128xf32, #tpu.memory_space<vmem>>
        %dma_wait3A_166 = tpu.memref_slice %arg11[%add3A_143] : memref<10240xf32, #tpu.memory_space<vmem_shared>> -> memref<128xf32, #tpu.memory_space<vmem_shared>>
        %dma_wait3A_167 = tpu.memref_slice %arg11[%add3A_143] : memref<10240xf32, #tpu.memory_space<vmem_shared>> -> memref<128xf32, #tpu.memory_space<vmem_shared>>
        %dma_wait3A_168 = arith.constant 0 : i32
        %dma_wait3A_169 = tpu.memref_slice %arg16[%dma_wait3A_168] : memref<640xf32, #tpu.memory_space<vmem>> -> memref<128xf32, #tpu.memory_space<vmem>>
        tpu.wait_dma2 semaphore(%run_scoped3A : memref<!tpu.dma_semaphore, #tpu.memory_space<semaphore_mem>>) src(%dma_wait3A_169 : memref<128xf32, #tpu.memory_space<vmem>>) dst(%dma_wait3A_167 : memref<128xf32, #tpu.memory_space<vmem_shared>>)
        tpu.yield
      }) : () -> ()
      %mul3A_144 = arith.constant 640 : i32
      %mul3A_145 = arith.muli %arg1, %mul3A_144 : i32
      %add3A_146 = arith.constant 128 : i32
      %add3A_147 = arith.addi %mul3A_145, %add3A_146 : i32
      "tpu.region"() ({
        %run_scoped3A = tpu.sem_alloc : memref<!tpu.dma_semaphore, #tpu.memory_space<semaphore_mem>>
        %dma_start3A = arith.constant 0 : i32
        %dma_start3A_160 = tpu.memref_slice %arg16[%dma_start3A] : memref<640xf32, #tpu.memory_space<vmem>> -> memref<128xf32, #tpu.memory_space<vmem>>
        %dma_start3A_161 = tpu.memref_slice %arg11[%add3A_147] : memref<10240xf32, #tpu.memory_space<vmem_shared>> -> memref<128xf32, #tpu.memory_space<vmem_shared>>
        %dma_start3A_162 = tpu.memref_slice %arg11[%add3A_147] : memref<10240xf32, #tpu.memory_space<vmem_shared>> -> memref<128xf32, #tpu.memory_space<vmem_shared>>
        %dma_start3A_163 = arith.constant 0 : i32
        %dma_start3A_164 = tpu.memref_slice %arg16[%dma_start3A_163] : memref<640xf32, #tpu.memory_space<vmem>> -> memref<128xf32, #tpu.memory_space<vmem>>
        tpu.enqueue_dma source(%dma_start3A_164 : memref<128xf32, #tpu.memory_space<vmem>>) target(%dma_start3A_162 : memref<128xf32, #tpu.memory_space<vmem_shared>>) target_semaphore(%run_scoped3A : memref<!tpu.dma_semaphore, #tpu.memory_space<semaphore_mem>>)
        %dma_wait3A = arith.constant 0 : i32
        %dma_wait3A_165 = tpu.memref_slice %arg16[%dma_wait3A] : memref<640xf32, #tpu.memory_space<vmem>> -> memref<128xf32, #tpu.memory_space<vmem>>
        %dma_wait3A_166 = tpu.memref_slice %arg11[%add3A_147] : memref<10240xf32, #tpu.memory_space<vmem_shared>> -> memref<128xf32, #tpu.memory_space<vmem_shared>>
        %dma_wait3A_167 = tpu.memref_slice %arg11[%add3A_147] : memref<10240xf32, #tpu.memory_space<vmem_shared>> -> memref<128xf32, #tpu.memory_space<vmem_shared>>
        %dma_wait3A_168 = arith.constant 0 : i32
        %dma_wait3A_169 = tpu.memref_slice %arg16[%dma_wait3A_168] : memref<640xf32, #tpu.memory_space<vmem>> -> memref<128xf32, #tpu.memory_space<vmem>>
        tpu.wait_dma2 semaphore(%run_scoped3A : memref<!tpu.dma_semaphore, #tpu.memory_space<semaphore_mem>>) src(%dma_wait3A_169 : memref<128xf32, #tpu.memory_space<vmem>>) dst(%dma_wait3A_167 : memref<128xf32, #tpu.memory_space<vmem_shared>>)
        tpu.yield
      }) : () -> ()
      %mul3A_148 = arith.constant 640 : i32
      %mul3A_149 = arith.muli %arg1, %mul3A_148 : i32
      %add3A_150 = arith.constant 256 : i32
      %add3A_151 = arith.addi %mul3A_149, %add3A_150 : i32
      "tpu.region"() ({
        %run_scoped3A = tpu.sem_alloc : memref<!tpu.dma_semaphore, #tpu.memory_space<semaphore_mem>>
        %dma_start3A = arith.constant 0 : i32
        %dma_start3A_160 = tpu.memref_slice %arg16[%dma_start3A] : memref<640xf32, #tpu.memory_space<vmem>> -> memref<128xf32, #tpu.memory_space<vmem>>
        %dma_start3A_161 = tpu.memref_slice %arg11[%add3A_151] : memref<10240xf32, #tpu.memory_space<vmem_shared>> -> memref<128xf32, #tpu.memory_space<vmem_shared>>
        %dma_start3A_162 = tpu.memref_slice %arg11[%add3A_151] : memref<10240xf32, #tpu.memory_space<vmem_shared>> -> memref<128xf32, #tpu.memory_space<vmem_shared>>
        %dma_start3A_163 = arith.constant 0 : i32
        %dma_start3A_164 = tpu.memref_slice %arg16[%dma_start3A_163] : memref<640xf32, #tpu.memory_space<vmem>> -> memref<128xf32, #tpu.memory_space<vmem>>
        tpu.enqueue_dma source(%dma_start3A_164 : memref<128xf32, #tpu.memory_space<vmem>>) target(%dma_start3A_162 : memref<128xf32, #tpu.memory_space<vmem_shared>>) target_semaphore(%run_scoped3A : memref<!tpu.dma_semaphore, #tpu.memory_space<semaphore_mem>>)
        %dma_wait3A = arith.constant 0 : i32
        %dma_wait3A_165 = tpu.memref_slice %arg16[%dma_wait3A] : memref<640xf32, #tpu.memory_space<vmem>> -> memref<128xf32, #tpu.memory_space<vmem>>
        %dma_wait3A_166 = tpu.memref_slice %arg11[%add3A_151] : memref<10240xf32, #tpu.memory_space<vmem_shared>> -> memref<128xf32, #tpu.memory_space<vmem_shared>>
        %dma_wait3A_167 = tpu.memref_slice %arg11[%add3A_151] : memref<10240xf32, #tpu.memory_space<vmem_shared>> -> memref<128xf32, #tpu.memory_space<vmem_shared>>
        %dma_wait3A_168 = arith.constant 0 : i32
        %dma_wait3A_169 = tpu.memref_slice %arg16[%dma_wait3A_168] : memref<640xf32, #tpu.memory_space<vmem>> -> memref<128xf32, #tpu.memory_space<vmem>>
        tpu.wait_dma2 semaphore(%run_scoped3A : memref<!tpu.dma_semaphore, #tpu.memory_space<semaphore_mem>>) src(%dma_wait3A_169 : memref<128xf32, #tpu.memory_space<vmem>>) dst(%dma_wait3A_167 : memref<128xf32, #tpu.memory_space<vmem_shared>>)
        tpu.yield
      }) : () -> ()
      %mul3A_152 = arith.constant 640 : i32
      %mul3A_153 = arith.muli %arg1, %mul3A_152 : i32
      %add3A_154 = arith.constant 384 : i32
      %add3A_155 = arith.addi %mul3A_153, %add3A_154 : i32
      "tpu.region"() ({
        %run_scoped3A = tpu.sem_alloc : memref<!tpu.dma_semaphore, #tpu.memory_space<semaphore_mem>>
        %dma_start3A = arith.constant 0 : i32
        %dma_start3A_160 = tpu.memref_slice %arg16[%dma_start3A] : memref<640xf32, #tpu.memory_space<vmem>> -> memref<128xf32, #tpu.memory_space<vmem>>
        %dma_start3A_161 = tpu.memref_slice %arg11[%add3A_155] : memref<10240xf32, #tpu.memory_space<vmem_shared>> -> memref<128xf32, #tpu.memory_space<vmem_shared>>
        %dma_start3A_162 = tpu.memref_slice %arg11[%add3A_155] : memref<10240xf32, #tpu.memory_space<vmem_shared>> -> memref<128xf32, #tpu.memory_space<vmem_shared>>
        %dma_start3A_163 = arith.constant 0 : i32
        %dma_start3A_164 = tpu.memref_slice %arg16[%dma_start3A_163] : memref<640xf32, #tpu.memory_space<vmem>> -> memref<128xf32, #tpu.memory_space<vmem>>
        tpu.enqueue_dma source(%dma_start3A_164 : memref<128xf32, #tpu.memory_space<vmem>>) target(%dma_start3A_162 : memref<128xf32, #tpu.memory_space<vmem_shared>>) target_semaphore(%run_scoped3A : memref<!tpu.dma_semaphore, #tpu.memory_space<semaphore_mem>>)
        %dma_wait3A = arith.constant 0 : i32
        %dma_wait3A_165 = tpu.memref_slice %arg16[%dma_wait3A] : memref<640xf32, #tpu.memory_space<vmem>> -> memref<128xf32, #tpu.memory_space<vmem>>
        %dma_wait3A_166 = tpu.memref_slice %arg11[%add3A_155] : memref<10240xf32, #tpu.memory_space<vmem_shared>> -> memref<128xf32, #tpu.memory_space<vmem_shared>>
        %dma_wait3A_167 = tpu.memref_slice %arg11[%add3A_155] : memref<10240xf32, #tpu.memory_space<vmem_shared>> -> memref<128xf32, #tpu.memory_space<vmem_shared>>
        %dma_wait3A_168 = arith.constant 0 : i32
        %dma_wait3A_169 = tpu.memref_slice %arg16[%dma_wait3A_168] : memref<640xf32, #tpu.memory_space<vmem>> -> memref<128xf32, #tpu.memory_space<vmem>>
        tpu.wait_dma2 semaphore(%run_scoped3A : memref<!tpu.dma_semaphore, #tpu.memory_space<semaphore_mem>>) src(%dma_wait3A_169 : memref<128xf32, #tpu.memory_space<vmem>>) dst(%dma_wait3A_167 : memref<128xf32, #tpu.memory_space<vmem_shared>>)
        tpu.yield
      }) : () -> ()
      %mul3A_156 = arith.constant 640 : i32
      %mul3A_157 = arith.muli %arg1, %mul3A_156 : i32
      %add3A_158 = arith.constant 512 : i32
      %add3A_159 = arith.addi %mul3A_157, %add3A_158 : i32
      "tpu.region"() ({
        %run_scoped3A = tpu.sem_alloc : memref<!tpu.dma_semaphore, #tpu.memory_space<semaphore_mem>>
        %dma_start3A = arith.constant 0 : i32
        %dma_start3A_160 = tpu.memref_slice %arg16[%dma_start3A] : memref<640xf32, #tpu.memory_space<vmem>> -> memref<128xf32, #tpu.memory_space<vmem>>
        %dma_start3A_161 = tpu.memref_slice %arg11[%add3A_159] : memref<10240xf32, #tpu.memory_space<vmem_shared>> -> memref<128xf32, #tpu.memory_space<vmem_shared>>
        %dma_start3A_162 = tpu.memref_slice %arg11[%add3A_159] : memref<10240xf32, #tpu.memory_space<vmem_shared>> -> memref<128xf32, #tpu.memory_space<vmem_shared>>
        %dma_start3A_163 = arith.constant 0 : i32
        %dma_start3A_164 = tpu.memref_slice %arg16[%dma_start3A_163] : memref<640xf32, #tpu.memory_space<vmem>> -> memref<128xf32, #tpu.memory_space<vmem>>
        tpu.enqueue_dma source(%dma_start3A_164 : memref<128xf32, #tpu.memory_space<vmem>>) target(%dma_start3A_162 : memref<128xf32, #tpu.memory_space<vmem_shared>>) target_semaphore(%run_scoped3A : memref<!tpu.dma_semaphore, #tpu.memory_space<semaphore_mem>>)
        %dma_wait3A = arith.constant 0 : i32
        %dma_wait3A_165 = tpu.memref_slice %arg16[%dma_wait3A] : memref<640xf32, #tpu.memory_space<vmem>> -> memref<128xf32, #tpu.memory_space<vmem>>
        %dma_wait3A_166 = tpu.memref_slice %arg11[%add3A_159] : memref<10240xf32, #tpu.memory_space<vmem_shared>> -> memref<128xf32, #tpu.memory_space<vmem_shared>>
        %dma_wait3A_167 = tpu.memref_slice %arg11[%add3A_159] : memref<10240xf32, #tpu.memory_space<vmem_shared>> -> memref<128xf32, #tpu.memory_space<vmem_shared>>
        %dma_wait3A_168 = arith.constant 0 : i32
        %dma_wait3A_169 = tpu.memref_slice %arg16[%dma_wait3A_168] : memref<640xf32, #tpu.memory_space<vmem>> -> memref<128xf32, #tpu.memory_space<vmem>>
        tpu.wait_dma2 semaphore(%run_scoped3A : memref<!tpu.dma_semaphore, #tpu.memory_space<semaphore_mem>>) src(%dma_wait3A_169 : memref<128xf32, #tpu.memory_space<vmem>>) dst(%dma_wait3A_167 : memref<128xf32, #tpu.memory_space<vmem_shared>>)
        tpu.yield
      }) : () -> ()
    } else {
    }
    %eq3A_16 = arith.constant 1 : i32
    %eq3A_17 = arith.cmpi eq, %arg0, %eq3A_16 : i32
    %convert_element_type3A_18 = arith.extui %eq3A_17 : i1 to i32
    %cond3A_19 = arith.constant 0 : i32
    %cond3A_20 = arith.cmpi ne, %convert_element_type3A_18, %cond3A_19 : i32
    scf.if %cond3A_20 {
      %mul3A = arith.constant 640 : i32
      %mul3A_42 = arith.muli %arg1, %mul3A : i32
      %add3A = arith.constant 0 : i32
      %add3A_43 = arith.addi %mul3A_42, %add3A : i32
      "tpu.region"() ({
        %run_scoped3A = tpu.sem_alloc : memref<!tpu.dma_semaphore, #tpu.memory_space<semaphore_mem>>
        %dma_start3A = arith.constant 0 : i32
        %dma_start3A_64 = tpu.memref_slice %arg16[%dma_start3A] : memref<640xf32, #tpu.memory_space<vmem>> -> memref<128xf32, #tpu.memory_space<vmem>>
        %dma_start3A_65 = tpu.memref_slice %arg12[%add3A_43] : memref<10240xf32, #tpu.memory_space<vmem_shared>> -> memref<128xf32, #tpu.memory_space<vmem_shared>>
        %dma_start3A_66 = tpu.memref_slice %arg12[%add3A_43] : memref<10240xf32, #tpu.memory_space<vmem_shared>> -> memref<128xf32, #tpu.memory_space<vmem_shared>>
        %dma_start3A_67 = arith.constant 0 : i32
        %dma_start3A_68 = tpu.memref_slice %arg16[%dma_start3A_67] : memref<640xf32, #tpu.memory_space<vmem>> -> memref<128xf32, #tpu.memory_space<vmem>>
        tpu.enqueue_dma source(%dma_start3A_68 : memref<128xf32, #tpu.memory_space<vmem>>) target(%dma_start3A_66 : memref<128xf32, #tpu.memory_space<vmem_shared>>) target_semaphore(%run_scoped3A : memref<!tpu.dma_semaphore, #tpu.memory_space<semaphore_mem>>)
        %dma_wait3A = arith.constant 0 : i32
        %dma_wait3A_69 = tpu.memref_slice %arg16[%dma_wait3A] : memref<640xf32, #tpu.memory_space<vmem>> -> memref<128xf32, #tpu.memory_space<vmem>>
        %dma_wait3A_70 = tpu.memref_slice %arg12[%add3A_43] : memref<10240xf32, #tpu.memory_space<vmem_shared>> -> memref<128xf32, #tpu.memory_space<vmem_shared>>
        %dma_wait3A_71 = tpu.memref_slice %arg12[%add3A_43] : memref<10240xf32, #tpu.memory_space<vmem_shared>> -> memref<128xf32, #tpu.memory_space<vmem_shared>>
        %dma_wait3A_72 = arith.constant 0 : i32
        %dma_wait3A_73 = tpu.memref_slice %arg16[%dma_wait3A_72] : memref<640xf32, #tpu.memory_space<vmem>> -> memref<128xf32, #tpu.memory_space<vmem>>
        tpu.wait_dma2 semaphore(%run_scoped3A : memref<!tpu.dma_semaphore, #tpu.memory_space<semaphore_mem>>) src(%dma_wait3A_73 : memref<128xf32, #tpu.memory_space<vmem>>) dst(%dma_wait3A_71 : memref<128xf32, #tpu.memory_space<vmem_shared>>)
        tpu.yield
      }) : () -> ()
      %mul3A_44 = arith.constant 640 : i32
      %mul3A_45 = arith.muli %arg1, %mul3A_44 : i32
      %add3A_46 = arith.constant 128 : i32
      %add3A_47 = arith.addi %mul3A_45, %add3A_46 : i32
      "tpu.region"() ({
        %run_scoped3A = tpu.sem_alloc : memref<!tpu.dma_semaphore, #tpu.memory_space<semaphore_mem>>
        %dma_start3A = arith.constant 0 : i32
        %dma_start3A_64 = tpu.memref_slice %arg16[%dma_start3A] : memref<640xf32, #tpu.memory_space<vmem>> -> memref<128xf32, #tpu.memory_space<vmem>>
        %dma_start3A_65 = tpu.memref_slice %arg12[%add3A_47] : memref<10240xf32, #tpu.memory_space<vmem_shared>> -> memref<128xf32, #tpu.memory_space<vmem_shared>>
        %dma_start3A_66 = tpu.memref_slice %arg12[%add3A_47] : memref<10240xf32, #tpu.memory_space<vmem_shared>> -> memref<128xf32, #tpu.memory_space<vmem_shared>>
        %dma_start3A_67 = arith.constant 0 : i32
        %dma_start3A_68 = tpu.memref_slice %arg16[%dma_start3A_67] : memref<640xf32, #tpu.memory_space<vmem>> -> memref<128xf32, #tpu.memory_space<vmem>>
        tpu.enqueue_dma source(%dma_start3A_68 : memref<128xf32, #tpu.memory_space<vmem>>) target(%dma_start3A_66 : memref<128xf32, #tpu.memory_space<vmem_shared>>) target_semaphore(%run_scoped3A : memref<!tpu.dma_semaphore, #tpu.memory_space<semaphore_mem>>)
        %dma_wait3A = arith.constant 0 : i32
        %dma_wait3A_69 = tpu.memref_slice %arg16[%dma_wait3A] : memref<640xf32, #tpu.memory_space<vmem>> -> memref<128xf32, #tpu.memory_space<vmem>>
        %dma_wait3A_70 = tpu.memref_slice %arg12[%add3A_47] : memref<10240xf32, #tpu.memory_space<vmem_shared>> -> memref<128xf32, #tpu.memory_space<vmem_shared>>
        %dma_wait3A_71 = tpu.memref_slice %arg12[%add3A_47] : memref<10240xf32, #tpu.memory_space<vmem_shared>> -> memref<128xf32, #tpu.memory_space<vmem_shared>>
        %dma_wait3A_72 = arith.constant 0 : i32
        %dma_wait3A_73 = tpu.memref_slice %arg16[%dma_wait3A_72] : memref<640xf32, #tpu.memory_space<vmem>> -> memref<128xf32, #tpu.memory_space<vmem>>
        tpu.wait_dma2 semaphore(%run_scoped3A : memref<!tpu.dma_semaphore, #tpu.memory_space<semaphore_mem>>) src(%dma_wait3A_73 : memref<128xf32, #tpu.memory_space<vmem>>) dst(%dma_wait3A_71 : memref<128xf32, #tpu.memory_space<vmem_shared>>)
        tpu.yield
      }) : () -> ()
      %mul3A_48 = arith.constant 640 : i32
      %mul3A_49 = arith.muli %arg1, %mul3A_48 : i32
      %add3A_50 = arith.constant 256 : i32
      %add3A_51 = arith.addi %mul3A_49, %add3A_50 : i32
      "tpu.region"() ({
        %run_scoped3A = tpu.sem_alloc : memref<!tpu.dma_semaphore, #tpu.memory_space<semaphore_mem>>
        %dma_start3A = arith.constant 0 : i32
        %dma_start3A_64 = tpu.memref_slice %arg16[%dma_start3A] : memref<640xf32, #tpu.memory_space<vmem>> -> memref<128xf32, #tpu.memory_space<vmem>>
        %dma_start3A_65 = tpu.memref_slice %arg12[%add3A_51] : memref<10240xf32, #tpu.memory_space<vmem_shared>> -> memref<128xf32, #tpu.memory_space<vmem_shared>>
        %dma_start3A_66 = tpu.memref_slice %arg12[%add3A_51] : memref<10240xf32, #tpu.memory_space<vmem_shared>> -> memref<128xf32, #tpu.memory_space<vmem_shared>>
        %dma_start3A_67 = arith.constant 0 : i32
        %dma_start3A_68 = tpu.memref_slice %arg16[%dma_start3A_67] : memref<640xf32, #tpu.memory_space<vmem>> -> memref<128xf32, #tpu.memory_space<vmem>>
        tpu.enqueue_dma source(%dma_start3A_68 : memref<128xf32, #tpu.memory_space<vmem>>) target(%dma_start3A_66 : memref<128xf32, #tpu.memory_space<vmem_shared>>) target_semaphore(%run_scoped3A : memref<!tpu.dma_semaphore, #tpu.memory_space<semaphore_mem>>)
        %dma_wait3A = arith.constant 0 : i32
        %dma_wait3A_69 = tpu.memref_slice %arg16[%dma_wait3A] : memref<640xf32, #tpu.memory_space<vmem>> -> memref<128xf32, #tpu.memory_space<vmem>>
        %dma_wait3A_70 = tpu.memref_slice %arg12[%add3A_51] : memref<10240xf32, #tpu.memory_space<vmem_shared>> -> memref<128xf32, #tpu.memory_space<vmem_shared>>
        %dma_wait3A_71 = tpu.memref_slice %arg12[%add3A_51] : memref<10240xf32, #tpu.memory_space<vmem_shared>> -> memref<128xf32, #tpu.memory_space<vmem_shared>>
        %dma_wait3A_72 = arith.constant 0 : i32
        %dma_wait3A_73 = tpu.memref_slice %arg16[%dma_wait3A_72] : memref<640xf32, #tpu.memory_space<vmem>> -> memref<128xf32, #tpu.memory_space<vmem>>
        tpu.wait_dma2 semaphore(%run_scoped3A : memref<!tpu.dma_semaphore, #tpu.memory_space<semaphore_mem>>) src(%dma_wait3A_73 : memref<128xf32, #tpu.memory_space<vmem>>) dst(%dma_wait3A_71 : memref<128xf32, #tpu.memory_space<vmem_shared>>)
        tpu.yield
      }) : () -> ()
      %mul3A_52 = arith.constant 640 : i32
      %mul3A_53 = arith.muli %arg1, %mul3A_52 : i32
      %add3A_54 = arith.constant 384 : i32
      %add3A_55 = arith.addi %mul3A_53, %add3A_54 : i32
      "tpu.region"() ({
        %run_scoped3A = tpu.sem_alloc : memref<!tpu.dma_semaphore, #tpu.memory_space<semaphore_mem>>
        %dma_start3A = arith.constant 0 : i32
        %dma_start3A_64 = tpu.memref_slice %arg16[%dma_start3A] : memref<640xf32, #tpu.memory_space<vmem>> -> memref<128xf32, #tpu.memory_space<vmem>>
        %dma_start3A_65 = tpu.memref_slice %arg12[%add3A_55] : memref<10240xf32, #tpu.memory_space<vmem_shared>> -> memref<128xf32, #tpu.memory_space<vmem_shared>>
        %dma_start3A_66 = tpu.memref_slice %arg12[%add3A_55] : memref<10240xf32, #tpu.memory_space<vmem_shared>> -> memref<128xf32, #tpu.memory_space<vmem_shared>>
        %dma_start3A_67 = arith.constant 0 : i32
        %dma_start3A_68 = tpu.memref_slice %arg16[%dma_start3A_67] : memref<640xf32, #tpu.memory_space<vmem>> -> memref<128xf32, #tpu.memory_space<vmem>>
        tpu.enqueue_dma source(%dma_start3A_68 : memref<128xf32, #tpu.memory_space<vmem>>) target(%dma_start3A_66 : memref<128xf32, #tpu.memory_space<vmem_shared>>) target_semaphore(%run_scoped3A : memref<!tpu.dma_semaphore, #tpu.memory_space<semaphore_mem>>)
        %dma_wait3A = arith.constant 0 : i32
        %dma_wait3A_69 = tpu.memref_slice %arg16[%dma_wait3A] : memref<640xf32, #tpu.memory_space<vmem>> -> memref<128xf32, #tpu.memory_space<vmem>>
        %dma_wait3A_70 = tpu.memref_slice %arg12[%add3A_55] : memref<10240xf32, #tpu.memory_space<vmem_shared>> -> memref<128xf32, #tpu.memory_space<vmem_shared>>
        %dma_wait3A_71 = tpu.memref_slice %arg12[%add3A_55] : memref<10240xf32, #tpu.memory_space<vmem_shared>> -> memref<128xf32, #tpu.memory_space<vmem_shared>>
        %dma_wait3A_72 = arith.constant 0 : i32
        %dma_wait3A_73 = tpu.memref_slice %arg16[%dma_wait3A_72] : memref<640xf32, #tpu.memory_space<vmem>> -> memref<128xf32, #tpu.memory_space<vmem>>
        tpu.wait_dma2 semaphore(%run_scoped3A : memref<!tpu.dma_semaphore, #tpu.memory_space<semaphore_mem>>) src(%dma_wait3A_73 : memref<128xf32, #tpu.memory_space<vmem>>) dst(%dma_wait3A_71 : memref<128xf32, #tpu.memory_space<vmem_shared>>)
        tpu.yield
      }) : () -> ()
      %mul3A_56 = arith.constant 640 : i32
      %mul3A_57 = arith.muli %arg1, %mul3A_56 : i32
      %add3A_58 = arith.constant 512 : i32
      %add3A_59 = arith.addi %mul3A_57, %add3A_58 : i32
      "tpu.region"() ({
        %run_scoped3A = tpu.sem_alloc : memref<!tpu.dma_semaphore, #tpu.memory_space<semaphore_mem>>
        %dma_start3A = arith.constant 0 : i32
        %dma_start3A_64 = tpu.memref_slice %arg16[%dma_start3A] : memref<640xf32, #tpu.memory_space<vmem>> -> memref<128xf32, #tpu.memory_space<vmem>>
        %dma_start3A_65 = tpu.memref_slice %arg12[%add3A_59] : memref<10240xf32, #tpu.memory_space<vmem_shared>> -> memref<128xf32, #tpu.memory_space<vmem_shared>>
        %dma_start3A_66 = tpu.memref_slice %arg12[%add3A_59] : memref<10240xf32, #tpu.memory_space<vmem_shared>> -> memref<128xf32, #tpu.memory_space<vmem_shared>>
        %dma_start3A_67 = arith.constant 0 : i32
        %dma_start3A_68 = tpu.memref_slice %arg16[%dma_start3A_67] : memref<640xf32, #tpu.memory_space<vmem>> -> memref<128xf32, #tpu.memory_space<vmem>>
        tpu.enqueue_dma source(%dma_start3A_68 : memref<128xf32, #tpu.memory_space<vmem>>) target(%dma_start3A_66 : memref<128xf32, #tpu.memory_space<vmem_shared>>) target_semaphore(%run_scoped3A : memref<!tpu.dma_semaphore, #tpu.memory_space<semaphore_mem>>)
        %dma_wait3A = arith.constant 0 : i32
        %dma_wait3A_69 = tpu.memref_slice %arg16[%dma_wait3A] : memref<640xf32, #tpu.memory_space<vmem>> -> memref<128xf32, #tpu.memory_space<vmem>>
        %dma_wait3A_70 = tpu.memref_slice %arg12[%add3A_59] : memref<10240xf32, #tpu.memory_space<vmem_shared>> -> memref<128xf32, #tpu.memory_space<vmem_shared>>
        %dma_wait3A_71 = tpu.memref_slice %arg12[%add3A_59] : memref<10240xf32, #tpu.memory_space<vmem_shared>> -> memref<128xf32, #tpu.memory_space<vmem_shared>>
        %dma_wait3A_72 = arith.constant 0 : i32
        %dma_wait3A_73 = tpu.memref_slice %arg16[%dma_wait3A_72] : memref<640xf32, #tpu.memory_space<vmem>> -> memref<128xf32, #tpu.memory_space<vmem>>
        tpu.wait_dma2 semaphore(%run_scoped3A : memref<!tpu.dma_semaphore, #tpu.memory_space<semaphore_mem>>) src(%dma_wait3A_73 : memref<128xf32, #tpu.memory_space<vmem>>) dst(%dma_wait3A_71 : memref<128xf32, #tpu.memory_space<vmem_shared>>)
        tpu.yield
      }) : () -> ()
      %mul3A_60 = arith.constant 128 : i32
      %mul3A_61 = arith.muli %arg1, %mul3A_60 : i32
      %add3A_62 = arith.constant 0 : i32
      %add3A_63 = arith.addi %mul3A_61, %add3A_62 : i32
      "tpu.region"() ({
        %run_scoped3A = tpu.sem_alloc : memref<!tpu.dma_semaphore, #tpu.memory_space<semaphore_mem>>
        %dma_start3A = arith.constant 0 : i32
        %dma_start3A_64 = tpu.memref_slice %arg16[%dma_start3A] : memref<640xf32, #tpu.memory_space<vmem>> -> memref<128xf32, #tpu.memory_space<vmem>>
        %dma_start3A_65 = tpu.memref_slice %arg13[%add3A_63] : memref<2048xf32, #tpu.memory_space<vmem_shared>> -> memref<128xf32, #tpu.memory_space<vmem_shared>>
        %dma_start3A_66 = tpu.memref_slice %arg13[%add3A_63] : memref<2048xf32, #tpu.memory_space<vmem_shared>> -> memref<128xf32, #tpu.memory_space<vmem_shared>>
        %dma_start3A_67 = arith.constant 0 : i32
        %dma_start3A_68 = tpu.memref_slice %arg16[%dma_start3A_67] : memref<640xf32, #tpu.memory_space<vmem>> -> memref<128xf32, #tpu.memory_space<vmem>>
        tpu.enqueue_dma source(%dma_start3A_68 : memref<128xf32, #tpu.memory_space<vmem>>) target(%dma_start3A_66 : memref<128xf32, #tpu.memory_space<vmem_shared>>) target_semaphore(%run_scoped3A : memref<!tpu.dma_semaphore, #tpu.memory_space<semaphore_mem>>)
        %dma_wait3A = arith.constant 0 : i32
        %dma_wait3A_69 = tpu.memref_slice %arg16[%dma_wait3A] : memref<640xf32, #tpu.memory_space<vmem>> -> memref<128xf32, #tpu.memory_space<vmem>>
        %dma_wait3A_70 = tpu.memref_slice %arg13[%add3A_63] : memref<2048xf32, #tpu.memory_space<vmem_shared>> -> memref<128xf32, #tpu.memory_space<vmem_shared>>
        %dma_wait3A_71 = tpu.memref_slice %arg13[%add3A_63] : memref<2048xf32, #tpu.memory_space<vmem_shared>> -> memref<128xf32, #tpu.memory_space<vmem_shared>>
        %dma_wait3A_72 = arith.constant 0 : i32
        %dma_wait3A_73 = tpu.memref_slice %arg16[%dma_wait3A_72] : memref<640xf32, #tpu.memory_space<vmem>> -> memref<128xf32, #tpu.memory_space<vmem>>
        tpu.wait_dma2 semaphore(%run_scoped3A : memref<!tpu.dma_semaphore, #tpu.memory_space<semaphore_mem>>) src(%dma_wait3A_73 : memref<128xf32, #tpu.memory_space<vmem>>) dst(%dma_wait3A_71 : memref<128xf32, #tpu.memory_space<vmem_shared>>)
        tpu.yield
      }) : () -> ()
    } else {
    }
    %barrier3A = arith.constant 0 : index
    tpu.barrier barrier_id(%barrier3A)
    %eq3A_21 = arith.constant 0 : i32
    %eq3A_22 = arith.cmpi eq, %arg0, %eq3A_21 : i32
    %convert_element_type3A_23 = arith.extui %eq3A_22 : i1 to i32
    %cond3A_24 = arith.constant 0 : i32
    %cond3A_25 = arith.cmpi ne, %convert_element_type3A_23, %cond3A_24 : i32
    scf.if %cond3A_25 {
      %mul3A = arith.constant 160 : i32
      %mul3A_42 = arith.muli %arg1, %mul3A : i32
      %add3A = arith.constant 0 : i32
      %add3A_43 = arith.addi %mul3A_42, %add3A : i32
      "tpu.region"() ({
        %run_scoped3A = tpu.sem_alloc : memref<!tpu.dma_semaphore, #tpu.memory_space<semaphore_mem>>
        %dma_start3A = arith.constant 0 : i32
        %dma_start3A_100 = tpu.memref_slice %arg2[%add3A_43, %dma_start3A] : memref<2560x128xi32, #tpu.memory_space<hbm>> -> memref<32x128xi32, #tpu.memory_space<hbm>>
        %dma_start3A_101 = arith.constant 0 : i32
        %dma_start3A_102 = tpu.memref_slice %arg2[%add3A_43, %dma_start3A_101] : memref<2560x128xi32, #tpu.memory_space<hbm>> -> memref<32x128xi32, #tpu.memory_space<hbm>>
        tpu.enqueue_dma source(%dma_start3A_102 : memref<32x128xi32, #tpu.memory_space<hbm>>) target(%arg14 : memref<32x128xi32, #tpu.memory_space<vmem>>) target_semaphore(%run_scoped3A : memref<!tpu.dma_semaphore, #tpu.memory_space<semaphore_mem>>)
        %dma_wait3A = arith.constant 0 : i32
        %dma_wait3A_103 = tpu.memref_slice %arg2[%add3A_43, %dma_wait3A] : memref<2560x128xi32, #tpu.memory_space<hbm>> -> memref<32x128xi32, #tpu.memory_space<hbm>>
        %dma_wait3A_104 = arith.constant 0 : i32
        %dma_wait3A_105 = tpu.memref_slice %arg2[%add3A_43, %dma_wait3A_104] : memref<2560x128xi32, #tpu.memory_space<hbm>> -> memref<32x128xi32, #tpu.memory_space<hbm>>
        tpu.wait_dma2 semaphore(%run_scoped3A : memref<!tpu.dma_semaphore, #tpu.memory_space<semaphore_mem>>) src(%dma_wait3A_105 : memref<32x128xi32, #tpu.memory_space<hbm>>) dst(%arg14 : memref<32x128xi32, #tpu.memory_space<vmem>>)
        tpu.yield
      }) : () -> ()
      %scan3A_44 = arith.constant 0 : i32
      %scan3A_45 = arith.constant 0 : i32
      %scan3A_46 = arith.constant 32 : i32
      %scan3A_47 = arith.addi %scan3A_45, %scan3A_46 : i32
      %scan3A_48 = arith.constant 1 : i32
      scf.for %scan3A_100 = %scan3A_45 to %scan3A_47 step %scan3A_48  : i32 {
        "tpu.region"() ({
          %run_scoped3A = tpu.sem_alloc : memref<!tpu.dma_semaphore, #tpu.memory_space<semaphore_mem>>
          %dma_start3A = arith.constant 0 : i32
          %dma_start3A_101 = tpu.memref_slice %arg14[%scan3A_100, %dma_start3A] : memref<32x128xi32, #tpu.memory_space<vmem>> -> memref<1x128xi32, #tpu.memory_space<vmem>>
          %dma_start3A_102 = tpu.memref_squeeze %dma_start3A_101 : memref<1x128xi32, #tpu.memory_space<vmem>> -> memref<128xi32, #tpu.memory_space<vmem>>
          %dma_start3A_103 = arith.constant 0 : i32
          %dma_start3A_104 = tpu.memref_slice %arg10[%dma_start3A_103] : memref<51200xf32, #tpu.memory_space<vmem_shared>> -> memref<51200xf32, #tpu.memory_space<vmem_shared>>
          tpu.enqueue_indirect_dma source(%arg15 : memref<128xf32, #tpu.memory_space<vmem>>) target(%dma_start3A_104 : memref<51200xf32, #tpu.memory_space<vmem_shared>>) offsets(%dma_start3A_102 : memref<128xi32, #tpu.memory_space<vmem>>) semaphore(%run_scoped3A : memref<!tpu.dma_semaphore, #tpu.memory_space<semaphore_mem>>) {add = true}
          %dma_wait3A = arith.constant 0 : i32
          %dma_wait3A_105 = tpu.memref_slice %arg14[%scan3A_100, %dma_wait3A] : memref<32x128xi32, #tpu.memory_space<vmem>> -> memref<1x128xi32, #tpu.memory_space<vmem>>
          %dma_wait3A_106 = tpu.memref_squeeze %dma_wait3A_105 : memref<1x128xi32, #tpu.memory_space<vmem>> -> memref<128xi32, #tpu.memory_space<vmem>>
          %dma_wait3A_107 = arith.constant 0 : i32
          %dma_wait3A_108 = tpu.memref_slice %arg10[%dma_wait3A_107] : memref<51200xf32, #tpu.memory_space<vmem_shared>> -> memref<51200xf32, #tpu.memory_space<vmem_shared>>
          tpu.wait_indirect_dma semaphore(%run_scoped3A : memref<!tpu.dma_semaphore, #tpu.memory_space<semaphore_mem>>) src(%arg15 : memref<128xf32, #tpu.memory_space<vmem>>) dst(%dma_wait3A_108 : memref<51200xf32, #tpu.memory_space<vmem_shared>>)
          tpu.yield
        }) : () -> ()
      }
      %scan3A_49 = arith.constant 32 : i32
      %mul3A_50 = arith.constant 160 : i32
      %mul3A_51 = arith.muli %arg1, %mul3A_50 : i32
      %add3A_52 = arith.constant 32 : i32
      %add3A_53 = arith.addi %mul3A_51, %add3A_52 : i32
      "tpu.region"() ({
        %run_scoped3A = tpu.sem_alloc : memref<!tpu.dma_semaphore, #tpu.memory_space<semaphore_mem>>
        %dma_start3A = arith.constant 0 : i32
        %dma_start3A_100 = tpu.memref_slice %arg2[%add3A_53, %dma_start3A] : memref<2560x128xi32, #tpu.memory_space<hbm>> -> memref<32x128xi32, #tpu.memory_space<hbm>>
        %dma_start3A_101 = arith.constant 0 : i32
        %dma_start3A_102 = tpu.memref_slice %arg2[%add3A_53, %dma_start3A_101] : memref<2560x128xi32, #tpu.memory_space<hbm>> -> memref<32x128xi32, #tpu.memory_space<hbm>>
        tpu.enqueue_dma source(%dma_start3A_102 : memref<32x128xi32, #tpu.memory_space<hbm>>) target(%arg14 : memref<32x128xi32, #tpu.memory_space<vmem>>) target_semaphore(%run_scoped3A : memref<!tpu.dma_semaphore, #tpu.memory_space<semaphore_mem>>)
        %dma_wait3A = arith.constant 0 : i32
        %dma_wait3A_103 = tpu.memref_slice %arg2[%add3A_53, %dma_wait3A] : memref<2560x128xi32, #tpu.memory_space<hbm>> -> memref<32x128xi32, #tpu.memory_space<hbm>>
        %dma_wait3A_104 = arith.constant 0 : i32
        %dma_wait3A_105 = tpu.memref_slice %arg2[%add3A_53, %dma_wait3A_104] : memref<2560x128xi32, #tpu.memory_space<hbm>> -> memref<32x128xi32, #tpu.memory_space<hbm>>
        tpu.wait_dma2 semaphore(%run_scoped3A : memref<!tpu.dma_semaphore, #tpu.memory_space<semaphore_mem>>) src(%dma_wait3A_105 : memref<32x128xi32, #tpu.memory_space<hbm>>) dst(%arg14 : memref<32x128xi32, #tpu.memory_space<vmem>>)
        tpu.yield
      }) : () -> ()
      %scan3A_54 = arith.constant 0 : i32
      %scan3A_55 = arith.constant 0 : i32
      %scan3A_56 = arith.constant 32 : i32
      %scan3A_57 = arith.addi %scan3A_55, %scan3A_56 : i32
      %scan3A_58 = arith.constant 1 : i32
      scf.for %scan3A_100 = %scan3A_55 to %scan3A_57 step %scan3A_58  : i32 {
        "tpu.region"() ({
          %run_scoped3A = tpu.sem_alloc : memref<!tpu.dma_semaphore, #tpu.memory_space<semaphore_mem>>
          %dma_start3A = arith.constant 0 : i32
          %dma_start3A_101 = tpu.memref_slice %arg14[%scan3A_100, %dma_start3A] : memref<32x128xi32, #tpu.memory_space<vmem>> -> memref<1x128xi32, #tpu.memory_space<vmem>>
          %dma_start3A_102 = tpu.memref_squeeze %dma_start3A_101 : memref<1x128xi32, #tpu.memory_space<vmem>> -> memref<128xi32, #tpu.memory_space<vmem>>
          %dma_start3A_103 = arith.constant 0 : i32
          %dma_start3A_104 = tpu.memref_slice %arg10[%dma_start3A_103] : memref<51200xf32, #tpu.memory_space<vmem_shared>> -> memref<51200xf32, #tpu.memory_space<vmem_shared>>
          tpu.enqueue_indirect_dma source(%arg15 : memref<128xf32, #tpu.memory_space<vmem>>) target(%dma_start3A_104 : memref<51200xf32, #tpu.memory_space<vmem_shared>>) offsets(%dma_start3A_102 : memref<128xi32, #tpu.memory_space<vmem>>) semaphore(%run_scoped3A : memref<!tpu.dma_semaphore, #tpu.memory_space<semaphore_mem>>) {add = true}
          %dma_wait3A = arith.constant 0 : i32
          %dma_wait3A_105 = tpu.memref_slice %arg14[%scan3A_100, %dma_wait3A] : memref<32x128xi32, #tpu.memory_space<vmem>> -> memref<1x128xi32, #tpu.memory_space<vmem>>
          %dma_wait3A_106 = tpu.memref_squeeze %dma_wait3A_105 : memref<1x128xi32, #tpu.memory_space<vmem>> -> memref<128xi32, #tpu.memory_space<vmem>>
          %dma_wait3A_107 = arith.constant 0 : i32
          %dma_wait3A_108 = tpu.memref_slice %arg10[%dma_wait3A_107] : memref<51200xf32, #tpu.memory_space<vmem_shared>> -> memref<51200xf32, #tpu.memory_space<vmem_shared>>
          tpu.wait_indirect_dma semaphore(%run_scoped3A : memref<!tpu.dma_semaphore, #tpu.memory_space<semaphore_mem>>) src(%arg15 : memref<128xf32, #tpu.memory_space<vmem>>) dst(%dma_wait3A_108 : memref<51200xf32, #tpu.memory_space<vmem_shared>>)
          tpu.yield
        }) : () -> ()
      }
      %scan3A_59 = arith.constant 32 : i32
      %mul3A_60 = arith.constant 160 : i32
      %mul3A_61 = arith.muli %arg1, %mul3A_60 : i32
      %add3A_62 = arith.constant 64 : i32
      %add3A_63 = arith.addi %mul3A_61, %add3A_62 : i32
      "tpu.region"() ({
        %run_scoped3A = tpu.sem_alloc : memref<!tpu.dma_semaphore, #tpu.memory_space<semaphore_mem>>
        %dma_start3A = arith.constant 0 : i32
        %dma_start3A_100 = tpu.memref_slice %arg2[%add3A_63, %dma_start3A] : memref<2560x128xi32, #tpu.memory_space<hbm>> -> memref<32x128xi32, #tpu.memory_space<hbm>>
        %dma_start3A_101 = arith.constant 0 : i32
        %dma_start3A_102 = tpu.memref_slice %arg2[%add3A_63, %dma_start3A_101] : memref<2560x128xi32, #tpu.memory_space<hbm>> -> memref<32x128xi32, #tpu.memory_space<hbm>>
        tpu.enqueue_dma source(%dma_start3A_102 : memref<32x128xi32, #tpu.memory_space<hbm>>) target(%arg14 : memref<32x128xi32, #tpu.memory_space<vmem>>) target_semaphore(%run_scoped3A : memref<!tpu.dma_semaphore, #tpu.memory_space<semaphore_mem>>)
        %dma_wait3A = arith.constant 0 : i32
        %dma_wait3A_103 = tpu.memref_slice %arg2[%add3A_63, %dma_wait3A] : memref<2560x128xi32, #tpu.memory_space<hbm>> -> memref<32x128xi32, #tpu.memory_space<hbm>>
        %dma_wait3A_104 = arith.constant 0 : i32
        %dma_wait3A_105 = tpu.memref_slice %arg2[%add3A_63, %dma_wait3A_104] : memref<2560x128xi32, #tpu.memory_space<hbm>> -> memref<32x128xi32, #tpu.memory_space<hbm>>
        tpu.wait_dma2 semaphore(%run_scoped3A : memref<!tpu.dma_semaphore, #tpu.memory_space<semaphore_mem>>) src(%dma_wait3A_105 : memref<32x128xi32, #tpu.memory_space<hbm>>) dst(%arg14 : memref<32x128xi32, #tpu.memory_space<vmem>>)
        tpu.yield
      }) : () -> ()
      %scan3A_64 = arith.constant 0 : i32
      %scan3A_65 = arith.constant 0 : i32
      %scan3A_66 = arith.constant 32 : i32
      %scan3A_67 = arith.addi %scan3A_65, %scan3A_66 : i32
      %scan3A_68 = arith.constant 1 : i32
      scf.for %scan3A_100 = %scan3A_65 to %scan3A_67 step %scan3A_68  : i32 {
        "tpu.region"() ({
          %run_scoped3A = tpu.sem_alloc : memref<!tpu.dma_semaphore, #tpu.memory_space<semaphore_mem>>
          %dma_start3A = arith.constant 0 : i32
          %dma_start3A_101 = tpu.memref_slice %arg14[%scan3A_100, %dma_start3A] : memref<32x128xi32, #tpu.memory_space<vmem>> -> memref<1x128xi32, #tpu.memory_space<vmem>>
          %dma_start3A_102 = tpu.memref_squeeze %dma_start3A_101 : memref<1x128xi32, #tpu.memory_space<vmem>> -> memref<128xi32, #tpu.memory_space<vmem>>
          %dma_start3A_103 = arith.constant 0 : i32
          %dma_start3A_104 = tpu.memref_slice %arg10[%dma_start3A_103] : memref<51200xf32, #tpu.memory_space<vmem_shared>> -> memref<51200xf32, #tpu.memory_space<vmem_shared>>
          tpu.enqueue_indirect_dma source(%arg15 : memref<128xf32, #tpu.memory_space<vmem>>) target(%dma_start3A_104 : memref<51200xf32, #tpu.memory_space<vmem_shared>>) offsets(%dma_start3A_102 : memref<128xi32, #tpu.memory_space<vmem>>) semaphore(%run_scoped3A : memref<!tpu.dma_semaphore, #tpu.memory_space<semaphore_mem>>) {add = true}
          %dma_wait3A = arith.constant 0 : i32
          %dma_wait3A_105 = tpu.memref_slice %arg14[%scan3A_100, %dma_wait3A] : memref<32x128xi32, #tpu.memory_space<vmem>> -> memref<1x128xi32, #tpu.memory_space<vmem>>
          %dma_wait3A_106 = tpu.memref_squeeze %dma_wait3A_105 : memref<1x128xi32, #tpu.memory_space<vmem>> -> memref<128xi32, #tpu.memory_space<vmem>>
          %dma_wait3A_107 = arith.constant 0 : i32
          %dma_wait3A_108 = tpu.memref_slice %arg10[%dma_wait3A_107] : memref<51200xf32, #tpu.memory_space<vmem_shared>> -> memref<51200xf32, #tpu.memory_space<vmem_shared>>
          tpu.wait_indirect_dma semaphore(%run_scoped3A : memref<!tpu.dma_semaphore, #tpu.memory_space<semaphore_mem>>) src(%arg15 : memref<128xf32, #tpu.memory_space<vmem>>) dst(%dma_wait3A_108 : memref<51200xf32, #tpu.memory_space<vmem_shared>>)
          tpu.yield
        }) : () -> ()
      }
      %scan3A_69 = arith.constant 32 : i32
      %mul3A_70 = arith.constant 160 : i32
      %mul3A_71 = arith.muli %arg1, %mul3A_70 : i32
      %add3A_72 = arith.constant 96 : i32
      %add3A_73 = arith.addi %mul3A_71, %add3A_72 : i32
      "tpu.region"() ({
        %run_scoped3A = tpu.sem_alloc : memref<!tpu.dma_semaphore, #tpu.memory_space<semaphore_mem>>
        %dma_start3A = arith.constant 0 : i32
        %dma_start3A_100 = tpu.memref_slice %arg2[%add3A_73, %dma_start3A] : memref<2560x128xi32, #tpu.memory_space<hbm>> -> memref<32x128xi32, #tpu.memory_space<hbm>>
        %dma_start3A_101 = arith.constant 0 : i32
        %dma_start3A_102 = tpu.memref_slice %arg2[%add3A_73, %dma_start3A_101] : memref<2560x128xi32, #tpu.memory_space<hbm>> -> memref<32x128xi32, #tpu.memory_space<hbm>>
        tpu.enqueue_dma source(%dma_start3A_102 : memref<32x128xi32, #tpu.memory_space<hbm>>) target(%arg14 : memref<32x128xi32, #tpu.memory_space<vmem>>) target_semaphore(%run_scoped3A : memref<!tpu.dma_semaphore, #tpu.memory_space<semaphore_mem>>)
        %dma_wait3A = arith.constant 0 : i32
        %dma_wait3A_103 = tpu.memref_slice %arg2[%add3A_73, %dma_wait3A] : memref<2560x128xi32, #tpu.memory_space<hbm>> -> memref<32x128xi32, #tpu.memory_space<hbm>>
        %dma_wait3A_104 = arith.constant 0 : i32
        %dma_wait3A_105 = tpu.memref_slice %arg2[%add3A_73, %dma_wait3A_104] : memref<2560x128xi32, #tpu.memory_space<hbm>> -> memref<32x128xi32, #tpu.memory_space<hbm>>
        tpu.wait_dma2 semaphore(%run_scoped3A : memref<!tpu.dma_semaphore, #tpu.memory_space<semaphore_mem>>) src(%dma_wait3A_105 : memref<32x128xi32, #tpu.memory_space<hbm>>) dst(%arg14 : memref<32x128xi32, #tpu.memory_space<vmem>>)
        tpu.yield
      }) : () -> ()
      %scan3A_74 = arith.constant 0 : i32
      %scan3A_75 = arith.constant 0 : i32
      %scan3A_76 = arith.constant 32 : i32
      %scan3A_77 = arith.addi %scan3A_75, %scan3A_76 : i32
      %scan3A_78 = arith.constant 1 : i32
      scf.for %scan3A_100 = %scan3A_75 to %scan3A_77 step %scan3A_78  : i32 {
        "tpu.region"() ({
          %run_scoped3A = tpu.sem_alloc : memref<!tpu.dma_semaphore, #tpu.memory_space<semaphore_mem>>
          %dma_start3A = arith.constant 0 : i32
          %dma_start3A_101 = tpu.memref_slice %arg14[%scan3A_100, %dma_start3A] : memref<32x128xi32, #tpu.memory_space<vmem>> -> memref<1x128xi32, #tpu.memory_space<vmem>>
          %dma_start3A_102 = tpu.memref_squeeze %dma_start3A_101 : memref<1x128xi32, #tpu.memory_space<vmem>> -> memref<128xi32, #tpu.memory_space<vmem>>
          %dma_start3A_103 = arith.constant 0 : i32
          %dma_start3A_104 = tpu.memref_slice %arg10[%dma_start3A_103] : memref<51200xf32, #tpu.memory_space<vmem_shared>> -> memref<51200xf32, #tpu.memory_space<vmem_shared>>
          tpu.enqueue_indirect_dma source(%arg15 : memref<128xf32, #tpu.memory_space<vmem>>) target(%dma_start3A_104 : memref<51200xf32, #tpu.memory_space<vmem_shared>>) offsets(%dma_start3A_102 : memref<128xi32, #tpu.memory_space<vmem>>) semaphore(%run_scoped3A : memref<!tpu.dma_semaphore, #tpu.memory_space<semaphore_mem>>) {add = true}
          %dma_wait3A = arith.constant 0 : i32
          %dma_wait3A_105 = tpu.memref_slice %arg14[%scan3A_100, %dma_wait3A] : memref<32x128xi32, #tpu.memory_space<vmem>> -> memref<1x128xi32, #tpu.memory_space<vmem>>
          %dma_wait3A_106 = tpu.memref_squeeze %dma_wait3A_105 : memref<1x128xi32, #tpu.memory_space<vmem>> -> memref<128xi32, #tpu.memory_space<vmem>>
          %dma_wait3A_107 = arith.constant 0 : i32
          %dma_wait3A_108 = tpu.memref_slice %arg10[%dma_wait3A_107] : memref<51200xf32, #tpu.memory_space<vmem_shared>> -> memref<51200xf32, #tpu.memory_space<vmem_shared>>
          tpu.wait_indirect_dma semaphore(%run_scoped3A : memref<!tpu.dma_semaphore, #tpu.memory_space<semaphore_mem>>) src(%arg15 : memref<128xf32, #tpu.memory_space<vmem>>) dst(%dma_wait3A_108 : memref<51200xf32, #tpu.memory_space<vmem_shared>>)
          tpu.yield
        }) : () -> ()
      }
      %scan3A_79 = arith.constant 32 : i32
      %mul3A_80 = arith.constant 160 : i32
      %mul3A_81 = arith.muli %arg1, %mul3A_80 : i32
      %add3A_82 = arith.constant 128 : i32
      %add3A_83 = arith.addi %mul3A_81, %add3A_82 : i32
      "tpu.region"() ({
        %run_scoped3A = tpu.sem_alloc : memref<!tpu.dma_semaphore, #tpu.memory_space<semaphore_mem>>
        %dma_start3A = arith.constant 0 : i32
        %dma_start3A_100 = tpu.memref_slice %arg2[%add3A_83, %dma_start3A] : memref<2560x128xi32, #tpu.memory_space<hbm>> -> memref<32x128xi32, #tpu.memory_space<hbm>>
        %dma_start3A_101 = arith.constant 0 : i32
        %dma_start3A_102 = tpu.memref_slice %arg2[%add3A_83, %dma_start3A_101] : memref<2560x128xi32, #tpu.memory_space<hbm>> -> memref<32x128xi32, #tpu.memory_space<hbm>>
        tpu.enqueue_dma source(%dma_start3A_102 : memref<32x128xi32, #tpu.memory_space<hbm>>) target(%arg14 : memref<32x128xi32, #tpu.memory_space<vmem>>) target_semaphore(%run_scoped3A : memref<!tpu.dma_semaphore, #tpu.memory_space<semaphore_mem>>)
        %dma_wait3A = arith.constant 0 : i32
        %dma_wait3A_103 = tpu.memref_slice %arg2[%add3A_83, %dma_wait3A] : memref<2560x128xi32, #tpu.memory_space<hbm>> -> memref<32x128xi32, #tpu.memory_space<hbm>>
        %dma_wait3A_104 = arith.constant 0 : i32
        %dma_wait3A_105 = tpu.memref_slice %arg2[%add3A_83, %dma_wait3A_104] : memref<2560x128xi32, #tpu.memory_space<hbm>> -> memref<32x128xi32, #tpu.memory_space<hbm>>
        tpu.wait_dma2 semaphore(%run_scoped3A : memref<!tpu.dma_semaphore, #tpu.memory_space<semaphore_mem>>) src(%dma_wait3A_105 : memref<32x128xi32, #tpu.memory_space<hbm>>) dst(%arg14 : memref<32x128xi32, #tpu.memory_space<vmem>>)
        tpu.yield
      }) : () -> ()
      %scan3A_84 = arith.constant 0 : i32
      %scan3A_85 = arith.constant 0 : i32
      %scan3A_86 = arith.constant 32 : i32
      %scan3A_87 = arith.addi %scan3A_85, %scan3A_86 : i32
      %scan3A_88 = arith.constant 1 : i32
      scf.for %scan3A_100 = %scan3A_85 to %scan3A_87 step %scan3A_88  : i32 {
        "tpu.region"() ({
          %run_scoped3A = tpu.sem_alloc : memref<!tpu.dma_semaphore, #tpu.memory_space<semaphore_mem>>
          %dma_start3A = arith.constant 0 : i32
          %dma_start3A_101 = tpu.memref_slice %arg14[%scan3A_100, %dma_start3A] : memref<32x128xi32, #tpu.memory_space<vmem>> -> memref<1x128xi32, #tpu.memory_space<vmem>>
          %dma_start3A_102 = tpu.memref_squeeze %dma_start3A_101 : memref<1x128xi32, #tpu.memory_space<vmem>> -> memref<128xi32, #tpu.memory_space<vmem>>
          %dma_start3A_103 = arith.constant 0 : i32
          %dma_start3A_104 = tpu.memref_slice %arg10[%dma_start3A_103] : memref<51200xf32, #tpu.memory_space<vmem_shared>> -> memref<51200xf32, #tpu.memory_space<vmem_shared>>
          tpu.enqueue_indirect_dma source(%arg15 : memref<128xf32, #tpu.memory_space<vmem>>) target(%dma_start3A_104 : memref<51200xf32, #tpu.memory_space<vmem_shared>>) offsets(%dma_start3A_102 : memref<128xi32, #tpu.memory_space<vmem>>) semaphore(%run_scoped3A : memref<!tpu.dma_semaphore, #tpu.memory_space<semaphore_mem>>) {add = true}
          %dma_wait3A = arith.constant 0 : i32
          %dma_wait3A_105 = tpu.memref_slice %arg14[%scan3A_100, %dma_wait3A] : memref<32x128xi32, #tpu.memory_space<vmem>> -> memref<1x128xi32, #tpu.memory_space<vmem>>
          %dma_wait3A_106 = tpu.memref_squeeze %dma_wait3A_105 : memref<1x128xi32, #tpu.memory_space<vmem>> -> memref<128xi32, #tpu.memory_space<vmem>>
          %dma_wait3A_107 = arith.constant 0 : i32
          %dma_wait3A_108 = tpu.memref_slice %arg10[%dma_wait3A_107] : memref<51200xf32, #tpu.memory_space<vmem_shared>> -> memref<51200xf32, #tpu.memory_space<vmem_shared>>
          tpu.wait_indirect_dma semaphore(%run_scoped3A : memref<!tpu.dma_semaphore, #tpu.memory_space<semaphore_mem>>) src(%arg15 : memref<128xf32, #tpu.memory_space<vmem>>) dst(%dma_wait3A_108 : memref<51200xf32, #tpu.memory_space<vmem_shared>>)
          tpu.yield
        }) : () -> ()
      }
      %scan3A_89 = arith.constant 32 : i32
      %mul3A_90 = arith.constant 32 : i32
      %mul3A_91 = arith.muli %arg1, %mul3A_90 : i32
      %add3A_92 = arith.constant 0 : i32
      %add3A_93 = arith.addi %mul3A_91, %add3A_92 : i32
      "tpu.region"() ({
        %run_scoped3A = tpu.sem_alloc : memref<!tpu.dma_semaphore, #tpu.memory_space<semaphore_mem>>
        %dma_start3A = arith.constant 0 : i32
        %dma_start3A_100 = tpu.memref_slice %arg3[%add3A_93, %dma_start3A] : memref<512x128xi32, #tpu.memory_space<hbm>> -> memref<32x128xi32, #tpu.memory_space<hbm>>
        %dma_start3A_101 = arith.constant 0 : i32
        %dma_start3A_102 = tpu.memref_slice %arg3[%add3A_93, %dma_start3A_101] : memref<512x128xi32, #tpu.memory_space<hbm>> -> memref<32x128xi32, #tpu.memory_space<hbm>>
        tpu.enqueue_dma source(%dma_start3A_102 : memref<32x128xi32, #tpu.memory_space<hbm>>) target(%arg14 : memref<32x128xi32, #tpu.memory_space<vmem>>) target_semaphore(%run_scoped3A : memref<!tpu.dma_semaphore, #tpu.memory_space<semaphore_mem>>)
        %dma_wait3A = arith.constant 0 : i32
        %dma_wait3A_103 = tpu.memref_slice %arg3[%add3A_93, %dma_wait3A] : memref<512x128xi32, #tpu.memory_space<hbm>> -> memref<32x128xi32, #tpu.memory_space<hbm>>
        %dma_wait3A_104 = arith.constant 0 : i32
        %dma_wait3A_105 = tpu.memref_slice %arg3[%add3A_93, %dma_wait3A_104] : memref<512x128xi32, #tpu.memory_space<hbm>> -> memref<32x128xi32, #tpu.memory_space<hbm>>
        tpu.wait_dma2 semaphore(%run_scoped3A : memref<!tpu.dma_semaphore, #tpu.memory_space<semaphore_mem>>) src(%dma_wait3A_105 : memref<32x128xi32, #tpu.memory_space<hbm>>) dst(%arg14 : memref<32x128xi32, #tpu.memory_space<vmem>>)
        tpu.yield
      }) : () -> ()
      %scan3A_94 = arith.constant 0 : i32
      %scan3A_95 = arith.constant 0 : i32
      %scan3A_96 = arith.constant 32 : i32
      %scan3A_97 = arith.addi %scan3A_95, %scan3A_96 : i32
      %scan3A_98 = arith.constant 1 : i32
      scf.for %scan3A_100 = %scan3A_95 to %scan3A_97 step %scan3A_98  : i32 {
        "tpu.region"() ({
          %run_scoped3A = tpu.sem_alloc : memref<!tpu.dma_semaphore, #tpu.memory_space<semaphore_mem>>
          %dma_start3A = arith.constant 0 : i32
          %dma_start3A_101 = tpu.memref_slice %arg14[%scan3A_100, %dma_start3A] : memref<32x128xi32, #tpu.memory_space<vmem>> -> memref<1x128xi32, #tpu.memory_space<vmem>>
          %dma_start3A_102 = tpu.memref_squeeze %dma_start3A_101 : memref<1x128xi32, #tpu.memory_space<vmem>> -> memref<128xi32, #tpu.memory_space<vmem>>
          %dma_start3A_103 = arith.constant 0 : i32
          %dma_start3A_104 = tpu.memref_slice %arg11[%dma_start3A_103] : memref<10240xf32, #tpu.memory_space<vmem_shared>> -> memref<10240xf32, #tpu.memory_space<vmem_shared>>
          tpu.enqueue_indirect_dma source(%arg15 : memref<128xf32, #tpu.memory_space<vmem>>) target(%dma_start3A_104 : memref<10240xf32, #tpu.memory_space<vmem_shared>>) offsets(%dma_start3A_102 : memref<128xi32, #tpu.memory_space<vmem>>) semaphore(%run_scoped3A : memref<!tpu.dma_semaphore, #tpu.memory_space<semaphore_mem>>) {add = true}
          %dma_wait3A = arith.constant 0 : i32
          %dma_wait3A_105 = tpu.memref_slice %arg14[%scan3A_100, %dma_wait3A] : memref<32x128xi32, #tpu.memory_space<vmem>> -> memref<1x128xi32, #tpu.memory_space<vmem>>
          %dma_wait3A_106 = tpu.memref_squeeze %dma_wait3A_105 : memref<1x128xi32, #tpu.memory_space<vmem>> -> memref<128xi32, #tpu.memory_space<vmem>>
          %dma_wait3A_107 = arith.constant 0 : i32
          %dma_wait3A_108 = tpu.memref_slice %arg11[%dma_wait3A_107] : memref<10240xf32, #tpu.memory_space<vmem_shared>> -> memref<10240xf32, #tpu.memory_space<vmem_shared>>
          tpu.wait_indirect_dma semaphore(%run_scoped3A : memref<!tpu.dma_semaphore, #tpu.memory_space<semaphore_mem>>) src(%arg15 : memref<128xf32, #tpu.memory_space<vmem>>) dst(%dma_wait3A_108 : memref<10240xf32, #tpu.memory_space<vmem_shared>>)
          tpu.yield
        }) : () -> ()
      }
      %scan3A_99 = arith.constant 32 : i32
    } else {
    }
    %eq3A_26 = arith.constant 1 : i32
    %eq3A_27 = arith.cmpi eq, %arg0, %eq3A_26 : i32
    %convert_element_type3A_28 = arith.extui %eq3A_27 : i1 to i32
    %cond3A_29 = arith.constant 0 : i32
    %cond3A_30 = arith.cmpi ne, %convert_element_type3A_28, %cond3A_29 : i32
    scf.if %cond3A_30 {
      %mul3A = arith.constant 160 : i32
      %mul3A_42 = arith.muli %arg1, %mul3A : i32
      %add3A = arith.constant 0 : i32
      %add3A_43 = arith.addi %mul3A_42, %add3A : i32
      "tpu.region"() ({
        %run_scoped3A = tpu.sem_alloc : memref<!tpu.dma_semaphore, #tpu.memory_space<semaphore_mem>>
        %dma_start3A = arith.constant 0 : i32
        %dma_start3A_100 = tpu.memref_slice %arg4[%add3A_43, %dma_start3A] : memref<2560x128xi32, #tpu.memory_space<hbm>> -> memref<32x128xi32, #tpu.memory_space<hbm>>
        %dma_start3A_101 = arith.constant 0 : i32
        %dma_start3A_102 = tpu.memref_slice %arg4[%add3A_43, %dma_start3A_101] : memref<2560x128xi32, #tpu.memory_space<hbm>> -> memref<32x128xi32, #tpu.memory_space<hbm>>
        tpu.enqueue_dma source(%dma_start3A_102 : memref<32x128xi32, #tpu.memory_space<hbm>>) target(%arg14 : memref<32x128xi32, #tpu.memory_space<vmem>>) target_semaphore(%run_scoped3A : memref<!tpu.dma_semaphore, #tpu.memory_space<semaphore_mem>>)
        %dma_wait3A = arith.constant 0 : i32
        %dma_wait3A_103 = tpu.memref_slice %arg4[%add3A_43, %dma_wait3A] : memref<2560x128xi32, #tpu.memory_space<hbm>> -> memref<32x128xi32, #tpu.memory_space<hbm>>
        %dma_wait3A_104 = arith.constant 0 : i32
        %dma_wait3A_105 = tpu.memref_slice %arg4[%add3A_43, %dma_wait3A_104] : memref<2560x128xi32, #tpu.memory_space<hbm>> -> memref<32x128xi32, #tpu.memory_space<hbm>>
        tpu.wait_dma2 semaphore(%run_scoped3A : memref<!tpu.dma_semaphore, #tpu.memory_space<semaphore_mem>>) src(%dma_wait3A_105 : memref<32x128xi32, #tpu.memory_space<hbm>>) dst(%arg14 : memref<32x128xi32, #tpu.memory_space<vmem>>)
        tpu.yield
      }) : () -> ()
      %scan3A_44 = arith.constant 0 : i32
      %scan3A_45 = arith.constant 0 : i32
      %scan3A_46 = arith.constant 32 : i32
      %scan3A_47 = arith.addi %scan3A_45, %scan3A_46 : i32
      %scan3A_48 = arith.constant 1 : i32
      scf.for %scan3A_100 = %scan3A_45 to %scan3A_47 step %scan3A_48  : i32 {
        "tpu.region"() ({
          %run_scoped3A = tpu.sem_alloc : memref<!tpu.dma_semaphore, #tpu.memory_space<semaphore_mem>>
          %dma_start3A = arith.constant 0 : i32
          %dma_start3A_101 = tpu.memref_slice %arg14[%scan3A_100, %dma_start3A] : memref<32x128xi32, #tpu.memory_space<vmem>> -> memref<1x128xi32, #tpu.memory_space<vmem>>
          %dma_start3A_102 = tpu.memref_squeeze %dma_start3A_101 : memref<1x128xi32, #tpu.memory_space<vmem>> -> memref<128xi32, #tpu.memory_space<vmem>>
          %dma_start3A_103 = arith.constant 0 : i32
          %dma_start3A_104 = tpu.memref_slice %arg12[%dma_start3A_103] : memref<10240xf32, #tpu.memory_space<vmem_shared>> -> memref<10240xf32, #tpu.memory_space<vmem_shared>>
          tpu.enqueue_indirect_dma source(%arg15 : memref<128xf32, #tpu.memory_space<vmem>>) target(%dma_start3A_104 : memref<10240xf32, #tpu.memory_space<vmem_shared>>) offsets(%dma_start3A_102 : memref<128xi32, #tpu.memory_space<vmem>>) semaphore(%run_scoped3A : memref<!tpu.dma_semaphore, #tpu.memory_space<semaphore_mem>>) {add = true}
          %dma_wait3A = arith.constant 0 : i32
          %dma_wait3A_105 = tpu.memref_slice %arg14[%scan3A_100, %dma_wait3A] : memref<32x128xi32, #tpu.memory_space<vmem>> -> memref<1x128xi32, #tpu.memory_space<vmem>>
          %dma_wait3A_106 = tpu.memref_squeeze %dma_wait3A_105 : memref<1x128xi32, #tpu.memory_space<vmem>> -> memref<128xi32, #tpu.memory_space<vmem>>
          %dma_wait3A_107 = arith.constant 0 : i32
          %dma_wait3A_108 = tpu.memref_slice %arg12[%dma_wait3A_107] : memref<10240xf32, #tpu.memory_space<vmem_shared>> -> memref<10240xf32, #tpu.memory_space<vmem_shared>>
          tpu.wait_indirect_dma semaphore(%run_scoped3A : memref<!tpu.dma_semaphore, #tpu.memory_space<semaphore_mem>>) src(%arg15 : memref<128xf32, #tpu.memory_space<vmem>>) dst(%dma_wait3A_108 : memref<10240xf32, #tpu.memory_space<vmem_shared>>)
          tpu.yield
        }) : () -> ()
      }
      %scan3A_49 = arith.constant 32 : i32
      %mul3A_50 = arith.constant 160 : i32
      %mul3A_51 = arith.muli %arg1, %mul3A_50 : i32
      %add3A_52 = arith.constant 32 : i32
      %add3A_53 = arith.addi %mul3A_51, %add3A_52 : i32
      "tpu.region"() ({
        %run_scoped3A = tpu.sem_alloc : memref<!tpu.dma_semaphore, #tpu.memory_space<semaphore_mem>>
        %dma_start3A = arith.constant 0 : i32
        %dma_start3A_100 = tpu.memref_slice %arg4[%add3A_53, %dma_start3A] : memref<2560x128xi32, #tpu.memory_space<hbm>> -> memref<32x128xi32, #tpu.memory_space<hbm>>
        %dma_start3A_101 = arith.constant 0 : i32
        %dma_start3A_102 = tpu.memref_slice %arg4[%add3A_53, %dma_start3A_101] : memref<2560x128xi32, #tpu.memory_space<hbm>> -> memref<32x128xi32, #tpu.memory_space<hbm>>
        tpu.enqueue_dma source(%dma_start3A_102 : memref<32x128xi32, #tpu.memory_space<hbm>>) target(%arg14 : memref<32x128xi32, #tpu.memory_space<vmem>>) target_semaphore(%run_scoped3A : memref<!tpu.dma_semaphore, #tpu.memory_space<semaphore_mem>>)
        %dma_wait3A = arith.constant 0 : i32
        %dma_wait3A_103 = tpu.memref_slice %arg4[%add3A_53, %dma_wait3A] : memref<2560x128xi32, #tpu.memory_space<hbm>> -> memref<32x128xi32, #tpu.memory_space<hbm>>
        %dma_wait3A_104 = arith.constant 0 : i32
        %dma_wait3A_105 = tpu.memref_slice %arg4[%add3A_53, %dma_wait3A_104] : memref<2560x128xi32, #tpu.memory_space<hbm>> -> memref<32x128xi32, #tpu.memory_space<hbm>>
        tpu.wait_dma2 semaphore(%run_scoped3A : memref<!tpu.dma_semaphore, #tpu.memory_space<semaphore_mem>>) src(%dma_wait3A_105 : memref<32x128xi32, #tpu.memory_space<hbm>>) dst(%arg14 : memref<32x128xi32, #tpu.memory_space<vmem>>)
        tpu.yield
      }) : () -> ()
      %scan3A_54 = arith.constant 0 : i32
      %scan3A_55 = arith.constant 0 : i32
      %scan3A_56 = arith.constant 32 : i32
      %scan3A_57 = arith.addi %scan3A_55, %scan3A_56 : i32
      %scan3A_58 = arith.constant 1 : i32
      scf.for %scan3A_100 = %scan3A_55 to %scan3A_57 step %scan3A_58  : i32 {
        "tpu.region"() ({
          %run_scoped3A = tpu.sem_alloc : memref<!tpu.dma_semaphore, #tpu.memory_space<semaphore_mem>>
          %dma_start3A = arith.constant 0 : i32
          %dma_start3A_101 = tpu.memref_slice %arg14[%scan3A_100, %dma_start3A] : memref<32x128xi32, #tpu.memory_space<vmem>> -> memref<1x128xi32, #tpu.memory_space<vmem>>
          %dma_start3A_102 = tpu.memref_squeeze %dma_start3A_101 : memref<1x128xi32, #tpu.memory_space<vmem>> -> memref<128xi32, #tpu.memory_space<vmem>>
          %dma_start3A_103 = arith.constant 0 : i32
          %dma_start3A_104 = tpu.memref_slice %arg12[%dma_start3A_103] : memref<10240xf32, #tpu.memory_space<vmem_shared>> -> memref<10240xf32, #tpu.memory_space<vmem_shared>>
          tpu.enqueue_indirect_dma source(%arg15 : memref<128xf32, #tpu.memory_space<vmem>>) target(%dma_start3A_104 : memref<10240xf32, #tpu.memory_space<vmem_shared>>) offsets(%dma_start3A_102 : memref<128xi32, #tpu.memory_space<vmem>>) semaphore(%run_scoped3A : memref<!tpu.dma_semaphore, #tpu.memory_space<semaphore_mem>>) {add = true}
          %dma_wait3A = arith.constant 0 : i32
          %dma_wait3A_105 = tpu.memref_slice %arg14[%scan3A_100, %dma_wait3A] : memref<32x128xi32, #tpu.memory_space<vmem>> -> memref<1x128xi32, #tpu.memory_space<vmem>>
          %dma_wait3A_106 = tpu.memref_squeeze %dma_wait3A_105 : memref<1x128xi32, #tpu.memory_space<vmem>> -> memref<128xi32, #tpu.memory_space<vmem>>
          %dma_wait3A_107 = arith.constant 0 : i32
          %dma_wait3A_108 = tpu.memref_slice %arg12[%dma_wait3A_107] : memref<10240xf32, #tpu.memory_space<vmem_shared>> -> memref<10240xf32, #tpu.memory_space<vmem_shared>>
          tpu.wait_indirect_dma semaphore(%run_scoped3A : memref<!tpu.dma_semaphore, #tpu.memory_space<semaphore_mem>>) src(%arg15 : memref<128xf32, #tpu.memory_space<vmem>>) dst(%dma_wait3A_108 : memref<10240xf32, #tpu.memory_space<vmem_shared>>)
          tpu.yield
        }) : () -> ()
      }
      %scan3A_59 = arith.constant 32 : i32
      %mul3A_60 = arith.constant 160 : i32
      %mul3A_61 = arith.muli %arg1, %mul3A_60 : i32
      %add3A_62 = arith.constant 64 : i32
      %add3A_63 = arith.addi %mul3A_61, %add3A_62 : i32
      "tpu.region"() ({
        %run_scoped3A = tpu.sem_alloc : memref<!tpu.dma_semaphore, #tpu.memory_space<semaphore_mem>>
        %dma_start3A = arith.constant 0 : i32
        %dma_start3A_100 = tpu.memref_slice %arg4[%add3A_63, %dma_start3A] : memref<2560x128xi32, #tpu.memory_space<hbm>> -> memref<32x128xi32, #tpu.memory_space<hbm>>
        %dma_start3A_101 = arith.constant 0 : i32
        %dma_start3A_102 = tpu.memref_slice %arg4[%add3A_63, %dma_start3A_101] : memref<2560x128xi32, #tpu.memory_space<hbm>> -> memref<32x128xi32, #tpu.memory_space<hbm>>
        tpu.enqueue_dma source(%dma_start3A_102 : memref<32x128xi32, #tpu.memory_space<hbm>>) target(%arg14 : memref<32x128xi32, #tpu.memory_space<vmem>>) target_semaphore(%run_scoped3A : memref<!tpu.dma_semaphore, #tpu.memory_space<semaphore_mem>>)
        %dma_wait3A = arith.constant 0 : i32
        %dma_wait3A_103 = tpu.memref_slice %arg4[%add3A_63, %dma_wait3A] : memref<2560x128xi32, #tpu.memory_space<hbm>> -> memref<32x128xi32, #tpu.memory_space<hbm>>
        %dma_wait3A_104 = arith.constant 0 : i32
        %dma_wait3A_105 = tpu.memref_slice %arg4[%add3A_63, %dma_wait3A_104] : memref<2560x128xi32, #tpu.memory_space<hbm>> -> memref<32x128xi32, #tpu.memory_space<hbm>>
        tpu.wait_dma2 semaphore(%run_scoped3A : memref<!tpu.dma_semaphore, #tpu.memory_space<semaphore_mem>>) src(%dma_wait3A_105 : memref<32x128xi32, #tpu.memory_space<hbm>>) dst(%arg14 : memref<32x128xi32, #tpu.memory_space<vmem>>)
        tpu.yield
      }) : () -> ()
      %scan3A_64 = arith.constant 0 : i32
      %scan3A_65 = arith.constant 0 : i32
      %scan3A_66 = arith.constant 32 : i32
      %scan3A_67 = arith.addi %scan3A_65, %scan3A_66 : i32
      %scan3A_68 = arith.constant 1 : i32
      scf.for %scan3A_100 = %scan3A_65 to %scan3A_67 step %scan3A_68  : i32 {
        "tpu.region"() ({
          %run_scoped3A = tpu.sem_alloc : memref<!tpu.dma_semaphore, #tpu.memory_space<semaphore_mem>>
          %dma_start3A = arith.constant 0 : i32
          %dma_start3A_101 = tpu.memref_slice %arg14[%scan3A_100, %dma_start3A] : memref<32x128xi32, #tpu.memory_space<vmem>> -> memref<1x128xi32, #tpu.memory_space<vmem>>
          %dma_start3A_102 = tpu.memref_squeeze %dma_start3A_101 : memref<1x128xi32, #tpu.memory_space<vmem>> -> memref<128xi32, #tpu.memory_space<vmem>>
          %dma_start3A_103 = arith.constant 0 : i32
          %dma_start3A_104 = tpu.memref_slice %arg12[%dma_start3A_103] : memref<10240xf32, #tpu.memory_space<vmem_shared>> -> memref<10240xf32, #tpu.memory_space<vmem_shared>>
          tpu.enqueue_indirect_dma source(%arg15 : memref<128xf32, #tpu.memory_space<vmem>>) target(%dma_start3A_104 : memref<10240xf32, #tpu.memory_space<vmem_shared>>) offsets(%dma_start3A_102 : memref<128xi32, #tpu.memory_space<vmem>>) semaphore(%run_scoped3A : memref<!tpu.dma_semaphore, #tpu.memory_space<semaphore_mem>>) {add = true}
          %dma_wait3A = arith.constant 0 : i32
          %dma_wait3A_105 = tpu.memref_slice %arg14[%scan3A_100, %dma_wait3A] : memref<32x128xi32, #tpu.memory_space<vmem>> -> memref<1x128xi32, #tpu.memory_space<vmem>>
          %dma_wait3A_106 = tpu.memref_squeeze %dma_wait3A_105 : memref<1x128xi32, #tpu.memory_space<vmem>> -> memref<128xi32, #tpu.memory_space<vmem>>
          %dma_wait3A_107 = arith.constant 0 : i32
          %dma_wait3A_108 = tpu.memref_slice %arg12[%dma_wait3A_107] : memref<10240xf32, #tpu.memory_space<vmem_shared>> -> memref<10240xf32, #tpu.memory_space<vmem_shared>>
          tpu.wait_indirect_dma semaphore(%run_scoped3A : memref<!tpu.dma_semaphore, #tpu.memory_space<semaphore_mem>>) src(%arg15 : memref<128xf32, #tpu.memory_space<vmem>>) dst(%dma_wait3A_108 : memref<10240xf32, #tpu.memory_space<vmem_shared>>)
          tpu.yield
        }) : () -> ()
      }
      %scan3A_69 = arith.constant 32 : i32
      %mul3A_70 = arith.constant 160 : i32
      %mul3A_71 = arith.muli %arg1, %mul3A_70 : i32
      %add3A_72 = arith.constant 96 : i32
      %add3A_73 = arith.addi %mul3A_71, %add3A_72 : i32
      "tpu.region"() ({
        %run_scoped3A = tpu.sem_alloc : memref<!tpu.dma_semaphore, #tpu.memory_space<semaphore_mem>>
        %dma_start3A = arith.constant 0 : i32
        %dma_start3A_100 = tpu.memref_slice %arg4[%add3A_73, %dma_start3A] : memref<2560x128xi32, #tpu.memory_space<hbm>> -> memref<32x128xi32, #tpu.memory_space<hbm>>
        %dma_start3A_101 = arith.constant 0 : i32
        %dma_start3A_102 = tpu.memref_slice %arg4[%add3A_73, %dma_start3A_101] : memref<2560x128xi32, #tpu.memory_space<hbm>> -> memref<32x128xi32, #tpu.memory_space<hbm>>
        tpu.enqueue_dma source(%dma_start3A_102 : memref<32x128xi32, #tpu.memory_space<hbm>>) target(%arg14 : memref<32x128xi32, #tpu.memory_space<vmem>>) target_semaphore(%run_scoped3A : memref<!tpu.dma_semaphore, #tpu.memory_space<semaphore_mem>>)
        %dma_wait3A = arith.constant 0 : i32
        %dma_wait3A_103 = tpu.memref_slice %arg4[%add3A_73, %dma_wait3A] : memref<2560x128xi32, #tpu.memory_space<hbm>> -> memref<32x128xi32, #tpu.memory_space<hbm>>
        %dma_wait3A_104 = arith.constant 0 : i32
        %dma_wait3A_105 = tpu.memref_slice %arg4[%add3A_73, %dma_wait3A_104] : memref<2560x128xi32, #tpu.memory_space<hbm>> -> memref<32x128xi32, #tpu.memory_space<hbm>>
        tpu.wait_dma2 semaphore(%run_scoped3A : memref<!tpu.dma_semaphore, #tpu.memory_space<semaphore_mem>>) src(%dma_wait3A_105 : memref<32x128xi32, #tpu.memory_space<hbm>>) dst(%arg14 : memref<32x128xi32, #tpu.memory_space<vmem>>)
        tpu.yield
      }) : () -> ()
      %scan3A_74 = arith.constant 0 : i32
      %scan3A_75 = arith.constant 0 : i32
      %scan3A_76 = arith.constant 32 : i32
      %scan3A_77 = arith.addi %scan3A_75, %scan3A_76 : i32
      %scan3A_78 = arith.constant 1 : i32
      scf.for %scan3A_100 = %scan3A_75 to %scan3A_77 step %scan3A_78  : i32 {
        "tpu.region"() ({
          %run_scoped3A = tpu.sem_alloc : memref<!tpu.dma_semaphore, #tpu.memory_space<semaphore_mem>>
          %dma_start3A = arith.constant 0 : i32
          %dma_start3A_101 = tpu.memref_slice %arg14[%scan3A_100, %dma_start3A] : memref<32x128xi32, #tpu.memory_space<vmem>> -> memref<1x128xi32, #tpu.memory_space<vmem>>
          %dma_start3A_102 = tpu.memref_squeeze %dma_start3A_101 : memref<1x128xi32, #tpu.memory_space<vmem>> -> memref<128xi32, #tpu.memory_space<vmem>>
          %dma_start3A_103 = arith.constant 0 : i32
          %dma_start3A_104 = tpu.memref_slice %arg12[%dma_start3A_103] : memref<10240xf32, #tpu.memory_space<vmem_shared>> -> memref<10240xf32, #tpu.memory_space<vmem_shared>>
          tpu.enqueue_indirect_dma source(%arg15 : memref<128xf32, #tpu.memory_space<vmem>>) target(%dma_start3A_104 : memref<10240xf32, #tpu.memory_space<vmem_shared>>) offsets(%dma_start3A_102 : memref<128xi32, #tpu.memory_space<vmem>>) semaphore(%run_scoped3A : memref<!tpu.dma_semaphore, #tpu.memory_space<semaphore_mem>>) {add = true}
          %dma_wait3A = arith.constant 0 : i32
          %dma_wait3A_105 = tpu.memref_slice %arg14[%scan3A_100, %dma_wait3A] : memref<32x128xi32, #tpu.memory_space<vmem>> -> memref<1x128xi32, #tpu.memory_space<vmem>>
          %dma_wait3A_106 = tpu.memref_squeeze %dma_wait3A_105 : memref<1x128xi32, #tpu.memory_space<vmem>> -> memref<128xi32, #tpu.memory_space<vmem>>
          %dma_wait3A_107 = arith.constant 0 : i32
          %dma_wait3A_108 = tpu.memref_slice %arg12[%dma_wait3A_107] : memref<10240xf32, #tpu.memory_space<vmem_shared>> -> memref<10240xf32, #tpu.memory_space<vmem_shared>>
          tpu.wait_indirect_dma semaphore(%run_scoped3A : memref<!tpu.dma_semaphore, #tpu.memory_space<semaphore_mem>>) src(%arg15 : memref<128xf32, #tpu.memory_space<vmem>>) dst(%dma_wait3A_108 : memref<10240xf32, #tpu.memory_space<vmem_shared>>)
          tpu.yield
        }) : () -> ()
      }
      %scan3A_79 = arith.constant 32 : i32
      %mul3A_80 = arith.constant 160 : i32
      %mul3A_81 = arith.muli %arg1, %mul3A_80 : i32
      %add3A_82 = arith.constant 128 : i32
      %add3A_83 = arith.addi %mul3A_81, %add3A_82 : i32
      "tpu.region"() ({
        %run_scoped3A = tpu.sem_alloc : memref<!tpu.dma_semaphore, #tpu.memory_space<semaphore_mem>>
        %dma_start3A = arith.constant 0 : i32
        %dma_start3A_100 = tpu.memref_slice %arg4[%add3A_83, %dma_start3A] : memref<2560x128xi32, #tpu.memory_space<hbm>> -> memref<32x128xi32, #tpu.memory_space<hbm>>
        %dma_start3A_101 = arith.constant 0 : i32
        %dma_start3A_102 = tpu.memref_slice %arg4[%add3A_83, %dma_start3A_101] : memref<2560x128xi32, #tpu.memory_space<hbm>> -> memref<32x128xi32, #tpu.memory_space<hbm>>
        tpu.enqueue_dma source(%dma_start3A_102 : memref<32x128xi32, #tpu.memory_space<hbm>>) target(%arg14 : memref<32x128xi32, #tpu.memory_space<vmem>>) target_semaphore(%run_scoped3A : memref<!tpu.dma_semaphore, #tpu.memory_space<semaphore_mem>>)
        %dma_wait3A = arith.constant 0 : i32
        %dma_wait3A_103 = tpu.memref_slice %arg4[%add3A_83, %dma_wait3A] : memref<2560x128xi32, #tpu.memory_space<hbm>> -> memref<32x128xi32, #tpu.memory_space<hbm>>
        %dma_wait3A_104 = arith.constant 0 : i32
        %dma_wait3A_105 = tpu.memref_slice %arg4[%add3A_83, %dma_wait3A_104] : memref<2560x128xi32, #tpu.memory_space<hbm>> -> memref<32x128xi32, #tpu.memory_space<hbm>>
        tpu.wait_dma2 semaphore(%run_scoped3A : memref<!tpu.dma_semaphore, #tpu.memory_space<semaphore_mem>>) src(%dma_wait3A_105 : memref<32x128xi32, #tpu.memory_space<hbm>>) dst(%arg14 : memref<32x128xi32, #tpu.memory_space<vmem>>)
        tpu.yield
      }) : () -> ()
      %scan3A_84 = arith.constant 0 : i32
      %scan3A_85 = arith.constant 0 : i32
      %scan3A_86 = arith.constant 32 : i32
      %scan3A_87 = arith.addi %scan3A_85, %scan3A_86 : i32
      %scan3A_88 = arith.constant 1 : i32
      scf.for %scan3A_100 = %scan3A_85 to %scan3A_87 step %scan3A_88  : i32 {
        "tpu.region"() ({
          %run_scoped3A = tpu.sem_alloc : memref<!tpu.dma_semaphore, #tpu.memory_space<semaphore_mem>>
          %dma_start3A = arith.constant 0 : i32
          %dma_start3A_101 = tpu.memref_slice %arg14[%scan3A_100, %dma_start3A] : memref<32x128xi32, #tpu.memory_space<vmem>> -> memref<1x128xi32, #tpu.memory_space<vmem>>
          %dma_start3A_102 = tpu.memref_squeeze %dma_start3A_101 : memref<1x128xi32, #tpu.memory_space<vmem>> -> memref<128xi32, #tpu.memory_space<vmem>>
          %dma_start3A_103 = arith.constant 0 : i32
          %dma_start3A_104 = tpu.memref_slice %arg12[%dma_start3A_103] : memref<10240xf32, #tpu.memory_space<vmem_shared>> -> memref<10240xf32, #tpu.memory_space<vmem_shared>>
          tpu.enqueue_indirect_dma source(%arg15 : memref<128xf32, #tpu.memory_space<vmem>>) target(%dma_start3A_104 : memref<10240xf32, #tpu.memory_space<vmem_shared>>) offsets(%dma_start3A_102 : memref<128xi32, #tpu.memory_space<vmem>>) semaphore(%run_scoped3A : memref<!tpu.dma_semaphore, #tpu.memory_space<semaphore_mem>>) {add = true}
          %dma_wait3A = arith.constant 0 : i32
          %dma_wait3A_105 = tpu.memref_slice %arg14[%scan3A_100, %dma_wait3A] : memref<32x128xi32, #tpu.memory_space<vmem>> -> memref<1x128xi32, #tpu.memory_space<vmem>>
          %dma_wait3A_106 = tpu.memref_squeeze %dma_wait3A_105 : memref<1x128xi32, #tpu.memory_space<vmem>> -> memref<128xi32, #tpu.memory_space<vmem>>
          %dma_wait3A_107 = arith.constant 0 : i32
          %dma_wait3A_108 = tpu.memref_slice %arg12[%dma_wait3A_107] : memref<10240xf32, #tpu.memory_space<vmem_shared>> -> memref<10240xf32, #tpu.memory_space<vmem_shared>>
          tpu.wait_indirect_dma semaphore(%run_scoped3A : memref<!tpu.dma_semaphore, #tpu.memory_space<semaphore_mem>>) src(%arg15 : memref<128xf32, #tpu.memory_space<vmem>>) dst(%dma_wait3A_108 : memref<10240xf32, #tpu.memory_space<vmem_shared>>)
          tpu.yield
        }) : () -> ()
      }
      %scan3A_89 = arith.constant 32 : i32
      %mul3A_90 = arith.constant 32 : i32
      %mul3A_91 = arith.muli %arg1, %mul3A_90 : i32
      %add3A_92 = arith.constant 0 : i32
      %add3A_93 = arith.addi %mul3A_91, %add3A_92 : i32
      "tpu.region"() ({
        %run_scoped3A = tpu.sem_alloc : memref<!tpu.dma_semaphore, #tpu.memory_space<semaphore_mem>>
        %dma_start3A = arith.constant 0 : i32
        %dma_start3A_100 = tpu.memref_slice %arg5[%add3A_93, %dma_start3A] : memref<512x128xi32, #tpu.memory_space<hbm>> -> memref<32x128xi32, #tpu.memory_space<hbm>>
        %dma_start3A_101 = arith.constant 0 : i32
        %dma_start3A_102 = tpu.memref_slice %arg5[%add3A_93, %dma_start3A_101] : memref<512x128xi32, #tpu.memory_space<hbm>> -> memref<32x128xi32, #tpu.memory_space<hbm>>
        tpu.enqueue_dma source(%dma_start3A_102 : memref<32x128xi32, #tpu.memory_space<hbm>>) target(%arg14 : memref<32x128xi32, #tpu.memory_space<vmem>>) target_semaphore(%run_scoped3A : memref<!tpu.dma_semaphore, #tpu.memory_space<semaphore_mem>>)
        %dma_wait3A = arith.constant 0 : i32
        %dma_wait3A_103 = tpu.memref_slice %arg5[%add3A_93, %dma_wait3A] : memref<512x128xi32, #tpu.memory_space<hbm>> -> memref<32x128xi32, #tpu.memory_space<hbm>>
        %dma_wait3A_104 = arith.constant 0 : i32
        %dma_wait3A_105 = tpu.memref_slice %arg5[%add3A_93, %dma_wait3A_104] : memref<512x128xi32, #tpu.memory_space<hbm>> -> memref<32x128xi32, #tpu.memory_space<hbm>>
        tpu.wait_dma2 semaphore(%run_scoped3A : memref<!tpu.dma_semaphore, #tpu.memory_space<semaphore_mem>>) src(%dma_wait3A_105 : memref<32x128xi32, #tpu.memory_space<hbm>>) dst(%arg14 : memref<32x128xi32, #tpu.memory_space<vmem>>)
        tpu.yield
      }) : () -> ()
      %scan3A_94 = arith.constant 0 : i32
      %scan3A_95 = arith.constant 0 : i32
      %scan3A_96 = arith.constant 32 : i32
      %scan3A_97 = arith.addi %scan3A_95, %scan3A_96 : i32
      %scan3A_98 = arith.constant 1 : i32
      scf.for %scan3A_100 = %scan3A_95 to %scan3A_97 step %scan3A_98  : i32 {
        "tpu.region"() ({
          %run_scoped3A = tpu.sem_alloc : memref<!tpu.dma_semaphore, #tpu.memory_space<semaphore_mem>>
          %dma_start3A = arith.constant 0 : i32
          %dma_start3A_101 = tpu.memref_slice %arg14[%scan3A_100, %dma_start3A] : memref<32x128xi32, #tpu.memory_space<vmem>> -> memref<1x128xi32, #tpu.memory_space<vmem>>
          %dma_start3A_102 = tpu.memref_squeeze %dma_start3A_101 : memref<1x128xi32, #tpu.memory_space<vmem>> -> memref<128xi32, #tpu.memory_space<vmem>>
          %dma_start3A_103 = arith.constant 0 : i32
          %dma_start3A_104 = tpu.memref_slice %arg13[%dma_start3A_103] : memref<2048xf32, #tpu.memory_space<vmem_shared>> -> memref<2048xf32, #tpu.memory_space<vmem_shared>>
          tpu.enqueue_indirect_dma source(%arg15 : memref<128xf32, #tpu.memory_space<vmem>>) target(%dma_start3A_104 : memref<2048xf32, #tpu.memory_space<vmem_shared>>) offsets(%dma_start3A_102 : memref<128xi32, #tpu.memory_space<vmem>>) semaphore(%run_scoped3A : memref<!tpu.dma_semaphore, #tpu.memory_space<semaphore_mem>>) {add = true}
          %dma_wait3A = arith.constant 0 : i32
          %dma_wait3A_105 = tpu.memref_slice %arg14[%scan3A_100, %dma_wait3A] : memref<32x128xi32, #tpu.memory_space<vmem>> -> memref<1x128xi32, #tpu.memory_space<vmem>>
          %dma_wait3A_106 = tpu.memref_squeeze %dma_wait3A_105 : memref<1x128xi32, #tpu.memory_space<vmem>> -> memref<128xi32, #tpu.memory_space<vmem>>
          %dma_wait3A_107 = arith.constant 0 : i32
          %dma_wait3A_108 = tpu.memref_slice %arg13[%dma_wait3A_107] : memref<2048xf32, #tpu.memory_space<vmem_shared>> -> memref<2048xf32, #tpu.memory_space<vmem_shared>>
          tpu.wait_indirect_dma semaphore(%run_scoped3A : memref<!tpu.dma_semaphore, #tpu.memory_space<semaphore_mem>>) src(%arg15 : memref<128xf32, #tpu.memory_space<vmem>>) dst(%dma_wait3A_108 : memref<2048xf32, #tpu.memory_space<vmem_shared>>)
          tpu.yield
        }) : () -> ()
      }
      %scan3A_99 = arith.constant 32 : i32
    } else {
    }
    %barrier3A_31 = arith.constant 0 : index
    tpu.barrier barrier_id(%barrier3A_31)
    %eq3A_32 = arith.constant 0 : i32
    %eq3A_33 = arith.cmpi eq, %arg0, %eq3A_32 : i32
    %convert_element_type3A_34 = arith.extui %eq3A_33 : i1 to i32
    %cond3A_35 = arith.constant 0 : i32
    %cond3A_36 = arith.cmpi ne, %convert_element_type3A_34, %cond3A_35 : i32
    scf.if %cond3A_36 {
      %mul3A = arith.constant 3200 : i32
      %mul3A_42 = arith.muli %arg1, %mul3A : i32
      %add3A = arith.constant 0 : i32
      %add3A_43 = arith.addi %mul3A_42, %add3A : i32
      "tpu.region"() ({
        %run_scoped3A = tpu.sem_alloc : memref<!tpu.dma_semaphore, #tpu.memory_space<semaphore_mem>>
        %dma_start3A = arith.constant 0 : i32
        %dma_start3A_88 = tpu.memref_slice %arg16[%dma_start3A] : memref<640xf32, #tpu.memory_space<vmem>> -> memref<640xf32, #tpu.memory_space<vmem>>
        %dma_start3A_89 = tpu.memref_slice %arg10[%add3A_43] : memref<51200xf32, #tpu.memory_space<vmem_shared>> -> memref<640xf32, #tpu.memory_space<vmem_shared>>
        %dma_start3A_90 = arith.constant 0 : i32
        %dma_start3A_91 = tpu.memref_slice %arg16[%dma_start3A_90] : memref<640xf32, #tpu.memory_space<vmem>> -> memref<640xf32, #tpu.memory_space<vmem>>
        %dma_start3A_92 = tpu.memref_slice %arg10[%add3A_43] : memref<51200xf32, #tpu.memory_space<vmem_shared>> -> memref<640xf32, #tpu.memory_space<vmem_shared>>
        tpu.enqueue_dma source(%dma_start3A_92 : memref<640xf32, #tpu.memory_space<vmem_shared>>) target(%dma_start3A_91 : memref<640xf32, #tpu.memory_space<vmem>>) target_semaphore(%run_scoped3A : memref<!tpu.dma_semaphore, #tpu.memory_space<semaphore_mem>>)
        %dma_wait3A = arith.constant 0 : i32
        %dma_wait3A_93 = tpu.memref_slice %arg16[%dma_wait3A] : memref<640xf32, #tpu.memory_space<vmem>> -> memref<640xf32, #tpu.memory_space<vmem>>
        %dma_wait3A_94 = tpu.memref_slice %arg10[%add3A_43] : memref<51200xf32, #tpu.memory_space<vmem_shared>> -> memref<640xf32, #tpu.memory_space<vmem_shared>>
        %dma_wait3A_95 = arith.constant 0 : i32
        %dma_wait3A_96 = tpu.memref_slice %arg16[%dma_wait3A_95] : memref<640xf32, #tpu.memory_space<vmem>> -> memref<640xf32, #tpu.memory_space<vmem>>
        %dma_wait3A_97 = tpu.memref_slice %arg10[%add3A_43] : memref<51200xf32, #tpu.memory_space<vmem_shared>> -> memref<640xf32, #tpu.memory_space<vmem_shared>>
        tpu.wait_dma2 semaphore(%run_scoped3A : memref<!tpu.dma_semaphore, #tpu.memory_space<semaphore_mem>>) src(%dma_wait3A_97 : memref<640xf32, #tpu.memory_space<vmem_shared>>) dst(%dma_wait3A_96 : memref<640xf32, #tpu.memory_space<vmem>>)
        tpu.yield
      }) : () -> ()
      %mul3A_44 = arith.constant 3200 : i32
      %mul3A_45 = arith.muli %arg1, %mul3A_44 : i32
      %add3A_46 = arith.constant 0 : i32
      %add3A_47 = arith.addi %mul3A_45, %add3A_46 : i32
      "tpu.region"() ({
        %run_scoped3A = tpu.sem_alloc : memref<!tpu.dma_semaphore, #tpu.memory_space<semaphore_mem>>
        %dma_start3A = arith.constant 0 : i32
        %dma_start3A_88 = tpu.memref_slice %arg16[%dma_start3A] : memref<640xf32, #tpu.memory_space<vmem>> -> memref<640xf32, #tpu.memory_space<vmem>>
        %dma_start3A_89 = tpu.memref_slice %arg6[%add3A_47] : memref<51200xf32, #tpu.memory_space<hbm>> -> memref<640xf32, #tpu.memory_space<hbm>>
        %dma_start3A_90 = tpu.memref_slice %arg6[%add3A_47] : memref<51200xf32, #tpu.memory_space<hbm>> -> memref<640xf32, #tpu.memory_space<hbm>>
        %dma_start3A_91 = arith.constant 0 : i32
        %dma_start3A_92 = tpu.memref_slice %arg16[%dma_start3A_91] : memref<640xf32, #tpu.memory_space<vmem>> -> memref<640xf32, #tpu.memory_space<vmem>>
        tpu.enqueue_dma source(%dma_start3A_92 : memref<640xf32, #tpu.memory_space<vmem>>) target(%dma_start3A_90 : memref<640xf32, #tpu.memory_space<hbm>>) target_semaphore(%run_scoped3A : memref<!tpu.dma_semaphore, #tpu.memory_space<semaphore_mem>>)
        %dma_wait3A = arith.constant 0 : i32
        %dma_wait3A_93 = tpu.memref_slice %arg16[%dma_wait3A] : memref<640xf32, #tpu.memory_space<vmem>> -> memref<640xf32, #tpu.memory_space<vmem>>
        %dma_wait3A_94 = tpu.memref_slice %arg6[%add3A_47] : memref<51200xf32, #tpu.memory_space<hbm>> -> memref<640xf32, #tpu.memory_space<hbm>>
        %dma_wait3A_95 = tpu.memref_slice %arg6[%add3A_47] : memref<51200xf32, #tpu.memory_space<hbm>> -> memref<640xf32, #tpu.memory_space<hbm>>
        %dma_wait3A_96 = arith.constant 0 : i32
        %dma_wait3A_97 = tpu.memref_slice %arg16[%dma_wait3A_96] : memref<640xf32, #tpu.memory_space<vmem>> -> memref<640xf32, #tpu.memory_space<vmem>>
        tpu.wait_dma2 semaphore(%run_scoped3A : memref<!tpu.dma_semaphore, #tpu.memory_space<semaphore_mem>>) src(%dma_wait3A_97 : memref<640xf32, #tpu.memory_space<vmem>>) dst(%dma_wait3A_95 : memref<640xf32, #tpu.memory_space<hbm>>)
        tpu.yield
      }) : () -> ()
      %mul3A_48 = arith.constant 3200 : i32
      %mul3A_49 = arith.muli %arg1, %mul3A_48 : i32
      %add3A_50 = arith.constant 640 : i32
      %add3A_51 = arith.addi %mul3A_49, %add3A_50 : i32
      "tpu.region"() ({
        %run_scoped3A = tpu.sem_alloc : memref<!tpu.dma_semaphore, #tpu.memory_space<semaphore_mem>>
        %dma_start3A = arith.constant 0 : i32
        %dma_start3A_88 = tpu.memref_slice %arg16[%dma_start3A] : memref<640xf32, #tpu.memory_space<vmem>> -> memref<640xf32, #tpu.memory_space<vmem>>
        %dma_start3A_89 = tpu.memref_slice %arg10[%add3A_51] : memref<51200xf32, #tpu.memory_space<vmem_shared>> -> memref<640xf32, #tpu.memory_space<vmem_shared>>
        %dma_start3A_90 = arith.constant 0 : i32
        %dma_start3A_91 = tpu.memref_slice %arg16[%dma_start3A_90] : memref<640xf32, #tpu.memory_space<vmem>> -> memref<640xf32, #tpu.memory_space<vmem>>
        %dma_start3A_92 = tpu.memref_slice %arg10[%add3A_51] : memref<51200xf32, #tpu.memory_space<vmem_shared>> -> memref<640xf32, #tpu.memory_space<vmem_shared>>
        tpu.enqueue_dma source(%dma_start3A_92 : memref<640xf32, #tpu.memory_space<vmem_shared>>) target(%dma_start3A_91 : memref<640xf32, #tpu.memory_space<vmem>>) target_semaphore(%run_scoped3A : memref<!tpu.dma_semaphore, #tpu.memory_space<semaphore_mem>>)
        %dma_wait3A = arith.constant 0 : i32
        %dma_wait3A_93 = tpu.memref_slice %arg16[%dma_wait3A] : memref<640xf32, #tpu.memory_space<vmem>> -> memref<640xf32, #tpu.memory_space<vmem>>
        %dma_wait3A_94 = tpu.memref_slice %arg10[%add3A_51] : memref<51200xf32, #tpu.memory_space<vmem_shared>> -> memref<640xf32, #tpu.memory_space<vmem_shared>>
        %dma_wait3A_95 = arith.constant 0 : i32
        %dma_wait3A_96 = tpu.memref_slice %arg16[%dma_wait3A_95] : memref<640xf32, #tpu.memory_space<vmem>> -> memref<640xf32, #tpu.memory_space<vmem>>
        %dma_wait3A_97 = tpu.memref_slice %arg10[%add3A_51] : memref<51200xf32, #tpu.memory_space<vmem_shared>> -> memref<640xf32, #tpu.memory_space<vmem_shared>>
        tpu.wait_dma2 semaphore(%run_scoped3A : memref<!tpu.dma_semaphore, #tpu.memory_space<semaphore_mem>>) src(%dma_wait3A_97 : memref<640xf32, #tpu.memory_space<vmem_shared>>) dst(%dma_wait3A_96 : memref<640xf32, #tpu.memory_space<vmem>>)
        tpu.yield
      }) : () -> ()
      %mul3A_52 = arith.constant 3200 : i32
      %mul3A_53 = arith.muli %arg1, %mul3A_52 : i32
      %add3A_54 = arith.constant 640 : i32
      %add3A_55 = arith.addi %mul3A_53, %add3A_54 : i32
      "tpu.region"() ({
        %run_scoped3A = tpu.sem_alloc : memref<!tpu.dma_semaphore, #tpu.memory_space<semaphore_mem>>
        %dma_start3A = arith.constant 0 : i32
        %dma_start3A_88 = tpu.memref_slice %arg16[%dma_start3A] : memref<640xf32, #tpu.memory_space<vmem>> -> memref<640xf32, #tpu.memory_space<vmem>>
        %dma_start3A_89 = tpu.memref_slice %arg6[%add3A_55] : memref<51200xf32, #tpu.memory_space<hbm>> -> memref<640xf32, #tpu.memory_space<hbm>>
        %dma_start3A_90 = tpu.memref_slice %arg6[%add3A_55] : memref<51200xf32, #tpu.memory_space<hbm>> -> memref<640xf32, #tpu.memory_space<hbm>>
        %dma_start3A_91 = arith.constant 0 : i32
        %dma_start3A_92 = tpu.memref_slice %arg16[%dma_start3A_91] : memref<640xf32, #tpu.memory_space<vmem>> -> memref<640xf32, #tpu.memory_space<vmem>>
        tpu.enqueue_dma source(%dma_start3A_92 : memref<640xf32, #tpu.memory_space<vmem>>) target(%dma_start3A_90 : memref<640xf32, #tpu.memory_space<hbm>>) target_semaphore(%run_scoped3A : memref<!tpu.dma_semaphore, #tpu.memory_space<semaphore_mem>>)
        %dma_wait3A = arith.constant 0 : i32
        %dma_wait3A_93 = tpu.memref_slice %arg16[%dma_wait3A] : memref<640xf32, #tpu.memory_space<vmem>> -> memref<640xf32, #tpu.memory_space<vmem>>
        %dma_wait3A_94 = tpu.memref_slice %arg6[%add3A_55] : memref<51200xf32, #tpu.memory_space<hbm>> -> memref<640xf32, #tpu.memory_space<hbm>>
        %dma_wait3A_95 = tpu.memref_slice %arg6[%add3A_55] : memref<51200xf32, #tpu.memory_space<hbm>> -> memref<640xf32, #tpu.memory_space<hbm>>
        %dma_wait3A_96 = arith.constant 0 : i32
        %dma_wait3A_97 = tpu.memref_slice %arg16[%dma_wait3A_96] : memref<640xf32, #tpu.memory_space<vmem>> -> memref<640xf32, #tpu.memory_space<vmem>>
        tpu.wait_dma2 semaphore(%run_scoped3A : memref<!tpu.dma_semaphore, #tpu.memory_space<semaphore_mem>>) src(%dma_wait3A_97 : memref<640xf32, #tpu.memory_space<vmem>>) dst(%dma_wait3A_95 : memref<640xf32, #tpu.memory_space<hbm>>)
        tpu.yield
      }) : () -> ()
      %mul3A_56 = arith.constant 3200 : i32
      %mul3A_57 = arith.muli %arg1, %mul3A_56 : i32
      %add3A_58 = arith.constant 1280 : i32
      %add3A_59 = arith.addi %mul3A_57, %add3A_58 : i32
      "tpu.region"() ({
        %run_scoped3A = tpu.sem_alloc : memref<!tpu.dma_semaphore, #tpu.memory_space<semaphore_mem>>
        %dma_start3A = arith.constant 0 : i32
        %dma_start3A_88 = tpu.memref_slice %arg16[%dma_start3A] : memref<640xf32, #tpu.memory_space<vmem>> -> memref<640xf32, #tpu.memory_space<vmem>>
        %dma_start3A_89 = tpu.memref_slice %arg10[%add3A_59] : memref<51200xf32, #tpu.memory_space<vmem_shared>> -> memref<640xf32, #tpu.memory_space<vmem_shared>>
        %dma_start3A_90 = arith.constant 0 : i32
        %dma_start3A_91 = tpu.memref_slice %arg16[%dma_start3A_90] : memref<640xf32, #tpu.memory_space<vmem>> -> memref<640xf32, #tpu.memory_space<vmem>>
        %dma_start3A_92 = tpu.memref_slice %arg10[%add3A_59] : memref<51200xf32, #tpu.memory_space<vmem_shared>> -> memref<640xf32, #tpu.memory_space<vmem_shared>>
        tpu.enqueue_dma source(%dma_start3A_92 : memref<640xf32, #tpu.memory_space<vmem_shared>>) target(%dma_start3A_91 : memref<640xf32, #tpu.memory_space<vmem>>) target_semaphore(%run_scoped3A : memref<!tpu.dma_semaphore, #tpu.memory_space<semaphore_mem>>)
        %dma_wait3A = arith.constant 0 : i32
        %dma_wait3A_93 = tpu.memref_slice %arg16[%dma_wait3A] : memref<640xf32, #tpu.memory_space<vmem>> -> memref<640xf32, #tpu.memory_space<vmem>>
        %dma_wait3A_94 = tpu.memref_slice %arg10[%add3A_59] : memref<51200xf32, #tpu.memory_space<vmem_shared>> -> memref<640xf32, #tpu.memory_space<vmem_shared>>
        %dma_wait3A_95 = arith.constant 0 : i32
        %dma_wait3A_96 = tpu.memref_slice %arg16[%dma_wait3A_95] : memref<640xf32, #tpu.memory_space<vmem>> -> memref<640xf32, #tpu.memory_space<vmem>>
        %dma_wait3A_97 = tpu.memref_slice %arg10[%add3A_59] : memref<51200xf32, #tpu.memory_space<vmem_shared>> -> memref<640xf32, #tpu.memory_space<vmem_shared>>
        tpu.wait_dma2 semaphore(%run_scoped3A : memref<!tpu.dma_semaphore, #tpu.memory_space<semaphore_mem>>) src(%dma_wait3A_97 : memref<640xf32, #tpu.memory_space<vmem_shared>>) dst(%dma_wait3A_96 : memref<640xf32, #tpu.memory_space<vmem>>)
        tpu.yield
      }) : () -> ()
      %mul3A_60 = arith.constant 3200 : i32
      %mul3A_61 = arith.muli %arg1, %mul3A_60 : i32
      %add3A_62 = arith.constant 1280 : i32
      %add3A_63 = arith.addi %mul3A_61, %add3A_62 : i32
      "tpu.region"() ({
        %run_scoped3A = tpu.sem_alloc : memref<!tpu.dma_semaphore, #tpu.memory_space<semaphore_mem>>
        %dma_start3A = arith.constant 0 : i32
        %dma_start3A_88 = tpu.memref_slice %arg16[%dma_start3A] : memref<640xf32, #tpu.memory_space<vmem>> -> memref<640xf32, #tpu.memory_space<vmem>>
        %dma_start3A_89 = tpu.memref_slice %arg6[%add3A_63] : memref<51200xf32, #tpu.memory_space<hbm>> -> memref<640xf32, #tpu.memory_space<hbm>>
        %dma_start3A_90 = tpu.memref_slice %arg6[%add3A_63] : memref<51200xf32, #tpu.memory_space<hbm>> -> memref<640xf32, #tpu.memory_space<hbm>>
        %dma_start3A_91 = arith.constant 0 : i32
        %dma_start3A_92 = tpu.memref_slice %arg16[%dma_start3A_91] : memref<640xf32, #tpu.memory_space<vmem>> -> memref<640xf32, #tpu.memory_space<vmem>>
        tpu.enqueue_dma source(%dma_start3A_92 : memref<640xf32, #tpu.memory_space<vmem>>) target(%dma_start3A_90 : memref<640xf32, #tpu.memory_space<hbm>>) target_semaphore(%run_scoped3A : memref<!tpu.dma_semaphore, #tpu.memory_space<semaphore_mem>>)
        %dma_wait3A = arith.constant 0 : i32
        %dma_wait3A_93 = tpu.memref_slice %arg16[%dma_wait3A] : memref<640xf32, #tpu.memory_space<vmem>> -> memref<640xf32, #tpu.memory_space<vmem>>
        %dma_wait3A_94 = tpu.memref_slice %arg6[%add3A_63] : memref<51200xf32, #tpu.memory_space<hbm>> -> memref<640xf32, #tpu.memory_space<hbm>>
        %dma_wait3A_95 = tpu.memref_slice %arg6[%add3A_63] : memref<51200xf32, #tpu.memory_space<hbm>> -> memref<640xf32, #tpu.memory_space<hbm>>
        %dma_wait3A_96 = arith.constant 0 : i32
        %dma_wait3A_97 = tpu.memref_slice %arg16[%dma_wait3A_96] : memref<640xf32, #tpu.memory_space<vmem>> -> memref<640xf32, #tpu.memory_space<vmem>>
        tpu.wait_dma2 semaphore(%run_scoped3A : memref<!tpu.dma_semaphore, #tpu.memory_space<semaphore_mem>>) src(%dma_wait3A_97 : memref<640xf32, #tpu.memory_space<vmem>>) dst(%dma_wait3A_95 : memref<640xf32, #tpu.memory_space<hbm>>)
        tpu.yield
      }) : () -> ()
      %mul3A_64 = arith.constant 3200 : i32
      %mul3A_65 = arith.muli %arg1, %mul3A_64 : i32
      %add3A_66 = arith.constant 1920 : i32
      %add3A_67 = arith.addi %mul3A_65, %add3A_66 : i32
      "tpu.region"() ({
        %run_scoped3A = tpu.sem_alloc : memref<!tpu.dma_semaphore, #tpu.memory_space<semaphore_mem>>
        %dma_start3A = arith.constant 0 : i32
        %dma_start3A_88 = tpu.memref_slice %arg16[%dma_start3A] : memref<640xf32, #tpu.memory_space<vmem>> -> memref<640xf32, #tpu.memory_space<vmem>>
        %dma_start3A_89 = tpu.memref_slice %arg10[%add3A_67] : memref<51200xf32, #tpu.memory_space<vmem_shared>> -> memref<640xf32, #tpu.memory_space<vmem_shared>>
        %dma_start3A_90 = arith.constant 0 : i32
        %dma_start3A_91 = tpu.memref_slice %arg16[%dma_start3A_90] : memref<640xf32, #tpu.memory_space<vmem>> -> memref<640xf32, #tpu.memory_space<vmem>>
        %dma_start3A_92 = tpu.memref_slice %arg10[%add3A_67] : memref<51200xf32, #tpu.memory_space<vmem_shared>> -> memref<640xf32, #tpu.memory_space<vmem_shared>>
        tpu.enqueue_dma source(%dma_start3A_92 : memref<640xf32, #tpu.memory_space<vmem_shared>>) target(%dma_start3A_91 : memref<640xf32, #tpu.memory_space<vmem>>) target_semaphore(%run_scoped3A : memref<!tpu.dma_semaphore, #tpu.memory_space<semaphore_mem>>)
        %dma_wait3A = arith.constant 0 : i32
        %dma_wait3A_93 = tpu.memref_slice %arg16[%dma_wait3A] : memref<640xf32, #tpu.memory_space<vmem>> -> memref<640xf32, #tpu.memory_space<vmem>>
        %dma_wait3A_94 = tpu.memref_slice %arg10[%add3A_67] : memref<51200xf32, #tpu.memory_space<vmem_shared>> -> memref<640xf32, #tpu.memory_space<vmem_shared>>
        %dma_wait3A_95 = arith.constant 0 : i32
        %dma_wait3A_96 = tpu.memref_slice %arg16[%dma_wait3A_95] : memref<640xf32, #tpu.memory_space<vmem>> -> memref<640xf32, #tpu.memory_space<vmem>>
        %dma_wait3A_97 = tpu.memref_slice %arg10[%add3A_67] : memref<51200xf32, #tpu.memory_space<vmem_shared>> -> memref<640xf32, #tpu.memory_space<vmem_shared>>
        tpu.wait_dma2 semaphore(%run_scoped3A : memref<!tpu.dma_semaphore, #tpu.memory_space<semaphore_mem>>) src(%dma_wait3A_97 : memref<640xf32, #tpu.memory_space<vmem_shared>>) dst(%dma_wait3A_96 : memref<640xf32, #tpu.memory_space<vmem>>)
        tpu.yield
      }) : () -> ()
      %mul3A_68 = arith.constant 3200 : i32
      %mul3A_69 = arith.muli %arg1, %mul3A_68 : i32
      %add3A_70 = arith.constant 1920 : i32
      %add3A_71 = arith.addi %mul3A_69, %add3A_70 : i32
      "tpu.region"() ({
        %run_scoped3A = tpu.sem_alloc : memref<!tpu.dma_semaphore, #tpu.memory_space<semaphore_mem>>
        %dma_start3A = arith.constant 0 : i32
        %dma_start3A_88 = tpu.memref_slice %arg16[%dma_start3A] : memref<640xf32, #tpu.memory_space<vmem>> -> memref<640xf32, #tpu.memory_space<vmem>>
        %dma_start3A_89 = tpu.memref_slice %arg6[%add3A_71] : memref<51200xf32, #tpu.memory_space<hbm>> -> memref<640xf32, #tpu.memory_space<hbm>>
        %dma_start3A_90 = tpu.memref_slice %arg6[%add3A_71] : memref<51200xf32, #tpu.memory_space<hbm>> -> memref<640xf32, #tpu.memory_space<hbm>>
        %dma_start3A_91 = arith.constant 0 : i32
        %dma_start3A_92 = tpu.memref_slice %arg16[%dma_start3A_91] : memref<640xf32, #tpu.memory_space<vmem>> -> memref<640xf32, #tpu.memory_space<vmem>>
        tpu.enqueue_dma source(%dma_start3A_92 : memref<640xf32, #tpu.memory_space<vmem>>) target(%dma_start3A_90 : memref<640xf32, #tpu.memory_space<hbm>>) target_semaphore(%run_scoped3A : memref<!tpu.dma_semaphore, #tpu.memory_space<semaphore_mem>>)
        %dma_wait3A = arith.constant 0 : i32
        %dma_wait3A_93 = tpu.memref_slice %arg16[%dma_wait3A] : memref<640xf32, #tpu.memory_space<vmem>> -> memref<640xf32, #tpu.memory_space<vmem>>
        %dma_wait3A_94 = tpu.memref_slice %arg6[%add3A_71] : memref<51200xf32, #tpu.memory_space<hbm>> -> memref<640xf32, #tpu.memory_space<hbm>>
        %dma_wait3A_95 = tpu.memref_slice %arg6[%add3A_71] : memref<51200xf32, #tpu.memory_space<hbm>> -> memref<640xf32, #tpu.memory_space<hbm>>
        %dma_wait3A_96 = arith.constant 0 : i32
        %dma_wait3A_97 = tpu.memref_slice %arg16[%dma_wait3A_96] : memref<640xf32, #tpu.memory_space<vmem>> -> memref<640xf32, #tpu.memory_space<vmem>>
        tpu.wait_dma2 semaphore(%run_scoped3A : memref<!tpu.dma_semaphore, #tpu.memory_space<semaphore_mem>>) src(%dma_wait3A_97 : memref<640xf32, #tpu.memory_space<vmem>>) dst(%dma_wait3A_95 : memref<640xf32, #tpu.memory_space<hbm>>)
        tpu.yield
      }) : () -> ()
      %mul3A_72 = arith.constant 3200 : i32
      %mul3A_73 = arith.muli %arg1, %mul3A_72 : i32
      %add3A_74 = arith.constant 2560 : i32
      %add3A_75 = arith.addi %mul3A_73, %add3A_74 : i32
      "tpu.region"() ({
        %run_scoped3A = tpu.sem_alloc : memref<!tpu.dma_semaphore, #tpu.memory_space<semaphore_mem>>
        %dma_start3A = arith.constant 0 : i32
        %dma_start3A_88 = tpu.memref_slice %arg16[%dma_start3A] : memref<640xf32, #tpu.memory_space<vmem>> -> memref<640xf32, #tpu.memory_space<vmem>>
        %dma_start3A_89 = tpu.memref_slice %arg10[%add3A_75] : memref<51200xf32, #tpu.memory_space<vmem_shared>> -> memref<640xf32, #tpu.memory_space<vmem_shared>>
        %dma_start3A_90 = arith.constant 0 : i32
        %dma_start3A_91 = tpu.memref_slice %arg16[%dma_start3A_90] : memref<640xf32, #tpu.memory_space<vmem>> -> memref<640xf32, #tpu.memory_space<vmem>>
        %dma_start3A_92 = tpu.memref_slice %arg10[%add3A_75] : memref<51200xf32, #tpu.memory_space<vmem_shared>> -> memref<640xf32, #tpu.memory_space<vmem_shared>>
        tpu.enqueue_dma source(%dma_start3A_92 : memref<640xf32, #tpu.memory_space<vmem_shared>>) target(%dma_start3A_91 : memref<640xf32, #tpu.memory_space<vmem>>) target_semaphore(%run_scoped3A : memref<!tpu.dma_semaphore, #tpu.memory_space<semaphore_mem>>)
        %dma_wait3A = arith.constant 0 : i32
        %dma_wait3A_93 = tpu.memref_slice %arg16[%dma_wait3A] : memref<640xf32, #tpu.memory_space<vmem>> -> memref<640xf32, #tpu.memory_space<vmem>>
        %dma_wait3A_94 = tpu.memref_slice %arg10[%add3A_75] : memref<51200xf32, #tpu.memory_space<vmem_shared>> -> memref<640xf32, #tpu.memory_space<vmem_shared>>
        %dma_wait3A_95 = arith.constant 0 : i32
        %dma_wait3A_96 = tpu.memref_slice %arg16[%dma_wait3A_95] : memref<640xf32, #tpu.memory_space<vmem>> -> memref<640xf32, #tpu.memory_space<vmem>>
        %dma_wait3A_97 = tpu.memref_slice %arg10[%add3A_75] : memref<51200xf32, #tpu.memory_space<vmem_shared>> -> memref<640xf32, #tpu.memory_space<vmem_shared>>
        tpu.wait_dma2 semaphore(%run_scoped3A : memref<!tpu.dma_semaphore, #tpu.memory_space<semaphore_mem>>) src(%dma_wait3A_97 : memref<640xf32, #tpu.memory_space<vmem_shared>>) dst(%dma_wait3A_96 : memref<640xf32, #tpu.memory_space<vmem>>)
        tpu.yield
      }) : () -> ()
      %mul3A_76 = arith.constant 3200 : i32
      %mul3A_77 = arith.muli %arg1, %mul3A_76 : i32
      %add3A_78 = arith.constant 2560 : i32
      %add3A_79 = arith.addi %mul3A_77, %add3A_78 : i32
      "tpu.region"() ({
        %run_scoped3A = tpu.sem_alloc : memref<!tpu.dma_semaphore, #tpu.memory_space<semaphore_mem>>
        %dma_start3A = arith.constant 0 : i32
        %dma_start3A_88 = tpu.memref_slice %arg16[%dma_start3A] : memref<640xf32, #tpu.memory_space<vmem>> -> memref<640xf32, #tpu.memory_space<vmem>>
        %dma_start3A_89 = tpu.memref_slice %arg6[%add3A_79] : memref<51200xf32, #tpu.memory_space<hbm>> -> memref<640xf32, #tpu.memory_space<hbm>>
        %dma_start3A_90 = tpu.memref_slice %arg6[%add3A_79] : memref<51200xf32, #tpu.memory_space<hbm>> -> memref<640xf32, #tpu.memory_space<hbm>>
        %dma_start3A_91 = arith.constant 0 : i32
        %dma_start3A_92 = tpu.memref_slice %arg16[%dma_start3A_91] : memref<640xf32, #tpu.memory_space<vmem>> -> memref<640xf32, #tpu.memory_space<vmem>>
        tpu.enqueue_dma source(%dma_start3A_92 : memref<640xf32, #tpu.memory_space<vmem>>) target(%dma_start3A_90 : memref<640xf32, #tpu.memory_space<hbm>>) target_semaphore(%run_scoped3A : memref<!tpu.dma_semaphore, #tpu.memory_space<semaphore_mem>>)
        %dma_wait3A = arith.constant 0 : i32
        %dma_wait3A_93 = tpu.memref_slice %arg16[%dma_wait3A] : memref<640xf32, #tpu.memory_space<vmem>> -> memref<640xf32, #tpu.memory_space<vmem>>
        %dma_wait3A_94 = tpu.memref_slice %arg6[%add3A_79] : memref<51200xf32, #tpu.memory_space<hbm>> -> memref<640xf32, #tpu.memory_space<hbm>>
        %dma_wait3A_95 = tpu.memref_slice %arg6[%add3A_79] : memref<51200xf32, #tpu.memory_space<hbm>> -> memref<640xf32, #tpu.memory_space<hbm>>
        %dma_wait3A_96 = arith.constant 0 : i32
        %dma_wait3A_97 = tpu.memref_slice %arg16[%dma_wait3A_96] : memref<640xf32, #tpu.memory_space<vmem>> -> memref<640xf32, #tpu.memory_space<vmem>>
        tpu.wait_dma2 semaphore(%run_scoped3A : memref<!tpu.dma_semaphore, #tpu.memory_space<semaphore_mem>>) src(%dma_wait3A_97 : memref<640xf32, #tpu.memory_space<vmem>>) dst(%dma_wait3A_95 : memref<640xf32, #tpu.memory_space<hbm>>)
        tpu.yield
      }) : () -> ()
      %mul3A_80 = arith.constant 640 : i32
      %mul3A_81 = arith.muli %arg1, %mul3A_80 : i32
      %add3A_82 = arith.constant 0 : i32
      %add3A_83 = arith.addi %mul3A_81, %add3A_82 : i32
      "tpu.region"() ({
        %run_scoped3A = tpu.sem_alloc : memref<!tpu.dma_semaphore, #tpu.memory_space<semaphore_mem>>
        %dma_start3A = arith.constant 0 : i32
        %dma_start3A_88 = tpu.memref_slice %arg16[%dma_start3A] : memref<640xf32, #tpu.memory_space<vmem>> -> memref<640xf32, #tpu.memory_space<vmem>>
        %dma_start3A_89 = tpu.memref_slice %arg11[%add3A_83] : memref<10240xf32, #tpu.memory_space<vmem_shared>> -> memref<640xf32, #tpu.memory_space<vmem_shared>>
        %dma_start3A_90 = arith.constant 0 : i32
        %dma_start3A_91 = tpu.memref_slice %arg16[%dma_start3A_90] : memref<640xf32, #tpu.memory_space<vmem>> -> memref<640xf32, #tpu.memory_space<vmem>>
        %dma_start3A_92 = tpu.memref_slice %arg11[%add3A_83] : memref<10240xf32, #tpu.memory_space<vmem_shared>> -> memref<640xf32, #tpu.memory_space<vmem_shared>>
        tpu.enqueue_dma source(%dma_start3A_92 : memref<640xf32, #tpu.memory_space<vmem_shared>>) target(%dma_start3A_91 : memref<640xf32, #tpu.memory_space<vmem>>) target_semaphore(%run_scoped3A : memref<!tpu.dma_semaphore, #tpu.memory_space<semaphore_mem>>)
        %dma_wait3A = arith.constant 0 : i32
        %dma_wait3A_93 = tpu.memref_slice %arg16[%dma_wait3A] : memref<640xf32, #tpu.memory_space<vmem>> -> memref<640xf32, #tpu.memory_space<vmem>>
        %dma_wait3A_94 = tpu.memref_slice %arg11[%add3A_83] : memref<10240xf32, #tpu.memory_space<vmem_shared>> -> memref<640xf32, #tpu.memory_space<vmem_shared>>
        %dma_wait3A_95 = arith.constant 0 : i32
        %dma_wait3A_96 = tpu.memref_slice %arg16[%dma_wait3A_95] : memref<640xf32, #tpu.memory_space<vmem>> -> memref<640xf32, #tpu.memory_space<vmem>>
        %dma_wait3A_97 = tpu.memref_slice %arg11[%add3A_83] : memref<10240xf32, #tpu.memory_space<vmem_shared>> -> memref<640xf32, #tpu.memory_space<vmem_shared>>
        tpu.wait_dma2 semaphore(%run_scoped3A : memref<!tpu.dma_semaphore, #tpu.memory_space<semaphore_mem>>) src(%dma_wait3A_97 : memref<640xf32, #tpu.memory_space<vmem_shared>>) dst(%dma_wait3A_96 : memref<640xf32, #tpu.memory_space<vmem>>)
        tpu.yield
      }) : () -> ()
      %mul3A_84 = arith.constant 640 : i32
      %mul3A_85 = arith.muli %arg1, %mul3A_84 : i32
      %add3A_86 = arith.constant 0 : i32
      %add3A_87 = arith.addi %mul3A_85, %add3A_86 : i32
      "tpu.region"() ({
        %run_scoped3A = tpu.sem_alloc : memref<!tpu.dma_semaphore, #tpu.memory_space<semaphore_mem>>
        %dma_start3A = arith.constant 0 : i32
        %dma_start3A_88 = tpu.memref_slice %arg16[%dma_start3A] : memref<640xf32, #tpu.memory_space<vmem>> -> memref<640xf32, #tpu.memory_space<vmem>>
        %dma_start3A_89 = tpu.memref_slice %arg7[%add3A_87] : memref<10240xf32, #tpu.memory_space<hbm>> -> memref<640xf32, #tpu.memory_space<hbm>>
        %dma_start3A_90 = tpu.memref_slice %arg7[%add3A_87] : memref<10240xf32, #tpu.memory_space<hbm>> -> memref<640xf32, #tpu.memory_space<hbm>>
        %dma_start3A_91 = arith.constant 0 : i32
        %dma_start3A_92 = tpu.memref_slice %arg16[%dma_start3A_91] : memref<640xf32, #tpu.memory_space<vmem>> -> memref<640xf32, #tpu.memory_space<vmem>>
        tpu.enqueue_dma source(%dma_start3A_92 : memref<640xf32, #tpu.memory_space<vmem>>) target(%dma_start3A_90 : memref<640xf32, #tpu.memory_space<hbm>>) target_semaphore(%run_scoped3A : memref<!tpu.dma_semaphore, #tpu.memory_space<semaphore_mem>>)
        %dma_wait3A = arith.constant 0 : i32
        %dma_wait3A_93 = tpu.memref_slice %arg16[%dma_wait3A] : memref<640xf32, #tpu.memory_space<vmem>> -> memref<640xf32, #tpu.memory_space<vmem>>
        %dma_wait3A_94 = tpu.memref_slice %arg7[%add3A_87] : memref<10240xf32, #tpu.memory_space<hbm>> -> memref<640xf32, #tpu.memory_space<hbm>>
        %dma_wait3A_95 = tpu.memref_slice %arg7[%add3A_87] : memref<10240xf32, #tpu.memory_space<hbm>> -> memref<640xf32, #tpu.memory_space<hbm>>
        %dma_wait3A_96 = arith.constant 0 : i32
        %dma_wait3A_97 = tpu.memref_slice %arg16[%dma_wait3A_96] : memref<640xf32, #tpu.memory_space<vmem>> -> memref<640xf32, #tpu.memory_space<vmem>>
        tpu.wait_dma2 semaphore(%run_scoped3A : memref<!tpu.dma_semaphore, #tpu.memory_space<semaphore_mem>>) src(%dma_wait3A_97 : memref<640xf32, #tpu.memory_space<vmem>>) dst(%dma_wait3A_95 : memref<640xf32, #tpu.memory_space<hbm>>)
        tpu.yield
      }) : () -> ()
    } else {
    }
    %eq3A_37 = arith.constant 1 : i32
    %eq3A_38 = arith.cmpi eq, %arg0, %eq3A_37 : i32
    %convert_element_type3A_39 = arith.extui %eq3A_38 : i1 to i32
    %cond3A_40 = arith.constant 0 : i32
    %cond3A_41 = arith.cmpi ne, %convert_element_type3A_39, %cond3A_40 : i32
    scf.if %cond3A_41 {
      %mul3A = arith.constant 640 : i32
      %mul3A_42 = arith.muli %arg1, %mul3A : i32
      %add3A = arith.constant 0 : i32
      %add3A_43 = arith.addi %mul3A_42, %add3A : i32
      "tpu.region"() ({
        %run_scoped3A = tpu.sem_alloc : memref<!tpu.dma_semaphore, #tpu.memory_space<semaphore_mem>>
        %dma_start3A = arith.constant 0 : i32
        %dma_start3A_56 = tpu.memref_slice %arg16[%dma_start3A] : memref<640xf32, #tpu.memory_space<vmem>> -> memref<640xf32, #tpu.memory_space<vmem>>
        %dma_start3A_57 = tpu.memref_slice %arg12[%add3A_43] : memref<10240xf32, #tpu.memory_space<vmem_shared>> -> memref<640xf32, #tpu.memory_space<vmem_shared>>
        %dma_start3A_58 = arith.constant 0 : i32
        %dma_start3A_59 = tpu.memref_slice %arg16[%dma_start3A_58] : memref<640xf32, #tpu.memory_space<vmem>> -> memref<640xf32, #tpu.memory_space<vmem>>
        %dma_start3A_60 = tpu.memref_slice %arg12[%add3A_43] : memref<10240xf32, #tpu.memory_space<vmem_shared>> -> memref<640xf32, #tpu.memory_space<vmem_shared>>
        tpu.enqueue_dma source(%dma_start3A_60 : memref<640xf32, #tpu.memory_space<vmem_shared>>) target(%dma_start3A_59 : memref<640xf32, #tpu.memory_space<vmem>>) target_semaphore(%run_scoped3A : memref<!tpu.dma_semaphore, #tpu.memory_space<semaphore_mem>>)
        %dma_wait3A = arith.constant 0 : i32
        %dma_wait3A_61 = tpu.memref_slice %arg16[%dma_wait3A] : memref<640xf32, #tpu.memory_space<vmem>> -> memref<640xf32, #tpu.memory_space<vmem>>
        %dma_wait3A_62 = tpu.memref_slice %arg12[%add3A_43] : memref<10240xf32, #tpu.memory_space<vmem_shared>> -> memref<640xf32, #tpu.memory_space<vmem_shared>>
        %dma_wait3A_63 = arith.constant 0 : i32
        %dma_wait3A_64 = tpu.memref_slice %arg16[%dma_wait3A_63] : memref<640xf32, #tpu.memory_space<vmem>> -> memref<640xf32, #tpu.memory_space<vmem>>
        %dma_wait3A_65 = tpu.memref_slice %arg12[%add3A_43] : memref<10240xf32, #tpu.memory_space<vmem_shared>> -> memref<640xf32, #tpu.memory_space<vmem_shared>>
        tpu.wait_dma2 semaphore(%run_scoped3A : memref<!tpu.dma_semaphore, #tpu.memory_space<semaphore_mem>>) src(%dma_wait3A_65 : memref<640xf32, #tpu.memory_space<vmem_shared>>) dst(%dma_wait3A_64 : memref<640xf32, #tpu.memory_space<vmem>>)
        tpu.yield
      }) : () -> ()
      %mul3A_44 = arith.constant 640 : i32
      %mul3A_45 = arith.muli %arg1, %mul3A_44 : i32
      %add3A_46 = arith.constant 0 : i32
      %add3A_47 = arith.addi %mul3A_45, %add3A_46 : i32
      "tpu.region"() ({
        %run_scoped3A = tpu.sem_alloc : memref<!tpu.dma_semaphore, #tpu.memory_space<semaphore_mem>>
        %dma_start3A = arith.constant 0 : i32
        %dma_start3A_56 = tpu.memref_slice %arg16[%dma_start3A] : memref<640xf32, #tpu.memory_space<vmem>> -> memref<640xf32, #tpu.memory_space<vmem>>
        %dma_start3A_57 = tpu.memref_slice %arg8[%add3A_47] : memref<10240xf32, #tpu.memory_space<hbm>> -> memref<640xf32, #tpu.memory_space<hbm>>
        %dma_start3A_58 = tpu.memref_slice %arg8[%add3A_47] : memref<10240xf32, #tpu.memory_space<hbm>> -> memref<640xf32, #tpu.memory_space<hbm>>
        %dma_start3A_59 = arith.constant 0 : i32
        %dma_start3A_60 = tpu.memref_slice %arg16[%dma_start3A_59] : memref<640xf32, #tpu.memory_space<vmem>> -> memref<640xf32, #tpu.memory_space<vmem>>
        tpu.enqueue_dma source(%dma_start3A_60 : memref<640xf32, #tpu.memory_space<vmem>>) target(%dma_start3A_58 : memref<640xf32, #tpu.memory_space<hbm>>) target_semaphore(%run_scoped3A : memref<!tpu.dma_semaphore, #tpu.memory_space<semaphore_mem>>)
        %dma_wait3A = arith.constant 0 : i32
        %dma_wait3A_61 = tpu.memref_slice %arg16[%dma_wait3A] : memref<640xf32, #tpu.memory_space<vmem>> -> memref<640xf32, #tpu.memory_space<vmem>>
        %dma_wait3A_62 = tpu.memref_slice %arg8[%add3A_47] : memref<10240xf32, #tpu.memory_space<hbm>> -> memref<640xf32, #tpu.memory_space<hbm>>
        %dma_wait3A_63 = tpu.memref_slice %arg8[%add3A_47] : memref<10240xf32, #tpu.memory_space<hbm>> -> memref<640xf32, #tpu.memory_space<hbm>>
        %dma_wait3A_64 = arith.constant 0 : i32
        %dma_wait3A_65 = tpu.memref_slice %arg16[%dma_wait3A_64] : memref<640xf32, #tpu.memory_space<vmem>> -> memref<640xf32, #tpu.memory_space<vmem>>
        tpu.wait_dma2 semaphore(%run_scoped3A : memref<!tpu.dma_semaphore, #tpu.memory_space<semaphore_mem>>) src(%dma_wait3A_65 : memref<640xf32, #tpu.memory_space<vmem>>) dst(%dma_wait3A_63 : memref<640xf32, #tpu.memory_space<hbm>>)
        tpu.yield
      }) : () -> ()
      %mul3A_48 = arith.constant 128 : i32
      %mul3A_49 = arith.muli %arg1, %mul3A_48 : i32
      %add3A_50 = arith.constant 0 : i32
      %add3A_51 = arith.addi %mul3A_49, %add3A_50 : i32
      "tpu.region"() ({
        %run_scoped3A = tpu.sem_alloc : memref<!tpu.dma_semaphore, #tpu.memory_space<semaphore_mem>>
        %dma_start3A = arith.constant 0 : i32
        %dma_start3A_56 = tpu.memref_slice %arg16[%dma_start3A] : memref<640xf32, #tpu.memory_space<vmem>> -> memref<128xf32, #tpu.memory_space<vmem>>
        %dma_start3A_57 = tpu.memref_slice %arg13[%add3A_51] : memref<2048xf32, #tpu.memory_space<vmem_shared>> -> memref<128xf32, #tpu.memory_space<vmem_shared>>
        %dma_start3A_58 = arith.constant 0 : i32
        %dma_start3A_59 = tpu.memref_slice %arg16[%dma_start3A_58] : memref<640xf32, #tpu.memory_space<vmem>> -> memref<128xf32, #tpu.memory_space<vmem>>
        %dma_start3A_60 = tpu.memref_slice %arg13[%add3A_51] : memref<2048xf32, #tpu.memory_space<vmem_shared>> -> memref<128xf32, #tpu.memory_space<vmem_shared>>
        tpu.enqueue_dma source(%dma_start3A_60 : memref<128xf32, #tpu.memory_space<vmem_shared>>) target(%dma_start3A_59 : memref<128xf32, #tpu.memory_space<vmem>>) target_semaphore(%run_scoped3A : memref<!tpu.dma_semaphore, #tpu.memory_space<semaphore_mem>>)
        %dma_wait3A = arith.constant 0 : i32
        %dma_wait3A_61 = tpu.memref_slice %arg16[%dma_wait3A] : memref<640xf32, #tpu.memory_space<vmem>> -> memref<128xf32, #tpu.memory_space<vmem>>
        %dma_wait3A_62 = tpu.memref_slice %arg13[%add3A_51] : memref<2048xf32, #tpu.memory_space<vmem_shared>> -> memref<128xf32, #tpu.memory_space<vmem_shared>>
        %dma_wait3A_63 = arith.constant 0 : i32
        %dma_wait3A_64 = tpu.memref_slice %arg16[%dma_wait3A_63] : memref<640xf32, #tpu.memory_space<vmem>> -> memref<128xf32, #tpu.memory_space<vmem>>
        %dma_wait3A_65 = tpu.memref_slice %arg13[%add3A_51] : memref<2048xf32, #tpu.memory_space<vmem_shared>> -> memref<128xf32, #tpu.memory_space<vmem_shared>>
        tpu.wait_dma2 semaphore(%run_scoped3A : memref<!tpu.dma_semaphore, #tpu.memory_space<semaphore_mem>>) src(%dma_wait3A_65 : memref<128xf32, #tpu.memory_space<vmem_shared>>) dst(%dma_wait3A_64 : memref<128xf32, #tpu.memory_space<vmem>>)
        tpu.yield
      }) : () -> ()
      %mul3A_52 = arith.constant 128 : i32
      %mul3A_53 = arith.muli %arg1, %mul3A_52 : i32
      %add3A_54 = arith.constant 0 : i32
      %add3A_55 = arith.addi %mul3A_53, %add3A_54 : i32
      "tpu.region"() ({
        %run_scoped3A = tpu.sem_alloc : memref<!tpu.dma_semaphore, #tpu.memory_space<semaphore_mem>>
        %dma_start3A = arith.constant 0 : i32
        %dma_start3A_56 = tpu.memref_slice %arg16[%dma_start3A] : memref<640xf32, #tpu.memory_space<vmem>> -> memref<128xf32, #tpu.memory_space<vmem>>
        %dma_start3A_57 = tpu.memref_slice %arg9[%add3A_55] : memref<2048xf32, #tpu.memory_space<hbm>> -> memref<128xf32, #tpu.memory_space<hbm>>
        %dma_start3A_58 = tpu.memref_slice %arg9[%add3A_55] : memref<2048xf32, #tpu.memory_space<hbm>> -> memref<128xf32, #tpu.memory_space<hbm>>
        %dma_start3A_59 = arith.constant 0 : i32
        %dma_start3A_60 = tpu.memref_slice %arg16[%dma_start3A_59] : memref<640xf32, #tpu.memory_space<vmem>> -> memref<128xf32, #tpu.memory_space<vmem>>
        tpu.enqueue_dma source(%dma_start3A_60 : memref<128xf32, #tpu.memory_space<vmem>>) target(%dma_start3A_58 : memref<128xf32, #tpu.memory_space<hbm>>) target_semaphore(%run_scoped3A : memref<!tpu.dma_semaphore, #tpu.memory_space<semaphore_mem>>)
        %dma_wait3A = arith.constant 0 : i32
        %dma_wait3A_61 = tpu.memref_slice %arg16[%dma_wait3A] : memref<640xf32, #tpu.memory_space<vmem>> -> memref<128xf32, #tpu.memory_space<vmem>>
        %dma_wait3A_62 = tpu.memref_slice %arg9[%add3A_55] : memref<2048xf32, #tpu.memory_space<hbm>> -> memref<128xf32, #tpu.memory_space<hbm>>
        %dma_wait3A_63 = tpu.memref_slice %arg9[%add3A_55] : memref<2048xf32, #tpu.memory_space<hbm>> -> memref<128xf32, #tpu.memory_space<hbm>>
        %dma_wait3A_64 = arith.constant 0 : i32
        %dma_wait3A_65 = tpu.memref_slice %arg16[%dma_wait3A_64] : memref<640xf32, #tpu.memory_space<vmem>> -> memref<128xf32, #tpu.memory_space<vmem>>
        tpu.wait_dma2 semaphore(%run_scoped3A : memref<!tpu.dma_semaphore, #tpu.memory_space<semaphore_mem>>) src(%dma_wait3A_65 : memref<128xf32, #tpu.memory_space<vmem>>) dst(%dma_wait3A_63 : memref<128xf32, #tpu.memory_space<hbm>>)
        tpu.yield
      }) : () -> ()
    } else {
    }
    return
  }
}

#map = affine_map<(d0, d1) -> (0, 0)>
module attributes {stable_mosaic.version = 14 : i64} {
  func.func @_agg_body(%arg0: i32, %arg1: i32, %arg2: memref<50000x128xf32, #tpu.memory_space<hbm>>, %arg3: memref<2560x128xi32, #tpu.memory_space<hbm>>, %arg4: memref<2560x128xi32, #tpu.memory_space<hbm>>, %arg5: memref<20480x128xf32, #tpu.memory_space<hbm>>, %arg6: memref<10240x128xf32, #tpu.memory_space<vmem_shared>>, %arg7: memref<40x128xi32, #tpu.memory_space<vmem>>, %arg8: memref<40x128xi32, #tpu.memory_space<vmem>>, %arg9: memref<128x128xf32, #tpu.memory_space<vmem>>, %arg10: memref<128x128xf32, #tpu.memory_space<vmem>>, %arg11: memref<!tpu.dma_semaphore, #tpu.memory_space<semaphore_mem>>, %arg12: memref<!tpu.dma_semaphore, #tpu.memory_space<semaphore_mem>>) attributes {dimension_semantics = [#tpu.dimension_semantics<core_parallel>, #tpu.dimension_semantics<subcore_parallel>], iteration_bounds = array<i64: 2, 16>, scalar_prefetch = 0 : i64, scratch_operands = 7 : i64, tpu.core_type = #tpu.core_type<sc_vector_subcore>, window_params = [{transform_indices = #map}, {transform_indices = #map}, {transform_indices = #map}, {transform_indices = #map}]} {
    %mul3A = arith.constant 2 : i32
    %mul3A_0 = arith.muli %arg1, %mul3A : i32
    %add3A = arith.addi %mul3A_0, %arg0 : i32
    %broadcast_in_dim3A = arith.constant 0.000000e+00 : f32
    %broadcast_in_dim3A_1 = vector.broadcast %broadcast_in_dim3A : f32 to vector<16xf32>
    %scan3A = arith.constant 0 : i32
    %scan3A_2 = arith.constant 0 : i32
    %scan3A_3 = arith.constant 128 : i32
    %scan3A_4 = arith.addi %scan3A_2, %scan3A_3 : i32
    %scan3A_5 = arith.constant 1 : i32
    scf.for %scan3A_130 = %scan3A_2 to %scan3A_4 step %scan3A_5  : i32 {
      %swap3A = arith.index_cast %scan3A_130 : i32 to index
      %swap3A_131 = arith.constant 0 : index
      %swap3A_132 = tpu.vector_load %arg9[%swap3A, %swap3A_131] {strides = array<i32>} : memref<128x128xf32, #tpu.memory_space<vmem>>, vector<1x16xf32>,
      %swap3A_133 = vector.shape_cast %swap3A_132 : vector<1x16xf32> to vector<16xf32>
      %swap3A_134 = vector.shape_cast %broadcast_in_dim3A_1 : vector<16xf32> to vector<1x16xf32>
      tpu.vector_store %arg9[%swap3A, %swap3A_131], %swap3A_134 {strides = array<i32>} : memref<128x128xf32, #tpu.memory_space<vmem>>, vector<1x16xf32>,
      %swap3A_135 = arith.index_cast %scan3A_130 : i32 to index
      %swap3A_136 = arith.constant 16 : index
      %swap3A_137 = tpu.vector_load %arg9[%swap3A_135, %swap3A_136] {strides = array<i32>} : memref<128x128xf32, #tpu.memory_space<vmem>>, vector<1x16xf32>,
      %swap3A_138 = vector.shape_cast %swap3A_137 : vector<1x16xf32> to vector<16xf32>
      %swap3A_139 = vector.shape_cast %broadcast_in_dim3A_1 : vector<16xf32> to vector<1x16xf32>
      tpu.vector_store %arg9[%swap3A_135, %swap3A_136], %swap3A_139 {strides = array<i32>} : memref<128x128xf32, #tpu.memory_space<vmem>>, vector<1x16xf32>,
      %swap3A_140 = arith.index_cast %scan3A_130 : i32 to index
      %swap3A_141 = arith.constant 32 : index
      %swap3A_142 = tpu.vector_load %arg9[%swap3A_140, %swap3A_141] {strides = array<i32>} : memref<128x128xf32, #tpu.memory_space<vmem>>, vector<1x16xf32>,
      %swap3A_143 = vector.shape_cast %swap3A_142 : vector<1x16xf32> to vector<16xf32>
      %swap3A_144 = vector.shape_cast %broadcast_in_dim3A_1 : vector<16xf32> to vector<1x16xf32>
      tpu.vector_store %arg9[%swap3A_140, %swap3A_141], %swap3A_144 {strides = array<i32>} : memref<128x128xf32, #tpu.memory_space<vmem>>, vector<1x16xf32>,
      %swap3A_145 = arith.index_cast %scan3A_130 : i32 to index
      %swap3A_146 = arith.constant 48 : index
      %swap3A_147 = tpu.vector_load %arg9[%swap3A_145, %swap3A_146] {strides = array<i32>} : memref<128x128xf32, #tpu.memory_space<vmem>>, vector<1x16xf32>,
      %swap3A_148 = vector.shape_cast %swap3A_147 : vector<1x16xf32> to vector<16xf32>
      %swap3A_149 = vector.shape_cast %broadcast_in_dim3A_1 : vector<16xf32> to vector<1x16xf32>
      tpu.vector_store %arg9[%swap3A_145, %swap3A_146], %swap3A_149 {strides = array<i32>} : memref<128x128xf32, #tpu.memory_space<vmem>>, vector<1x16xf32>,
      %swap3A_150 = arith.index_cast %scan3A_130 : i32 to index
      %swap3A_151 = arith.constant 64 : index
      %swap3A_152 = tpu.vector_load %arg9[%swap3A_150, %swap3A_151] {strides = array<i32>} : memref<128x128xf32, #tpu.memory_space<vmem>>, vector<1x16xf32>,
      %swap3A_153 = vector.shape_cast %swap3A_152 : vector<1x16xf32> to vector<16xf32>
      %swap3A_154 = vector.shape_cast %broadcast_in_dim3A_1 : vector<16xf32> to vector<1x16xf32>
      tpu.vector_store %arg9[%swap3A_150, %swap3A_151], %swap3A_154 {strides = array<i32>} : memref<128x128xf32, #tpu.memory_space<vmem>>, vector<1x16xf32>,
      %swap3A_155 = arith.index_cast %scan3A_130 : i32 to index
      %swap3A_156 = arith.constant 80 : index
      %swap3A_157 = tpu.vector_load %arg9[%swap3A_155, %swap3A_156] {strides = array<i32>} : memref<128x128xf32, #tpu.memory_space<vmem>>, vector<1x16xf32>,
      %swap3A_158 = vector.shape_cast %swap3A_157 : vector<1x16xf32> to vector<16xf32>
      %swap3A_159 = vector.shape_cast %broadcast_in_dim3A_1 : vector<16xf32> to vector<1x16xf32>
      tpu.vector_store %arg9[%swap3A_155, %swap3A_156], %swap3A_159 {strides = array<i32>} : memref<128x128xf32, #tpu.memory_space<vmem>>, vector<1x16xf32>,
      %swap3A_160 = arith.index_cast %scan3A_130 : i32 to index
      %swap3A_161 = arith.constant 96 : index
      %swap3A_162 = tpu.vector_load %arg9[%swap3A_160, %swap3A_161] {strides = array<i32>} : memref<128x128xf32, #tpu.memory_space<vmem>>, vector<1x16xf32>,
      %swap3A_163 = vector.shape_cast %swap3A_162 : vector<1x16xf32> to vector<16xf32>
      %swap3A_164 = vector.shape_cast %broadcast_in_dim3A_1 : vector<16xf32> to vector<1x16xf32>
      tpu.vector_store %arg9[%swap3A_160, %swap3A_161], %swap3A_164 {strides = array<i32>} : memref<128x128xf32, #tpu.memory_space<vmem>>, vector<1x16xf32>,
      %swap3A_165 = arith.index_cast %scan3A_130 : i32 to index
      %swap3A_166 = arith.constant 112 : index
      %swap3A_167 = tpu.vector_load %arg9[%swap3A_165, %swap3A_166] {strides = array<i32>} : memref<128x128xf32, #tpu.memory_space<vmem>>, vector<1x16xf32>,
      %swap3A_168 = vector.shape_cast %swap3A_167 : vector<1x16xf32> to vector<16xf32>
      %swap3A_169 = vector.shape_cast %broadcast_in_dim3A_1 : vector<16xf32> to vector<1x16xf32>
      tpu.vector_store %arg9[%swap3A_165, %swap3A_166], %swap3A_169 {strides = array<i32>} : memref<128x128xf32, #tpu.memory_space<vmem>>, vector<1x16xf32>,
    }
    %scan3A_6 = arith.constant 128 : i32
    %mul3A_7 = arith.constant 640 : i32
    %mul3A_8 = arith.muli %arg1, %mul3A_7 : i32
    %add3A_9 = arith.constant 0 : i32
    %add3A_10 = arith.addi %mul3A_8, %add3A_9 : i32
    "tpu.region"() ({
      %run_scoped3A = tpu.sem_alloc : memref<!tpu.dma_semaphore, #tpu.memory_space<semaphore_mem>>
      %dma_start3A_130 = arith.constant 0 : i32
      %dma_start3A_131 = tpu.memref_slice %arg6[%add3A_10, %dma_start3A_130] : memref<10240x128xf32, #tpu.memory_space<vmem_shared>> -> memref<128x128xf32, #tpu.memory_space<vmem_shared>>
      %dma_start3A_132 = arith.constant 0 : i32
      %dma_start3A_133 = tpu.memref_slice %arg6[%add3A_10, %dma_start3A_132] : memref<10240x128xf32, #tpu.memory_space<vmem_shared>> -> memref<128x128xf32, #tpu.memory_space<vmem_shared>>
      tpu.enqueue_dma source(%arg9 : memref<128x128xf32, #tpu.memory_space<vmem>>) target(%dma_start3A_133 : memref<128x128xf32, #tpu.memory_space<vmem_shared>>) target_semaphore(%run_scoped3A : memref<!tpu.dma_semaphore, #tpu.memory_space<semaphore_mem>>)
      %dma_wait3A = arith.constant 0 : i32
      %dma_wait3A_134 = tpu.memref_slice %arg6[%add3A_10, %dma_wait3A] : memref<10240x128xf32, #tpu.memory_space<vmem_shared>> -> memref<128x128xf32, #tpu.memory_space<vmem_shared>>
      %dma_wait3A_135 = arith.constant 0 : i32
      %dma_wait3A_136 = tpu.memref_slice %arg6[%add3A_10, %dma_wait3A_135] : memref<10240x128xf32, #tpu.memory_space<vmem_shared>> -> memref<128x128xf32, #tpu.memory_space<vmem_shared>>
      tpu.wait_dma2 semaphore(%run_scoped3A : memref<!tpu.dma_semaphore, #tpu.memory_space<semaphore_mem>>) src(%arg9 : memref<128x128xf32, #tpu.memory_space<vmem>>) dst(%dma_wait3A_136 : memref<128x128xf32, #tpu.memory_space<vmem_shared>>)
      tpu.yield
    }) : () -> ()
    %mul3A_11 = arith.constant 640 : i32
    %mul3A_12 = arith.muli %arg1, %mul3A_11 : i32
    %add3A_13 = arith.constant 128 : i32
    %add3A_14 = arith.addi %mul3A_12, %add3A_13 : i32
    "tpu.region"() ({
      %run_scoped3A = tpu.sem_alloc : memref<!tpu.dma_semaphore, #tpu.memory_space<semaphore_mem>>
      %dma_start3A_130 = arith.constant 0 : i32
      %dma_start3A_131 = tpu.memref_slice %arg6[%add3A_14, %dma_start3A_130] : memref<10240x128xf32, #tpu.memory_space<vmem_shared>> -> memref<128x128xf32, #tpu.memory_space<vmem_shared>>
      %dma_start3A_132 = arith.constant 0 : i32
      %dma_start3A_133 = tpu.memref_slice %arg6[%add3A_14, %dma_start3A_132] : memref<10240x128xf32, #tpu.memory_space<vmem_shared>> -> memref<128x128xf32, #tpu.memory_space<vmem_shared>>
      tpu.enqueue_dma source(%arg9 : memref<128x128xf32, #tpu.memory_space<vmem>>) target(%dma_start3A_133 : memref<128x128xf32, #tpu.memory_space<vmem_shared>>) target_semaphore(%run_scoped3A : memref<!tpu.dma_semaphore, #tpu.memory_space<semaphore_mem>>)
      %dma_wait3A = arith.constant 0 : i32
      %dma_wait3A_134 = tpu.memref_slice %arg6[%add3A_14, %dma_wait3A] : memref<10240x128xf32, #tpu.memory_space<vmem_shared>> -> memref<128x128xf32, #tpu.memory_space<vmem_shared>>
      %dma_wait3A_135 = arith.constant 0 : i32
      %dma_wait3A_136 = tpu.memref_slice %arg6[%add3A_14, %dma_wait3A_135] : memref<10240x128xf32, #tpu.memory_space<vmem_shared>> -> memref<128x128xf32, #tpu.memory_space<vmem_shared>>
      tpu.wait_dma2 semaphore(%run_scoped3A : memref<!tpu.dma_semaphore, #tpu.memory_space<semaphore_mem>>) src(%arg9 : memref<128x128xf32, #tpu.memory_space<vmem>>) dst(%dma_wait3A_136 : memref<128x128xf32, #tpu.memory_space<vmem_shared>>)
      tpu.yield
    }) : () -> ()
    %mul3A_15 = arith.constant 640 : i32
    %mul3A_16 = arith.muli %arg1, %mul3A_15 : i32
    %add3A_17 = arith.constant 256 : i32
    %add3A_18 = arith.addi %mul3A_16, %add3A_17 : i32
    "tpu.region"() ({
      %run_scoped3A = tpu.sem_alloc : memref<!tpu.dma_semaphore, #tpu.memory_space<semaphore_mem>>
      %dma_start3A_130 = arith.constant 0 : i32
      %dma_start3A_131 = tpu.memref_slice %arg6[%add3A_18, %dma_start3A_130] : memref<10240x128xf32, #tpu.memory_space<vmem_shared>> -> memref<128x128xf32, #tpu.memory_space<vmem_shared>>
      %dma_start3A_132 = arith.constant 0 : i32
      %dma_start3A_133 = tpu.memref_slice %arg6[%add3A_18, %dma_start3A_132] : memref<10240x128xf32, #tpu.memory_space<vmem_shared>> -> memref<128x128xf32, #tpu.memory_space<vmem_shared>>
      tpu.enqueue_dma source(%arg9 : memref<128x128xf32, #tpu.memory_space<vmem>>) target(%dma_start3A_133 : memref<128x128xf32, #tpu.memory_space<vmem_shared>>) target_semaphore(%run_scoped3A : memref<!tpu.dma_semaphore, #tpu.memory_space<semaphore_mem>>)
      %dma_wait3A = arith.constant 0 : i32
      %dma_wait3A_134 = tpu.memref_slice %arg6[%add3A_18, %dma_wait3A] : memref<10240x128xf32, #tpu.memory_space<vmem_shared>> -> memref<128x128xf32, #tpu.memory_space<vmem_shared>>
      %dma_wait3A_135 = arith.constant 0 : i32
      %dma_wait3A_136 = tpu.memref_slice %arg6[%add3A_18, %dma_wait3A_135] : memref<10240x128xf32, #tpu.memory_space<vmem_shared>> -> memref<128x128xf32, #tpu.memory_space<vmem_shared>>
      tpu.wait_dma2 semaphore(%run_scoped3A : memref<!tpu.dma_semaphore, #tpu.memory_space<semaphore_mem>>) src(%arg9 : memref<128x128xf32, #tpu.memory_space<vmem>>) dst(%dma_wait3A_136 : memref<128x128xf32, #tpu.memory_space<vmem_shared>>)
      tpu.yield
    }) : () -> ()
    %mul3A_19 = arith.constant 640 : i32
    %mul3A_20 = arith.muli %arg1, %mul3A_19 : i32
    %add3A_21 = arith.constant 384 : i32
    %add3A_22 = arith.addi %mul3A_20, %add3A_21 : i32
    "tpu.region"() ({
      %run_scoped3A = tpu.sem_alloc : memref<!tpu.dma_semaphore, #tpu.memory_space<semaphore_mem>>
      %dma_start3A_130 = arith.constant 0 : i32
      %dma_start3A_131 = tpu.memref_slice %arg6[%add3A_22, %dma_start3A_130] : memref<10240x128xf32, #tpu.memory_space<vmem_shared>> -> memref<128x128xf32, #tpu.memory_space<vmem_shared>>
      %dma_start3A_132 = arith.constant 0 : i32
      %dma_start3A_133 = tpu.memref_slice %arg6[%add3A_22, %dma_start3A_132] : memref<10240x128xf32, #tpu.memory_space<vmem_shared>> -> memref<128x128xf32, #tpu.memory_space<vmem_shared>>
      tpu.enqueue_dma source(%arg9 : memref<128x128xf32, #tpu.memory_space<vmem>>) target(%dma_start3A_133 : memref<128x128xf32, #tpu.memory_space<vmem_shared>>) target_semaphore(%run_scoped3A : memref<!tpu.dma_semaphore, #tpu.memory_space<semaphore_mem>>)
      %dma_wait3A = arith.constant 0 : i32
      %dma_wait3A_134 = tpu.memref_slice %arg6[%add3A_22, %dma_wait3A] : memref<10240x128xf32, #tpu.memory_space<vmem_shared>> -> memref<128x128xf32, #tpu.memory_space<vmem_shared>>
      %dma_wait3A_135 = arith.constant 0 : i32
      %dma_wait3A_136 = tpu.memref_slice %arg6[%add3A_22, %dma_wait3A_135] : memref<10240x128xf32, #tpu.memory_space<vmem_shared>> -> memref<128x128xf32, #tpu.memory_space<vmem_shared>>
      tpu.wait_dma2 semaphore(%run_scoped3A : memref<!tpu.dma_semaphore, #tpu.memory_space<semaphore_mem>>) src(%arg9 : memref<128x128xf32, #tpu.memory_space<vmem>>) dst(%dma_wait3A_136 : memref<128x128xf32, #tpu.memory_space<vmem_shared>>)
      tpu.yield
    }) : () -> ()
    %mul3A_23 = arith.constant 640 : i32
    %mul3A_24 = arith.muli %arg1, %mul3A_23 : i32
    %add3A_25 = arith.constant 512 : i32
    %add3A_26 = arith.addi %mul3A_24, %add3A_25 : i32
    "tpu.region"() ({
      %run_scoped3A = tpu.sem_alloc : memref<!tpu.dma_semaphore, #tpu.memory_space<semaphore_mem>>
      %dma_start3A_130 = arith.constant 0 : i32
      %dma_start3A_131 = tpu.memref_slice %arg6[%add3A_26, %dma_start3A_130] : memref<10240x128xf32, #tpu.memory_space<vmem_shared>> -> memref<128x128xf32, #tpu.memory_space<vmem_shared>>
      %dma_start3A_132 = arith.constant 0 : i32
      %dma_start3A_133 = tpu.memref_slice %arg6[%add3A_26, %dma_start3A_132] : memref<10240x128xf32, #tpu.memory_space<vmem_shared>> -> memref<128x128xf32, #tpu.memory_space<vmem_shared>>
      tpu.enqueue_dma source(%arg9 : memref<128x128xf32, #tpu.memory_space<vmem>>) target(%dma_start3A_133 : memref<128x128xf32, #tpu.memory_space<vmem_shared>>) target_semaphore(%run_scoped3A : memref<!tpu.dma_semaphore, #tpu.memory_space<semaphore_mem>>)
      %dma_wait3A = arith.constant 0 : i32
      %dma_wait3A_134 = tpu.memref_slice %arg6[%add3A_26, %dma_wait3A] : memref<10240x128xf32, #tpu.memory_space<vmem_shared>> -> memref<128x128xf32, #tpu.memory_space<vmem_shared>>
      %dma_wait3A_135 = arith.constant 0 : i32
      %dma_wait3A_136 = tpu.memref_slice %arg6[%add3A_26, %dma_wait3A_135] : memref<10240x128xf32, #tpu.memory_space<vmem_shared>> -> memref<128x128xf32, #tpu.memory_space<vmem_shared>>
      tpu.wait_dma2 semaphore(%run_scoped3A : memref<!tpu.dma_semaphore, #tpu.memory_space<semaphore_mem>>) src(%arg9 : memref<128x128xf32, #tpu.memory_space<vmem>>) dst(%dma_wait3A_136 : memref<128x128xf32, #tpu.memory_space<vmem_shared>>)
      tpu.yield
    }) : () -> ()
    %barrier3A = arith.constant 0 : index
    tpu.barrier barrier_id(%barrier3A)
    %mul3A_27 = arith.constant 80 : i32
    %mul3A_28 = arith.muli %add3A, %mul3A_27 : i32
    %add3A_29 = arith.constant 0 : i32
    %add3A_30 = arith.addi %mul3A_28, %add3A_29 : i32
    "tpu.region"() ({
      %run_scoped3A = tpu.sem_alloc : memref<!tpu.dma_semaphore, #tpu.memory_space<semaphore_mem>>
      %dma_start3A_130 = arith.constant 0 : i32
      %dma_start3A_131 = tpu.memref_slice %arg3[%add3A_30, %dma_start3A_130] : memref<2560x128xi32, #tpu.memory_space<hbm>> -> memref<40x128xi32, #tpu.memory_space<hbm>>
      %dma_start3A_132 = arith.constant 0 : i32
      %dma_start3A_133 = tpu.memref_slice %arg3[%add3A_30, %dma_start3A_132] : memref<2560x128xi32, #tpu.memory_space<hbm>> -> memref<40x128xi32, #tpu.memory_space<hbm>>
      tpu.enqueue_dma source(%dma_start3A_133 : memref<40x128xi32, #tpu.memory_space<hbm>>) target(%arg7 : memref<40x128xi32, #tpu.memory_space<vmem>>) target_semaphore(%run_scoped3A : memref<!tpu.dma_semaphore, #tpu.memory_space<semaphore_mem>>)
      %dma_wait3A = arith.constant 0 : i32
      %dma_wait3A_134 = tpu.memref_slice %arg3[%add3A_30, %dma_wait3A] : memref<2560x128xi32, #tpu.memory_space<hbm>> -> memref<40x128xi32, #tpu.memory_space<hbm>>
      %dma_wait3A_135 = arith.constant 0 : i32
      %dma_wait3A_136 = tpu.memref_slice %arg3[%add3A_30, %dma_wait3A_135] : memref<2560x128xi32, #tpu.memory_space<hbm>> -> memref<40x128xi32, #tpu.memory_space<hbm>>
      tpu.wait_dma2 semaphore(%run_scoped3A : memref<!tpu.dma_semaphore, #tpu.memory_space<semaphore_mem>>) src(%dma_wait3A_136 : memref<40x128xi32, #tpu.memory_space<hbm>>) dst(%arg7 : memref<40x128xi32, #tpu.memory_space<vmem>>)
      tpu.yield
    }) : () -> ()
    "tpu.region"() ({
      %run_scoped3A = tpu.sem_alloc : memref<!tpu.dma_semaphore, #tpu.memory_space<semaphore_mem>>
      %dma_start3A_130 = arith.constant 0 : i32
      %dma_start3A_131 = tpu.memref_slice %arg4[%add3A_30, %dma_start3A_130] : memref<2560x128xi32, #tpu.memory_space<hbm>> -> memref<40x128xi32, #tpu.memory_space<hbm>>
      %dma_start3A_132 = arith.constant 0 : i32
      %dma_start3A_133 = tpu.memref_slice %arg4[%add3A_30, %dma_start3A_132] : memref<2560x128xi32, #tpu.memory_space<hbm>> -> memref<40x128xi32, #tpu.memory_space<hbm>>
      tpu.enqueue_dma source(%dma_start3A_133 : memref<40x128xi32, #tpu.memory_space<hbm>>) target(%arg8 : memref<40x128xi32, #tpu.memory_space<vmem>>) target_semaphore(%run_scoped3A : memref<!tpu.dma_semaphore, #tpu.memory_space<semaphore_mem>>)
      %dma_wait3A = arith.constant 0 : i32
      %dma_wait3A_134 = tpu.memref_slice %arg4[%add3A_30, %dma_wait3A] : memref<2560x128xi32, #tpu.memory_space<hbm>> -> memref<40x128xi32, #tpu.memory_space<hbm>>
      %dma_wait3A_135 = arith.constant 0 : i32
      %dma_wait3A_136 = tpu.memref_slice %arg4[%add3A_30, %dma_wait3A_135] : memref<2560x128xi32, #tpu.memory_space<hbm>> -> memref<40x128xi32, #tpu.memory_space<hbm>>
      tpu.wait_dma2 semaphore(%run_scoped3A : memref<!tpu.dma_semaphore, #tpu.memory_space<semaphore_mem>>) src(%dma_wait3A_136 : memref<40x128xi32, #tpu.memory_space<hbm>>) dst(%arg8 : memref<40x128xi32, #tpu.memory_space<vmem>>)
      tpu.yield
    }) : () -> ()
    %dma_start3A = arith.constant 0 : i32
    %dma_start3A_31 = arith.constant 0 : i32
    %dma_start3A_32 = tpu.memref_slice %arg7[%dma_start3A, %dma_start3A_31] : memref<40x128xi32, #tpu.memory_space<vmem>> -> memref<1x128xi32, #tpu.memory_space<vmem>>
    %dma_start3A_33 = tpu.memref_squeeze %dma_start3A_32 : memref<1x128xi32, #tpu.memory_space<vmem>> -> memref<128xi32, #tpu.memory_space<vmem>>
    %dma_start3A_34 = arith.constant 0 : i32
    %dma_start3A_35 = arith.constant 0 : i32
    %dma_start3A_36 = tpu.memref_slice %arg2[%dma_start3A_34, %dma_start3A_35] : memref<50000x128xf32, #tpu.memory_space<hbm>> -> memref<50000x128xf32, #tpu.memory_space<hbm>>
    tpu.enqueue_indirect_dma source(%dma_start3A_36 : memref<50000x128xf32, #tpu.memory_space<hbm>>) target(%arg9 : memref<128x128xf32, #tpu.memory_space<vmem>>) offsets(%dma_start3A_33 : memref<128xi32, #tpu.memory_space<vmem>>) semaphore(%arg11 : memref<!tpu.dma_semaphore, #tpu.memory_space<semaphore_mem>>)
    %dma_start3A_37 = arith.constant 1 : i32
    %dma_start3A_38 = arith.constant 0 : i32
    %dma_start3A_39 = tpu.memref_slice %arg7[%dma_start3A_37, %dma_start3A_38] : memref<40x128xi32, #tpu.memory_space<vmem>> -> memref<1x128xi32, #tpu.memory_space<vmem>>
    %dma_start3A_40 = tpu.memref_squeeze %dma_start3A_39 : memref<1x128xi32, #tpu.memory_space<vmem>> -> memref<128xi32, #tpu.memory_space<vmem>>
    %dma_start3A_41 = arith.constant 0 : i32
    %dma_start3A_42 = arith.constant 0 : i32
    %dma_start3A_43 = tpu.memref_slice %arg2[%dma_start3A_41, %dma_start3A_42] : memref<50000x128xf32, #tpu.memory_space<hbm>> -> memref<50000x128xf32, #tpu.memory_space<hbm>>
    tpu.enqueue_indirect_dma source(%dma_start3A_43 : memref<50000x128xf32, #tpu.memory_space<hbm>>) target(%arg10 : memref<128x128xf32, #tpu.memory_space<vmem>>) offsets(%dma_start3A_40 : memref<128xi32, #tpu.memory_space<vmem>>) semaphore(%arg12 : memref<!tpu.dma_semaphore, #tpu.memory_space<semaphore_mem>>)
    %scan3A_44 = arith.constant 0 : i32
    %scan3A_45 = arith.constant 0 : i32
    %scan3A_46 = arith.constant 20 : i32
    %scan3A_47 = arith.addi %scan3A_45, %scan3A_46 : i32
    %scan3A_48 = arith.constant 1 : i32
    scf.for %scan3A_130 = %scan3A_45 to %scan3A_47 step %scan3A_48  : i32 {
      %mul3A_131 = arith.constant 2 : i32
      %mul3A_132 = arith.muli %scan3A_130, %mul3A_131 : i32
      %add3A_133 = arith.constant 0 : i32
      %add3A_134 = arith.addi %mul3A_132, %add3A_133 : i32
      %dma_wait3A = arith.constant 0 : i32
      %dma_wait3A_135 = tpu.memref_slice %arg7[%add3A_134, %dma_wait3A] : memref<40x128xi32, #tpu.memory_space<vmem>> -> memref<1x128xi32, #tpu.memory_space<vmem>>
      %dma_wait3A_136 = tpu.memref_squeeze %dma_wait3A_135 : memref<1x128xi32, #tpu.memory_space<vmem>> -> memref<128xi32, #tpu.memory_space<vmem>>
      %dma_wait3A_137 = arith.constant 0 : i32
      %dma_wait3A_138 = arith.constant 0 : i32
      %dma_wait3A_139 = tpu.memref_slice %arg2[%dma_wait3A_137, %dma_wait3A_138] : memref<50000x128xf32, #tpu.memory_space<hbm>> -> memref<50000x128xf32, #tpu.memory_space<hbm>>
      tpu.wait_indirect_dma semaphore(%arg11 : memref<!tpu.dma_semaphore, #tpu.memory_space<semaphore_mem>>) src(%dma_wait3A_139 : memref<50000x128xf32, #tpu.memory_space<hbm>>) dst(%arg9 : memref<128x128xf32, #tpu.memory_space<vmem>>)
      "tpu.region"() ({
        %run_scoped3A = tpu.sem_alloc : memref<!tpu.dma_semaphore, #tpu.memory_space<semaphore_mem>>
        %dma_start3A_157 = arith.constant 0 : i32
        %dma_start3A_158 = tpu.memref_slice %arg8[%add3A_134, %dma_start3A_157] : memref<40x128xi32, #tpu.memory_space<vmem>> -> memref<1x128xi32, #tpu.memory_space<vmem>>
        %dma_start3A_159 = tpu.memref_squeeze %dma_start3A_158 : memref<1x128xi32, #tpu.memory_space<vmem>> -> memref<128xi32, #tpu.memory_space<vmem>>
        %dma_start3A_160 = arith.constant 0 : i32
        %dma_start3A_161 = arith.constant 0 : i32
        %dma_start3A_162 = tpu.memref_slice %arg6[%dma_start3A_160, %dma_start3A_161] : memref<10240x128xf32, #tpu.memory_space<vmem_shared>> -> memref<10240x128xf32, #tpu.memory_space<vmem_shared>>
        tpu.enqueue_indirect_dma source(%arg9 : memref<128x128xf32, #tpu.memory_space<vmem>>) target(%dma_start3A_162 : memref<10240x128xf32, #tpu.memory_space<vmem_shared>>) offsets(%dma_start3A_159 : memref<128xi32, #tpu.memory_space<vmem>>) semaphore(%run_scoped3A : memref<!tpu.dma_semaphore, #tpu.memory_space<semaphore_mem>>) {add = true}
        %dma_wait3A_163 = arith.constant 0 : i32
        %dma_wait3A_164 = tpu.memref_slice %arg8[%add3A_134, %dma_wait3A_163] : memref<40x128xi32, #tpu.memory_space<vmem>> -> memref<1x128xi32, #tpu.memory_space<vmem>>
        %dma_wait3A_165 = tpu.memref_squeeze %dma_wait3A_164 : memref<1x128xi32, #tpu.memory_space<vmem>> -> memref<128xi32, #tpu.memory_space<vmem>>
        %dma_wait3A_166 = arith.constant 0 : i32
        %dma_wait3A_167 = arith.constant 0 : i32
        %dma_wait3A_168 = tpu.memref_slice %arg6[%dma_wait3A_166, %dma_wait3A_167] : memref<10240x128xf32, #tpu.memory_space<vmem_shared>> -> memref<10240x128xf32, #tpu.memory_space<vmem_shared>>
        tpu.wait_indirect_dma semaphore(%run_scoped3A : memref<!tpu.dma_semaphore, #tpu.memory_space<semaphore_mem>>) src(%arg9 : memref<128x128xf32, #tpu.memory_space<vmem>>) dst(%dma_wait3A_168 : memref<10240x128xf32, #tpu.memory_space<vmem_shared>>)
        tpu.yield
      }) : () -> ()
      %lt3A = arith.constant 19 : i32
      %lt3A_140 = arith.cmpi slt, %scan3A_130, %lt3A : i32
      %convert_element_type3A = arith.extui %lt3A_140 : i1 to i32
      %cond3A = arith.constant 0 : i32
      %cond3A_141 = arith.cmpi ne, %convert_element_type3A, %cond3A : i32
      scf.if %cond3A_141 {
        %add3A_157 = arith.constant 2 : i32
        %add3A_158 = arith.addi %add3A_134, %add3A_157 : i32
        %dma_start3A_159 = arith.constant 0 : i32
        %dma_start3A_160 = tpu.memref_slice %arg7[%add3A_158, %dma_start3A_159] : memref<40x128xi32, #tpu.memory_space<vmem>> -> memref<1x128xi32, #tpu.memory_space<vmem>>
        %dma_start3A_161 = tpu.memref_squeeze %dma_start3A_160 : memref<1x128xi32, #tpu.memory_space<vmem>> -> memref<128xi32, #tpu.memory_space<vmem>>
        %dma_start3A_162 = arith.constant 0 : i32
        %dma_start3A_163 = arith.constant 0 : i32
        %dma_start3A_164 = tpu.memref_slice %arg2[%dma_start3A_162, %dma_start3A_163] : memref<50000x128xf32, #tpu.memory_space<hbm>> -> memref<50000x128xf32, #tpu.memory_space<hbm>>
        tpu.enqueue_indirect_dma source(%dma_start3A_164 : memref<50000x128xf32, #tpu.memory_space<hbm>>) target(%arg9 : memref<128x128xf32, #tpu.memory_space<vmem>>) offsets(%dma_start3A_161 : memref<128xi32, #tpu.memory_space<vmem>>) semaphore(%arg11 : memref<!tpu.dma_semaphore, #tpu.memory_space<semaphore_mem>>)
      } else {
      }
      %mul3A_142 = arith.constant 2 : i32
      %mul3A_143 = arith.muli %scan3A_130, %mul3A_142 : i32
      %add3A_144 = arith.constant 1 : i32
      %add3A_145 = arith.addi %mul3A_143, %add3A_144 : i32
      %dma_wait3A_146 = arith.constant 0 : i32
      %dma_wait3A_147 = tpu.memref_slice %arg7[%add3A_145, %dma_wait3A_146] : memref<40x128xi32, #tpu.memory_space<vmem>> -> memref<1x128xi32, #tpu.memory_space<vmem>>
      %dma_wait3A_148 = tpu.memref_squeeze %dma_wait3A_147 : memref<1x128xi32, #tpu.memory_space<vmem>> -> memref<128xi32, #tpu.memory_space<vmem>>
      %dma_wait3A_149 = arith.constant 0 : i32
      %dma_wait3A_150 = arith.constant 0 : i32
      %dma_wait3A_151 = tpu.memref_slice %arg2[%dma_wait3A_149, %dma_wait3A_150] : memref<50000x128xf32, #tpu.memory_space<hbm>> -> memref<50000x128xf32, #tpu.memory_space<hbm>>
      tpu.wait_indirect_dma semaphore(%arg12 : memref<!tpu.dma_semaphore, #tpu.memory_space<semaphore_mem>>) src(%dma_wait3A_151 : memref<50000x128xf32, #tpu.memory_space<hbm>>) dst(%arg10 : memref<128x128xf32, #tpu.memory_space<vmem>>)
      "tpu.region"() ({
        %run_scoped3A = tpu.sem_alloc : memref<!tpu.dma_semaphore, #tpu.memory_space<semaphore_mem>>
        %dma_start3A_157 = arith.constant 0 : i32
        %dma_start3A_158 = tpu.memref_slice %arg8[%add3A_145, %dma_start3A_157] : memref<40x128xi32, #tpu.memory_space<vmem>> -> memref<1x128xi32, #tpu.memory_space<vmem>>
        %dma_start3A_159 = tpu.memref_squeeze %dma_start3A_158 : memref<1x128xi32, #tpu.memory_space<vmem>> -> memref<128xi32, #tpu.memory_space<vmem>>
        %dma_start3A_160 = arith.constant 0 : i32
        %dma_start3A_161 = arith.constant 0 : i32
        %dma_start3A_162 = tpu.memref_slice %arg6[%dma_start3A_160, %dma_start3A_161] : memref<10240x128xf32, #tpu.memory_space<vmem_shared>> -> memref<10240x128xf32, #tpu.memory_space<vmem_shared>>
        tpu.enqueue_indirect_dma source(%arg10 : memref<128x128xf32, #tpu.memory_space<vmem>>) target(%dma_start3A_162 : memref<10240x128xf32, #tpu.memory_space<vmem_shared>>) offsets(%dma_start3A_159 : memref<128xi32, #tpu.memory_space<vmem>>) semaphore(%run_scoped3A : memref<!tpu.dma_semaphore, #tpu.memory_space<semaphore_mem>>) {add = true}
        %dma_wait3A_163 = arith.constant 0 : i32
        %dma_wait3A_164 = tpu.memref_slice %arg8[%add3A_145, %dma_wait3A_163] : memref<40x128xi32, #tpu.memory_space<vmem>> -> memref<1x128xi32, #tpu.memory_space<vmem>>
        %dma_wait3A_165 = tpu.memref_squeeze %dma_wait3A_164 : memref<1x128xi32, #tpu.memory_space<vmem>> -> memref<128xi32, #tpu.memory_space<vmem>>
        %dma_wait3A_166 = arith.constant 0 : i32
        %dma_wait3A_167 = arith.constant 0 : i32
        %dma_wait3A_168 = tpu.memref_slice %arg6[%dma_wait3A_166, %dma_wait3A_167] : memref<10240x128xf32, #tpu.memory_space<vmem_shared>> -> memref<10240x128xf32, #tpu.memory_space<vmem_shared>>
        tpu.wait_indirect_dma semaphore(%run_scoped3A : memref<!tpu.dma_semaphore, #tpu.memory_space<semaphore_mem>>) src(%arg10 : memref<128x128xf32, #tpu.memory_space<vmem>>) dst(%dma_wait3A_168 : memref<10240x128xf32, #tpu.memory_space<vmem_shared>>)
        tpu.yield
      }) : () -> ()
      %lt3A_152 = arith.constant 19 : i32
      %lt3A_153 = arith.cmpi slt, %scan3A_130, %lt3A_152 : i32
      %convert_element_type3A_154 = arith.extui %lt3A_153 : i1 to i32
      %cond3A_155 = arith.constant 0 : i32
      %cond3A_156 = arith.cmpi ne, %convert_element_type3A_154, %cond3A_155 : i32
      scf.if %cond3A_156 {
        %add3A_157 = arith.constant 2 : i32
        %add3A_158 = arith.addi %add3A_145, %add3A_157 : i32
        %dma_start3A_159 = arith.constant 0 : i32
        %dma_start3A_160 = tpu.memref_slice %arg7[%add3A_158, %dma_start3A_159] : memref<40x128xi32, #tpu.memory_space<vmem>> -> memref<1x128xi32, #tpu.memory_space<vmem>>
        %dma_start3A_161 = tpu.memref_squeeze %dma_start3A_160 : memref<1x128xi32, #tpu.memory_space<vmem>> -> memref<128xi32, #tpu.memory_space<vmem>>
        %dma_start3A_162 = arith.constant 0 : i32
        %dma_start3A_163 = arith.constant 0 : i32
        %dma_start3A_164 = tpu.memref_slice %arg2[%dma_start3A_162, %dma_start3A_163] : memref<50000x128xf32, #tpu.memory_space<hbm>> -> memref<50000x128xf32, #tpu.memory_space<hbm>>
        tpu.enqueue_indirect_dma source(%dma_start3A_164 : memref<50000x128xf32, #tpu.memory_space<hbm>>) target(%arg10 : memref<128x128xf32, #tpu.memory_space<vmem>>) offsets(%dma_start3A_161 : memref<128xi32, #tpu.memory_space<vmem>>) semaphore(%arg12 : memref<!tpu.dma_semaphore, #tpu.memory_space<semaphore_mem>>)
      } else {
      }
    }
    %scan3A_49 = arith.constant 20 : i32
    %mul3A_50 = arith.constant 80 : i32
    %mul3A_51 = arith.muli %add3A, %mul3A_50 : i32
    %add3A_52 = arith.constant 40 : i32
    %add3A_53 = arith.addi %mul3A_51, %add3A_52 : i32
    "tpu.region"() ({
      %run_scoped3A = tpu.sem_alloc : memref<!tpu.dma_semaphore, #tpu.memory_space<semaphore_mem>>
      %dma_start3A_130 = arith.constant 0 : i32
      %dma_start3A_131 = tpu.memref_slice %arg3[%add3A_53, %dma_start3A_130] : memref<2560x128xi32, #tpu.memory_space<hbm>> -> memref<40x128xi32, #tpu.memory_space<hbm>>
      %dma_start3A_132 = arith.constant 0 : i32
      %dma_start3A_133 = tpu.memref_slice %arg3[%add3A_53, %dma_start3A_132] : memref<2560x128xi32, #tpu.memory_space<hbm>> -> memref<40x128xi32, #tpu.memory_space<hbm>>
      tpu.enqueue_dma source(%dma_start3A_133 : memref<40x128xi32, #tpu.memory_space<hbm>>) target(%arg7 : memref<40x128xi32, #tpu.memory_space<vmem>>) target_semaphore(%run_scoped3A : memref<!tpu.dma_semaphore, #tpu.memory_space<semaphore_mem>>)
      %dma_wait3A = arith.constant 0 : i32
      %dma_wait3A_134 = tpu.memref_slice %arg3[%add3A_53, %dma_wait3A] : memref<2560x128xi32, #tpu.memory_space<hbm>> -> memref<40x128xi32, #tpu.memory_space<hbm>>
      %dma_wait3A_135 = arith.constant 0 : i32
      %dma_wait3A_136 = tpu.memref_slice %arg3[%add3A_53, %dma_wait3A_135] : memref<2560x128xi32, #tpu.memory_space<hbm>> -> memref<40x128xi32, #tpu.memory_space<hbm>>
      tpu.wait_dma2 semaphore(%run_scoped3A : memref<!tpu.dma_semaphore, #tpu.memory_space<semaphore_mem>>) src(%dma_wait3A_136 : memref<40x128xi32, #tpu.memory_space<hbm>>) dst(%arg7 : memref<40x128xi32, #tpu.memory_space<vmem>>)
      tpu.yield
    }) : () -> ()
    "tpu.region"() ({
      %run_scoped3A = tpu.sem_alloc : memref<!tpu.dma_semaphore, #tpu.memory_space<semaphore_mem>>
      %dma_start3A_130 = arith.constant 0 : i32
      %dma_start3A_131 = tpu.memref_slice %arg4[%add3A_53, %dma_start3A_130] : memref<2560x128xi32, #tpu.memory_space<hbm>> -> memref<40x128xi32, #tpu.memory_space<hbm>>
      %dma_start3A_132 = arith.constant 0 : i32
      %dma_start3A_133 = tpu.memref_slice %arg4[%add3A_53, %dma_start3A_132] : memref<2560x128xi32, #tpu.memory_space<hbm>> -> memref<40x128xi32, #tpu.memory_space<hbm>>
      tpu.enqueue_dma source(%dma_start3A_133 : memref<40x128xi32, #tpu.memory_space<hbm>>) target(%arg8 : memref<40x128xi32, #tpu.memory_space<vmem>>) target_semaphore(%run_scoped3A : memref<!tpu.dma_semaphore, #tpu.memory_space<semaphore_mem>>)
      %dma_wait3A = arith.constant 0 : i32
      %dma_wait3A_134 = tpu.memref_slice %arg4[%add3A_53, %dma_wait3A] : memref<2560x128xi32, #tpu.memory_space<hbm>> -> memref<40x128xi32, #tpu.memory_space<hbm>>
      %dma_wait3A_135 = arith.constant 0 : i32
      %dma_wait3A_136 = tpu.memref_slice %arg4[%add3A_53, %dma_wait3A_135] : memref<2560x128xi32, #tpu.memory_space<hbm>> -> memref<40x128xi32, #tpu.memory_space<hbm>>
      tpu.wait_dma2 semaphore(%run_scoped3A : memref<!tpu.dma_semaphore, #tpu.memory_space<semaphore_mem>>) src(%dma_wait3A_136 : memref<40x128xi32, #tpu.memory_space<hbm>>) dst(%arg8 : memref<40x128xi32, #tpu.memory_space<vmem>>)
      tpu.yield
    }) : () -> ()
    %dma_start3A_54 = arith.constant 0 : i32
    %dma_start3A_55 = arith.constant 0 : i32
    %dma_start3A_56 = tpu.memref_slice %arg7[%dma_start3A_54, %dma_start3A_55] : memref<40x128xi32, #tpu.memory_space<vmem>> -> memref<1x128xi32, #tpu.memory_space<vmem>>
    %dma_start3A_57 = tpu.memref_squeeze %dma_start3A_56 : memref<1x128xi32, #tpu.memory_space<vmem>> -> memref<128xi32, #tpu.memory_space<vmem>>
    %dma_start3A_58 = arith.constant 0 : i32
    %dma_start3A_59 = arith.constant 0 : i32
    %dma_start3A_60 = tpu.memref_slice %arg2[%dma_start3A_58, %dma_start3A_59] : memref<50000x128xf32, #tpu.memory_space<hbm>> -> memref<50000x128xf32, #tpu.memory_space<hbm>>
    tpu.enqueue_indirect_dma source(%dma_start3A_60 : memref<50000x128xf32, #tpu.memory_space<hbm>>) target(%arg9 : memref<128x128xf32, #tpu.memory_space<vmem>>) offsets(%dma_start3A_57 : memref<128xi32, #tpu.memory_space<vmem>>) semaphore(%arg11 : memref<!tpu.dma_semaphore, #tpu.memory_space<semaphore_mem>>)
    %dma_start3A_61 = arith.constant 1 : i32
    %dma_start3A_62 = arith.constant 0 : i32
    %dma_start3A_63 = tpu.memref_slice %arg7[%dma_start3A_61, %dma_start3A_62] : memref<40x128xi32, #tpu.memory_space<vmem>> -> memref<1x128xi32, #tpu.memory_space<vmem>>
    %dma_start3A_64 = tpu.memref_squeeze %dma_start3A_63 : memref<1x128xi32, #tpu.memory_space<vmem>> -> memref<128xi32, #tpu.memory_space<vmem>>
    %dma_start3A_65 = arith.constant 0 : i32
    %dma_start3A_66 = arith.constant 0 : i32
    %dma_start3A_67 = tpu.memref_slice %arg2[%dma_start3A_65, %dma_start3A_66] : memref<50000x128xf32, #tpu.memory_space<hbm>> -> memref<50000x128xf32, #tpu.memory_space<hbm>>
    tpu.enqueue_indirect_dma source(%dma_start3A_67 : memref<50000x128xf32, #tpu.memory_space<hbm>>) target(%arg10 : memref<128x128xf32, #tpu.memory_space<vmem>>) offsets(%dma_start3A_64 : memref<128xi32, #tpu.memory_space<vmem>>) semaphore(%arg12 : memref<!tpu.dma_semaphore, #tpu.memory_space<semaphore_mem>>)
    %scan3A_68 = arith.constant 0 : i32
    %scan3A_69 = arith.constant 0 : i32
    %scan3A_70 = arith.constant 20 : i32
    %scan3A_71 = arith.addi %scan3A_69, %scan3A_70 : i32
    %scan3A_72 = arith.constant 1 : i32
    scf.for %scan3A_130 = %scan3A_69 to %scan3A_71 step %scan3A_72  : i32 {
      %mul3A_131 = arith.constant 2 : i32
      %mul3A_132 = arith.muli %scan3A_130, %mul3A_131 : i32
      %add3A_133 = arith.constant 0 : i32
      %add3A_134 = arith.addi %mul3A_132, %add3A_133 : i32
      %dma_wait3A = arith.constant 0 : i32
      %dma_wait3A_135 = tpu.memref_slice %arg7[%add3A_134, %dma_wait3A] : memref<40x128xi32, #tpu.memory_space<vmem>> -> memref<1x128xi32, #tpu.memory_space<vmem>>
      %dma_wait3A_136 = tpu.memref_squeeze %dma_wait3A_135 : memref<1x128xi32, #tpu.memory_space<vmem>> -> memref<128xi32, #tpu.memory_space<vmem>>
      %dma_wait3A_137 = arith.constant 0 : i32
      %dma_wait3A_138 = arith.constant 0 : i32
      %dma_wait3A_139 = tpu.memref_slice %arg2[%dma_wait3A_137, %dma_wait3A_138] : memref<50000x128xf32, #tpu.memory_space<hbm>> -> memref<50000x128xf32, #tpu.memory_space<hbm>>
      tpu.wait_indirect_dma semaphore(%arg11 : memref<!tpu.dma_semaphore, #tpu.memory_space<semaphore_mem>>) src(%dma_wait3A_139 : memref<50000x128xf32, #tpu.memory_space<hbm>>) dst(%arg9 : memref<128x128xf32, #tpu.memory_space<vmem>>)
      "tpu.region"() ({
        %run_scoped3A = tpu.sem_alloc : memref<!tpu.dma_semaphore, #tpu.memory_space<semaphore_mem>>
        %dma_start3A_157 = arith.constant 0 : i32
        %dma_start3A_158 = tpu.memref_slice %arg8[%add3A_134, %dma_start3A_157] : memref<40x128xi32, #tpu.memory_space<vmem>> -> memref<1x128xi32, #tpu.memory_space<vmem>>
        %dma_start3A_159 = tpu.memref_squeeze %dma_start3A_158 : memref<1x128xi32, #tpu.memory_space<vmem>> -> memref<128xi32, #tpu.memory_space<vmem>>
        %dma_start3A_160 = arith.constant 0 : i32
        %dma_start3A_161 = arith.constant 0 : i32
        %dma_start3A_162 = tpu.memref_slice %arg6[%dma_start3A_160, %dma_start3A_161] : memref<10240x128xf32, #tpu.memory_space<vmem_shared>> -> memref<10240x128xf32, #tpu.memory_space<vmem_shared>>
        tpu.enqueue_indirect_dma source(%arg9 : memref<128x128xf32, #tpu.memory_space<vmem>>) target(%dma_start3A_162 : memref<10240x128xf32, #tpu.memory_space<vmem_shared>>) offsets(%dma_start3A_159 : memref<128xi32, #tpu.memory_space<vmem>>) semaphore(%run_scoped3A : memref<!tpu.dma_semaphore, #tpu.memory_space<semaphore_mem>>) {add = true}
        %dma_wait3A_163 = arith.constant 0 : i32
        %dma_wait3A_164 = tpu.memref_slice %arg8[%add3A_134, %dma_wait3A_163] : memref<40x128xi32, #tpu.memory_space<vmem>> -> memref<1x128xi32, #tpu.memory_space<vmem>>
        %dma_wait3A_165 = tpu.memref_squeeze %dma_wait3A_164 : memref<1x128xi32, #tpu.memory_space<vmem>> -> memref<128xi32, #tpu.memory_space<vmem>>
        %dma_wait3A_166 = arith.constant 0 : i32
        %dma_wait3A_167 = arith.constant 0 : i32
        %dma_wait3A_168 = tpu.memref_slice %arg6[%dma_wait3A_166, %dma_wait3A_167] : memref<10240x128xf32, #tpu.memory_space<vmem_shared>> -> memref<10240x128xf32, #tpu.memory_space<vmem_shared>>
        tpu.wait_indirect_dma semaphore(%run_scoped3A : memref<!tpu.dma_semaphore, #tpu.memory_space<semaphore_mem>>) src(%arg9 : memref<128x128xf32, #tpu.memory_space<vmem>>) dst(%dma_wait3A_168 : memref<10240x128xf32, #tpu.memory_space<vmem_shared>>)
        tpu.yield
      }) : () -> ()
      %lt3A = arith.constant 19 : i32
      %lt3A_140 = arith.cmpi slt, %scan3A_130, %lt3A : i32
      %convert_element_type3A = arith.extui %lt3A_140 : i1 to i32
      %cond3A = arith.constant 0 : i32
      %cond3A_141 = arith.cmpi ne, %convert_element_type3A, %cond3A : i32
      scf.if %cond3A_141 {
        %add3A_157 = arith.constant 2 : i32
        %add3A_158 = arith.addi %add3A_134, %add3A_157 : i32
        %dma_start3A_159 = arith.constant 0 : i32
        %dma_start3A_160 = tpu.memref_slice %arg7[%add3A_158, %dma_start3A_159] : memref<40x128xi32, #tpu.memory_space<vmem>> -> memref<1x128xi32, #tpu.memory_space<vmem>>
        %dma_start3A_161 = tpu.memref_squeeze %dma_start3A_160 : memref<1x128xi32, #tpu.memory_space<vmem>> -> memref<128xi32, #tpu.memory_space<vmem>>
        %dma_start3A_162 = arith.constant 0 : i32
        %dma_start3A_163 = arith.constant 0 : i32
        %dma_start3A_164 = tpu.memref_slice %arg2[%dma_start3A_162, %dma_start3A_163] : memref<50000x128xf32, #tpu.memory_space<hbm>> -> memref<50000x128xf32, #tpu.memory_space<hbm>>
        tpu.enqueue_indirect_dma source(%dma_start3A_164 : memref<50000x128xf32, #tpu.memory_space<hbm>>) target(%arg9 : memref<128x128xf32, #tpu.memory_space<vmem>>) offsets(%dma_start3A_161 : memref<128xi32, #tpu.memory_space<vmem>>) semaphore(%arg11 : memref<!tpu.dma_semaphore, #tpu.memory_space<semaphore_mem>>)
      } else {
      }
      %mul3A_142 = arith.constant 2 : i32
      %mul3A_143 = arith.muli %scan3A_130, %mul3A_142 : i32
      %add3A_144 = arith.constant 1 : i32
      %add3A_145 = arith.addi %mul3A_143, %add3A_144 : i32
      %dma_wait3A_146 = arith.constant 0 : i32
      %dma_wait3A_147 = tpu.memref_slice %arg7[%add3A_145, %dma_wait3A_146] : memref<40x128xi32, #tpu.memory_space<vmem>> -> memref<1x128xi32, #tpu.memory_space<vmem>>
      %dma_wait3A_148 = tpu.memref_squeeze %dma_wait3A_147 : memref<1x128xi32, #tpu.memory_space<vmem>> -> memref<128xi32, #tpu.memory_space<vmem>>
      %dma_wait3A_149 = arith.constant 0 : i32
      %dma_wait3A_150 = arith.constant 0 : i32
      %dma_wait3A_151 = tpu.memref_slice %arg2[%dma_wait3A_149, %dma_wait3A_150] : memref<50000x128xf32, #tpu.memory_space<hbm>> -> memref<50000x128xf32, #tpu.memory_space<hbm>>
      tpu.wait_indirect_dma semaphore(%arg12 : memref<!tpu.dma_semaphore, #tpu.memory_space<semaphore_mem>>) src(%dma_wait3A_151 : memref<50000x128xf32, #tpu.memory_space<hbm>>) dst(%arg10 : memref<128x128xf32, #tpu.memory_space<vmem>>)
      "tpu.region"() ({
        %run_scoped3A = tpu.sem_alloc : memref<!tpu.dma_semaphore, #tpu.memory_space<semaphore_mem>>
        %dma_start3A_157 = arith.constant 0 : i32
        %dma_start3A_158 = tpu.memref_slice %arg8[%add3A_145, %dma_start3A_157] : memref<40x128xi32, #tpu.memory_space<vmem>> -> memref<1x128xi32, #tpu.memory_space<vmem>>
        %dma_start3A_159 = tpu.memref_squeeze %dma_start3A_158 : memref<1x128xi32, #tpu.memory_space<vmem>> -> memref<128xi32, #tpu.memory_space<vmem>>
        %dma_start3A_160 = arith.constant 0 : i32
        %dma_start3A_161 = arith.constant 0 : i32
        %dma_start3A_162 = tpu.memref_slice %arg6[%dma_start3A_160, %dma_start3A_161] : memref<10240x128xf32, #tpu.memory_space<vmem_shared>> -> memref<10240x128xf32, #tpu.memory_space<vmem_shared>>
        tpu.enqueue_indirect_dma source(%arg10 : memref<128x128xf32, #tpu.memory_space<vmem>>) target(%dma_start3A_162 : memref<10240x128xf32, #tpu.memory_space<vmem_shared>>) offsets(%dma_start3A_159 : memref<128xi32, #tpu.memory_space<vmem>>) semaphore(%run_scoped3A : memref<!tpu.dma_semaphore, #tpu.memory_space<semaphore_mem>>) {add = true}
        %dma_wait3A_163 = arith.constant 0 : i32
        %dma_wait3A_164 = tpu.memref_slice %arg8[%add3A_145, %dma_wait3A_163] : memref<40x128xi32, #tpu.memory_space<vmem>> -> memref<1x128xi32, #tpu.memory_space<vmem>>
        %dma_wait3A_165 = tpu.memref_squeeze %dma_wait3A_164 : memref<1x128xi32, #tpu.memory_space<vmem>> -> memref<128xi32, #tpu.memory_space<vmem>>
        %dma_wait3A_166 = arith.constant 0 : i32
        %dma_wait3A_167 = arith.constant 0 : i32
        %dma_wait3A_168 = tpu.memref_slice %arg6[%dma_wait3A_166, %dma_wait3A_167] : memref<10240x128xf32, #tpu.memory_space<vmem_shared>> -> memref<10240x128xf32, #tpu.memory_space<vmem_shared>>
        tpu.wait_indirect_dma semaphore(%run_scoped3A : memref<!tpu.dma_semaphore, #tpu.memory_space<semaphore_mem>>) src(%arg10 : memref<128x128xf32, #tpu.memory_space<vmem>>) dst(%dma_wait3A_168 : memref<10240x128xf32, #tpu.memory_space<vmem_shared>>)
        tpu.yield
      }) : () -> ()
      %lt3A_152 = arith.constant 19 : i32
      %lt3A_153 = arith.cmpi slt, %scan3A_130, %lt3A_152 : i32
      %convert_element_type3A_154 = arith.extui %lt3A_153 : i1 to i32
      %cond3A_155 = arith.constant 0 : i32
      %cond3A_156 = arith.cmpi ne, %convert_element_type3A_154, %cond3A_155 : i32
      scf.if %cond3A_156 {
        %add3A_157 = arith.constant 2 : i32
        %add3A_158 = arith.addi %add3A_145, %add3A_157 : i32
        %dma_start3A_159 = arith.constant 0 : i32
        %dma_start3A_160 = tpu.memref_slice %arg7[%add3A_158, %dma_start3A_159] : memref<40x128xi32, #tpu.memory_space<vmem>> -> memref<1x128xi32, #tpu.memory_space<vmem>>
        %dma_start3A_161 = tpu.memref_squeeze %dma_start3A_160 : memref<1x128xi32, #tpu.memory_space<vmem>> -> memref<128xi32, #tpu.memory_space<vmem>>
        %dma_start3A_162 = arith.constant 0 : i32
        %dma_start3A_163 = arith.constant 0 : i32
        %dma_start3A_164 = tpu.memref_slice %arg2[%dma_start3A_162, %dma_start3A_163] : memref<50000x128xf32, #tpu.memory_space<hbm>> -> memref<50000x128xf32, #tpu.memory_space<hbm>>
        tpu.enqueue_indirect_dma source(%dma_start3A_164 : memref<50000x128xf32, #tpu.memory_space<hbm>>) target(%arg10 : memref<128x128xf32, #tpu.memory_space<vmem>>) offsets(%dma_start3A_161 : memref<128xi32, #tpu.memory_space<vmem>>) semaphore(%arg12 : memref<!tpu.dma_semaphore, #tpu.memory_space<semaphore_mem>>)
      } else {
      }
    }
    %scan3A_73 = arith.constant 20 : i32
    %barrier3A_74 = arith.constant 0 : index
    tpu.barrier barrier_id(%barrier3A_74)
    %mul3A_75 = arith.constant 640 : i32
    %mul3A_76 = arith.muli %arg1, %mul3A_75 : i32
    %add3A_77 = arith.constant 0 : i32
    %add3A_78 = arith.addi %mul3A_76, %add3A_77 : i32
    "tpu.region"() ({
      %run_scoped3A = tpu.sem_alloc : memref<!tpu.dma_semaphore, #tpu.memory_space<semaphore_mem>>
      %dma_start3A_130 = arith.constant 0 : i32
      %dma_start3A_131 = tpu.memref_slice %arg6[%add3A_78, %dma_start3A_130] : memref<10240x128xf32, #tpu.memory_space<vmem_shared>> -> memref<128x128xf32, #tpu.memory_space<vmem_shared>>
      %dma_start3A_132 = arith.constant 0 : i32
      %dma_start3A_133 = tpu.memref_slice %arg6[%add3A_78, %dma_start3A_132] : memref<10240x128xf32, #tpu.memory_space<vmem_shared>> -> memref<128x128xf32, #tpu.memory_space<vmem_shared>>
      tpu.enqueue_dma source(%dma_start3A_133 : memref<128x128xf32, #tpu.memory_space<vmem_shared>>) target(%arg9 : memref<128x128xf32, #tpu.memory_space<vmem>>) target_semaphore(%run_scoped3A : memref<!tpu.dma_semaphore, #tpu.memory_space<semaphore_mem>>)
      %dma_wait3A = arith.constant 0 : i32
      %dma_wait3A_134 = tpu.memref_slice %arg6[%add3A_78, %dma_wait3A] : memref<10240x128xf32, #tpu.memory_space<vmem_shared>> -> memref<128x128xf32, #tpu.memory_space<vmem_shared>>
      %dma_wait3A_135 = arith.constant 0 : i32
      %dma_wait3A_136 = tpu.memref_slice %arg6[%add3A_78, %dma_wait3A_135] : memref<10240x128xf32, #tpu.memory_space<vmem_shared>> -> memref<128x128xf32, #tpu.memory_space<vmem_shared>>
      tpu.wait_dma2 semaphore(%run_scoped3A : memref<!tpu.dma_semaphore, #tpu.memory_space<semaphore_mem>>) src(%dma_wait3A_136 : memref<128x128xf32, #tpu.memory_space<vmem_shared>>) dst(%arg9 : memref<128x128xf32, #tpu.memory_space<vmem>>)
      tpu.yield
    }) : () -> ()
    %mul3A_79 = arith.constant 10240 : i32
    %mul3A_80 = arith.muli %arg0, %mul3A_79 : i32
    %mul3A_81 = arith.constant 640 : i32
    %mul3A_82 = arith.muli %arg1, %mul3A_81 : i32
    %add3A_83 = arith.addi %mul3A_80, %mul3A_82 : i32
    %add3A_84 = arith.constant 0 : i32
    %add3A_85 = arith.addi %add3A_83, %add3A_84 : i32
    "tpu.region"() ({
      %run_scoped3A = tpu.sem_alloc : memref<!tpu.dma_semaphore, #tpu.memory_space<semaphore_mem>>
      %dma_start3A_130 = arith.constant 0 : i32
      %dma_start3A_131 = tpu.memref_slice %arg5[%add3A_85, %dma_start3A_130] : memref<20480x128xf32, #tpu.memory_space<hbm>> -> memref<128x128xf32, #tpu.memory_space<hbm>>
      %dma_start3A_132 = arith.constant 0 : i32
      %dma_start3A_133 = tpu.memref_slice %arg5[%add3A_85, %dma_start3A_132] : memref<20480x128xf32, #tpu.memory_space<hbm>> -> memref<128x128xf32, #tpu.memory_space<hbm>>
      tpu.enqueue_dma source(%arg9 : memref<128x128xf32, #tpu.memory_space<vmem>>) target(%dma_start3A_133 : memref<128x128xf32, #tpu.memory_space<hbm>>) target_semaphore(%run_scoped3A : memref<!tpu.dma_semaphore, #tpu.memory_space<semaphore_mem>>)
      %dma_wait3A = arith.constant 0 : i32
      %dma_wait3A_134 = tpu.memref_slice %arg5[%add3A_85, %dma_wait3A] : memref<20480x128xf32, #tpu.memory_space<hbm>> -> memref<128x128xf32, #tpu.memory_space<hbm>>
      %dma_wait3A_135 = arith.constant 0 : i32
      %dma_wait3A_136 = tpu.memref_slice %arg5[%add3A_85, %dma_wait3A_135] : memref<20480x128xf32, #tpu.memory_space<hbm>> -> memref<128x128xf32, #tpu.memory_space<hbm>>
      tpu.wait_dma2 semaphore(%run_scoped3A : memref<!tpu.dma_semaphore, #tpu.memory_space<semaphore_mem>>) src(%arg9 : memref<128x128xf32, #tpu.memory_space<vmem>>) dst(%dma_wait3A_136 : memref<128x128xf32, #tpu.memory_space<hbm>>)
      tpu.yield
    }) : () -> ()
    %mul3A_86 = arith.constant 640 : i32
    %mul3A_87 = arith.muli %arg1, %mul3A_86 : i32
    %add3A_88 = arith.constant 128 : i32
    %add3A_89 = arith.addi %mul3A_87, %add3A_88 : i32
    "tpu.region"() ({
      %run_scoped3A = tpu.sem_alloc : memref<!tpu.dma_semaphore, #tpu.memory_space<semaphore_mem>>
      %dma_start3A_130 = arith.constant 0 : i32
      %dma_start3A_131 = tpu.memref_slice %arg6[%add3A_89, %dma_start3A_130] : memref<10240x128xf32, #tpu.memory_space<vmem_shared>> -> memref<128x128xf32, #tpu.memory_space<vmem_shared>>
      %dma_start3A_132 = arith.constant 0 : i32
      %dma_start3A_133 = tpu.memref_slice %arg6[%add3A_89, %dma_start3A_132] : memref<10240x128xf32, #tpu.memory_space<vmem_shared>> -> memref<128x128xf32, #tpu.memory_space<vmem_shared>>
      tpu.enqueue_dma source(%dma_start3A_133 : memref<128x128xf32, #tpu.memory_space<vmem_shared>>) target(%arg9 : memref<128x128xf32, #tpu.memory_space<vmem>>) target_semaphore(%run_scoped3A : memref<!tpu.dma_semaphore, #tpu.memory_space<semaphore_mem>>)
      %dma_wait3A = arith.constant 0 : i32
      %dma_wait3A_134 = tpu.memref_slice %arg6[%add3A_89, %dma_wait3A] : memref<10240x128xf32, #tpu.memory_space<vmem_shared>> -> memref<128x128xf32, #tpu.memory_space<vmem_shared>>
      %dma_wait3A_135 = arith.constant 0 : i32
      %dma_wait3A_136 = tpu.memref_slice %arg6[%add3A_89, %dma_wait3A_135] : memref<10240x128xf32, #tpu.memory_space<vmem_shared>> -> memref<128x128xf32, #tpu.memory_space<vmem_shared>>
      tpu.wait_dma2 semaphore(%run_scoped3A : memref<!tpu.dma_semaphore, #tpu.memory_space<semaphore_mem>>) src(%dma_wait3A_136 : memref<128x128xf32, #tpu.memory_space<vmem_shared>>) dst(%arg9 : memref<128x128xf32, #tpu.memory_space<vmem>>)
      tpu.yield
    }) : () -> ()
    %mul3A_90 = arith.constant 10240 : i32
    %mul3A_91 = arith.muli %arg0, %mul3A_90 : i32
    %mul3A_92 = arith.constant 640 : i32
    %mul3A_93 = arith.muli %arg1, %mul3A_92 : i32
    %add3A_94 = arith.addi %mul3A_91, %mul3A_93 : i32
    %add3A_95 = arith.constant 128 : i32
    %add3A_96 = arith.addi %add3A_94, %add3A_95 : i32
    "tpu.region"() ({
      %run_scoped3A = tpu.sem_alloc : memref<!tpu.dma_semaphore, #tpu.memory_space<semaphore_mem>>
      %dma_start3A_130 = arith.constant 0 : i32
      %dma_start3A_131 = tpu.memref_slice %arg5[%add3A_96, %dma_start3A_130] : memref<20480x128xf32, #tpu.memory_space<hbm>> -> memref<128x128xf32, #tpu.memory_space<hbm>>
      %dma_start3A_132 = arith.constant 0 : i32
      %dma_start3A_133 = tpu.memref_slice %arg5[%add3A_96, %dma_start3A_132] : memref<20480x128xf32, #tpu.memory_space<hbm>> -> memref<128x128xf32, #tpu.memory_space<hbm>>
      tpu.enqueue_dma source(%arg9 : memref<128x128xf32, #tpu.memory_space<vmem>>) target(%dma_start3A_133 : memref<128x128xf32, #tpu.memory_space<hbm>>) target_semaphore(%run_scoped3A : memref<!tpu.dma_semaphore, #tpu.memory_space<semaphore_mem>>)
      %dma_wait3A = arith.constant 0 : i32
      %dma_wait3A_134 = tpu.memref_slice %arg5[%add3A_96, %dma_wait3A] : memref<20480x128xf32, #tpu.memory_space<hbm>> -> memref<128x128xf32, #tpu.memory_space<hbm>>
      %dma_wait3A_135 = arith.constant 0 : i32
      %dma_wait3A_136 = tpu.memref_slice %arg5[%add3A_96, %dma_wait3A_135] : memref<20480x128xf32, #tpu.memory_space<hbm>> -> memref<128x128xf32, #tpu.memory_space<hbm>>
      tpu.wait_dma2 semaphore(%run_scoped3A : memref<!tpu.dma_semaphore, #tpu.memory_space<semaphore_mem>>) src(%arg9 : memref<128x128xf32, #tpu.memory_space<vmem>>) dst(%dma_wait3A_136 : memref<128x128xf32, #tpu.memory_space<hbm>>)
      tpu.yield
    }) : () -> ()
    %mul3A_97 = arith.constant 640 : i32
    %mul3A_98 = arith.muli %arg1, %mul3A_97 : i32
    %add3A_99 = arith.constant 256 : i32
    %add3A_100 = arith.addi %mul3A_98, %add3A_99 : i32
    "tpu.region"() ({
      %run_scoped3A = tpu.sem_alloc : memref<!tpu.dma_semaphore, #tpu.memory_space<semaphore_mem>>
      %dma_start3A_130 = arith.constant 0 : i32
      %dma_start3A_131 = tpu.memref_slice %arg6[%add3A_100, %dma_start3A_130] : memref<10240x128xf32, #tpu.memory_space<vmem_shared>> -> memref<128x128xf32, #tpu.memory_space<vmem_shared>>
      %dma_start3A_132 = arith.constant 0 : i32
      %dma_start3A_133 = tpu.memref_slice %arg6[%add3A_100, %dma_start3A_132] : memref<10240x128xf32, #tpu.memory_space<vmem_shared>> -> memref<128x128xf32, #tpu.memory_space<vmem_shared>>
      tpu.enqueue_dma source(%dma_start3A_133 : memref<128x128xf32, #tpu.memory_space<vmem_shared>>) target(%arg9 : memref<128x128xf32, #tpu.memory_space<vmem>>) target_semaphore(%run_scoped3A : memref<!tpu.dma_semaphore, #tpu.memory_space<semaphore_mem>>)
      %dma_wait3A = arith.constant 0 : i32
      %dma_wait3A_134 = tpu.memref_slice %arg6[%add3A_100, %dma_wait3A] : memref<10240x128xf32, #tpu.memory_space<vmem_shared>> -> memref<128x128xf32, #tpu.memory_space<vmem_shared>>
      %dma_wait3A_135 = arith.constant 0 : i32
      %dma_wait3A_136 = tpu.memref_slice %arg6[%add3A_100, %dma_wait3A_135] : memref<10240x128xf32, #tpu.memory_space<vmem_shared>> -> memref<128x128xf32, #tpu.memory_space<vmem_shared>>
      tpu.wait_dma2 semaphore(%run_scoped3A : memref<!tpu.dma_semaphore, #tpu.memory_space<semaphore_mem>>) src(%dma_wait3A_136 : memref<128x128xf32, #tpu.memory_space<vmem_shared>>) dst(%arg9 : memref<128x128xf32, #tpu.memory_space<vmem>>)
      tpu.yield
    }) : () -> ()
    %mul3A_101 = arith.constant 10240 : i32
    %mul3A_102 = arith.muli %arg0, %mul3A_101 : i32
    %mul3A_103 = arith.constant 640 : i32
    %mul3A_104 = arith.muli %arg1, %mul3A_103 : i32
    %add3A_105 = arith.addi %mul3A_102, %mul3A_104 : i32
    %add3A_106 = arith.constant 256 : i32
    %add3A_107 = arith.addi %add3A_105, %add3A_106 : i32
    "tpu.region"() ({
      %run_scoped3A = tpu.sem_alloc : memref<!tpu.dma_semaphore, #tpu.memory_space<semaphore_mem>>
      %dma_start3A_130 = arith.constant 0 : i32
      %dma_start3A_131 = tpu.memref_slice %arg5[%add3A_107, %dma_start3A_130] : memref<20480x128xf32, #tpu.memory_space<hbm>> -> memref<128x128xf32, #tpu.memory_space<hbm>>
      %dma_start3A_132 = arith.constant 0 : i32
      %dma_start3A_133 = tpu.memref_slice %arg5[%add3A_107, %dma_start3A_132] : memref<20480x128xf32, #tpu.memory_space<hbm>> -> memref<128x128xf32, #tpu.memory_space<hbm>>
      tpu.enqueue_dma source(%arg9 : memref<128x128xf32, #tpu.memory_space<vmem>>) target(%dma_start3A_133 : memref<128x128xf32, #tpu.memory_space<hbm>>) target_semaphore(%run_scoped3A : memref<!tpu.dma_semaphore, #tpu.memory_space<semaphore_mem>>)
      %dma_wait3A = arith.constant 0 : i32
      %dma_wait3A_134 = tpu.memref_slice %arg5[%add3A_107, %dma_wait3A] : memref<20480x128xf32, #tpu.memory_space<hbm>> -> memref<128x128xf32, #tpu.memory_space<hbm>>
      %dma_wait3A_135 = arith.constant 0 : i32
      %dma_wait3A_136 = tpu.memref_slice %arg5[%add3A_107, %dma_wait3A_135] : memref<20480x128xf32, #tpu.memory_space<hbm>> -> memref<128x128xf32, #tpu.memory_space<hbm>>
      tpu.wait_dma2 semaphore(%run_scoped3A : memref<!tpu.dma_semaphore, #tpu.memory_space<semaphore_mem>>) src(%arg9 : memref<128x128xf32, #tpu.memory_space<vmem>>) dst(%dma_wait3A_136 : memref<128x128xf32, #tpu.memory_space<hbm>>)
      tpu.yield
    }) : () -> ()
    %mul3A_108 = arith.constant 640 : i32
    %mul3A_109 = arith.muli %arg1, %mul3A_108 : i32
    %add3A_110 = arith.constant 384 : i32
    %add3A_111 = arith.addi %mul3A_109, %add3A_110 : i32
    "tpu.region"() ({
      %run_scoped3A = tpu.sem_alloc : memref<!tpu.dma_semaphore, #tpu.memory_space<semaphore_mem>>
      %dma_start3A_130 = arith.constant 0 : i32
      %dma_start3A_131 = tpu.memref_slice %arg6[%add3A_111, %dma_start3A_130] : memref<10240x128xf32, #tpu.memory_space<vmem_shared>> -> memref<128x128xf32, #tpu.memory_space<vmem_shared>>
      %dma_start3A_132 = arith.constant 0 : i32
      %dma_start3A_133 = tpu.memref_slice %arg6[%add3A_111, %dma_start3A_132] : memref<10240x128xf32, #tpu.memory_space<vmem_shared>> -> memref<128x128xf32, #tpu.memory_space<vmem_shared>>
      tpu.enqueue_dma source(%dma_start3A_133 : memref<128x128xf32, #tpu.memory_space<vmem_shared>>) target(%arg9 : memref<128x128xf32, #tpu.memory_space<vmem>>) target_semaphore(%run_scoped3A : memref<!tpu.dma_semaphore, #tpu.memory_space<semaphore_mem>>)
      %dma_wait3A = arith.constant 0 : i32
      %dma_wait3A_134 = tpu.memref_slice %arg6[%add3A_111, %dma_wait3A] : memref<10240x128xf32, #tpu.memory_space<vmem_shared>> -> memref<128x128xf32, #tpu.memory_space<vmem_shared>>
      %dma_wait3A_135 = arith.constant 0 : i32
      %dma_wait3A_136 = tpu.memref_slice %arg6[%add3A_111, %dma_wait3A_135] : memref<10240x128xf32, #tpu.memory_space<vmem_shared>> -> memref<128x128xf32, #tpu.memory_space<vmem_shared>>
      tpu.wait_dma2 semaphore(%run_scoped3A : memref<!tpu.dma_semaphore, #tpu.memory_space<semaphore_mem>>) src(%dma_wait3A_136 : memref<128x128xf32, #tpu.memory_space<vmem_shared>>) dst(%arg9 : memref<128x128xf32, #tpu.memory_space<vmem>>)
      tpu.yield
    }) : () -> ()
    %mul3A_112 = arith.constant 10240 : i32
    %mul3A_113 = arith.muli %arg0, %mul3A_112 : i32
    %mul3A_114 = arith.constant 640 : i32
    %mul3A_115 = arith.muli %arg1, %mul3A_114 : i32
    %add3A_116 = arith.addi %mul3A_113, %mul3A_115 : i32
    %add3A_117 = arith.constant 384 : i32
    %add3A_118 = arith.addi %add3A_116, %add3A_117 : i32
    "tpu.region"() ({
      %run_scoped3A = tpu.sem_alloc : memref<!tpu.dma_semaphore, #tpu.memory_space<semaphore_mem>>
      %dma_start3A_130 = arith.constant 0 : i32
      %dma_start3A_131 = tpu.memref_slice %arg5[%add3A_118, %dma_start3A_130] : memref<20480x128xf32, #tpu.memory_space<hbm>> -> memref<128x128xf32, #tpu.memory_space<hbm>>
      %dma_start3A_132 = arith.constant 0 : i32
      %dma_start3A_133 = tpu.memref_slice %arg5[%add3A_118, %dma_start3A_132] : memref<20480x128xf32, #tpu.memory_space<hbm>> -> memref<128x128xf32, #tpu.memory_space<hbm>>
      tpu.enqueue_dma source(%arg9 : memref<128x128xf32, #tpu.memory_space<vmem>>) target(%dma_start3A_133 : memref<128x128xf32, #tpu.memory_space<hbm>>) target_semaphore(%run_scoped3A : memref<!tpu.dma_semaphore, #tpu.memory_space<semaphore_mem>>)
      %dma_wait3A = arith.constant 0 : i32
      %dma_wait3A_134 = tpu.memref_slice %arg5[%add3A_118, %dma_wait3A] : memref<20480x128xf32, #tpu.memory_space<hbm>> -> memref<128x128xf32, #tpu.memory_space<hbm>>
      %dma_wait3A_135 = arith.constant 0 : i32
      %dma_wait3A_136 = tpu.memref_slice %arg5[%add3A_118, %dma_wait3A_135] : memref<20480x128xf32, #tpu.memory_space<hbm>> -> memref<128x128xf32, #tpu.memory_space<hbm>>
      tpu.wait_dma2 semaphore(%run_scoped3A : memref<!tpu.dma_semaphore, #tpu.memory_space<semaphore_mem>>) src(%arg9 : memref<128x128xf32, #tpu.memory_space<vmem>>) dst(%dma_wait3A_136 : memref<128x128xf32, #tpu.memory_space<hbm>>)
      tpu.yield
    }) : () -> ()
    %mul3A_119 = arith.constant 640 : i32
    %mul3A_120 = arith.muli %arg1, %mul3A_119 : i32
    %add3A_121 = arith.constant 512 : i32
    %add3A_122 = arith.addi %mul3A_120, %add3A_121 : i32
    "tpu.region"() ({
      %run_scoped3A = tpu.sem_alloc : memref<!tpu.dma_semaphore, #tpu.memory_space<semaphore_mem>>
      %dma_start3A_130 = arith.constant 0 : i32
      %dma_start3A_131 = tpu.memref_slice %arg6[%add3A_122, %dma_start3A_130] : memref<10240x128xf32, #tpu.memory_space<vmem_shared>> -> memref<128x128xf32, #tpu.memory_space<vmem_shared>>
      %dma_start3A_132 = arith.constant 0 : i32
      %dma_start3A_133 = tpu.memref_slice %arg6[%add3A_122, %dma_start3A_132] : memref<10240x128xf32, #tpu.memory_space<vmem_shared>> -> memref<128x128xf32, #tpu.memory_space<vmem_shared>>
      tpu.enqueue_dma source(%dma_start3A_133 : memref<128x128xf32, #tpu.memory_space<vmem_shared>>) target(%arg9 : memref<128x128xf32, #tpu.memory_space<vmem>>) target_semaphore(%run_scoped3A : memref<!tpu.dma_semaphore, #tpu.memory_space<semaphore_mem>>)
      %dma_wait3A = arith.constant 0 : i32
      %dma_wait3A_134 = tpu.memref_slice %arg6[%add3A_122, %dma_wait3A] : memref<10240x128xf32, #tpu.memory_space<vmem_shared>> -> memref<128x128xf32, #tpu.memory_space<vmem_shared>>
      %dma_wait3A_135 = arith.constant 0 : i32
      %dma_wait3A_136 = tpu.memref_slice %arg6[%add3A_122, %dma_wait3A_135] : memref<10240x128xf32, #tpu.memory_space<vmem_shared>> -> memref<128x128xf32, #tpu.memory_space<vmem_shared>>
      tpu.wait_dma2 semaphore(%run_scoped3A : memref<!tpu.dma_semaphore, #tpu.memory_space<semaphore_mem>>) src(%dma_wait3A_136 : memref<128x128xf32, #tpu.memory_space<vmem_shared>>) dst(%arg9 : memref<128x128xf32, #tpu.memory_space<vmem>>)
      tpu.yield
    }) : () -> ()
    %mul3A_123 = arith.constant 10240 : i32
    %mul3A_124 = arith.muli %arg0, %mul3A_123 : i32
    %mul3A_125 = arith.constant 640 : i32
    %mul3A_126 = arith.muli %arg1, %mul3A_125 : i32
    %add3A_127 = arith.addi %mul3A_124, %mul3A_126 : i32
    %add3A_128 = arith.constant 512 : i32
    %add3A_129 = arith.addi %add3A_127, %add3A_128 : i32
    "tpu.region"() ({
      %run_scoped3A = tpu.sem_alloc : memref<!tpu.dma_semaphore, #tpu.memory_space<semaphore_mem>>
      %dma_start3A_130 = arith.constant 0 : i32
      %dma_start3A_131 = tpu.memref_slice %arg5[%add3A_129, %dma_start3A_130] : memref<20480x128xf32, #tpu.memory_space<hbm>> -> memref<128x128xf32, #tpu.memory_space<hbm>>
      %dma_start3A_132 = arith.constant 0 : i32
      %dma_start3A_133 = tpu.memref_slice %arg5[%add3A_129, %dma_start3A_132] : memref<20480x128xf32, #tpu.memory_space<hbm>> -> memref<128x128xf32, #tpu.memory_space<hbm>>
      tpu.enqueue_dma source(%arg9 : memref<128x128xf32, #tpu.memory_space<vmem>>) target(%dma_start3A_133 : memref<128x128xf32, #tpu.memory_space<hbm>>) target_semaphore(%run_scoped3A : memref<!tpu.dma_semaphore, #tpu.memory_space<semaphore_mem>>)
      %dma_wait3A = arith.constant 0 : i32
      %dma_wait3A_134 = tpu.memref_slice %arg5[%add3A_129, %dma_wait3A] : memref<20480x128xf32, #tpu.memory_space<hbm>> -> memref<128x128xf32, #tpu.memory_space<hbm>>
      %dma_wait3A_135 = arith.constant 0 : i32
      %dma_wait3A_136 = tpu.memref_slice %arg5[%add3A_129, %dma_wait3A_135] : memref<20480x128xf32, #tpu.memory_space<hbm>> -> memref<128x128xf32, #tpu.memory_space<hbm>>
      tpu.wait_dma2 semaphore(%run_scoped3A : memref<!tpu.dma_semaphore, #tpu.memory_space<semaphore_mem>>) src(%arg9 : memref<128x128xf32, #tpu.memory_space<vmem>>) dst(%dma_wait3A_136 : memref<128x128xf32, #tpu.memory_space<hbm>>)
      tpu.yield
    }) : () -> ()
    return
  }
}

#map = affine_map<(d0, d1) -> (0, 0)>
module attributes {stable_mosaic.version = 14 : i64} {
  func.func @_agg_body(%arg0: i32, %arg1: i32, %arg2: memref<10000x128xf32, #tpu.memory_space<hbm>>, %arg3: memref<512x128xi32, #tpu.memory_space<hbm>>, %arg4: memref<512x128xi32, #tpu.memory_space<hbm>>, %arg5: memref<4096x128xf32, #tpu.memory_space<hbm>>, %arg6: memref<2048x128xf32, #tpu.memory_space<vmem_shared>>, %arg7: memref<8x128xi32, #tpu.memory_space<vmem>>, %arg8: memref<8x128xi32, #tpu.memory_space<vmem>>, %arg9: memref<128x128xf32, #tpu.memory_space<vmem>>, %arg10: memref<128x128xf32, #tpu.memory_space<vmem>>, %arg11: memref<128x128xf32, #tpu.memory_space<vmem>>, %arg12: memref<128x128xf32, #tpu.memory_space<vmem>>, %arg13: memref<!tpu.dma_semaphore, #tpu.memory_space<semaphore_mem>>, %arg14: memref<!tpu.dma_semaphore, #tpu.memory_space<semaphore_mem>>, %arg15: memref<!tpu.dma_semaphore, #tpu.memory_space<semaphore_mem>>, %arg16: memref<!tpu.dma_semaphore, #tpu.memory_space<semaphore_mem>>) attributes {dimension_semantics = [#tpu.dimension_semantics<core_parallel>, #tpu.dimension_semantics<subcore_parallel>], iteration_bounds = array<i64: 2, 16>, scalar_prefetch = 0 : i64, scratch_operands = 11 : i64, tpu.core_type = #tpu.core_type<sc_vector_subcore>, window_params = [{transform_indices = #map}, {transform_indices = #map}, {transform_indices = #map}, {transform_indices = #map}]} {
    %mul3A = arith.constant 2 : i32
    %mul3A_0 = arith.muli %arg1, %mul3A : i32
    %add3A = arith.addi %mul3A_0, %arg0 : i32
    %broadcast_in_dim3A = arith.constant 0.000000e+00 : f32
    %broadcast_in_dim3A_1 = vector.broadcast %broadcast_in_dim3A : f32 to vector<16xf32>
    %scan3A = arith.constant 0 : i32
    %scan3A_2 = arith.constant 0 : i32
    %scan3A_3 = arith.constant 128 : i32
    %scan3A_4 = arith.addi %scan3A_2, %scan3A_3 : i32
    %scan3A_5 = arith.constant 1 : i32
    scf.for %scan3A_98 = %scan3A_2 to %scan3A_4 step %scan3A_5  : i32 {
      %swap3A = arith.index_cast %scan3A_98 : i32 to index
      %swap3A_99 = arith.constant 0 : index
      %swap3A_100 = tpu.vector_load %arg9[%swap3A, %swap3A_99] {strides = array<i32>} : memref<128x128xf32, #tpu.memory_space<vmem>>, vector<1x16xf32>,
      %swap3A_101 = vector.shape_cast %swap3A_100 : vector<1x16xf32> to vector<16xf32>
      %swap3A_102 = vector.shape_cast %broadcast_in_dim3A_1 : vector<16xf32> to vector<1x16xf32>
      tpu.vector_store %arg9[%swap3A, %swap3A_99], %swap3A_102 {strides = array<i32>} : memref<128x128xf32, #tpu.memory_space<vmem>>, vector<1x16xf32>,
      %swap3A_103 = arith.index_cast %scan3A_98 : i32 to index
      %swap3A_104 = arith.constant 16 : index
      %swap3A_105 = tpu.vector_load %arg9[%swap3A_103, %swap3A_104] {strides = array<i32>} : memref<128x128xf32, #tpu.memory_space<vmem>>, vector<1x16xf32>,
      %swap3A_106 = vector.shape_cast %swap3A_105 : vector<1x16xf32> to vector<16xf32>
      %swap3A_107 = vector.shape_cast %broadcast_in_dim3A_1 : vector<16xf32> to vector<1x16xf32>
      tpu.vector_store %arg9[%swap3A_103, %swap3A_104], %swap3A_107 {strides = array<i32>} : memref<128x128xf32, #tpu.memory_space<vmem>>, vector<1x16xf32>,
      %swap3A_108 = arith.index_cast %scan3A_98 : i32 to index
      %swap3A_109 = arith.constant 32 : index
      %swap3A_110 = tpu.vector_load %arg9[%swap3A_108, %swap3A_109] {strides = array<i32>} : memref<128x128xf32, #tpu.memory_space<vmem>>, vector<1x16xf32>,
      %swap3A_111 = vector.shape_cast %swap3A_110 : vector<1x16xf32> to vector<16xf32>
      %swap3A_112 = vector.shape_cast %broadcast_in_dim3A_1 : vector<16xf32> to vector<1x16xf32>
      tpu.vector_store %arg9[%swap3A_108, %swap3A_109], %swap3A_112 {strides = array<i32>} : memref<128x128xf32, #tpu.memory_space<vmem>>, vector<1x16xf32>,
      %swap3A_113 = arith.index_cast %scan3A_98 : i32 to index
      %swap3A_114 = arith.constant 48 : index
      %swap3A_115 = tpu.vector_load %arg9[%swap3A_113, %swap3A_114] {strides = array<i32>} : memref<128x128xf32, #tpu.memory_space<vmem>>, vector<1x16xf32>,
      %swap3A_116 = vector.shape_cast %swap3A_115 : vector<1x16xf32> to vector<16xf32>
      %swap3A_117 = vector.shape_cast %broadcast_in_dim3A_1 : vector<16xf32> to vector<1x16xf32>
      tpu.vector_store %arg9[%swap3A_113, %swap3A_114], %swap3A_117 {strides = array<i32>} : memref<128x128xf32, #tpu.memory_space<vmem>>, vector<1x16xf32>,
      %swap3A_118 = arith.index_cast %scan3A_98 : i32 to index
      %swap3A_119 = arith.constant 64 : index
      %swap3A_120 = tpu.vector_load %arg9[%swap3A_118, %swap3A_119] {strides = array<i32>} : memref<128x128xf32, #tpu.memory_space<vmem>>, vector<1x16xf32>,
      %swap3A_121 = vector.shape_cast %swap3A_120 : vector<1x16xf32> to vector<16xf32>
      %swap3A_122 = vector.shape_cast %broadcast_in_dim3A_1 : vector<16xf32> to vector<1x16xf32>
      tpu.vector_store %arg9[%swap3A_118, %swap3A_119], %swap3A_122 {strides = array<i32>} : memref<128x128xf32, #tpu.memory_space<vmem>>, vector<1x16xf32>,
      %swap3A_123 = arith.index_cast %scan3A_98 : i32 to index
      %swap3A_124 = arith.constant 80 : index
      %swap3A_125 = tpu.vector_load %arg9[%swap3A_123, %swap3A_124] {strides = array<i32>} : memref<128x128xf32, #tpu.memory_space<vmem>>, vector<1x16xf32>,
      %swap3A_126 = vector.shape_cast %swap3A_125 : vector<1x16xf32> to vector<16xf32>
      %swap3A_127 = vector.shape_cast %broadcast_in_dim3A_1 : vector<16xf32> to vector<1x16xf32>
      tpu.vector_store %arg9[%swap3A_123, %swap3A_124], %swap3A_127 {strides = array<i32>} : memref<128x128xf32, #tpu.memory_space<vmem>>, vector<1x16xf32>,
      %swap3A_128 = arith.index_cast %scan3A_98 : i32 to index
      %swap3A_129 = arith.constant 96 : index
      %swap3A_130 = tpu.vector_load %arg9[%swap3A_128, %swap3A_129] {strides = array<i32>} : memref<128x128xf32, #tpu.memory_space<vmem>>, vector<1x16xf32>,
      %swap3A_131 = vector.shape_cast %swap3A_130 : vector<1x16xf32> to vector<16xf32>
      %swap3A_132 = vector.shape_cast %broadcast_in_dim3A_1 : vector<16xf32> to vector<1x16xf32>
      tpu.vector_store %arg9[%swap3A_128, %swap3A_129], %swap3A_132 {strides = array<i32>} : memref<128x128xf32, #tpu.memory_space<vmem>>, vector<1x16xf32>,
      %swap3A_133 = arith.index_cast %scan3A_98 : i32 to index
      %swap3A_134 = arith.constant 112 : index
      %swap3A_135 = tpu.vector_load %arg9[%swap3A_133, %swap3A_134] {strides = array<i32>} : memref<128x128xf32, #tpu.memory_space<vmem>>, vector<1x16xf32>,
      %swap3A_136 = vector.shape_cast %swap3A_135 : vector<1x16xf32> to vector<16xf32>
      %swap3A_137 = vector.shape_cast %broadcast_in_dim3A_1 : vector<16xf32> to vector<1x16xf32>
      tpu.vector_store %arg9[%swap3A_133, %swap3A_134], %swap3A_137 {strides = array<i32>} : memref<128x128xf32, #tpu.memory_space<vmem>>, vector<1x16xf32>,
    }
    %scan3A_6 = arith.constant 128 : i32
    %mul3A_7 = arith.constant 128 : i32
    %mul3A_8 = arith.muli %arg1, %mul3A_7 : i32
    %add3A_9 = arith.constant 0 : i32
    %add3A_10 = arith.addi %mul3A_8, %add3A_9 : i32
    "tpu.region"() ({
      %run_scoped3A = tpu.sem_alloc : memref<!tpu.dma_semaphore, #tpu.memory_space<semaphore_mem>>
      %dma_start3A_98 = arith.constant 0 : i32
      %dma_start3A_99 = tpu.memref_slice %arg6[%add3A_10, %dma_start3A_98] : memref<2048x128xf32, #tpu.memory_space<vmem_shared>> -> memref<128x128xf32, #tpu.memory_space<vmem_shared>>
      %dma_start3A_100 = arith.constant 0 : i32
      %dma_start3A_101 = tpu.memref_slice %arg6[%add3A_10, %dma_start3A_100] : memref<2048x128xf32, #tpu.memory_space<vmem_shared>> -> memref<128x128xf32, #tpu.memory_space<vmem_shared>>
      tpu.enqueue_dma source(%arg9 : memref<128x128xf32, #tpu.memory_space<vmem>>) target(%dma_start3A_101 : memref<128x128xf32, #tpu.memory_space<vmem_shared>>) target_semaphore(%run_scoped3A : memref<!tpu.dma_semaphore, #tpu.memory_space<semaphore_mem>>)
      %dma_wait3A = arith.constant 0 : i32
      %dma_wait3A_102 = tpu.memref_slice %arg6[%add3A_10, %dma_wait3A] : memref<2048x128xf32, #tpu.memory_space<vmem_shared>> -> memref<128x128xf32, #tpu.memory_space<vmem_shared>>
      %dma_wait3A_103 = arith.constant 0 : i32
      %dma_wait3A_104 = tpu.memref_slice %arg6[%add3A_10, %dma_wait3A_103] : memref<2048x128xf32, #tpu.memory_space<vmem_shared>> -> memref<128x128xf32, #tpu.memory_space<vmem_shared>>
      tpu.wait_dma2 semaphore(%run_scoped3A : memref<!tpu.dma_semaphore, #tpu.memory_space<semaphore_mem>>) src(%arg9 : memref<128x128xf32, #tpu.memory_space<vmem>>) dst(%dma_wait3A_104 : memref<128x128xf32, #tpu.memory_space<vmem_shared>>)
      tpu.yield
    }) : () -> ()
    %barrier3A = arith.constant 0 : index
    tpu.barrier barrier_id(%barrier3A)
    %mul3A_11 = arith.constant 16 : i32
    %mul3A_12 = arith.muli %add3A, %mul3A_11 : i32
    %add3A_13 = arith.constant 0 : i32
    %add3A_14 = arith.addi %mul3A_12, %add3A_13 : i32
    "tpu.region"() ({
      %run_scoped3A = tpu.sem_alloc : memref<!tpu.dma_semaphore, #tpu.memory_space<semaphore_mem>>
      %dma_start3A_98 = arith.constant 0 : i32
      %dma_start3A_99 = tpu.memref_slice %arg3[%add3A_14, %dma_start3A_98] : memref<512x128xi32, #tpu.memory_space<hbm>> -> memref<8x128xi32, #tpu.memory_space<hbm>>
      %dma_start3A_100 = arith.constant 0 : i32
      %dma_start3A_101 = tpu.memref_slice %arg3[%add3A_14, %dma_start3A_100] : memref<512x128xi32, #tpu.memory_space<hbm>> -> memref<8x128xi32, #tpu.memory_space<hbm>>
      tpu.enqueue_dma source(%dma_start3A_101 : memref<8x128xi32, #tpu.memory_space<hbm>>) target(%arg7 : memref<8x128xi32, #tpu.memory_space<vmem>>) target_semaphore(%run_scoped3A : memref<!tpu.dma_semaphore, #tpu.memory_space<semaphore_mem>>)
      %dma_wait3A = arith.constant 0 : i32
      %dma_wait3A_102 = tpu.memref_slice %arg3[%add3A_14, %dma_wait3A] : memref<512x128xi32, #tpu.memory_space<hbm>> -> memref<8x128xi32, #tpu.memory_space<hbm>>
      %dma_wait3A_103 = arith.constant 0 : i32
      %dma_wait3A_104 = tpu.memref_slice %arg3[%add3A_14, %dma_wait3A_103] : memref<512x128xi32, #tpu.memory_space<hbm>> -> memref<8x128xi32, #tpu.memory_space<hbm>>
      tpu.wait_dma2 semaphore(%run_scoped3A : memref<!tpu.dma_semaphore, #tpu.memory_space<semaphore_mem>>) src(%dma_wait3A_104 : memref<8x128xi32, #tpu.memory_space<hbm>>) dst(%arg7 : memref<8x128xi32, #tpu.memory_space<vmem>>)
      tpu.yield
    }) : () -> ()
    "tpu.region"() ({
      %run_scoped3A = tpu.sem_alloc : memref<!tpu.dma_semaphore, #tpu.memory_space<semaphore_mem>>
      %dma_start3A_98 = arith.constant 0 : i32
      %dma_start3A_99 = tpu.memref_slice %arg4[%add3A_14, %dma_start3A_98] : memref<512x128xi32, #tpu.memory_space<hbm>> -> memref<8x128xi32, #tpu.memory_space<hbm>>
      %dma_start3A_100 = arith.constant 0 : i32
      %dma_start3A_101 = tpu.memref_slice %arg4[%add3A_14, %dma_start3A_100] : memref<512x128xi32, #tpu.memory_space<hbm>> -> memref<8x128xi32, #tpu.memory_space<hbm>>
      tpu.enqueue_dma source(%dma_start3A_101 : memref<8x128xi32, #tpu.memory_space<hbm>>) target(%arg8 : memref<8x128xi32, #tpu.memory_space<vmem>>) target_semaphore(%run_scoped3A : memref<!tpu.dma_semaphore, #tpu.memory_space<semaphore_mem>>)
      %dma_wait3A = arith.constant 0 : i32
      %dma_wait3A_102 = tpu.memref_slice %arg4[%add3A_14, %dma_wait3A] : memref<512x128xi32, #tpu.memory_space<hbm>> -> memref<8x128xi32, #tpu.memory_space<hbm>>
      %dma_wait3A_103 = arith.constant 0 : i32
      %dma_wait3A_104 = tpu.memref_slice %arg4[%add3A_14, %dma_wait3A_103] : memref<512x128xi32, #tpu.memory_space<hbm>> -> memref<8x128xi32, #tpu.memory_space<hbm>>
      tpu.wait_dma2 semaphore(%run_scoped3A : memref<!tpu.dma_semaphore, #tpu.memory_space<semaphore_mem>>) src(%dma_wait3A_104 : memref<8x128xi32, #tpu.memory_space<hbm>>) dst(%arg8 : memref<8x128xi32, #tpu.memory_space<vmem>>)
      tpu.yield
    }) : () -> ()
    %dma_start3A = arith.constant 0 : i32
    %dma_start3A_15 = arith.constant 0 : i32
    %dma_start3A_16 = tpu.memref_slice %arg7[%dma_start3A, %dma_start3A_15] : memref<8x128xi32, #tpu.memory_space<vmem>> -> memref<1x128xi32, #tpu.memory_space<vmem>>
    %dma_start3A_17 = tpu.memref_squeeze %dma_start3A_16 : memref<1x128xi32, #tpu.memory_space<vmem>> -> memref<128xi32, #tpu.memory_space<vmem>>
    %dma_start3A_18 = arith.constant 0 : i32
    %dma_start3A_19 = arith.constant 0 : i32
    %dma_start3A_20 = tpu.memref_slice %arg2[%dma_start3A_18, %dma_start3A_19] : memref<10000x128xf32, #tpu.memory_space<hbm>> -> memref<10000x128xf32, #tpu.memory_space<hbm>>
    tpu.enqueue_indirect_dma source(%dma_start3A_20 : memref<10000x128xf32, #tpu.memory_space<hbm>>) target(%arg9 : memref<128x128xf32, #tpu.memory_space<vmem>>) offsets(%dma_start3A_17 : memref<128xi32, #tpu.memory_space<vmem>>) semaphore(%arg13 : memref<!tpu.dma_semaphore, #tpu.memory_space<semaphore_mem>>)
    %dma_start3A_21 = arith.constant 1 : i32
    %dma_start3A_22 = arith.constant 0 : i32
    %dma_start3A_23 = tpu.memref_slice %arg7[%dma_start3A_21, %dma_start3A_22] : memref<8x128xi32, #tpu.memory_space<vmem>> -> memref<1x128xi32, #tpu.memory_space<vmem>>
    %dma_start3A_24 = tpu.memref_squeeze %dma_start3A_23 : memref<1x128xi32, #tpu.memory_space<vmem>> -> memref<128xi32, #tpu.memory_space<vmem>>
    %dma_start3A_25 = arith.constant 0 : i32
    %dma_start3A_26 = arith.constant 0 : i32
    %dma_start3A_27 = tpu.memref_slice %arg2[%dma_start3A_25, %dma_start3A_26] : memref<10000x128xf32, #tpu.memory_space<hbm>> -> memref<10000x128xf32, #tpu.memory_space<hbm>>
    tpu.enqueue_indirect_dma source(%dma_start3A_27 : memref<10000x128xf32, #tpu.memory_space<hbm>>) target(%arg10 : memref<128x128xf32, #tpu.memory_space<vmem>>) offsets(%dma_start3A_24 : memref<128xi32, #tpu.memory_space<vmem>>) semaphore(%arg14 : memref<!tpu.dma_semaphore, #tpu.memory_space<semaphore_mem>>)
    %dma_start3A_28 = arith.constant 2 : i32
    %dma_start3A_29 = arith.constant 0 : i32
    %dma_start3A_30 = tpu.memref_slice %arg7[%dma_start3A_28, %dma_start3A_29] : memref<8x128xi32, #tpu.memory_space<vmem>> -> memref<1x128xi32, #tpu.memory_space<vmem>>
    %dma_start3A_31 = tpu.memref_squeeze %dma_start3A_30 : memref<1x128xi32, #tpu.memory_space<vmem>> -> memref<128xi32, #tpu.memory_space<vmem>>
    %dma_start3A_32 = arith.constant 0 : i32
    %dma_start3A_33 = arith.constant 0 : i32
    %dma_start3A_34 = tpu.memref_slice %arg2[%dma_start3A_32, %dma_start3A_33] : memref<10000x128xf32, #tpu.memory_space<hbm>> -> memref<10000x128xf32, #tpu.memory_space<hbm>>
    tpu.enqueue_indirect_dma source(%dma_start3A_34 : memref<10000x128xf32, #tpu.memory_space<hbm>>) target(%arg11 : memref<128x128xf32, #tpu.memory_space<vmem>>) offsets(%dma_start3A_31 : memref<128xi32, #tpu.memory_space<vmem>>) semaphore(%arg15 : memref<!tpu.dma_semaphore, #tpu.memory_space<semaphore_mem>>)
    %dma_start3A_35 = arith.constant 3 : i32
    %dma_start3A_36 = arith.constant 0 : i32
    %dma_start3A_37 = tpu.memref_slice %arg7[%dma_start3A_35, %dma_start3A_36] : memref<8x128xi32, #tpu.memory_space<vmem>> -> memref<1x128xi32, #tpu.memory_space<vmem>>
    %dma_start3A_38 = tpu.memref_squeeze %dma_start3A_37 : memref<1x128xi32, #tpu.memory_space<vmem>> -> memref<128xi32, #tpu.memory_space<vmem>>
    %dma_start3A_39 = arith.constant 0 : i32
    %dma_start3A_40 = arith.constant 0 : i32
    %dma_start3A_41 = tpu.memref_slice %arg2[%dma_start3A_39, %dma_start3A_40] : memref<10000x128xf32, #tpu.memory_space<hbm>> -> memref<10000x128xf32, #tpu.memory_space<hbm>>
    tpu.enqueue_indirect_dma source(%dma_start3A_41 : memref<10000x128xf32, #tpu.memory_space<hbm>>) target(%arg12 : memref<128x128xf32, #tpu.memory_space<vmem>>) offsets(%dma_start3A_38 : memref<128xi32, #tpu.memory_space<vmem>>) semaphore(%arg16 : memref<!tpu.dma_semaphore, #tpu.memory_space<semaphore_mem>>)
    %scan3A_42 = arith.constant 0 : i32
    %scan3A_43 = arith.constant 0 : i32
    %scan3A_44 = arith.constant 2 : i32
    %scan3A_45 = arith.addi %scan3A_43, %scan3A_44 : i32
    %scan3A_46 = arith.constant 1 : i32
    scf.for %scan3A_98 = %scan3A_43 to %scan3A_45 step %scan3A_46  : i32 {
      %mul3A_99 = arith.constant 4 : i32
      %mul3A_100 = arith.muli %scan3A_98, %mul3A_99 : i32
      %add3A_101 = arith.constant 0 : i32
      %add3A_102 = arith.addi %mul3A_100, %add3A_101 : i32
      %dma_wait3A = arith.constant 0 : i32
      %dma_wait3A_103 = tpu.memref_slice %arg7[%add3A_102, %dma_wait3A] : memref<8x128xi32, #tpu.memory_space<vmem>> -> memref<1x128xi32, #tpu.memory_space<vmem>>
      %dma_wait3A_104 = tpu.memref_squeeze %dma_wait3A_103 : memref<1x128xi32, #tpu.memory_space<vmem>> -> memref<128xi32, #tpu.memory_space<vmem>>
      %dma_wait3A_105 = arith.constant 0 : i32
      %dma_wait3A_106 = arith.constant 0 : i32
      %dma_wait3A_107 = tpu.memref_slice %arg2[%dma_wait3A_105, %dma_wait3A_106] : memref<10000x128xf32, #tpu.memory_space<hbm>> -> memref<10000x128xf32, #tpu.memory_space<hbm>>
      tpu.wait_indirect_dma semaphore(%arg13 : memref<!tpu.dma_semaphore, #tpu.memory_space<semaphore_mem>>) src(%dma_wait3A_107 : memref<10000x128xf32, #tpu.memory_space<hbm>>) dst(%arg9 : memref<128x128xf32, #tpu.memory_space<vmem>>)
      "tpu.region"() ({
        %run_scoped3A = tpu.sem_alloc : memref<!tpu.dma_semaphore, #tpu.memory_space<semaphore_mem>>
        %dma_start3A_155 = arith.constant 0 : i32
        %dma_start3A_156 = tpu.memref_slice %arg8[%add3A_102, %dma_start3A_155] : memref<8x128xi32, #tpu.memory_space<vmem>> -> memref<1x128xi32, #tpu.memory_space<vmem>>
        %dma_start3A_157 = tpu.memref_squeeze %dma_start3A_156 : memref<1x128xi32, #tpu.memory_space<vmem>> -> memref<128xi32, #tpu.memory_space<vmem>>
        %dma_start3A_158 = arith.constant 0 : i32
        %dma_start3A_159 = arith.constant 0 : i32
        %dma_start3A_160 = tpu.memref_slice %arg6[%dma_start3A_158, %dma_start3A_159] : memref<2048x128xf32, #tpu.memory_space<vmem_shared>> -> memref<2048x128xf32, #tpu.memory_space<vmem_shared>>
        tpu.enqueue_indirect_dma source(%arg9 : memref<128x128xf32, #tpu.memory_space<vmem>>) target(%dma_start3A_160 : memref<2048x128xf32, #tpu.memory_space<vmem_shared>>) offsets(%dma_start3A_157 : memref<128xi32, #tpu.memory_space<vmem>>) semaphore(%run_scoped3A : memref<!tpu.dma_semaphore, #tpu.memory_space<semaphore_mem>>) {add = true}
        %dma_wait3A_161 = arith.constant 0 : i32
        %dma_wait3A_162 = tpu.memref_slice %arg8[%add3A_102, %dma_wait3A_161] : memref<8x128xi32, #tpu.memory_space<vmem>> -> memref<1x128xi32, #tpu.memory_space<vmem>>
        %dma_wait3A_163 = tpu.memref_squeeze %dma_wait3A_162 : memref<1x128xi32, #tpu.memory_space<vmem>> -> memref<128xi32, #tpu.memory_space<vmem>>
        %dma_wait3A_164 = arith.constant 0 : i32
        %dma_wait3A_165 = arith.constant 0 : i32
        %dma_wait3A_166 = tpu.memref_slice %arg6[%dma_wait3A_164, %dma_wait3A_165] : memref<2048x128xf32, #tpu.memory_space<vmem_shared>> -> memref<2048x128xf32, #tpu.memory_space<vmem_shared>>
        tpu.wait_indirect_dma semaphore(%run_scoped3A : memref<!tpu.dma_semaphore, #tpu.memory_space<semaphore_mem>>) src(%arg9 : memref<128x128xf32, #tpu.memory_space<vmem>>) dst(%dma_wait3A_166 : memref<2048x128xf32, #tpu.memory_space<vmem_shared>>)
        tpu.yield
      }) : () -> ()
      %lt3A = arith.constant 1 : i32
      %lt3A_108 = arith.cmpi slt, %scan3A_98, %lt3A : i32
      %convert_element_type3A = arith.extui %lt3A_108 : i1 to i32
      %cond3A = arith.constant 0 : i32
      %cond3A_109 = arith.cmpi ne, %convert_element_type3A, %cond3A : i32
      scf.if %cond3A_109 {
        %add3A_155 = arith.constant 4 : i32
        %add3A_156 = arith.addi %add3A_102, %add3A_155 : i32
        %dma_start3A_157 = arith.constant 0 : i32
        %dma_start3A_158 = tpu.memref_slice %arg7[%add3A_156, %dma_start3A_157] : memref<8x128xi32, #tpu.memory_space<vmem>> -> memref<1x128xi32, #tpu.memory_space<vmem>>
        %dma_start3A_159 = tpu.memref_squeeze %dma_start3A_158 : memref<1x128xi32, #tpu.memory_space<vmem>> -> memref<128xi32, #tpu.memory_space<vmem>>
        %dma_start3A_160 = arith.constant 0 : i32
        %dma_start3A_161 = arith.constant 0 : i32
        %dma_start3A_162 = tpu.memref_slice %arg2[%dma_start3A_160, %dma_start3A_161] : memref<10000x128xf32, #tpu.memory_space<hbm>> -> memref<10000x128xf32, #tpu.memory_space<hbm>>
        tpu.enqueue_indirect_dma source(%dma_start3A_162 : memref<10000x128xf32, #tpu.memory_space<hbm>>) target(%arg9 : memref<128x128xf32, #tpu.memory_space<vmem>>) offsets(%dma_start3A_159 : memref<128xi32, #tpu.memory_space<vmem>>) semaphore(%arg13 : memref<!tpu.dma_semaphore, #tpu.memory_space<semaphore_mem>>)
      } else {
      }
      %mul3A_110 = arith.constant 4 : i32
      %mul3A_111 = arith.muli %scan3A_98, %mul3A_110 : i32
      %add3A_112 = arith.constant 1 : i32
      %add3A_113 = arith.addi %mul3A_111, %add3A_112 : i32
      %dma_wait3A_114 = arith.constant 0 : i32
      %dma_wait3A_115 = tpu.memref_slice %arg7[%add3A_113, %dma_wait3A_114] : memref<8x128xi32, #tpu.memory_space<vmem>> -> memref<1x128xi32, #tpu.memory_space<vmem>>
      %dma_wait3A_116 = tpu.memref_squeeze %dma_wait3A_115 : memref<1x128xi32, #tpu.memory_space<vmem>> -> memref<128xi32, #tpu.memory_space<vmem>>
      %dma_wait3A_117 = arith.constant 0 : i32
      %dma_wait3A_118 = arith.constant 0 : i32
      %dma_wait3A_119 = tpu.memref_slice %arg2[%dma_wait3A_117, %dma_wait3A_118] : memref<10000x128xf32, #tpu.memory_space<hbm>> -> memref<10000x128xf32, #tpu.memory_space<hbm>>
      tpu.wait_indirect_dma semaphore(%arg14 : memref<!tpu.dma_semaphore, #tpu.memory_space<semaphore_mem>>) src(%dma_wait3A_119 : memref<10000x128xf32, #tpu.memory_space<hbm>>) dst(%arg10 : memref<128x128xf32, #tpu.memory_space<vmem>>)
      "tpu.region"() ({
        %run_scoped3A = tpu.sem_alloc : memref<!tpu.dma_semaphore, #tpu.memory_space<semaphore_mem>>
        %dma_start3A_155 = arith.constant 0 : i32
        %dma_start3A_156 = tpu.memref_slice %arg8[%add3A_113, %dma_start3A_155] : memref<8x128xi32, #tpu.memory_space<vmem>> -> memref<1x128xi32, #tpu.memory_space<vmem>>
        %dma_start3A_157 = tpu.memref_squeeze %dma_start3A_156 : memref<1x128xi32, #tpu.memory_space<vmem>> -> memref<128xi32, #tpu.memory_space<vmem>>
        %dma_start3A_158 = arith.constant 0 : i32
        %dma_start3A_159 = arith.constant 0 : i32
        %dma_start3A_160 = tpu.memref_slice %arg6[%dma_start3A_158, %dma_start3A_159] : memref<2048x128xf32, #tpu.memory_space<vmem_shared>> -> memref<2048x128xf32, #tpu.memory_space<vmem_shared>>
        tpu.enqueue_indirect_dma source(%arg10 : memref<128x128xf32, #tpu.memory_space<vmem>>) target(%dma_start3A_160 : memref<2048x128xf32, #tpu.memory_space<vmem_shared>>) offsets(%dma_start3A_157 : memref<128xi32, #tpu.memory_space<vmem>>) semaphore(%run_scoped3A : memref<!tpu.dma_semaphore, #tpu.memory_space<semaphore_mem>>) {add = true}
        %dma_wait3A_161 = arith.constant 0 : i32
        %dma_wait3A_162 = tpu.memref_slice %arg8[%add3A_113, %dma_wait3A_161] : memref<8x128xi32, #tpu.memory_space<vmem>> -> memref<1x128xi32, #tpu.memory_space<vmem>>
        %dma_wait3A_163 = tpu.memref_squeeze %dma_wait3A_162 : memref<1x128xi32, #tpu.memory_space<vmem>> -> memref<128xi32, #tpu.memory_space<vmem>>
        %dma_wait3A_164 = arith.constant 0 : i32
        %dma_wait3A_165 = arith.constant 0 : i32
        %dma_wait3A_166 = tpu.memref_slice %arg6[%dma_wait3A_164, %dma_wait3A_165] : memref<2048x128xf32, #tpu.memory_space<vmem_shared>> -> memref<2048x128xf32, #tpu.memory_space<vmem_shared>>
        tpu.wait_indirect_dma semaphore(%run_scoped3A : memref<!tpu.dma_semaphore, #tpu.memory_space<semaphore_mem>>) src(%arg10 : memref<128x128xf32, #tpu.memory_space<vmem>>) dst(%dma_wait3A_166 : memref<2048x128xf32, #tpu.memory_space<vmem_shared>>)
        tpu.yield
      }) : () -> ()
      %lt3A_120 = arith.constant 1 : i32
      %lt3A_121 = arith.cmpi slt, %scan3A_98, %lt3A_120 : i32
      %convert_element_type3A_122 = arith.extui %lt3A_121 : i1 to i32
      %cond3A_123 = arith.constant 0 : i32
      %cond3A_124 = arith.cmpi ne, %convert_element_type3A_122, %cond3A_123 : i32
      scf.if %cond3A_124 {
        %add3A_155 = arith.constant 4 : i32
        %add3A_156 = arith.addi %add3A_113, %add3A_155 : i32
        %dma_start3A_157 = arith.constant 0 : i32
        %dma_start3A_158 = tpu.memref_slice %arg7[%add3A_156, %dma_start3A_157] : memref<8x128xi32, #tpu.memory_space<vmem>> -> memref<1x128xi32, #tpu.memory_space<vmem>>
        %dma_start3A_159 = tpu.memref_squeeze %dma_start3A_158 : memref<1x128xi32, #tpu.memory_space<vmem>> -> memref<128xi32, #tpu.memory_space<vmem>>
        %dma_start3A_160 = arith.constant 0 : i32
        %dma_start3A_161 = arith.constant 0 : i32
        %dma_start3A_162 = tpu.memref_slice %arg2[%dma_start3A_160, %dma_start3A_161] : memref<10000x128xf32, #tpu.memory_space<hbm>> -> memref<10000x128xf32, #tpu.memory_space<hbm>>
        tpu.enqueue_indirect_dma source(%dma_start3A_162 : memref<10000x128xf32, #tpu.memory_space<hbm>>) target(%arg10 : memref<128x128xf32, #tpu.memory_space<vmem>>) offsets(%dma_start3A_159 : memref<128xi32, #tpu.memory_space<vmem>>) semaphore(%arg14 : memref<!tpu.dma_semaphore, #tpu.memory_space<semaphore_mem>>)
      } else {
      }
      %mul3A_125 = arith.constant 4 : i32
      %mul3A_126 = arith.muli %scan3A_98, %mul3A_125 : i32
      %add3A_127 = arith.constant 2 : i32
      %add3A_128 = arith.addi %mul3A_126, %add3A_127 : i32
      %dma_wait3A_129 = arith.constant 0 : i32
      %dma_wait3A_130 = tpu.memref_slice %arg7[%add3A_128, %dma_wait3A_129] : memref<8x128xi32, #tpu.memory_space<vmem>> -> memref<1x128xi32, #tpu.memory_space<vmem>>
      %dma_wait3A_131 = tpu.memref_squeeze %dma_wait3A_130 : memref<1x128xi32, #tpu.memory_space<vmem>> -> memref<128xi32, #tpu.memory_space<vmem>>
      %dma_wait3A_132 = arith.constant 0 : i32
      %dma_wait3A_133 = arith.constant 0 : i32
      %dma_wait3A_134 = tpu.memref_slice %arg2[%dma_wait3A_132, %dma_wait3A_133] : memref<10000x128xf32, #tpu.memory_space<hbm>> -> memref<10000x128xf32, #tpu.memory_space<hbm>>
      tpu.wait_indirect_dma semaphore(%arg15 : memref<!tpu.dma_semaphore, #tpu.memory_space<semaphore_mem>>) src(%dma_wait3A_134 : memref<10000x128xf32, #tpu.memory_space<hbm>>) dst(%arg11 : memref<128x128xf32, #tpu.memory_space<vmem>>)
      "tpu.region"() ({
        %run_scoped3A = tpu.sem_alloc : memref<!tpu.dma_semaphore, #tpu.memory_space<semaphore_mem>>
        %dma_start3A_155 = arith.constant 0 : i32
        %dma_start3A_156 = tpu.memref_slice %arg8[%add3A_128, %dma_start3A_155] : memref<8x128xi32, #tpu.memory_space<vmem>> -> memref<1x128xi32, #tpu.memory_space<vmem>>
        %dma_start3A_157 = tpu.memref_squeeze %dma_start3A_156 : memref<1x128xi32, #tpu.memory_space<vmem>> -> memref<128xi32, #tpu.memory_space<vmem>>
        %dma_start3A_158 = arith.constant 0 : i32
        %dma_start3A_159 = arith.constant 0 : i32
        %dma_start3A_160 = tpu.memref_slice %arg6[%dma_start3A_158, %dma_start3A_159] : memref<2048x128xf32, #tpu.memory_space<vmem_shared>> -> memref<2048x128xf32, #tpu.memory_space<vmem_shared>>
        tpu.enqueue_indirect_dma source(%arg11 : memref<128x128xf32, #tpu.memory_space<vmem>>) target(%dma_start3A_160 : memref<2048x128xf32, #tpu.memory_space<vmem_shared>>) offsets(%dma_start3A_157 : memref<128xi32, #tpu.memory_space<vmem>>) semaphore(%run_scoped3A : memref<!tpu.dma_semaphore, #tpu.memory_space<semaphore_mem>>) {add = true}
        %dma_wait3A_161 = arith.constant 0 : i32
        %dma_wait3A_162 = tpu.memref_slice %arg8[%add3A_128, %dma_wait3A_161] : memref<8x128xi32, #tpu.memory_space<vmem>> -> memref<1x128xi32, #tpu.memory_space<vmem>>
        %dma_wait3A_163 = tpu.memref_squeeze %dma_wait3A_162 : memref<1x128xi32, #tpu.memory_space<vmem>> -> memref<128xi32, #tpu.memory_space<vmem>>
        %dma_wait3A_164 = arith.constant 0 : i32
        %dma_wait3A_165 = arith.constant 0 : i32
        %dma_wait3A_166 = tpu.memref_slice %arg6[%dma_wait3A_164, %dma_wait3A_165] : memref<2048x128xf32, #tpu.memory_space<vmem_shared>> -> memref<2048x128xf32, #tpu.memory_space<vmem_shared>>
        tpu.wait_indirect_dma semaphore(%run_scoped3A : memref<!tpu.dma_semaphore, #tpu.memory_space<semaphore_mem>>) src(%arg11 : memref<128x128xf32, #tpu.memory_space<vmem>>) dst(%dma_wait3A_166 : memref<2048x128xf32, #tpu.memory_space<vmem_shared>>)
        tpu.yield
      }) : () -> ()
      %lt3A_135 = arith.constant 1 : i32
      %lt3A_136 = arith.cmpi slt, %scan3A_98, %lt3A_135 : i32
      %convert_element_type3A_137 = arith.extui %lt3A_136 : i1 to i32
      %cond3A_138 = arith.constant 0 : i32
      %cond3A_139 = arith.cmpi ne, %convert_element_type3A_137, %cond3A_138 : i32
      scf.if %cond3A_139 {
        %add3A_155 = arith.constant 4 : i32
        %add3A_156 = arith.addi %add3A_128, %add3A_155 : i32
        %dma_start3A_157 = arith.constant 0 : i32
        %dma_start3A_158 = tpu.memref_slice %arg7[%add3A_156, %dma_start3A_157] : memref<8x128xi32, #tpu.memory_space<vmem>> -> memref<1x128xi32, #tpu.memory_space<vmem>>
        %dma_start3A_159 = tpu.memref_squeeze %dma_start3A_158 : memref<1x128xi32, #tpu.memory_space<vmem>> -> memref<128xi32, #tpu.memory_space<vmem>>
        %dma_start3A_160 = arith.constant 0 : i32
        %dma_start3A_161 = arith.constant 0 : i32
        %dma_start3A_162 = tpu.memref_slice %arg2[%dma_start3A_160, %dma_start3A_161] : memref<10000x128xf32, #tpu.memory_space<hbm>> -> memref<10000x128xf32, #tpu.memory_space<hbm>>
        tpu.enqueue_indirect_dma source(%dma_start3A_162 : memref<10000x128xf32, #tpu.memory_space<hbm>>) target(%arg11 : memref<128x128xf32, #tpu.memory_space<vmem>>) offsets(%dma_start3A_159 : memref<128xi32, #tpu.memory_space<vmem>>) semaphore(%arg15 : memref<!tpu.dma_semaphore, #tpu.memory_space<semaphore_mem>>)
      } else {
      }
      %mul3A_140 = arith.constant 4 : i32
      %mul3A_141 = arith.muli %scan3A_98, %mul3A_140 : i32
      %add3A_142 = arith.constant 3 : i32
      %add3A_143 = arith.addi %mul3A_141, %add3A_142 : i32
      %dma_wait3A_144 = arith.constant 0 : i32
      %dma_wait3A_145 = tpu.memref_slice %arg7[%add3A_143, %dma_wait3A_144] : memref<8x128xi32, #tpu.memory_space<vmem>> -> memref<1x128xi32, #tpu.memory_space<vmem>>
      %dma_wait3A_146 = tpu.memref_squeeze %dma_wait3A_145 : memref<1x128xi32, #tpu.memory_space<vmem>> -> memref<128xi32, #tpu.memory_space<vmem>>
      %dma_wait3A_147 = arith.constant 0 : i32
      %dma_wait3A_148 = arith.constant 0 : i32
      %dma_wait3A_149 = tpu.memref_slice %arg2[%dma_wait3A_147, %dma_wait3A_148] : memref<10000x128xf32, #tpu.memory_space<hbm>> -> memref<10000x128xf32, #tpu.memory_space<hbm>>
      tpu.wait_indirect_dma semaphore(%arg16 : memref<!tpu.dma_semaphore, #tpu.memory_space<semaphore_mem>>) src(%dma_wait3A_149 : memref<10000x128xf32, #tpu.memory_space<hbm>>) dst(%arg12 : memref<128x128xf32, #tpu.memory_space<vmem>>)
      "tpu.region"() ({
        %run_scoped3A = tpu.sem_alloc : memref<!tpu.dma_semaphore, #tpu.memory_space<semaphore_mem>>
        %dma_start3A_155 = arith.constant 0 : i32
        %dma_start3A_156 = tpu.memref_slice %arg8[%add3A_143, %dma_start3A_155] : memref<8x128xi32, #tpu.memory_space<vmem>> -> memref<1x128xi32, #tpu.memory_space<vmem>>
        %dma_start3A_157 = tpu.memref_squeeze %dma_start3A_156 : memref<1x128xi32, #tpu.memory_space<vmem>> -> memref<128xi32, #tpu.memory_space<vmem>>
        %dma_start3A_158 = arith.constant 0 : i32
        %dma_start3A_159 = arith.constant 0 : i32
        %dma_start3A_160 = tpu.memref_slice %arg6[%dma_start3A_158, %dma_start3A_159] : memref<2048x128xf32, #tpu.memory_space<vmem_shared>> -> memref<2048x128xf32, #tpu.memory_space<vmem_shared>>
        tpu.enqueue_indirect_dma source(%arg12 : memref<128x128xf32, #tpu.memory_space<vmem>>) target(%dma_start3A_160 : memref<2048x128xf32, #tpu.memory_space<vmem_shared>>) offsets(%dma_start3A_157 : memref<128xi32, #tpu.memory_space<vmem>>) semaphore(%run_scoped3A : memref<!tpu.dma_semaphore, #tpu.memory_space<semaphore_mem>>) {add = true}
        %dma_wait3A_161 = arith.constant 0 : i32
        %dma_wait3A_162 = tpu.memref_slice %arg8[%add3A_143, %dma_wait3A_161] : memref<8x128xi32, #tpu.memory_space<vmem>> -> memref<1x128xi32, #tpu.memory_space<vmem>>
        %dma_wait3A_163 = tpu.memref_squeeze %dma_wait3A_162 : memref<1x128xi32, #tpu.memory_space<vmem>> -> memref<128xi32, #tpu.memory_space<vmem>>
        %dma_wait3A_164 = arith.constant 0 : i32
        %dma_wait3A_165 = arith.constant 0 : i32
        %dma_wait3A_166 = tpu.memref_slice %arg6[%dma_wait3A_164, %dma_wait3A_165] : memref<2048x128xf32, #tpu.memory_space<vmem_shared>> -> memref<2048x128xf32, #tpu.memory_space<vmem_shared>>
        tpu.wait_indirect_dma semaphore(%run_scoped3A : memref<!tpu.dma_semaphore, #tpu.memory_space<semaphore_mem>>) src(%arg12 : memref<128x128xf32, #tpu.memory_space<vmem>>) dst(%dma_wait3A_166 : memref<2048x128xf32, #tpu.memory_space<vmem_shared>>)
        tpu.yield
      }) : () -> ()
      %lt3A_150 = arith.constant 1 : i32
      %lt3A_151 = arith.cmpi slt, %scan3A_98, %lt3A_150 : i32
      %convert_element_type3A_152 = arith.extui %lt3A_151 : i1 to i32
      %cond3A_153 = arith.constant 0 : i32
      %cond3A_154 = arith.cmpi ne, %convert_element_type3A_152, %cond3A_153 : i32
      scf.if %cond3A_154 {
        %add3A_155 = arith.constant 4 : i32
        %add3A_156 = arith.addi %add3A_143, %add3A_155 : i32
        %dma_start3A_157 = arith.constant 0 : i32
        %dma_start3A_158 = tpu.memref_slice %arg7[%add3A_156, %dma_start3A_157] : memref<8x128xi32, #tpu.memory_space<vmem>> -> memref<1x128xi32, #tpu.memory_space<vmem>>
        %dma_start3A_159 = tpu.memref_squeeze %dma_start3A_158 : memref<1x128xi32, #tpu.memory_space<vmem>> -> memref<128xi32, #tpu.memory_space<vmem>>
        %dma_start3A_160 = arith.constant 0 : i32
        %dma_start3A_161 = arith.constant 0 : i32
        %dma_start3A_162 = tpu.memref_slice %arg2[%dma_start3A_160, %dma_start3A_161] : memref<10000x128xf32, #tpu.memory_space<hbm>> -> memref<10000x128xf32, #tpu.memory_space<hbm>>
        tpu.enqueue_indirect_dma source(%dma_start3A_162 : memref<10000x128xf32, #tpu.memory_space<hbm>>) target(%arg12 : memref<128x128xf32, #tpu.memory_space<vmem>>) offsets(%dma_start3A_159 : memref<128xi32, #tpu.memory_space<vmem>>) semaphore(%arg16 : memref<!tpu.dma_semaphore, #tpu.memory_space<semaphore_mem>>)
      } else {
      }
    }
    %scan3A_47 = arith.constant 2 : i32
    %mul3A_48 = arith.constant 16 : i32
    %mul3A_49 = arith.muli %add3A, %mul3A_48 : i32
    %add3A_50 = arith.constant 8 : i32
    %add3A_51 = arith.addi %mul3A_49, %add3A_50 : i32
    "tpu.region"() ({
      %run_scoped3A = tpu.sem_alloc : memref<!tpu.dma_semaphore, #tpu.memory_space<semaphore_mem>>
      %dma_start3A_98 = arith.constant 0 : i32
      %dma_start3A_99 = tpu.memref_slice %arg3[%add3A_51, %dma_start3A_98] : memref<512x128xi32, #tpu.memory_space<hbm>> -> memref<8x128xi32, #tpu.memory_space<hbm>>
      %dma_start3A_100 = arith.constant 0 : i32
      %dma_start3A_101 = tpu.memref_slice %arg3[%add3A_51, %dma_start3A_100] : memref<512x128xi32, #tpu.memory_space<hbm>> -> memref<8x128xi32, #tpu.memory_space<hbm>>
      tpu.enqueue_dma source(%dma_start3A_101 : memref<8x128xi32, #tpu.memory_space<hbm>>) target(%arg7 : memref<8x128xi32, #tpu.memory_space<vmem>>) target_semaphore(%run_scoped3A : memref<!tpu.dma_semaphore, #tpu.memory_space<semaphore_mem>>)
      %dma_wait3A = arith.constant 0 : i32
      %dma_wait3A_102 = tpu.memref_slice %arg3[%add3A_51, %dma_wait3A] : memref<512x128xi32, #tpu.memory_space<hbm>> -> memref<8x128xi32, #tpu.memory_space<hbm>>
      %dma_wait3A_103 = arith.constant 0 : i32
      %dma_wait3A_104 = tpu.memref_slice %arg3[%add3A_51, %dma_wait3A_103] : memref<512x128xi32, #tpu.memory_space<hbm>> -> memref<8x128xi32, #tpu.memory_space<hbm>>
      tpu.wait_dma2 semaphore(%run_scoped3A : memref<!tpu.dma_semaphore, #tpu.memory_space<semaphore_mem>>) src(%dma_wait3A_104 : memref<8x128xi32, #tpu.memory_space<hbm>>) dst(%arg7 : memref<8x128xi32, #tpu.memory_space<vmem>>)
      tpu.yield
    }) : () -> ()
    "tpu.region"() ({
      %run_scoped3A = tpu.sem_alloc : memref<!tpu.dma_semaphore, #tpu.memory_space<semaphore_mem>>
      %dma_start3A_98 = arith.constant 0 : i32
      %dma_start3A_99 = tpu.memref_slice %arg4[%add3A_51, %dma_start3A_98] : memref<512x128xi32, #tpu.memory_space<hbm>> -> memref<8x128xi32, #tpu.memory_space<hbm>>
      %dma_start3A_100 = arith.constant 0 : i32
      %dma_start3A_101 = tpu.memref_slice %arg4[%add3A_51, %dma_start3A_100] : memref<512x128xi32, #tpu.memory_space<hbm>> -> memref<8x128xi32, #tpu.memory_space<hbm>>
      tpu.enqueue_dma source(%dma_start3A_101 : memref<8x128xi32, #tpu.memory_space<hbm>>) target(%arg8 : memref<8x128xi32, #tpu.memory_space<vmem>>) target_semaphore(%run_scoped3A : memref<!tpu.dma_semaphore, #tpu.memory_space<semaphore_mem>>)
      %dma_wait3A = arith.constant 0 : i32
      %dma_wait3A_102 = tpu.memref_slice %arg4[%add3A_51, %dma_wait3A] : memref<512x128xi32, #tpu.memory_space<hbm>> -> memref<8x128xi32, #tpu.memory_space<hbm>>
      %dma_wait3A_103 = arith.constant 0 : i32
      %dma_wait3A_104 = tpu.memref_slice %arg4[%add3A_51, %dma_wait3A_103] : memref<512x128xi32, #tpu.memory_space<hbm>> -> memref<8x128xi32, #tpu.memory_space<hbm>>
      tpu.wait_dma2 semaphore(%run_scoped3A : memref<!tpu.dma_semaphore, #tpu.memory_space<semaphore_mem>>) src(%dma_wait3A_104 : memref<8x128xi32, #tpu.memory_space<hbm>>) dst(%arg8 : memref<8x128xi32, #tpu.memory_space<vmem>>)
      tpu.yield
    }) : () -> ()
    %dma_start3A_52 = arith.constant 0 : i32
    %dma_start3A_53 = arith.constant 0 : i32
    %dma_start3A_54 = tpu.memref_slice %arg7[%dma_start3A_52, %dma_start3A_53] : memref<8x128xi32, #tpu.memory_space<vmem>> -> memref<1x128xi32, #tpu.memory_space<vmem>>
    %dma_start3A_55 = tpu.memref_squeeze %dma_start3A_54 : memref<1x128xi32, #tpu.memory_space<vmem>> -> memref<128xi32, #tpu.memory_space<vmem>>
    %dma_start3A_56 = arith.constant 0 : i32
    %dma_start3A_57 = arith.constant 0 : i32
    %dma_start3A_58 = tpu.memref_slice %arg2[%dma_start3A_56, %dma_start3A_57] : memref<10000x128xf32, #tpu.memory_space<hbm>> -> memref<10000x128xf32, #tpu.memory_space<hbm>>
    tpu.enqueue_indirect_dma source(%dma_start3A_58 : memref<10000x128xf32, #tpu.memory_space<hbm>>) target(%arg9 : memref<128x128xf32, #tpu.memory_space<vmem>>) offsets(%dma_start3A_55 : memref<128xi32, #tpu.memory_space<vmem>>) semaphore(%arg13 : memref<!tpu.dma_semaphore, #tpu.memory_space<semaphore_mem>>)
    %dma_start3A_59 = arith.constant 1 : i32
    %dma_start3A_60 = arith.constant 0 : i32
    %dma_start3A_61 = tpu.memref_slice %arg7[%dma_start3A_59, %dma_start3A_60] : memref<8x128xi32, #tpu.memory_space<vmem>> -> memref<1x128xi32, #tpu.memory_space<vmem>>
    %dma_start3A_62 = tpu.memref_squeeze %dma_start3A_61 : memref<1x128xi32, #tpu.memory_space<vmem>> -> memref<128xi32, #tpu.memory_space<vmem>>
    %dma_start3A_63 = arith.constant 0 : i32
    %dma_start3A_64 = arith.constant 0 : i32
    %dma_start3A_65 = tpu.memref_slice %arg2[%dma_start3A_63, %dma_start3A_64] : memref<10000x128xf32, #tpu.memory_space<hbm>> -> memref<10000x128xf32, #tpu.memory_space<hbm>>
    tpu.enqueue_indirect_dma source(%dma_start3A_65 : memref<10000x128xf32, #tpu.memory_space<hbm>>) target(%arg10 : memref<128x128xf32, #tpu.memory_space<vmem>>) offsets(%dma_start3A_62 : memref<128xi32, #tpu.memory_space<vmem>>) semaphore(%arg14 : memref<!tpu.dma_semaphore, #tpu.memory_space<semaphore_mem>>)
    %dma_start3A_66 = arith.constant 2 : i32
    %dma_start3A_67 = arith.constant 0 : i32
    %dma_start3A_68 = tpu.memref_slice %arg7[%dma_start3A_66, %dma_start3A_67] : memref<8x128xi32, #tpu.memory_space<vmem>> -> memref<1x128xi32, #tpu.memory_space<vmem>>
    %dma_start3A_69 = tpu.memref_squeeze %dma_start3A_68 : memref<1x128xi32, #tpu.memory_space<vmem>> -> memref<128xi32, #tpu.memory_space<vmem>>
    %dma_start3A_70 = arith.constant 0 : i32
    %dma_start3A_71 = arith.constant 0 : i32
    %dma_start3A_72 = tpu.memref_slice %arg2[%dma_start3A_70, %dma_start3A_71] : memref<10000x128xf32, #tpu.memory_space<hbm>> -> memref<10000x128xf32, #tpu.memory_space<hbm>>
    tpu.enqueue_indirect_dma source(%dma_start3A_72 : memref<10000x128xf32, #tpu.memory_space<hbm>>) target(%arg11 : memref<128x128xf32, #tpu.memory_space<vmem>>) offsets(%dma_start3A_69 : memref<128xi32, #tpu.memory_space<vmem>>) semaphore(%arg15 : memref<!tpu.dma_semaphore, #tpu.memory_space<semaphore_mem>>)
    %dma_start3A_73 = arith.constant 3 : i32
    %dma_start3A_74 = arith.constant 0 : i32
    %dma_start3A_75 = tpu.memref_slice %arg7[%dma_start3A_73, %dma_start3A_74] : memref<8x128xi32, #tpu.memory_space<vmem>> -> memref<1x128xi32, #tpu.memory_space<vmem>>
    %dma_start3A_76 = tpu.memref_squeeze %dma_start3A_75 : memref<1x128xi32, #tpu.memory_space<vmem>> -> memref<128xi32, #tpu.memory_space<vmem>>
    %dma_start3A_77 = arith.constant 0 : i32
    %dma_start3A_78 = arith.constant 0 : i32
    %dma_start3A_79 = tpu.memref_slice %arg2[%dma_start3A_77, %dma_start3A_78] : memref<10000x128xf32, #tpu.memory_space<hbm>> -> memref<10000x128xf32, #tpu.memory_space<hbm>>
    tpu.enqueue_indirect_dma source(%dma_start3A_79 : memref<10000x128xf32, #tpu.memory_space<hbm>>) target(%arg12 : memref<128x128xf32, #tpu.memory_space<vmem>>) offsets(%dma_start3A_76 : memref<128xi32, #tpu.memory_space<vmem>>) semaphore(%arg16 : memref<!tpu.dma_semaphore, #tpu.memory_space<semaphore_mem>>)
    %scan3A_80 = arith.constant 0 : i32
    %scan3A_81 = arith.constant 0 : i32
    %scan3A_82 = arith.constant 2 : i32
    %scan3A_83 = arith.addi %scan3A_81, %scan3A_82 : i32
    %scan3A_84 = arith.constant 1 : i32
    scf.for %scan3A_98 = %scan3A_81 to %scan3A_83 step %scan3A_84  : i32 {
      %mul3A_99 = arith.constant 4 : i32
      %mul3A_100 = arith.muli %scan3A_98, %mul3A_99 : i32
      %add3A_101 = arith.constant 0 : i32
      %add3A_102 = arith.addi %mul3A_100, %add3A_101 : i32
      %dma_wait3A = arith.constant 0 : i32
      %dma_wait3A_103 = tpu.memref_slice %arg7[%add3A_102, %dma_wait3A] : memref<8x128xi32, #tpu.memory_space<vmem>> -> memref<1x128xi32, #tpu.memory_space<vmem>>
      %dma_wait3A_104 = tpu.memref_squeeze %dma_wait3A_103 : memref<1x128xi32, #tpu.memory_space<vmem>> -> memref<128xi32, #tpu.memory_space<vmem>>
      %dma_wait3A_105 = arith.constant 0 : i32
      %dma_wait3A_106 = arith.constant 0 : i32
      %dma_wait3A_107 = tpu.memref_slice %arg2[%dma_wait3A_105, %dma_wait3A_106] : memref<10000x128xf32, #tpu.memory_space<hbm>> -> memref<10000x128xf32, #tpu.memory_space<hbm>>
      tpu.wait_indirect_dma semaphore(%arg13 : memref<!tpu.dma_semaphore, #tpu.memory_space<semaphore_mem>>) src(%dma_wait3A_107 : memref<10000x128xf32, #tpu.memory_space<hbm>>) dst(%arg9 : memref<128x128xf32, #tpu.memory_space<vmem>>)
      "tpu.region"() ({
        %run_scoped3A = tpu.sem_alloc : memref<!tpu.dma_semaphore, #tpu.memory_space<semaphore_mem>>
        %dma_start3A_155 = arith.constant 0 : i32
        %dma_start3A_156 = tpu.memref_slice %arg8[%add3A_102, %dma_start3A_155] : memref<8x128xi32, #tpu.memory_space<vmem>> -> memref<1x128xi32, #tpu.memory_space<vmem>>
        %dma_start3A_157 = tpu.memref_squeeze %dma_start3A_156 : memref<1x128xi32, #tpu.memory_space<vmem>> -> memref<128xi32, #tpu.memory_space<vmem>>
        %dma_start3A_158 = arith.constant 0 : i32
        %dma_start3A_159 = arith.constant 0 : i32
        %dma_start3A_160 = tpu.memref_slice %arg6[%dma_start3A_158, %dma_start3A_159] : memref<2048x128xf32, #tpu.memory_space<vmem_shared>> -> memref<2048x128xf32, #tpu.memory_space<vmem_shared>>
        tpu.enqueue_indirect_dma source(%arg9 : memref<128x128xf32, #tpu.memory_space<vmem>>) target(%dma_start3A_160 : memref<2048x128xf32, #tpu.memory_space<vmem_shared>>) offsets(%dma_start3A_157 : memref<128xi32, #tpu.memory_space<vmem>>) semaphore(%run_scoped3A : memref<!tpu.dma_semaphore, #tpu.memory_space<semaphore_mem>>) {add = true}
        %dma_wait3A_161 = arith.constant 0 : i32
        %dma_wait3A_162 = tpu.memref_slice %arg8[%add3A_102, %dma_wait3A_161] : memref<8x128xi32, #tpu.memory_space<vmem>> -> memref<1x128xi32, #tpu.memory_space<vmem>>
        %dma_wait3A_163 = tpu.memref_squeeze %dma_wait3A_162 : memref<1x128xi32, #tpu.memory_space<vmem>> -> memref<128xi32, #tpu.memory_space<vmem>>
        %dma_wait3A_164 = arith.constant 0 : i32
        %dma_wait3A_165 = arith.constant 0 : i32
        %dma_wait3A_166 = tpu.memref_slice %arg6[%dma_wait3A_164, %dma_wait3A_165] : memref<2048x128xf32, #tpu.memory_space<vmem_shared>> -> memref<2048x128xf32, #tpu.memory_space<vmem_shared>>
        tpu.wait_indirect_dma semaphore(%run_scoped3A : memref<!tpu.dma_semaphore, #tpu.memory_space<semaphore_mem>>) src(%arg9 : memref<128x128xf32, #tpu.memory_space<vmem>>) dst(%dma_wait3A_166 : memref<2048x128xf32, #tpu.memory_space<vmem_shared>>)
        tpu.yield
      }) : () -> ()
      %lt3A = arith.constant 1 : i32
      %lt3A_108 = arith.cmpi slt, %scan3A_98, %lt3A : i32
      %convert_element_type3A = arith.extui %lt3A_108 : i1 to i32
      %cond3A = arith.constant 0 : i32
      %cond3A_109 = arith.cmpi ne, %convert_element_type3A, %cond3A : i32
      scf.if %cond3A_109 {
        %add3A_155 = arith.constant 4 : i32
        %add3A_156 = arith.addi %add3A_102, %add3A_155 : i32
        %dma_start3A_157 = arith.constant 0 : i32
        %dma_start3A_158 = tpu.memref_slice %arg7[%add3A_156, %dma_start3A_157] : memref<8x128xi32, #tpu.memory_space<vmem>> -> memref<1x128xi32, #tpu.memory_space<vmem>>
        %dma_start3A_159 = tpu.memref_squeeze %dma_start3A_158 : memref<1x128xi32, #tpu.memory_space<vmem>> -> memref<128xi32, #tpu.memory_space<vmem>>
        %dma_start3A_160 = arith.constant 0 : i32
        %dma_start3A_161 = arith.constant 0 : i32
        %dma_start3A_162 = tpu.memref_slice %arg2[%dma_start3A_160, %dma_start3A_161] : memref<10000x128xf32, #tpu.memory_space<hbm>> -> memref<10000x128xf32, #tpu.memory_space<hbm>>
        tpu.enqueue_indirect_dma source(%dma_start3A_162 : memref<10000x128xf32, #tpu.memory_space<hbm>>) target(%arg9 : memref<128x128xf32, #tpu.memory_space<vmem>>) offsets(%dma_start3A_159 : memref<128xi32, #tpu.memory_space<vmem>>) semaphore(%arg13 : memref<!tpu.dma_semaphore, #tpu.memory_space<semaphore_mem>>)
      } else {
      }
      %mul3A_110 = arith.constant 4 : i32
      %mul3A_111 = arith.muli %scan3A_98, %mul3A_110 : i32
      %add3A_112 = arith.constant 1 : i32
      %add3A_113 = arith.addi %mul3A_111, %add3A_112 : i32
      %dma_wait3A_114 = arith.constant 0 : i32
      %dma_wait3A_115 = tpu.memref_slice %arg7[%add3A_113, %dma_wait3A_114] : memref<8x128xi32, #tpu.memory_space<vmem>> -> memref<1x128xi32, #tpu.memory_space<vmem>>
      %dma_wait3A_116 = tpu.memref_squeeze %dma_wait3A_115 : memref<1x128xi32, #tpu.memory_space<vmem>> -> memref<128xi32, #tpu.memory_space<vmem>>
      %dma_wait3A_117 = arith.constant 0 : i32
      %dma_wait3A_118 = arith.constant 0 : i32
      %dma_wait3A_119 = tpu.memref_slice %arg2[%dma_wait3A_117, %dma_wait3A_118] : memref<10000x128xf32, #tpu.memory_space<hbm>> -> memref<10000x128xf32, #tpu.memory_space<hbm>>
      tpu.wait_indirect_dma semaphore(%arg14 : memref<!tpu.dma_semaphore, #tpu.memory_space<semaphore_mem>>) src(%dma_wait3A_119 : memref<10000x128xf32, #tpu.memory_space<hbm>>) dst(%arg10 : memref<128x128xf32, #tpu.memory_space<vmem>>)
      "tpu.region"() ({
        %run_scoped3A = tpu.sem_alloc : memref<!tpu.dma_semaphore, #tpu.memory_space<semaphore_mem>>
        %dma_start3A_155 = arith.constant 0 : i32
        %dma_start3A_156 = tpu.memref_slice %arg8[%add3A_113, %dma_start3A_155] : memref<8x128xi32, #tpu.memory_space<vmem>> -> memref<1x128xi32, #tpu.memory_space<vmem>>
        %dma_start3A_157 = tpu.memref_squeeze %dma_start3A_156 : memref<1x128xi32, #tpu.memory_space<vmem>> -> memref<128xi32, #tpu.memory_space<vmem>>
        %dma_start3A_158 = arith.constant 0 : i32
        %dma_start3A_159 = arith.constant 0 : i32
        %dma_start3A_160 = tpu.memref_slice %arg6[%dma_start3A_158, %dma_start3A_159] : memref<2048x128xf32, #tpu.memory_space<vmem_shared>> -> memref<2048x128xf32, #tpu.memory_space<vmem_shared>>
        tpu.enqueue_indirect_dma source(%arg10 : memref<128x128xf32, #tpu.memory_space<vmem>>) target(%dma_start3A_160 : memref<2048x128xf32, #tpu.memory_space<vmem_shared>>) offsets(%dma_start3A_157 : memref<128xi32, #tpu.memory_space<vmem>>) semaphore(%run_scoped3A : memref<!tpu.dma_semaphore, #tpu.memory_space<semaphore_mem>>) {add = true}
        %dma_wait3A_161 = arith.constant 0 : i32
        %dma_wait3A_162 = tpu.memref_slice %arg8[%add3A_113, %dma_wait3A_161] : memref<8x128xi32, #tpu.memory_space<vmem>> -> memref<1x128xi32, #tpu.memory_space<vmem>>
        %dma_wait3A_163 = tpu.memref_squeeze %dma_wait3A_162 : memref<1x128xi32, #tpu.memory_space<vmem>> -> memref<128xi32, #tpu.memory_space<vmem>>
        %dma_wait3A_164 = arith.constant 0 : i32
        %dma_wait3A_165 = arith.constant 0 : i32
        %dma_wait3A_166 = tpu.memref_slice %arg6[%dma_wait3A_164, %dma_wait3A_165] : memref<2048x128xf32, #tpu.memory_space<vmem_shared>> -> memref<2048x128xf32, #tpu.memory_space<vmem_shared>>
        tpu.wait_indirect_dma semaphore(%run_scoped3A : memref<!tpu.dma_semaphore, #tpu.memory_space<semaphore_mem>>) src(%arg10 : memref<128x128xf32, #tpu.memory_space<vmem>>) dst(%dma_wait3A_166 : memref<2048x128xf32, #tpu.memory_space<vmem_shared>>)
        tpu.yield
      }) : () -> ()
      %lt3A_120 = arith.constant 1 : i32
      %lt3A_121 = arith.cmpi slt, %scan3A_98, %lt3A_120 : i32
      %convert_element_type3A_122 = arith.extui %lt3A_121 : i1 to i32
      %cond3A_123 = arith.constant 0 : i32
      %cond3A_124 = arith.cmpi ne, %convert_element_type3A_122, %cond3A_123 : i32
      scf.if %cond3A_124 {
        %add3A_155 = arith.constant 4 : i32
        %add3A_156 = arith.addi %add3A_113, %add3A_155 : i32
        %dma_start3A_157 = arith.constant 0 : i32
        %dma_start3A_158 = tpu.memref_slice %arg7[%add3A_156, %dma_start3A_157] : memref<8x128xi32, #tpu.memory_space<vmem>> -> memref<1x128xi32, #tpu.memory_space<vmem>>
        %dma_start3A_159 = tpu.memref_squeeze %dma_start3A_158 : memref<1x128xi32, #tpu.memory_space<vmem>> -> memref<128xi32, #tpu.memory_space<vmem>>
        %dma_start3A_160 = arith.constant 0 : i32
        %dma_start3A_161 = arith.constant 0 : i32
        %dma_start3A_162 = tpu.memref_slice %arg2[%dma_start3A_160, %dma_start3A_161] : memref<10000x128xf32, #tpu.memory_space<hbm>> -> memref<10000x128xf32, #tpu.memory_space<hbm>>
        tpu.enqueue_indirect_dma source(%dma_start3A_162 : memref<10000x128xf32, #tpu.memory_space<hbm>>) target(%arg10 : memref<128x128xf32, #tpu.memory_space<vmem>>) offsets(%dma_start3A_159 : memref<128xi32, #tpu.memory_space<vmem>>) semaphore(%arg14 : memref<!tpu.dma_semaphore, #tpu.memory_space<semaphore_mem>>)
      } else {
      }
      %mul3A_125 = arith.constant 4 : i32
      %mul3A_126 = arith.muli %scan3A_98, %mul3A_125 : i32
      %add3A_127 = arith.constant 2 : i32
      %add3A_128 = arith.addi %mul3A_126, %add3A_127 : i32
      %dma_wait3A_129 = arith.constant 0 : i32
      %dma_wait3A_130 = tpu.memref_slice %arg7[%add3A_128, %dma_wait3A_129] : memref<8x128xi32, #tpu.memory_space<vmem>> -> memref<1x128xi32, #tpu.memory_space<vmem>>
      %dma_wait3A_131 = tpu.memref_squeeze %dma_wait3A_130 : memref<1x128xi32, #tpu.memory_space<vmem>> -> memref<128xi32, #tpu.memory_space<vmem>>
      %dma_wait3A_132 = arith.constant 0 : i32
      %dma_wait3A_133 = arith.constant 0 : i32
      %dma_wait3A_134 = tpu.memref_slice %arg2[%dma_wait3A_132, %dma_wait3A_133] : memref<10000x128xf32, #tpu.memory_space<hbm>> -> memref<10000x128xf32, #tpu.memory_space<hbm>>
      tpu.wait_indirect_dma semaphore(%arg15 : memref<!tpu.dma_semaphore, #tpu.memory_space<semaphore_mem>>) src(%dma_wait3A_134 : memref<10000x128xf32, #tpu.memory_space<hbm>>) dst(%arg11 : memref<128x128xf32, #tpu.memory_space<vmem>>)
      "tpu.region"() ({
        %run_scoped3A = tpu.sem_alloc : memref<!tpu.dma_semaphore, #tpu.memory_space<semaphore_mem>>
        %dma_start3A_155 = arith.constant 0 : i32
        %dma_start3A_156 = tpu.memref_slice %arg8[%add3A_128, %dma_start3A_155] : memref<8x128xi32, #tpu.memory_space<vmem>> -> memref<1x128xi32, #tpu.memory_space<vmem>>
        %dma_start3A_157 = tpu.memref_squeeze %dma_start3A_156 : memref<1x128xi32, #tpu.memory_space<vmem>> -> memref<128xi32, #tpu.memory_space<vmem>>
        %dma_start3A_158 = arith.constant 0 : i32
        %dma_start3A_159 = arith.constant 0 : i32
        %dma_start3A_160 = tpu.memref_slice %arg6[%dma_start3A_158, %dma_start3A_159] : memref<2048x128xf32, #tpu.memory_space<vmem_shared>> -> memref<2048x128xf32, #tpu.memory_space<vmem_shared>>
        tpu.enqueue_indirect_dma source(%arg11 : memref<128x128xf32, #tpu.memory_space<vmem>>) target(%dma_start3A_160 : memref<2048x128xf32, #tpu.memory_space<vmem_shared>>) offsets(%dma_start3A_157 : memref<128xi32, #tpu.memory_space<vmem>>) semaphore(%run_scoped3A : memref<!tpu.dma_semaphore, #tpu.memory_space<semaphore_mem>>) {add = true}
        %dma_wait3A_161 = arith.constant 0 : i32
        %dma_wait3A_162 = tpu.memref_slice %arg8[%add3A_128, %dma_wait3A_161] : memref<8x128xi32, #tpu.memory_space<vmem>> -> memref<1x128xi32, #tpu.memory_space<vmem>>
        %dma_wait3A_163 = tpu.memref_squeeze %dma_wait3A_162 : memref<1x128xi32, #tpu.memory_space<vmem>> -> memref<128xi32, #tpu.memory_space<vmem>>
        %dma_wait3A_164 = arith.constant 0 : i32
        %dma_wait3A_165 = arith.constant 0 : i32
        %dma_wait3A_166 = tpu.memref_slice %arg6[%dma_wait3A_164, %dma_wait3A_165] : memref<2048x128xf32, #tpu.memory_space<vmem_shared>> -> memref<2048x128xf32, #tpu.memory_space<vmem_shared>>
        tpu.wait_indirect_dma semaphore(%run_scoped3A : memref<!tpu.dma_semaphore, #tpu.memory_space<semaphore_mem>>) src(%arg11 : memref<128x128xf32, #tpu.memory_space<vmem>>) dst(%dma_wait3A_166 : memref<2048x128xf32, #tpu.memory_space<vmem_shared>>)
        tpu.yield
      }) : () -> ()
      %lt3A_135 = arith.constant 1 : i32
      %lt3A_136 = arith.cmpi slt, %scan3A_98, %lt3A_135 : i32
      %convert_element_type3A_137 = arith.extui %lt3A_136 : i1 to i32
      %cond3A_138 = arith.constant 0 : i32
      %cond3A_139 = arith.cmpi ne, %convert_element_type3A_137, %cond3A_138 : i32
      scf.if %cond3A_139 {
        %add3A_155 = arith.constant 4 : i32
        %add3A_156 = arith.addi %add3A_128, %add3A_155 : i32
        %dma_start3A_157 = arith.constant 0 : i32
        %dma_start3A_158 = tpu.memref_slice %arg7[%add3A_156, %dma_start3A_157] : memref<8x128xi32, #tpu.memory_space<vmem>> -> memref<1x128xi32, #tpu.memory_space<vmem>>
        %dma_start3A_159 = tpu.memref_squeeze %dma_start3A_158 : memref<1x128xi32, #tpu.memory_space<vmem>> -> memref<128xi32, #tpu.memory_space<vmem>>
        %dma_start3A_160 = arith.constant 0 : i32
        %dma_start3A_161 = arith.constant 0 : i32
        %dma_start3A_162 = tpu.memref_slice %arg2[%dma_start3A_160, %dma_start3A_161] : memref<10000x128xf32, #tpu.memory_space<hbm>> -> memref<10000x128xf32, #tpu.memory_space<hbm>>
        tpu.enqueue_indirect_dma source(%dma_start3A_162 : memref<10000x128xf32, #tpu.memory_space<hbm>>) target(%arg11 : memref<128x128xf32, #tpu.memory_space<vmem>>) offsets(%dma_start3A_159 : memref<128xi32, #tpu.memory_space<vmem>>) semaphore(%arg15 : memref<!tpu.dma_semaphore, #tpu.memory_space<semaphore_mem>>)
      } else {
      }
      %mul3A_140 = arith.constant 4 : i32
      %mul3A_141 = arith.muli %scan3A_98, %mul3A_140 : i32
      %add3A_142 = arith.constant 3 : i32
      %add3A_143 = arith.addi %mul3A_141, %add3A_142 : i32
      %dma_wait3A_144 = arith.constant 0 : i32
      %dma_wait3A_145 = tpu.memref_slice %arg7[%add3A_143, %dma_wait3A_144] : memref<8x128xi32, #tpu.memory_space<vmem>> -> memref<1x128xi32, #tpu.memory_space<vmem>>
      %dma_wait3A_146 = tpu.memref_squeeze %dma_wait3A_145 : memref<1x128xi32, #tpu.memory_space<vmem>> -> memref<128xi32, #tpu.memory_space<vmem>>
      %dma_wait3A_147 = arith.constant 0 : i32
      %dma_wait3A_148 = arith.constant 0 : i32
      %dma_wait3A_149 = tpu.memref_slice %arg2[%dma_wait3A_147, %dma_wait3A_148] : memref<10000x128xf32, #tpu.memory_space<hbm>> -> memref<10000x128xf32, #tpu.memory_space<hbm>>
      tpu.wait_indirect_dma semaphore(%arg16 : memref<!tpu.dma_semaphore, #tpu.memory_space<semaphore_mem>>) src(%dma_wait3A_149 : memref<10000x128xf32, #tpu.memory_space<hbm>>) dst(%arg12 : memref<128x128xf32, #tpu.memory_space<vmem>>)
      "tpu.region"() ({
        %run_scoped3A = tpu.sem_alloc : memref<!tpu.dma_semaphore, #tpu.memory_space<semaphore_mem>>
        %dma_start3A_155 = arith.constant 0 : i32
        %dma_start3A_156 = tpu.memref_slice %arg8[%add3A_143, %dma_start3A_155] : memref<8x128xi32, #tpu.memory_space<vmem>> -> memref<1x128xi32, #tpu.memory_space<vmem>>
        %dma_start3A_157 = tpu.memref_squeeze %dma_start3A_156 : memref<1x128xi32, #tpu.memory_space<vmem>> -> memref<128xi32, #tpu.memory_space<vmem>>
        %dma_start3A_158 = arith.constant 0 : i32
        %dma_start3A_159 = arith.constant 0 : i32
        %dma_start3A_160 = tpu.memref_slice %arg6[%dma_start3A_158, %dma_start3A_159] : memref<2048x128xf32, #tpu.memory_space<vmem_shared>> -> memref<2048x128xf32, #tpu.memory_space<vmem_shared>>
        tpu.enqueue_indirect_dma source(%arg12 : memref<128x128xf32, #tpu.memory_space<vmem>>) target(%dma_start3A_160 : memref<2048x128xf32, #tpu.memory_space<vmem_shared>>) offsets(%dma_start3A_157 : memref<128xi32, #tpu.memory_space<vmem>>) semaphore(%run_scoped3A : memref<!tpu.dma_semaphore, #tpu.memory_space<semaphore_mem>>) {add = true}
        %dma_wait3A_161 = arith.constant 0 : i32
        %dma_wait3A_162 = tpu.memref_slice %arg8[%add3A_143, %dma_wait3A_161] : memref<8x128xi32, #tpu.memory_space<vmem>> -> memref<1x128xi32, #tpu.memory_space<vmem>>
        %dma_wait3A_163 = tpu.memref_squeeze %dma_wait3A_162 : memref<1x128xi32, #tpu.memory_space<vmem>> -> memref<128xi32, #tpu.memory_space<vmem>>
        %dma_wait3A_164 = arith.constant 0 : i32
        %dma_wait3A_165 = arith.constant 0 : i32
        %dma_wait3A_166 = tpu.memref_slice %arg6[%dma_wait3A_164, %dma_wait3A_165] : memref<2048x128xf32, #tpu.memory_space<vmem_shared>> -> memref<2048x128xf32, #tpu.memory_space<vmem_shared>>
        tpu.wait_indirect_dma semaphore(%run_scoped3A : memref<!tpu.dma_semaphore, #tpu.memory_space<semaphore_mem>>) src(%arg12 : memref<128x128xf32, #tpu.memory_space<vmem>>) dst(%dma_wait3A_166 : memref<2048x128xf32, #tpu.memory_space<vmem_shared>>)
        tpu.yield
      }) : () -> ()
      %lt3A_150 = arith.constant 1 : i32
      %lt3A_151 = arith.cmpi slt, %scan3A_98, %lt3A_150 : i32
      %convert_element_type3A_152 = arith.extui %lt3A_151 : i1 to i32
      %cond3A_153 = arith.constant 0 : i32
      %cond3A_154 = arith.cmpi ne, %convert_element_type3A_152, %cond3A_153 : i32
      scf.if %cond3A_154 {
        %add3A_155 = arith.constant 4 : i32
        %add3A_156 = arith.addi %add3A_143, %add3A_155 : i32
        %dma_start3A_157 = arith.constant 0 : i32
        %dma_start3A_158 = tpu.memref_slice %arg7[%add3A_156, %dma_start3A_157] : memref<8x128xi32, #tpu.memory_space<vmem>> -> memref<1x128xi32, #tpu.memory_space<vmem>>
        %dma_start3A_159 = tpu.memref_squeeze %dma_start3A_158 : memref<1x128xi32, #tpu.memory_space<vmem>> -> memref<128xi32, #tpu.memory_space<vmem>>
        %dma_start3A_160 = arith.constant 0 : i32
        %dma_start3A_161 = arith.constant 0 : i32
        %dma_start3A_162 = tpu.memref_slice %arg2[%dma_start3A_160, %dma_start3A_161] : memref<10000x128xf32, #tpu.memory_space<hbm>> -> memref<10000x128xf32, #tpu.memory_space<hbm>>
        tpu.enqueue_indirect_dma source(%dma_start3A_162 : memref<10000x128xf32, #tpu.memory_space<hbm>>) target(%arg12 : memref<128x128xf32, #tpu.memory_space<vmem>>) offsets(%dma_start3A_159 : memref<128xi32, #tpu.memory_space<vmem>>) semaphore(%arg16 : memref<!tpu.dma_semaphore, #tpu.memory_space<semaphore_mem>>)
      } else {
      }
    }
    %scan3A_85 = arith.constant 2 : i32
    %barrier3A_86 = arith.constant 0 : index
    tpu.barrier barrier_id(%barrier3A_86)
    %mul3A_87 = arith.constant 128 : i32
    %mul3A_88 = arith.muli %arg1, %mul3A_87 : i32
    %add3A_89 = arith.constant 0 : i32
    %add3A_90 = arith.addi %mul3A_88, %add3A_89 : i32
    "tpu.region"() ({
      %run_scoped3A = tpu.sem_alloc : memref<!tpu.dma_semaphore, #tpu.memory_space<semaphore_mem>>
      %dma_start3A_98 = arith.constant 0 : i32
      %dma_start3A_99 = tpu.memref_slice %arg6[%add3A_90, %dma_start3A_98] : memref<2048x128xf32, #tpu.memory_space<vmem_shared>> -> memref<128x128xf32, #tpu.memory_space<vmem_shared>>
      %dma_start3A_100 = arith.constant 0 : i32
      %dma_start3A_101 = tpu.memref_slice %arg6[%add3A_90, %dma_start3A_100] : memref<2048x128xf32, #tpu.memory_space<vmem_shared>> -> memref<128x128xf32, #tpu.memory_space<vmem_shared>>
      tpu.enqueue_dma source(%dma_start3A_101 : memref<128x128xf32, #tpu.memory_space<vmem_shared>>) target(%arg9 : memref<128x128xf32, #tpu.memory_space<vmem>>) target_semaphore(%run_scoped3A : memref<!tpu.dma_semaphore, #tpu.memory_space<semaphore_mem>>)
      %dma_wait3A = arith.constant 0 : i32
      %dma_wait3A_102 = tpu.memref_slice %arg6[%add3A_90, %dma_wait3A] : memref<2048x128xf32, #tpu.memory_space<vmem_shared>> -> memref<128x128xf32, #tpu.memory_space<vmem_shared>>
      %dma_wait3A_103 = arith.constant 0 : i32
      %dma_wait3A_104 = tpu.memref_slice %arg6[%add3A_90, %dma_wait3A_103] : memref<2048x128xf32, #tpu.memory_space<vmem_shared>> -> memref<128x128xf32, #tpu.memory_space<vmem_shared>>
      tpu.wait_dma2 semaphore(%run_scoped3A : memref<!tpu.dma_semaphore, #tpu.memory_space<semaphore_mem>>) src(%dma_wait3A_104 : memref<128x128xf32, #tpu.memory_space<vmem_shared>>) dst(%arg9 : memref<128x128xf32, #tpu.memory_space<vmem>>)
      tpu.yield
    }) : () -> ()
    %mul3A_91 = arith.constant 2048 : i32
    %mul3A_92 = arith.muli %arg0, %mul3A_91 : i32
    %mul3A_93 = arith.constant 128 : i32
    %mul3A_94 = arith.muli %arg1, %mul3A_93 : i32
    %add3A_95 = arith.addi %mul3A_92, %mul3A_94 : i32
    %add3A_96 = arith.constant 0 : i32
    %add3A_97 = arith.addi %add3A_95, %add3A_96 : i32
    "tpu.region"() ({
      %run_scoped3A = tpu.sem_alloc : memref<!tpu.dma_semaphore, #tpu.memory_space<semaphore_mem>>
      %dma_start3A_98 = arith.constant 0 : i32
      %dma_start3A_99 = tpu.memref_slice %arg5[%add3A_97, %dma_start3A_98] : memref<4096x128xf32, #tpu.memory_space<hbm>> -> memref<128x128xf32, #tpu.memory_space<hbm>>
      %dma_start3A_100 = arith.constant 0 : i32
      %dma_start3A_101 = tpu.memref_slice %arg5[%add3A_97, %dma_start3A_100] : memref<4096x128xf32, #tpu.memory_space<hbm>> -> memref<128x128xf32, #tpu.memory_space<hbm>>
      tpu.enqueue_dma source(%arg9 : memref<128x128xf32, #tpu.memory_space<vmem>>) target(%dma_start3A_101 : memref<128x128xf32, #tpu.memory_space<hbm>>) target_semaphore(%run_scoped3A : memref<!tpu.dma_semaphore, #tpu.memory_space<semaphore_mem>>)
      %dma_wait3A = arith.constant 0 : i32
      %dma_wait3A_102 = tpu.memref_slice %arg5[%add3A_97, %dma_wait3A] : memref<4096x128xf32, #tpu.memory_space<hbm>> -> memref<128x128xf32, #tpu.memory_space<hbm>>
      %dma_wait3A_103 = arith.constant 0 : i32
      %dma_wait3A_104 = tpu.memref_slice %arg5[%add3A_97, %dma_wait3A_103] : memref<4096x128xf32, #tpu.memory_space<hbm>> -> memref<128x128xf32, #tpu.memory_space<hbm>>
      tpu.wait_dma2 semaphore(%run_scoped3A : memref<!tpu.dma_semaphore, #tpu.memory_space<semaphore_mem>>) src(%arg9 : memref<128x128xf32, #tpu.memory_space<vmem>>) dst(%dma_wait3A_104 : memref<128x128xf32, #tpu.memory_space<hbm>>)
      tpu.yield
    }) : () -> ()
    return
  }
}

module attributes {stable_mosaic.version = 14 : i64} {
  func.func @_scale_body(%arg0: i32, %arg1: memref<1000x128xf32, #tpu.memory_space<vmem>>, %arg2: memref<1000x1xf32, #tpu.memory_space<vmem>>, %arg3: memref<1000x128xf32, #tpu.memory_space<vmem>>) attributes {dimension_semantics = [#tpu.dimension_semantics<parallel>], iteration_bounds = array<i64: 50>, scalar_prefetch = 0 : i64, scratch_operands = 0 : i64, tpu.core_type = #tpu.core_type<tc>, window_params = [{transform_indices = @transform_0, window_bounds = array<i64: 1000, 128>}, {transform_indices = @transform_1, window_bounds = array<i64: 1000, 1>}, {transform_indices = @transform_2, window_bounds = array<i64: 1000, 128>}]} {
    %get3A = arith.constant 0 : index
    %get3A_0 = arith.constant 0 : index
    %get3A_1 = vector.load %arg2[%get3A, %get3A_0] : memref<1000x1xf32, #tpu.memory_space<vmem>>, vector<1000x1xf32>
    %max3A = arith.constant 1.000000e+00 : f32
    %max3A_2 = vector.broadcast %max3A : f32 to vector<1000x1xf32>
    %max3A_3 = arith.maximumf %get3A_1, %max3A_2 : vector<1000x1xf32>
    %rsqrt3A = math.rsqrt %max3A_3 : vector<1000x1xf32>
    %get3A_4 = arith.constant 0 : index
    %get3A_5 = arith.constant 0 : index
    %get3A_6 = vector.load %arg1[%get3A_4, %get3A_5] : memref<1000x128xf32, #tpu.memory_space<vmem>>, vector<1000x128xf32>
    %mul3A = vector.broadcast %rsqrt3A : vector<1000x1xf32> to vector<1000x128xf32>
    %mul3A_7 = arith.mulf %get3A_6, %mul3A : vector<1000x128xf32>
    %swap3A = arith.constant 0 : index
    %swap3A_8 = arith.constant 0 : index
    %swap3A_9 = vector.load %arg3[%swap3A, %swap3A_8] : memref<1000x128xf32, #tpu.memory_space<vmem>>, vector<1000x128xf32>
    tpu.vector_store %arg3[%swap3A, %swap3A_8], %mul3A_7 {strides = array<i32>} : memref<1000x128xf32, #tpu.memory_space<vmem>>, vector<1000x128xf32>,
    return
  }
  func.func @transform_0(%arg0: i32) -> (i32, i32) {
    %c0_i32 = arith.constant 0 : i32
    %c0_i32_0 = arith.constant 0 : i32
    return %arg0, %c0_i32 : i32, i32
  }
  func.func @transform_1(%arg0: i32) -> (i32, i32) {
    %c0_i32 = arith.constant 0 : i32
    %c0_i32_0 = arith.constant 0 : i32
    return %arg0, %c0_i32 : i32, i32
  }
  func.func @transform_2(%arg0: i32) -> (i32, i32) {
    %c0_i32 = arith.constant 0 : i32
    %c0_i32_0 = arith.constant 0 : i32
    return %arg0, %c0_i32 : i32, i32
  }
}

module attributes {stable_mosaic.version = 14 : i64} {
  func.func @_mlp_body(%arg0: i32, %arg1: memref<1000x128xf32, #tpu.memory_space<vmem>>, %arg2: memref<1000x128xf32, #tpu.memory_space<vmem>>, %arg3: memref<1000x1xf32, #tpu.memory_space<vmem>>, %arg4: memref<1000x1xf32, #tpu.memory_space<vmem>>, %arg5: memref<128x128xf32, #tpu.memory_space<vmem>>, %arg6: memref<1x128xf32, #tpu.memory_space<vmem>>, %arg7: memref<128x128xf32, #tpu.memory_space<vmem>>, %arg8: memref<1000x128xf32, #tpu.memory_space<vmem>>) attributes {dimension_semantics = [#tpu.dimension_semantics<parallel>], iteration_bounds = array<i64: 10>, scalar_prefetch = 0 : i64, scratch_operands = 0 : i64, tpu.core_type = #tpu.core_type<tc>, window_params = [{transform_indices = @transform_0, window_bounds = array<i64: 1000, 128>}, {transform_indices = @transform_1, window_bounds = array<i64: 1000, 128>}, {transform_indices = @transform_2, window_bounds = array<i64: 1000, 1>}, {transform_indices = @transform_3, window_bounds = array<i64: 1000, 1>}, {pipeline_mode = #tpu.pipeline_mode<synchronous>, transform_indices = @transform_4, window_bounds = array<i64: 128, 128>}, {pipeline_mode = #tpu.pipeline_mode<synchronous>, transform_indices = @transform_5, window_bounds = array<i64: 1, 128>}, {pipeline_mode = #tpu.pipeline_mode<synchronous>, transform_indices = @transform_6, window_bounds = array<i64: 128, 128>}, {transform_indices = @transform_7, window_bounds = array<i64: 1000, 128>}]} {
    %get3A = arith.constant 0 : index
    %get3A_0 = arith.constant 0 : index
    %get3A_1 = vector.load %arg1[%get3A, %get3A_0] : memref<1000x128xf32, #tpu.memory_space<vmem>>, vector<1000x128xf32>
    %get3A_2 = arith.constant 0 : index
    %get3A_3 = arith.constant 0 : index
    %get3A_4 = vector.load %arg2[%get3A_2, %get3A_3] : memref<1000x128xf32, #tpu.memory_space<vmem>>, vector<1000x128xf32>
    %add3A = arith.addf %get3A_1, %get3A_4 : vector<1000x128xf32>
    %get3A_5 = arith.constant 0 : index
    %get3A_6 = arith.constant 0 : index
    %get3A_7 = vector.load %arg5[%get3A_5, %get3A_6] : memref<128x128xf32, #tpu.memory_space<vmem>>, vector<128x128xf32>
    %dot_general3A = arith.constant dense<0.000000e+00> : vector<1000x128xf32>
    %dot_general3A_8 = tpu.matmul %add3A, %get3A_7, %dot_general3A {dimension_numbers = #tpu.dot_dimension_numbers<[1], [0], [0], [1], [0, 0, 1, 1], [], []>, transpose_lhs_hint = false} : vector<1000x128xf32>, vector<128x128xf32>, vector<1000x128xf32> -> vector<1000x128xf32>
    %get3A_9 = arith.constant 0 : index
    %get3A_10 = arith.constant 0 : index
    %get3A_11 = vector.load %arg3[%get3A_9, %get3A_10] : memref<1000x1xf32, #tpu.memory_space<vmem>>, vector<1000x1xf32>
    %max3A = arith.constant 1.000000e+00 : f32
    %max3A_12 = vector.broadcast %max3A : f32 to vector<1000x1xf32>
    %max3A_13 = arith.maximumf %get3A_11, %max3A_12 : vector<1000x1xf32>
    %rsqrt3A = math.rsqrt %max3A_13 : vector<1000x1xf32>
    %mul3A = vector.broadcast %rsqrt3A : vector<1000x1xf32> to vector<1000x128xf32>
    %mul3A_14 = arith.mulf %dot_general3A_8, %mul3A : vector<1000x128xf32>
    %get3A_15 = arith.constant 0 : index
    %get3A_16 = arith.constant 0 : index
    %get3A_17 = vector.load %arg6[%get3A_15, %get3A_16] : memref<1x128xf32, #tpu.memory_space<vmem>>, vector<1x128xf32>
    %add3A_18 = vector.broadcast %get3A_17 : vector<1x128xf32> to vector<1000x128xf32>
    %add3A_19 = arith.addf %mul3A_14, %add3A_18 : vector<1000x128xf32>
    %max3A_20 = arith.constant 0.000000e+00 : f32
    %max3A_21 = vector.broadcast %max3A_20 : f32 to vector<1000x128xf32>
    %max3A_22 = arith.maximumf %add3A_19, %max3A_21 : vector<1000x128xf32>
    %get3A_23 = arith.constant 0 : index
    %get3A_24 = arith.constant 0 : index
    %get3A_25 = vector.load %arg4[%get3A_23, %get3A_24] : memref<1000x1xf32, #tpu.memory_space<vmem>>, vector<1000x1xf32>
    %max3A_26 = arith.constant 1.000000e+00 : f32
    %max3A_27 = vector.broadcast %max3A_26 : f32 to vector<1000x1xf32>
    %max3A_28 = arith.maximumf %get3A_25, %max3A_27 : vector<1000x1xf32>
    %rsqrt3A_29 = math.rsqrt %max3A_28 : vector<1000x1xf32>
    %mul3A_30 = vector.broadcast %rsqrt3A_29 : vector<1000x1xf32> to vector<1000x128xf32>
    %mul3A_31 = arith.mulf %max3A_22, %mul3A_30 : vector<1000x128xf32>
    %get3A_32 = arith.constant 0 : index
    %get3A_33 = arith.constant 0 : index
    %get3A_34 = vector.load %arg7[%get3A_32, %get3A_33] : memref<128x128xf32, #tpu.memory_space<vmem>>, vector<128x128xf32>
    %dot_general3A_35 = arith.constant dense<0.000000e+00> : vector<1000x128xf32>
    %dot_general3A_36 = tpu.matmul %mul3A_31, %get3A_34, %dot_general3A_35 {dimension_numbers = #tpu.dot_dimension_numbers<[1], [0], [0], [1], [0, 0, 1, 1], [], []>, transpose_lhs_hint = false} : vector<1000x128xf32>, vector<128x128xf32>, vector<1000x128xf32> -> vector<1000x128xf32>
    %swap3A = arith.constant 0 : index
    %swap3A_37 = arith.constant 0 : index
    %swap3A_38 = vector.load %arg8[%swap3A, %swap3A_37] : memref<1000x128xf32, #tpu.memory_space<vmem>>, vector<1000x128xf32>
    tpu.vector_store %arg8[%swap3A, %swap3A_37], %dot_general3A_36 {strides = array<i32>} : memref<1000x128xf32, #tpu.memory_space<vmem>>, vector<1000x128xf32>,
    return
  }
  func.func @transform_0(%arg0: i32) -> (i32, i32) {
    %c0_i32 = arith.constant 0 : i32
    %c0_i32_0 = arith.constant 0 : i32
    return %arg0, %c0_i32 : i32, i32
  }
  func.func @transform_1(%arg0: i32) -> (i32, i32) {
    %c0_i32 = arith.constant 0 : i32
    %c0_i32_0 = arith.constant 0 : i32
    return %arg0, %c0_i32 : i32, i32
  }
  func.func @transform_2(%arg0: i32) -> (i32, i32) {
    %c0_i32 = arith.constant 0 : i32
    %c0_i32_0 = arith.constant 0 : i32
    return %arg0, %c0_i32 : i32, i32
  }
  func.func @transform_3(%arg0: i32) -> (i32, i32) {
    %c0_i32 = arith.constant 0 : i32
    %c0_i32_0 = arith.constant 0 : i32
    return %arg0, %c0_i32 : i32, i32
  }
  func.func @transform_4(%arg0: i32) -> (i32, i32) {
    %c0_i32 = arith.constant 0 : i32
    %c0_i32_0 = arith.constant 0 : i32
    %c0_i32_1 = arith.constant 0 : i32
    return %c0_i32, %c0_i32_0 : i32, i32
  }
  func.func @transform_5(%arg0: i32) -> (i32, i32) {
    %c0_i32 = arith.constant 0 : i32
    %c0_i32_0 = arith.constant 0 : i32
    %c0_i32_1 = arith.constant 0 : i32
    return %c0_i32, %c0_i32_0 : i32, i32
  }
  func.func @transform_6(%arg0: i32) -> (i32, i32) {
    %c0_i32 = arith.constant 0 : i32
    %c0_i32_0 = arith.constant 0 : i32
    %c0_i32_1 = arith.constant 0 : i32
    return %c0_i32, %c0_i32_0 : i32, i32
  }
  func.func @transform_7(%arg0: i32) -> (i32, i32) {
    %c0_i32 = arith.constant 0 : i32
    %c0_i32_0 = arith.constant 0 : i32
    return %arg0, %c0_i32 : i32, i32
  }
}

module attributes {stable_mosaic.version = 14 : i64} {
  func.func @_final_body(%arg0: memref<2048x128xf32, #tpu.memory_space<vmem>>, %arg1: memref<2048x128xf32, #tpu.memory_space<vmem>>, %arg2: memref<2048x1xf32, #tpu.memory_space<vmem>>, %arg3: memref<1x64xf32, #tpu.memory_space<vmem>>, %arg4: memref<2048x64xf32, #tpu.memory_space<vmem>>) attributes {dimension_semantics = [], scalar_prefetch = 0 : i64, scratch_operands = 0 : i64, tpu.core_type = #tpu.core_type<tc>} {
    %get3A = arith.constant 0 : index
    %get3A_0 = arith.constant 0 : index
    %get3A_1 = vector.load %arg0[%get3A, %get3A_0] : memref<2048x128xf32, #tpu.memory_space<vmem>>, vector<2048x64xf32>
    %get3A_2 = arith.constant 0 : index
    %get3A_3 = arith.constant 0 : index
    %get3A_4 = vector.load %arg1[%get3A_2, %get3A_3] : memref<2048x128xf32, #tpu.memory_space<vmem>>, vector<2048x64xf32>
    %add3A = arith.addf %get3A_1, %get3A_4 : vector<2048x64xf32>
    %get3A_5 = arith.constant 0 : index
    %get3A_6 = arith.constant 0 : index
    %get3A_7 = vector.load %arg2[%get3A_5, %get3A_6] : memref<2048x1xf32, #tpu.memory_space<vmem>>, vector<2048x1xf32>
    %max3A = arith.constant 1.000000e+00 : f32
    %max3A_8 = vector.broadcast %max3A : f32 to vector<2048x1xf32>
    %max3A_9 = arith.maximumf %get3A_7, %max3A_8 : vector<2048x1xf32>
    %rsqrt3A = math.rsqrt %max3A_9 : vector<2048x1xf32>
    %mul3A = vector.broadcast %rsqrt3A : vector<2048x1xf32> to vector<2048x64xf32>
    %mul3A_10 = arith.mulf %add3A, %mul3A : vector<2048x64xf32>
    %get3A_11 = arith.constant 0 : index
    %get3A_12 = arith.constant 0 : index
    %get3A_13 = vector.load %arg3[%get3A_11, %get3A_12] : memref<1x64xf32, #tpu.memory_space<vmem>>, vector<1x64xf32>
    %add3A_14 = vector.broadcast %get3A_13 : vector<1x64xf32> to vector<2048x64xf32>
    %add3A_15 = arith.addf %mul3A_10, %add3A_14 : vector<2048x64xf32>
    %swap3A = arith.constant 0 : index
    %swap3A_16 = arith.constant 0 : index
    %swap3A_17 = vector.load %arg4[%swap3A, %swap3A_16] : memref<2048x64xf32, #tpu.memory_space<vmem>>, vector<2048x64xf32>
    tpu.vector_store %arg4[%swap3A, %swap3A_16], %add3A_15 {strides = array<i32>} : memref<2048x64xf32, #tpu.memory_space<vmem>>, vector<2048x64xf32>,
    return
  }
}

</mosaic_0001>

<sc_bundles>
// kernel: kernel.11.cloned.1.call-start
scs
__scs_entry_jumppad:
0x0: {  	(pc) =	sbr.rel $0x88, $3  }
0x1: {  	(tag) =	ssettag $0x0;
	lr =	simm.s32 $0x1  }
0x2: {  	[smem:$0x3F98] =	sst lr;
	_ =	strace $0xD0000000  }
0x3: {  	_ = 	snop  }
0x4: {  	_ = 	snop  }
0x5: {  	_ = 	snop  }
0x6: {  	_ = 	snop  }
0x7: {  	_ = 	snop  }
__scs_overlays_trampoline_lowered:
0x8: {  	[smem:$0x3FA7] =	sst s0  }
0x9: {  	[smem:$0x3FA8] =	sst s1  }
0xa: {  	[smem:$0x3FA9] =	sst s2  }
0xb: {  	[smem:$0x3FAA] =	sst s3  }
0xc: {  	[smem:$0x3FAB] =	sst s4  }
0xd: {  	[smem:$0x3FAC] =	sst s5  }
0xe: {  	[smem:$0x3FAD] =	sst s6  }
0xf: {  	[smem:$0x3FAE] =	sst s7  }
0x10: {  	[smem:$0x3FAF] =	sst s8  }
0x11: {  	[smem:$0x3FB0] =	sst s9;
	s0 =	simm.s32 @!p0 $0x0  }
0x12: {  	s1 =	sld [smem:$0x3F96];
	s0 =	simm.s32 @p0 $0x1  }
0x13: {  	[smem:$0x3FB1] =	sst s0;
	s0 =	simm.s32 @!p1 $0x0  }
0x14: {  	s2 =	sld [smem:$0x3F95];
	s0 =	simm.s32 @p1 $0x1  }
0x15: {  	[smem:$0x3FB2] =	sst s0;
	s0 =	simm.s32 @!p2 $0x0  }
0x16: {  	s3 =	sld [smem:$0x3FDB];
	s0 =	simm.s32 @p2 $0x1  }
0x17: {  	s4 =	simm.s32 $0x1BF5;
	[smem:$0x3FB4] =	sst s0  }
0x18: {  	s0 =	sld [smem:$0x3F97];
	_ =	swait.ge [sflag:s4], $0x0  }
0x19: {  	s7 =	sld [smem:$0x3F98]  }
0x1a: {  	s8 =	sadd.s32 $0xFFFFE003, lr  }
0x1b: {  	s9 =	sadd.s32 $0xFFFFFEF7, lr;
	s5 =	simm.s32 $0xFFFFFFFF;
	p2 =	slt.u32 s8, $0xFFFFF086  }
0x1c: {  	p1 =	slt.u32 s9, $0xF7A;
	s5 =	simm.s32 @!p2 $0x0  }
0x1d: {  	s5 =	simm.s32 @p1 $0x1;
	p0 =	seq.s32 s7, s2  }
0x1e: {  	s7 =	smul.u32 @!p0 $0xF7A, s2;
	p2 =	seq.s32 @!p0 s5, $0x0  }
0x1f: {  	s9 =	smul.u32 $0xF7A, s1;
	s8 =	simm.s32 @!p0 $0x1BF5;
	p2 =	por !p2, p0  }
0x20: {  	[sflag:s8] =	ssyncset.s32 @!p0 $0xFFFFF086;
	s6 =	sadd.s32 @!p0 s3, s7;
	s7 =	simm.s32 @!p0 $0x108  }
0x21: {  	s3 =	sadd.s32 s3, s9;
	s6 =	sadd.s32 @!p0 $0x88, s6;
	s7 =	simm.s32 @p2 $0x1082  }
0x22: {  	[simem:s7], [sflag:s8] =	dma.local @!p0 [hbm:s6], $0xF7A  }
0x23: {  	s9 =	sor.u32 $0xD0000000, s2;
	s6 =	simm.s32 $0x108;
	_ =	swait.ge @!p0 [sflag:s8], $0x0  }
0x24: {  	s3 =	sadd.s32 $0x88, s3;
	s6 =	simm.s32 @!p1 $0x1082;
	[sflag:s4] =	ssyncset.s32 $0xFFFFF086  }
0x25: {  	[simem:s6], [sflag:s4] =	dma.local [hbm:s3], $0xF7A  }
0x26: {  	[smem:$0x3F98] =	sst s1;
	(tag) =	ssettag s2;
	_ =	strace s9  }
0x27: {  	s1 =	sld [smem:$0x3FA8]  }
0x28: {  	s2 =	sld [smem:$0x3FA9]  }
0x29: {  	s4 =	sld [smem:$0x3FAB]  }
0x2a: {  	p0 =	seq.s32 s5, $0x0;
	s5 =	sld [smem:$0x3FAC]  }
0x2b: {  	s6 =	sld [smem:$0x3FAD]  }
0x2c: {  	s7 =	sld [smem:$0x3FAE]  }
0x2d: {  	s3 =	simm.s32 $0x108;
	s8 =	sld [smem:$0x3FAF]  }
0x2e: {  	s3 =	simm.s32 @!p0 $0x1082;
	s9 =	sld [smem:$0x3FB0]  }
0x2f: {  	lr =	sadd.s32 s0, s3;
	s0 =	sld [smem:$0x3FA7]  }
0x30: {  	s3 =	sld [smem:$0x3FAA]  }
0x31: {  	[smem:$0x3FB3] =	sst s10  }
0x32: {  	s10 =	sld [smem:$0x3FB1];
	_ =	sdelay $0x3  }
0x33: {  	p0 =	seq.s32 s10, $0x1;
	s10 =	sld [smem:$0x3FB3];
	_ =	sdelay $0x3  }
0x34: {  	[smem:$0x3FB3] =	sst s10  }
0x35: {  	s10 =	sld [smem:$0x3FB2];
	_ =	sdelay $0x3  }
0x36: {  	p1 =	seq.s32 s10, $0x1;
	s10 =	sld [smem:$0x3FB3];
	_ =	sdelay $0x3  }
0x37: {  	[smem:$0x3FB3] =	sst s10  }
0x38: {  	s10 =	sld [smem:$0x3FB4]  }
0x39: {  	_ = 	snop;
	(pc) =	sbr.ind lr, $3  }
0x3a: {  	_ = 	snop  }
0x3b: {  	_ = 	snop  }
0x3c: {  	p2 =	seq.s32 s10, $0x1;
	s10 =	sld [smem:$0x3FB3]  }
0x3d: {  	_ =	shalt  }
0x3e: {  	_ =	shalt  }
0x3f: {  	_ =	shalt  }
0x40: {  	_ =	shalt  }
0x41: {  	_ =	shalt  }
0x42: {  	_ =	shalt  }
0x43: {  	_ =	shalt  }
0x44: {  	_ =	shalt  }
0x45: {  	_ =	shalt  }
0x46: {  	_ =	shalt  }
0x47: {  	_ =	shalt  }
0x48: {  	_ =	shalt  }
0x49: {  	_ =	shalt  }
0x4a: {  	_ =	shalt  }
0x4b: {  	_ =	shalt  }
0x4c: {  	_ =	shalt  }
0x4d: {  	_ =	shalt  }
0x4e: {  	_ =	shalt  }
0x4f: {  	_ =	shalt  }
0x50: {  	_ =	shalt  }
0x51: {  	_ =	shalt  }
0x52: {  	_ =	shalt  }
0x53: {  	_ =	shalt  }
0x54: {  	_ =	shalt  }
0x55: {  	_ =	shalt  }
0x56: {  	_ =	shalt  }
0x57: {  	_ =	shalt  }
0x58: {  	_ =	shalt  }
0x59: {  	_ =	shalt  }
0x5a: {  	_ =	shalt  }
0x5b: {  	_ =	shalt  }
0x5c: {  	_ =	shalt  }
0x5d: {  	_ =	shalt  }
0x5e: {  	_ =	shalt  }
0x5f: {  	_ =	shalt  }
0x60: {  	_ =	shalt  }
0x61: {  	_ =	shalt  }
0x62: {  	_ =	shalt  }
0x63: {  	_ =	shalt  }
0x64: {  	_ =	shalt  }
0x65: {  	_ =	shalt  }
0x66: {  	_ =	shalt  }
0x67: {  	_ =	shalt  }
0x68: {  	_ =	shalt  }
0x69: {  	_ =	shalt  }
0x6a: {  	_ =	shalt  }
0x6b: {  	_ =	shalt  }
0x6c: {  	_ =	shalt  }
0x6d: {  	_ =	shalt  }
0x6e: {  	_ =	shalt  }
0x6f: {  	_ =	shalt  }
0x70: {  	_ =	shalt  }
0x71: {  	_ =	shalt  }
0x72: {  	_ =	shalt  }
0x73: {  	_ =	shalt  }
0x74: {  	_ =	shalt  }
0x75: {  	_ =	shalt  }
0x76: {  	_ =	shalt  }
0x77: {  	_ =	shalt  }
0x78: {  	_ =	shalt  }
0x79: {  	_ =	shalt  }
0x7a: {  	_ =	shalt  }
0x7b: {  	_ =	shalt  }
0x7c: {  	_ =	shalt  }
0x7d: {  	_ =	shalt  }
0x7e: {  	_ =	shalt  }
0x7f: {  	_ =	shalt  }
0x80: {  	_ =	shalt  }
0x81: {  	_ =	shalt  }
0x82: {  	_ =	shalt  }
0x83: {  	_ =	shalt  }
0x84: {  	_ =	shalt  }
0x85: {  	_ =	shalt  }
0x86: {  	_ =	shalt  }
0x87: {  	_ =	shalt  }
.Lfunc_end0:
.L_simem_size_0:
called_computation.1_lowered:
.L_overlay_start_0:
0x88: {  	s2 =	sld [smem:$0x3FD9]  }
0x89: {  	s3 =	sld [smem:$0x3FFE];
	_ =	sdelay $0x1  }
0x8a: {  	s1 =	srdreg.scid  }
0x8b: {  	s0 =	sand.u32 $0x1, s1  }
0x8c: {  	s16 =	sshll.u32 s0, $0xA;
	s2 =	sadd.s32 s3, s2  }
0x8d: {  	s2 =	sadd.s32 s2, s16  }
0x8e: {  	[smem:$0x3FBF] =	sst s2  }
0x8f: {  	_ = 	snop  }
0x90: {  	(tm) =	ssettm $0x1  }
0x91: {  	s17 =	sld [smem:$0x3FFB];
	_ =	sdelay $0x3  }
0x92: {  	_ =	strace s17  }
0x93: {  	s2 =	sld [smem:$0x3FFC];
	_ =	sdelay $0x3  }
0x94: {  	_ =	strace s2  }
0x95: {  	s2 =	sld [smem:$0x3FFD];
	_ =	sdelay $0x3  }
0x96: {  	_ =	strace s2  }
0x97: {  	_ =	strace $0x8FFFFFFF  }
0x98: {  	s18 =	sld [smem:$0x3FDB];
	_ =	sdelay $0x1  }
0x99: {  	s19 =	simm.s32 $_scs_section_size  }
0x9a: {  	s4 =	simm.s32 $_size__tile_overlayer_lowered;
	s5 =	simm.s32 $_tile_overlayer_lowered  }
0x9b: {  	s22 =	simm.s32 $0x1BFF;
	s21 =	sshll.u32 s5, $0x1;
	s2 =	sadd.s32 s19, s18  }
0x9c: {  	s6 =	simm.s32 $0x0;
	s20 =	sshll.u32 s4, $0x1;
	s4 =	sadd.s32 s21, s2  }
0x9d: {  	[timem:s6], [sflag:s22] =	dma.local [hbm:s4], s20  }
0x9e: {  	_ =	swait.ge [sflag:s22], s20  }
0x9f: {  	s3 =	ssub.s32 $0x0, s20;
	[sflag:s22] =	ssyncset.done $0x0  }
0xa0: {  	[sflag:s22] =	ssyncadd.s32 s3;
	_ =	sdelay $0x1  }
0xa1: {  	s23 =	simm.s32 $0x1B8B  }
0xa2: {  	_ =	swait.ge [sflag:s23], $0x1  }
0xa3: {  	[sflag:s23] =	ssyncset.done $0x0  }
0xa4: {  	s25 =	simm.s32 $0x1B8E;
	s24 =	sld [smem:$0x3FFE];
	[sflag:s23] =	ssyncadd.s32 $0xFFFFFFFF  }
0xa5: {  	s26 =	simm.s32 $execute0_lowered;
	[smem:$0x3FD2] =	sst s25  }
0xa6: {  	s4 =	sshll.u32 s26, $0x1;
	_ =	strace $0x80000049;
	[dreg:$0x1] =	wrdreg $0xFFFFFFFF  }
0xa7: {  	s28 =	simm.s32 $_size_execute0_lowered;
	s2 =	sadd.s32 s2, s4;
	[dreg:$0x0] =	wrdreg $0x0  }
0xa8: {  	s4 =	sshll.u32 s28, $0x1;
	[dreg:$0x2] =	wrdreg s2  }
0xa9: {  	[dreg:$0x3] =	wrdreg s4  }
0xaa: {  	[dreg:$0x4] =	wrdreg $0xC0  }
0xab: {  	_ =	task [dreg:s6], $0x5FFFF  }
0xac: {  	[dreg:$0x1] =	wrdreg $0xFFFFFFFF  }
0xad: {  	[dreg:$0x0] =	wrdreg $0x60  }
0xae: {  	[dreg:$0x2] =	wrdreg s24  }
0xaf: {  	[dreg:$0x3] =	wrdreg $0x0  }
0xb0: {  	[dreg:$0x4] =	wrdreg $0x9  }
0xb1: {  	_ =	task.clear_ibuf [dreg:s6], $0x5FFFF;
	_ =	strace $0x90000049  }
0xb2: {  	s29 =	simm.s32 $0x9;
	_ =	strace $0x8000004B  }
0xb3: {  	_ =	swait.ge [sflag:s29], $0x1  }
0xb4: {  	[sflag:s29] =	ssyncadd.s32 $0xFFFFFFFF  }
0xb5: {  	_ =	strace $0x9000004B  }
0xb6: {  	_ =	sfence  }
0xb7: {  	s30 =	sld [smem:$0x0];
	_ =	sdelay $0x2  }
0xb8: {  	s31 =	sshll.u32 s1, $0xD;
	s1 =	sshrl.u32 s1, $0x2  }
0xb9: {  	s3 =	sand.u32 $0x4000, s31;
	s1 =	sadd.s32 s1, s30  }
0xba: {  	s0 =	sor.u32 s3, s0;
	s1 =	sshll.u32 s1, $0x11  }
0xbb: {  	s0 =	sor.u32 s1, s0  }
0xbc: {  	s0 =	sadd.s32 $0x8F2B, s0  }
0xbd: {  	[sflag:s0] =	ssyncadd.remote.s32 $0x1  }
0xbe: {  	_ =	sfence.sel $0xFFFF  }
0xbf: {  	[dreg:$0x0] =	wrdreg $0xFFFFFFFF;
	(pc) =	sbr.abs _section_cstart, $3  }
0xc0: {  	[dreg:$0x1] =	wrdreg $0xFFFFFFFF  }
0xc1: {  	_ =	task.clear_ibuf [dreg:s6], $0x2FFFF;
	_ =	strace $0x9FFFFFFF  }
0xc2: {  	(tm) =	ssettm $0x7FFFFFFF  }
0xc3: {  	_ =	shalt  }
tec
execute0_lowered:
.L_overlay_start_1:
0x0: {  	(tag) =	ssettag $0x1  }
0x1: {  	s0 =	rddreg [dreg:$0x0];
	s1 =	srdreg.scid  }
0x2: {  	s7 =	stileid.u32;
	s2 =	rddreg [dreg:$0x1];
	s3 =	simm.s32 $0x0  }
0x3: {  	s20 =	simm.s32 $0x16800;
	s21 =	simm.s32 $0x3;
	s28 =	simm.s32 $0x1  }
0x4: {  	s29 =	simm.s32 $0x2;
	s30 =	simm.s32 $0x16700;
	s31 =	simm.s32 $0x16780  }
0x5: {  	s1 =	sand.u32 $0x1, s1;
	s5 =	smul.u32 $0x280, s7;
	[smem:$0x7FF] =	sst s3  }
0x6: {  	s4 =	sadd.s32 $0xE4A00, s0;
	s10 =	sadd.s32 $0xC600, s0;
	s22 =	smul.u32 $0x50000, s7  }
0x7: {  	s13 =	sadd.s32 $0x16600, s0;
	s23 =	sshll.u32 s7, $0x1;
	s6 =	smul.u32 $0x2800, s1  }
0x8: {  	_ =	strace $0x8000004A;
	s24 =	ssub.s32 $0x2, s1;
	s1 =	sor.u32 s1, s23  }
0x9: {  	s23 =	simm.s32 $0x15400;
	s25 =	sshrl.u32 s22, $0x2;
	s9 =	smul.u32 $0x2800, s1  }
0xa: {  	s26 =	sshrl.u32 s24, $0x1;
	s1 =	smul.u32 $0x500, s1;
	s22 =	simm.s32 $0x14000  }
0xb: {  	s5 =	sadd.s32 s5, s6;
	s19 =	ssub.s32 s24, s26;
	s24 =	simm.s32 $0x80  }
0xc: {  	s26 =	simm.s32 $0x1A800;
	s5 =	sshll.u32 s5, $0x4;
	s11 =	sshrl.u32 s9, $0x3  }
0xd: {  	s12 =	sadd.s32 s10, s1;
	s1 =	sadd.s32 s13, s1;
	s19 =	smax.u32 s19, $0x1  }
0xe: {  	s0 =	sadd.s32 s5, s0;
	s5 =	sadd.s32 s25, s2;
	[dreg:$0x3] =	wrdreg s12  }
0xf: {  	s14 =	sadd.s32 $0x280, s11;
	[dreg:$0x4] =	wrdreg s1;
	s25 =	simm.s32 $0x14080  }
0x10: {  	s1 =	simm.s32 $0x0;
	s6 =	sadd.s32 $0x4000, s5;
	s7 =	sadd.s32 $0x8000, s5  }
0x11: {  	s8 =	sadd.s32 $0xC000, s5;
	s9 =	sadd.s32 $0x10000, s5;
	s12 =	sadd.s32 s10, s14  }
0x12: {  	s13 =	sadd.s32 s13, s14;
	s14 =	sadd.s32 $0x21400, s0;
	s15 =	sadd.s32 $0x21C00, s0  }
0x13: {  	v0 =	vimm.f32 $0.0e+00;
	s16 =	sadd.s32 $0x22400, s0;
	s17 =	sadd.s32 $0x22C00, s0;
	s18 =	sadd.s32 $0x23400, s0  }
.LBB2_1:
0x14: {  	s0 =	simm.s32 $0x0;
	s10 =	simm.s32 $0x200  }
.LBB2_2:
0x15: {  	p0 =	sne.s32 s10, $0xFE00;
	[tilespmem:s0+$0x16870] =	vst v0  }
0x16: {  	[tilespmem:s0+$0x16800] =	vst v0  }
0x17: {  	[tilespmem:s0+$0x16810] =	vst v0  }
.Ltmp0:
0x18: {  	[tilespmem:s0+$0x16820] =	vst v0;
	(pc) =	sbr.rel @p0 .LBB2_2-.Ltmp0, $4  }
0x19: {  	[tilespmem:s0+$0x16830] =	vst v0  }
0x1a: {  	[tilespmem:s0+$0x16840] =	vst v0  }
0x1b: {  	[tilespmem:s0+$0x16850] =	vst v0  }
0x1c: {  	[tilespmem:s0+$0x16860] =	vst v0;
	s0 =	sshra.s32 s10, $0x2;
	s10 =	sadd.s32 $0x200, s10  }
0x1d: {  	[tilespmem:s0+$0x16870] =	vst v0  }
0x1e: {  	[tilespmem:s0+$0x16800] =	vst v0  }
0x1f: {  	[tilespmem:s0+$0x16810] =	vst v0  }
0x20: {  	[tilespmem:s0+$0x16820] =	vst v0  }
0x21: {  	[tilespmem:s0+$0x16830] =	vst v0  }
0x22: {  	[tilespmem:s0+$0x16840] =	vst v0  }
0x23: {  	[tilespmem:s0+$0x16850] =	vst v0  }
0x24: {  	[tilespmem:s0+$0x16860] =	vst v0  }
0x25: {  	[spmem:s5] =	stream.linear.scatter [tilespmem:s20], [sflag:$0x3], $0x4000, $0x38;
	[tilespmem:$0x1E800] =	vst v63  }
0x26: {  	_ =	swait.ge [sflag:s21], $0x4000  }
0x27: {  	[sflag:s21] =	ssyncset.done $0x0  }
0x28: {  	[sflag:s21] =	ssyncadd.s32 $0xFFFFC000  }
0x29: {  	[spmem:s6] =	stream.linear.scatter [tilespmem:s20], [sflag:$0x3], $0x4000, $0x38;
	[tilespmem:$0x1E800] =	vst v63  }
0x2a: {  	_ =	swait.ge [sflag:s21], $0x4000  }
0x2b: {  	[sflag:s21] =	ssyncset.done $0x0  }
0x2c: {  	[sflag:s21] =	ssyncadd.s32 $0xFFFFC000  }
0x2d: {  	[spmem:s7] =	stream.linear.scatter [tilespmem:s20], [sflag:$0x3], $0x4000, $0x38;
	[tilespmem:$0x1E800] =	vst v63  }
0x2e: {  	_ =	swait.ge [sflag:s21], $0x4000  }
0x2f: {  	[sflag:s21] =	ssyncset.done $0x0  }
0x30: {  	[sflag:s21] =	ssyncadd.s32 $0xFFFFC000  }
0x31: {  	[spmem:s8] =	stream.linear.scatter [tilespmem:s20], [sflag:$0x3], $0x4000, $0x38;
	[tilespmem:$0x1E800] =	vst v63  }
0x32: {  	_ =	swait.ge [sflag:s21], $0x4000  }
0x33: {  	[sflag:s21] =	ssyncset.done $0x0  }
0x34: {  	[sflag:s21] =	ssyncadd.s32 $0xFFFFC000  }
0x35: {  	[spmem:s9] =	stream.linear.scatter [tilespmem:s20], [sflag:$0x3], $0x4000, $0x38;
	[tilespmem:$0x1E800] =	vst v63  }
0x36: {  	_ =	swait.ge [sflag:s21], $0x4000  }
0x37: {  	[sflag:s21] =	ssyncset.done $0x0  }
0x38: {  	[sflag:s21] =	ssyncadd.s32 $0xFFFFC000  }
0x39: {  	[bflag:$0x0] =	sbarrier.arrive $0xFFFF  }
0x3a: {  	s0 =	simm.s32 $0x0;
	s10 =	rddreg [dreg:$0x3]  }
0x3b: {  	[tilespmem:s22], [sflag:$0x3] =	stream.linear.gather [hbm4b:s10+s0], $0x1400, $0x38;
	[tilespmem:$0x1E800] =	vst v63  }
0x3c: {  	_ =	swait.ge [sflag:s21], $0x1400  }
0x3d: {  	[sflag:s21] =	ssyncset.done $0x0  }
0x3e: {  	s11 =	rddreg [dreg:$0x4];
	[sflag:s21] =	ssyncadd.s32 $0xFFFFEC00  }
0x3f: {  	[tilespmem:s23], [sflag:$0x3] =	stream.linear.gather [hbm4b:s11+s0], $0x1400, $0x38;
	[tilespmem:$0x1E800] =	vst v63  }
0x40: {  	_ =	swait.ge [sflag:s21], $0x1400  }
0x41: {  	[sflag:s21] =	ssyncset.done $0x0  }
0x42: {  	[sflag:s21] =	ssyncadd.s32 $0xFFFFEC00  }
0x43: {  	[tilespmem:s20], [sflag:$0x1] =	stream.indirect.gather [hbm4b:s4+s24], $0x80, s22, s24, $0xb8;
	[tilespmem:$0x1E800] =	vst v63  }
0x44: {  	_ = 	snop  }
0x45: {  	[tilespmem:s26], [sflag:$0x2] =	stream.indirect.gather [hbm4b:s4+s24], $0x80, s25, s24, $0xb8;
	[tilespmem:$0x1E800] =	vst v63  }
0x46: {  	_ =	swait.ge [sflag:s28], $0x4000  }
0x47: {  	[sflag:s28] =	ssyncset.done $0x0  }
0x48: {  	s11 =	simm.s32 $0x15400;
	[sflag:s28] =	ssyncadd.s32 $0xFFFFC000  }
0x49: {  	[spmem:s2] =	stream.indirect.scatter.add.f32 [tilespmem:s20], [sflag:$0x3], $0x80, s11, s24, $0xb8;
	[tilespmem:$0x1E800] =	vst v63  }
0x4a: {  	_ =	swait.ge [sflag:s21], $0x4000  }
0x4b: {  	[sflag:s21] =	ssyncset.done $0x0  }
0x4c: {  	s10 =	simm.s32 $0x14100;
	[sflag:s21] =	ssyncadd.s32 $0xFFFFC000  }
0x4d: {  	[tilespmem:s20], [sflag:$0x1] =	stream.indirect.gather [hbm4b:s4+s24], $0x80, s10, s24, $0xb8;
	[tilespmem:$0x1E800] =	vst v63  }
0x4e: {  	_ =	swait.ge [sflag:s29], $0x4000  }
0x4f: {  	[sflag:s29] =	ssyncset.done $0x0  }
0x50: {  	s11 =	simm.s32 $0x15480;
	[sflag:s29] =	ssyncadd.s32 $0xFFFFC000  }
0x51: {  	[spmem:s2] =	stream.indirect.scatter.add.f32 [tilespmem:s26], [sflag:$0x3], $0x80, s11, s24, $0xb8;
	[tilespmem:$0x1E800] =	vst v63  }
0x52: {  	_ =	swait.ge [sflag:s21], $0x4000  }
0x53: {  	[sflag:s21] =	ssyncset.done $0x0  }
0x54: {  	s0 =	simm.s32 $0x400;
	s10 =	simm.s32 $0x14180;
	[sflag:s21] =	ssyncadd.s32 $0xFFFFC000  }
.LBB2_4:
0x55: {  	[tilespmem:s26], [sflag:$0x2] =	stream.indirect.gather [hbm4b:s4+s24], $0x80, s10, s24, $0xb8;
	[tilespmem:$0x1E800] =	vst v63  }
0x56: {  	s10 =	smov.u32 s0  }
0x57: {  	p0 =	sne.s32 s0, $0x4800;
	s0 =	sadd.s32 $0x400, s0;
	_ =	swait.ge [sflag:s28], $0x4000  }
0x58: {  	s10 =	sshra.s32 s10, $0x2;
	[sflag:s28] =	ssyncset.done $0x0  }
0x59: {  	s11 =	sadd.s32 $0x15400, s10;
	[sflag:s28] =	ssyncadd.s32 $0xFFFFC000  }
0x5a: {  	[spmem:s2] =	stream.indirect.scatter.add.f32 [tilespmem:s20], [sflag:$0x3], $0x80, s11, s24, $0xb8;
	[tilespmem:$0x1E800] =	vst v63  }
0x5b: {  	_ =	swait.ge [sflag:s21], $0x4000  }
0x5c: {  	[sflag:s21] =	ssyncset.done $0x0  }
0x5d: {  	s11 =	sadd.s32 $0x14100, s10;
	[sflag:s21] =	ssyncadd.s32 $0xFFFFC000  }
0x5e: {  	[tilespmem:s20], [sflag:$0x1] =	stream.indirect.gather [hbm4b:s4+s24], $0x80, s11, s24, $0xb8;
	[tilespmem:$0x1E800] =	vst v63  }
0x5f: {  	_ =	swait.ge [sflag:s29], $0x4000  }
0x60: {  	[sflag:s29] =	ssyncset.done $0x0  }
.Ltmp1:
0x61: {  	s11 =	sadd.s32 $0x15480, s10;
	[sflag:s29] =	ssyncadd.s32 $0xFFFFC000;
	(pc) =	sbr.rel @p0 .LBB2_4-.Ltmp1, $4  }
0x62: {  	[spmem:s2] =	stream.indirect.scatter.add.f32 [tilespmem:s26], [sflag:$0x3], $0x80, s11, s24, $0xb8;
	[tilespmem:$0x1E800] =	vst v63  }
0x63: {  	_ =	swait.ge [sflag:s21], $0x4000  }
0x64: {  	[sflag:s21] =	ssyncset.done $0x0  }
0x65: {  	s10 =	sadd.s32 $0x14180, s10;
	[sflag:s21] =	ssyncadd.s32 $0xFFFFC000  }
0x66: {  	[tilespmem:s26], [sflag:$0x2] =	stream.indirect.gather [hbm4b:s4+s24], $0x80, s10, s24, $0xb8;
	[tilespmem:$0x1E800] =	vst v63  }
0x67: {  	_ =	swait.ge [sflag:s28], $0x4000  }
0x68: {  	[sflag:s28] =	ssyncset.done $0x0  }
0x69: {  	[sflag:s28] =	ssyncadd.s32 $0xFFFFC000  }
0x6a: {  	[spmem:s2] =	stream.indirect.scatter.add.f32 [tilespmem:s20], [sflag:$0x3], $0x80, s30, s24, $0xb8;
	[tilespmem:$0x1E800] =	vst v63  }
0x6b: {  	_ =	swait.ge [sflag:s21], $0x4000  }
0x6c: {  	[sflag:s21] =	ssyncset.done $0x0  }
0x6d: {  	[sflag:s21] =	ssyncadd.s32 $0xFFFFC000  }
0x6e: {  	_ =	swait.ge [sflag:s29], $0x4000  }
0x6f: {  	[sflag:s29] =	ssyncset.done $0x0  }
0x70: {  	[sflag:s29] =	ssyncadd.s32 $0xFFFFC000  }
0x71: {  	[spmem:s2] =	stream.indirect.scatter.add.f32 [tilespmem:s26], [sflag:$0x3], $0x80, s31, s24, $0xb8;
	[tilespmem:$0x1E800] =	vst v63  }
0x72: {  	_ =	swait.ge [sflag:s21], $0x4000  }
0x73: {  	[sflag:s21] =	ssyncset.done $0x0  }
0x74: {  	s0 =	simm.s32 $0x0;
	[sflag:s21] =	ssyncadd.s32 $0xFFFFC000  }
0x75: {  	[tilespmem:s22], [sflag:$0x3] =	stream.linear.gather [hbm4b:s12+s0], $0x1400, $0x38;
	[tilespmem:$0x1E800] =	vst v63  }
0x76: {  	_ =	swait.ge [sflag:s21], $0x1400  }
0x77: {  	[sflag:s21] =	ssyncset.done $0x0  }
0x78: {  	[sflag:s21] =	ssyncadd.s32 $0xFFFFEC00  }
0x79: {  	[tilespmem:s23], [sflag:$0x3] =	stream.linear.gather [hbm4b:s13+s0], $0x1400, $0x38;
	[tilespmem:$0x1E800] =	vst v63  }
0x7a: {  	_ =	swait.ge [sflag:s21], $0x1400  }
0x7b: {  	[sflag:s21] =	ssyncset.done $0x0  }
0x7c: {  	[sflag:s21] =	ssyncadd.s32 $0xFFFFEC00  }
0x7d: {  	[tilespmem:s20], [sflag:$0x1] =	stream.indirect.gather [hbm4b:s4+s24], $0x80, s22, s24, $0xb8;
	[tilespmem:$0x1E800] =	vst v63  }
0x7e: {  	_ = 	snop  }
0x7f: {  	[tilespmem:s26], [sflag:$0x2] =	stream.indirect.gather [hbm4b:s4+s24], $0x80, s25, s24, $0xb8;
	[tilespmem:$0x1E800] =	vst v63  }
0x80: {  	_ =	swait.ge [sflag:s28], $0x4000  }
0x81: {  	[sflag:s28] =	ssyncset.done $0x0  }
0x82: {  	s11 =	simm.s32 $0x15400;
	[sflag:s28] =	ssyncadd.s32 $0xFFFFC000  }
0x83: {  	[spmem:s2] =	stream.indirect.scatter.add.f32 [tilespmem:s20], [sflag:$0x3], $0x80, s11, s24, $0xb8;
	[tilespmem:$0x1E800] =	vst v63  }
0x84: {  	_ =	swait.ge [sflag:s21], $0x4000  }
0x85: {  	[sflag:s21] =	ssyncset.done $0x0  }
0x86: {  	s10 =	simm.s32 $0x14100;
	[sflag:s21] =	ssyncadd.s32 $0xFFFFC000  }
0x87: {  	[tilespmem:s20], [sflag:$0x1] =	stream.indirect.gather [hbm4b:s4+s24], $0x80, s10, s24, $0xb8;
	[tilespmem:$0x1E800] =	vst v63  }
0x88: {  	_ =	swait.ge [sflag:s29], $0x4000  }
0x89: {  	[sflag:s29] =	ssyncset.done $0x0  }
0x8a: {  	s11 =	simm.s32 $0x15480;
	[sflag:s29] =	ssyncadd.s32 $0xFFFFC000  }
0x8b: {  	[spmem:s2] =	stream.indirect.scatter.add.f32 [tilespmem:s26], [sflag:$0x3], $0x80, s11, s24, $0xb8;
	[tilespmem:$0x1E800] =	vst v63  }
0x8c: {  	_ =	swait.ge [sflag:s21], $0x4000  }
0x8d: {  	[sflag:s21] =	ssyncset.done $0x0  }
0x8e: {  	s0 =	simm.s32 $0x400;
	s10 =	simm.s32 $0x14180;
	[sflag:s21] =	ssyncadd.s32 $0xFFFFC000  }
.LBB2_6:
0x8f: {  	[tilespmem:s26], [sflag:$0x2] =	stream.indirect.gather [hbm4b:s4+s24], $0x80, s10, s24, $0xb8;
	[tilespmem:$0x1E800] =	vst v63  }
0x90: {  	s10 =	smov.u32 s0  }
0x91: {  	p0 =	sne.s32 s0, $0x4800;
	s0 =	sadd.s32 $0x400, s0;
	_ =	swait.ge [sflag:s28], $0x4000  }
0x92: {  	s10 =	sshra.s32 s10, $0x2;
	[sflag:s28] =	ssyncset.done $0x0  }
0x93: {  	s11 =	sadd.s32 $0x15400, s10;
	[sflag:s28] =	ssyncadd.s32 $0xFFFFC000  }
0x94: {  	[spmem:s2] =	stream.indirect.scatter.add.f32 [tilespmem:s20], [sflag:$0x3], $0x80, s11, s24, $0xb8;
	[tilespmem:$0x1E800] =	vst v63  }
0x95: {  	_ =	swait.ge [sflag:s21], $0x4000  }
0x96: {  	[sflag:s21] =	ssyncset.done $0x0  }
0x97: {  	s11 =	sadd.s32 $0x14100, s10;
	[sflag:s21] =	ssyncadd.s32 $0xFFFFC000  }
0x98: {  	[tilespmem:s20], [sflag:$0x1] =	stream.indirect.gather [hbm4b:s4+s24], $0x80, s11, s24, $0xb8;
	[tilespmem:$0x1E800] =	vst v63  }
0x99: {  	_ =	swait.ge [sflag:s29], $0x4000  }
0x9a: {  	[sflag:s29] =	ssyncset.done $0x0  }
.Ltmp2:
0x9b: {  	s11 =	sadd.s32 $0x15480, s10;
	[sflag:s29] =	ssyncadd.s32 $0xFFFFC000;
	(pc) =	sbr.rel @p0 .LBB2_6-.Ltmp2, $4  }
0x9c: {  	[spmem:s2] =	stream.indirect.scatter.add.f32 [tilespmem:s26], [sflag:$0x3], $0x80, s11, s24, $0xb8;
	[tilespmem:$0x1E800] =	vst v63  }
0x9d: {  	_ =	swait.ge [sflag:s21], $0x4000  }
0x9e: {  	[sflag:s21] =	ssyncset.done $0x0  }
0x9f: {  	s10 =	sadd.s32 $0x14180, s10;
	[sflag:s21] =	ssyncadd.s32 $0xFFFFC000  }
0xa0: {  	[tilespmem:s26], [sflag:$0x2] =	stream.indirect.gather [hbm4b:s4+s24], $0x80, s10, s24, $0xb8;
	[tilespmem:$0x1E800] =	vst v63  }
0xa1: {  	_ =	swait.ge [sflag:s28], $0x4000  }
0xa2: {  	[sflag:s28] =	ssyncset.done $0x0  }
0xa3: {  	[sflag:s28] =	ssyncadd.s32 $0xFFFFC000  }
0xa4: {  	[spmem:s2] =	stream.indirect.scatter.add.f32 [tilespmem:s20], [sflag:$0x3], $0x80, s30, s24, $0xb8;
	[tilespmem:$0x1E800] =	vst v63  }
0xa5: {  	_ =	swait.ge [sflag:s21], $0x4000  }
0xa6: {  	[sflag:s21] =	ssyncset.done $0x0  }
0xa7: {  	[sflag:s21] =	ssyncadd.s32 $0xFFFFC000  }
0xa8: {  	_ =	swait.ge [sflag:s29], $0x4000  }
0xa9: {  	[sflag:s29] =	ssyncset.done $0x0  }
0xaa: {  	[sflag:s29] =	ssyncadd.s32 $0xFFFFC000  }
0xab: {  	[spmem:s2] =	stream.indirect.scatter.add.f32 [tilespmem:s26], [sflag:$0x3], $0x80, s31, s24, $0xb8;
	[tilespmem:$0x1E800] =	vst v63  }
0xac: {  	_ =	swait.ge [sflag:s21], $0x4000  }
0xad: {  	[sflag:s21] =	ssyncset.done $0x0  }
0xae: {  	[sflag:s21] =	ssyncadd.s32 $0xFFFFC000  }
0xaf: {  	[bflag:$0x0] =	sbarrier.arrive $0xFFFF  }
0xb0: {  	[tilespmem:s20], [sflag:$0x3] =	stream.linear.gather [spmem:s5], $0x4000, $0x38;
	[tilespmem:$0x1E800] =	vst v63  }
0xb1: {  	_ =	swait.ge [sflag:s21], $0x4000  }
0xb2: {  	[sflag:s21] =	ssyncset.done $0x0  }
0xb3: {  	[sflag:s21] =	ssyncadd.s32 $0xFFFFC000  }
0xb4: {  	[hbm4b:s14+s3] =	stream.linear.scatter [tilespmem:s20], [sflag:$0x3], $0x4000, $0x38;
	[tilespmem:$0x1E800] =	vst v63  }
0xb5: {  	_ =	swait.ge [sflag:s21], $0x4000  }
0xb6: {  	[sflag:s21] =	ssyncset.done $0x0  }
0xb7: {  	[sflag:s21] =	ssyncadd.s32 $0xFFFFC000  }
0xb8: {  	[tilespmem:s20], [sflag:$0x3] =	stream.linear.gather [spmem:s6], $0x4000, $0x38;
	[tilespmem:$0x1E800] =	vst v63  }
0xb9: {  	_ =	swait.ge [sflag:s21], $0x4000  }
0xba: {  	[sflag:s21] =	ssyncset.done $0x0  }
0xbb: {  	[sflag:s21] =	ssyncadd.s32 $0xFFFFC000  }
0xbc: {  	[hbm4b:s15+s3] =	stream.linear.scatter [tilespmem:s20], [sflag:$0x3], $0x4000, $0x38;
	[tilespmem:$0x1E800] =	vst v63  }
0xbd: {  	_ =	swait.ge [sflag:s21], $0x4000  }
0xbe: {  	[sflag:s21] =	ssyncset.done $0x0  }
0xbf: {  	[sflag:s21] =	ssyncadd.s32 $0xFFFFC000  }
0xc0: {  	[tilespmem:s20], [sflag:$0x3] =	stream.linear.gather [spmem:s7], $0x4000, $0x38;
	[tilespmem:$0x1E800] =	vst v63  }
0xc1: {  	_ =	swait.ge [sflag:s21], $0x4000  }
0xc2: {  	[sflag:s21] =	ssyncset.done $0x0  }
0xc3: {  	[sflag:s21] =	ssyncadd.s32 $0xFFFFC000  }
0xc4: {  	[hbm4b:s16+s3] =	stream.linear.scatter [tilespmem:s20], [sflag:$0x3], $0x4000, $0x38;
	[tilespmem:$0x1E800] =	vst v63  }
0xc5: {  	_ =	swait.ge [sflag:s21], $0x4000  }
0xc6: {  	[sflag:s21] =	ssyncset.done $0x0  }
0xc7: {  	[sflag:s21] =	ssyncadd.s32 $0xFFFFC000  }
0xc8: {  	[tilespmem:s20], [sflag:$0x3] =	stream.linear.gather [spmem:s8], $0x4000, $0x38;
	[tilespmem:$0x1E800] =	vst v63  }
0xc9: {  	_ =	swait.ge [sflag:s21], $0x4000  }
0xca: {  	[sflag:s21] =	ssyncset.done $0x0  }
0xcb: {  	[sflag:s21] =	ssyncadd.s32 $0xFFFFC000  }
0xcc: {  	[hbm4b:s17+s3] =	stream.linear.scatter [tilespmem:s20], [sflag:$0x3], $0x4000, $0x38;
	[tilespmem:$0x1E800] =	vst v63  }
0xcd: {  	_ =	swait.ge [sflag:s21], $0x4000  }
0xce: {  	[sflag:s21] =	ssyncset.done $0x0  }
0xcf: {  	[sflag:s21] =	ssyncadd.s32 $0xFFFFC000  }
0xd0: {  	[tilespmem:s20], [sflag:$0x3] =	stream.linear.gather [spmem:s9], $0x4000, $0x38;
	[tilespmem:$0x1E800] =	vst v63  }
0xd1: {  	s1 =	sadd.s32 $0x1, s1;
	_ =	swait.ge [sflag:s21], $0x4000  }
0xd2: {  	p0 =	sne.s32 s1, s19;
	[sflag:s21] =	ssyncset.done $0x0  }
.Ltmp3:
0xd3: {  	[sflag:s21] =	ssyncadd.s32 $0xFFFFC000;
	(pc) =	sbr.rel @p0 .LBB2_1-.Ltmp3, $4  }
0xd4: {  	[hbm4b:s18+s3] =	stream.linear.scatter [tilespmem:s20], [sflag:$0x3], $0x4000, $0x38;
	[tilespmem:$0x1E800] =	vst v63  }
0xd5: {  	_ =	swait.ge [sflag:s21], $0x4000  }
0xd6: {  	[sflag:s21] =	ssyncset.done $0x0  }
0xd7: {  	[sflag:s21] =	ssyncadd.s32 $0xFFFFC000  }
0xd8: {  	_ =	sfence.sel $0x180000  }
0xd9: {  	[bflag:$0x0] =	sbarrier.arrive $0xFFFF  }
0xda: {  	_ =	strace $0x9000004A  }
0xdb: {  	s0 =	stileid.u32;
	[bflag:$0x2] =	sbarrier.arrive $0xFFFF  }
0xdc: {  	p0 =	sne.s32 s0, $0x0;
	s0 =	rddreg [dreg:$0x2]  }
0xdd: {  	s0 =	sadd.s32 @!p0 $0x100000, s0  }
0xde: {  	[sflag:s0] =	ssyncadd.tile.s32 @!p0 $0x1;
	_ =	shalt  }
.Lfunc_end2:
_tile_overlayer_lowered:
.L_overlay_start_2:
0xdf: {  	(tag) =	ssettag $0x2  }
0xe0: {  	s0 =	rddreg [dreg:$0x0];
	s2 =	stileid.u32  }
0xe1: {  	s1 =	rddreg [dreg:$0x1];
	p0 =	sne.s32 s2, $0x0  }
0xe2: {  	s3 =	rddreg [dreg:$0x2];
	[bflag:$0x3] =	sbarrier.arrive $0xFFFF;
	s2 =	simm.s32 @!p0 $0x1C03  }
0xe3: {  	[timem:s3], [sflag:s2] =	dma.local @!p0 [hbm:s0], s1  }
0xe4: {  	s0 =	simm.s32 @!p0 $0x3  }
0xe5: {  	_ =	swait.ge @!p0 [sflag:s0], s1  }
0xe6: {  	s1 =	ssub.s32 @!p0 $0x0, s1;
	[sflag:s0] =	ssyncset.done @!p0 $0x0  }
0xe7: {  	[sflag:s0] =	ssyncadd.s32 @!p0 s1  }
0xe8: {  	[bflag:$0x3] =	sbarrier.arrive $0xFFFF  }
0xe9: {  	_ =	shalt  }

// kernel: kernel.14.cloned.1.call-start
scs
__scs_entry_jumppad:
0x0: {  	(pc) =	sbr.rel $0x88, $3  }
0x1: {  	(tag) =	ssettag $0x0;
	lr =	simm.s32 $0x1  }
0x2: {  	[smem:$0x3F98] =	sst lr;
	_ =	strace $0xD0000000  }
0x3: {  	_ = 	snop  }
0x4: {  	_ = 	snop  }
0x5: {  	_ = 	snop  }
0x6: {  	_ = 	snop  }
0x7: {  	_ = 	snop  }
__scs_overlays_trampoline_lowered:
0x8: {  	[smem:$0x3FA7] =	sst s0  }
0x9: {  	[smem:$0x3FA8] =	sst s1  }
0xa: {  	[smem:$0x3FA9] =	sst s2  }
0xb: {  	[smem:$0x3FAA] =	sst s3  }
0xc: {  	[smem:$0x3FAB] =	sst s4  }
0xd: {  	[smem:$0x3FAC] =	sst s5  }
0xe: {  	[smem:$0x3FAD] =	sst s6  }
0xf: {  	[smem:$0x3FAE] =	sst s7  }
0x10: {  	[smem:$0x3FAF] =	sst s8  }
0x11: {  	[smem:$0x3FB0] =	sst s9;
	s0 =	simm.s32 @!p0 $0x0  }
0x12: {  	s1 =	sld [smem:$0x3F96];
	s0 =	simm.s32 @p0 $0x1  }
0x13: {  	[smem:$0x3FB1] =	sst s0;
	s0 =	simm.s32 @!p1 $0x0  }
0x14: {  	s2 =	sld [smem:$0x3F95];
	s0 =	simm.s32 @p1 $0x1  }
0x15: {  	[smem:$0x3FB2] =	sst s0;
	s0 =	simm.s32 @!p2 $0x0  }
0x16: {  	s3 =	sld [smem:$0x3FDB];
	s0 =	simm.s32 @p2 $0x1  }
0x17: {  	s4 =	simm.s32 $0x1BF5;
	[smem:$0x3FB4] =	sst s0  }
0x18: {  	s0 =	sld [smem:$0x3F97];
	_ =	swait.ge [sflag:s4], $0x0  }
0x19: {  	s7 =	sld [smem:$0x3F98]  }
0x1a: {  	s8 =	sadd.s32 $0xFFFFE003, lr  }
0x1b: {  	s9 =	sadd.s32 $0xFFFFFEF7, lr;
	s5 =	simm.s32 $0xFFFFFFFF;
	p2 =	slt.u32 s8, $0xFFFFF086  }
0x1c: {  	p1 =	slt.u32 s9, $0xF7A;
	s5 =	simm.s32 @!p2 $0x0  }
0x1d: {  	s5 =	simm.s32 @p1 $0x1;
	p0 =	seq.s32 s7, s2  }
0x1e: {  	s7 =	smul.u32 @!p0 $0xF7A, s2;
	p2 =	seq.s32 @!p0 s5, $0x0  }
0x1f: {  	s9 =	smul.u32 $0xF7A, s1;
	s8 =	simm.s32 @!p0 $0x1BF5;
	p2 =	por !p2, p0  }
0x20: {  	[sflag:s8] =	ssyncset.s32 @!p0 $0xFFFFF086;
	s6 =	sadd.s32 @!p0 s3, s7;
	s7 =	simm.s32 @!p0 $0x108  }
0x21: {  	s3 =	sadd.s32 s3, s9;
	s6 =	sadd.s32 @!p0 $0x88, s6;
	s7 =	simm.s32 @p2 $0x1082  }
0x22: {  	[simem:s7], [sflag:s8] =	dma.local @!p0 [hbm:s6], $0xF7A  }
0x23: {  	s9 =	sor.u32 $0xD0000000, s2;
	s6 =	simm.s32 $0x108;
	_ =	swait.ge @!p0 [sflag:s8], $0x0  }
0x24: {  	s3 =	sadd.s32 $0x88, s3;
	s6 =	simm.s32 @!p1 $0x1082;
	[sflag:s4] =	ssyncset.s32 $0xFFFFF086  }
0x25: {  	[simem:s6], [sflag:s4] =	dma.local [hbm:s3], $0xF7A  }
0x26: {  	[smem:$0x3F98] =	sst s1;
	(tag) =	ssettag s2;
	_ =	strace s9  }
0x27: {  	s1 =	sld [smem:$0x3FA8]  }
0x28: {  	s2 =	sld [smem:$0x3FA9]  }
0x29: {  	s4 =	sld [smem:$0x3FAB]  }
0x2a: {  	p0 =	seq.s32 s5, $0x0;
	s5 =	sld [smem:$0x3FAC]  }
0x2b: {  	s6 =	sld [smem:$0x3FAD]  }
0x2c: {  	s7 =	sld [smem:$0x3FAE]  }
0x2d: {  	s3 =	simm.s32 $0x108;
	s8 =	sld [smem:$0x3FAF]  }
0x2e: {  	s3 =	simm.s32 @!p0 $0x1082;
	s9 =	sld [smem:$0x3FB0]  }
0x2f: {  	lr =	sadd.s32 s0, s3;
	s0 =	sld [smem:$0x3FA7]  }
0x30: {  	s3 =	sld [smem:$0x3FAA]  }
0x31: {  	[smem:$0x3FB3] =	sst s10  }
0x32: {  	s10 =	sld [smem:$0x3FB1];
	_ =	sdelay $0x3  }
0x33: {  	p0 =	seq.s32 s10, $0x1;
	s10 =	sld [smem:$0x3FB3];
	_ =	sdelay $0x3  }
0x34: {  	[smem:$0x3FB3] =	sst s10  }
0x35: {  	s10 =	sld [smem:$0x3FB2];
	_ =	sdelay $0x3  }
0x36: {  	p1 =	seq.s32 s10, $0x1;
	s10 =	sld [smem:$0x3FB3];
	_ =	sdelay $0x3  }
0x37: {  	[smem:$0x3FB3] =	sst s10  }
0x38: {  	s10 =	sld [smem:$0x3FB4]  }
0x39: {  	_ = 	snop;
	(pc) =	sbr.ind lr, $3  }
0x3a: {  	_ = 	snop  }
0x3b: {  	_ = 	snop  }
0x3c: {  	p2 =	seq.s32 s10, $0x1;
	s10 =	sld [smem:$0x3FB3]  }
0x3d: {  	_ =	shalt  }
0x3e: {  	_ =	shalt  }
0x3f: {  	_ =	shalt  }
0x40: {  	_ =	shalt  }
0x41: {  	_ =	shalt  }
0x42: {  	_ =	shalt  }
0x43: {  	_ =	shalt  }
0x44: {  	_ =	shalt  }
0x45: {  	_ =	shalt  }
0x46: {  	_ =	shalt  }
0x47: {  	_ =	shalt  }
0x48: {  	_ =	shalt  }
0x49: {  	_ =	shalt  }
0x4a: {  	_ =	shalt  }
0x4b: {  	_ =	shalt  }
0x4c: {  	_ =	shalt  }
0x4d: {  	_ =	shalt  }
0x4e: {  	_ =	shalt  }
0x4f: {  	_ =	shalt  }
0x50: {  	_ =	shalt  }
0x51: {  	_ =	shalt  }
0x52: {  	_ =	shalt  }
0x53: {  	_ =	shalt  }
0x54: {  	_ =	shalt  }
0x55: {  	_ =	shalt  }
0x56: {  	_ =	shalt  }
0x57: {  	_ =	shalt  }
0x58: {  	_ =	shalt  }
0x59: {  	_ =	shalt  }
0x5a: {  	_ =	shalt  }
0x5b: {  	_ =	shalt  }
0x5c: {  	_ =	shalt  }
0x5d: {  	_ =	shalt  }
0x5e: {  	_ =	shalt  }
0x5f: {  	_ =	shalt  }
0x60: {  	_ =	shalt  }
0x61: {  	_ =	shalt  }
0x62: {  	_ =	shalt  }
0x63: {  	_ =	shalt  }
0x64: {  	_ =	shalt  }
0x65: {  	_ =	shalt  }
0x66: {  	_ =	shalt  }
0x67: {  	_ =	shalt  }
0x68: {  	_ =	shalt  }
0x69: {  	_ =	shalt  }
0x6a: {  	_ =	shalt  }
0x6b: {  	_ =	shalt  }
0x6c: {  	_ =	shalt  }
0x6d: {  	_ =	shalt  }
0x6e: {  	_ =	shalt  }
0x6f: {  	_ =	shalt  }
0x70: {  	_ =	shalt  }
0x71: {  	_ =	shalt  }
0x72: {  	_ =	shalt  }
0x73: {  	_ =	shalt  }
0x74: {  	_ =	shalt  }
0x75: {  	_ =	shalt  }
0x76: {  	_ =	shalt  }
0x77: {  	_ =	shalt  }
0x78: {  	_ =	shalt  }
0x79: {  	_ =	shalt  }
0x7a: {  	_ =	shalt  }
0x7b: {  	_ =	shalt  }
0x7c: {  	_ =	shalt  }
0x7d: {  	_ =	shalt  }
0x7e: {  	_ =	shalt  }
0x7f: {  	_ =	shalt  }
0x80: {  	_ =	shalt  }
0x81: {  	_ =	shalt  }
0x82: {  	_ =	shalt  }
0x83: {  	_ =	shalt  }
0x84: {  	_ =	shalt  }
0x85: {  	_ =	shalt  }
0x86: {  	_ =	shalt  }
0x87: {  	_ =	shalt  }
.Lfunc_end0:
.L_simem_size_0:
called_computation.2_lowered:
.L_overlay_start_0:
0x88: {  	s2 =	sld [smem:$0x3FD9]  }
0x89: {  	s3 =	sld [smem:$0x3FFE];
	_ =	sdelay $0x1  }
0x8a: {  	s1 =	srdreg.scid  }
0x8b: {  	s0 =	sand.u32 $0x1, s1  }
0x8c: {  	s17 =	sshll.u32 s0, $0xA;
	s2 =	sadd.s32 s3, s2  }
0x8d: {  	s2 =	sadd.s32 s2, s17  }
0x8e: {  	[smem:$0x3FBF] =	sst s2  }
0x8f: {  	_ = 	snop  }
0x90: {  	s2 =	sld [smem:$0x3FC6]  }
0x91: {  	s18 =	sld [smem:$0x3FC5];
	(tm) =	ssettm $0x1  }
0x92: {  	s4 =	sld [smem:$0x3FFB];
	_ =	sdelay $0x3  }
0x93: {  	_ =	strace s4  }
0x94: {  	s4 =	sld [smem:$0x3FFC];
	_ =	sdelay $0x3  }
0x95: {  	_ =	strace s4  }
0x96: {  	s4 =	sld [smem:$0x3FFD];
	_ =	sdelay $0x3  }
0x97: {  	_ =	strace s4  }
0x98: {  	_ =	strace $0x8FFFFFFF  }
0x99: {  	s19 =	sld [smem:$0x3FDB];
	_ =	sdelay $0x1  }
0x9a: {  	s5 =	simm.s32 $_scs_section_size  }
0x9b: {  	s6 =	simm.s32 $_size__tile_overlayer_lowered;
	s7 =	simm.s32 $_tile_overlayer_lowered  }
0x9c: {  	s22 =	simm.s32 $0x1BFF;
	s21 =	sshll.u32 s7, $0x1;
	s4 =	sadd.s32 s5, s19  }
0x9d: {  	s8 =	simm.s32 $0x0;
	s20 =	sshll.u32 s6, $0x1;
	s6 =	sadd.s32 s21, s4  }
0x9e: {  	[timem:s8], [sflag:s22] =	dma.local [hbm:s6], s20  }
0x9f: {  	_ =	swait.ge [sflag:s22], s20  }
0xa0: {  	s5 =	ssub.s32 $0x0, s20;
	[sflag:s22] =	ssyncset.done $0x0  }
0xa1: {  	[sflag:s22] =	ssyncadd.s32 s5;
	_ =	sdelay $0x1  }
0xa2: {  	s23 =	simm.s32 $0x1B8B  }
0xa3: {  	_ =	swait.ge [sflag:s23], $0x1  }
0xa4: {  	[sflag:s23] =	ssyncset.done $0x0  }
0xa5: {  	s25 =	simm.s32 $0x1B8E;
	s24 =	sld [smem:$0x3FFE];
	[sflag:s23] =	ssyncadd.s32 $0xFFFFFFFF  }
0xa6: {  	s26 =	simm.s32 $execute0_lowered;
	[smem:$0x3FD2] =	sst s25  }
0xa7: {  	s6 =	sshll.u32 s26, $0x1;
	_ =	strace $0x8000004C;
	[dreg:$0x1] =	wrdreg $0xFFFFFFFF  }
0xa8: {  	s28 =	simm.s32 $_size_execute0_lowered;
	s4 =	sadd.s32 s4, s6;
	[dreg:$0x0] =	wrdreg $0x0  }
0xa9: {  	s6 =	sshll.u32 s28, $0x1;
	[dreg:$0x2] =	wrdreg s4  }
0xaa: {  	[dreg:$0x3] =	wrdreg s6  }
0xab: {  	[dreg:$0x4] =	wrdreg $0xC0  }
0xac: {  	_ =	task [dreg:s8], $0x5FFFF  }
0xad: {  	[dreg:$0x1] =	wrdreg $0xFFFFFFFF  }
0xae: {  	[dreg:$0x0] =	wrdreg $0x60  }
0xaf: {  	[dreg:$0x2] =	wrdreg s24  }
0xb0: {  	[dreg:$0x3] =	wrdreg s2  }
0xb1: {  	[dreg:$0x4] =	wrdreg s18  }
0xb2: {  	[dreg:$0x5] =	wrdreg $0x0  }
0xb3: {  	[dreg:$0x6] =	wrdreg $0x9  }
0xb4: {  	_ =	task.clear_ibuf [dreg:s8], $0x7FFFF;
	_ =	strace $0x9000004C  }
0xb5: {  	s29 =	simm.s32 $0x9;
	_ =	strace $0x8000004E  }
0xb6: {  	_ =	swait.ge [sflag:s29], $0x1  }
0xb7: {  	[sflag:s29] =	ssyncadd.s32 $0xFFFFFFFF  }
0xb8: {  	_ =	strace $0x9000004E  }
0xb9: {  	_ =	sfence  }
0xba: {  	s30 =	sld [smem:$0x0];
	_ =	sdelay $0x2  }
0xbb: {  	s31 =	sshll.u32 s1, $0xD;
	s1 =	sshrl.u32 s1, $0x2  }
0xbc: {  	s3 =	sand.u32 $0x4000, s31;
	s1 =	sadd.s32 s1, s30  }
0xbd: {  	s0 =	sor.u32 s3, s0;
	s1 =	sshll.u32 s1, $0x11  }
0xbe: {  	s0 =	sor.u32 s1, s0  }
0xbf: {  	s0 =	sadd.s32 $0x8F2B, s0  }
0xc0: {  	[sflag:s0] =	ssyncadd.remote.s32 $0x1  }
0xc1: {  	_ =	sfence.sel $0xFFFF  }
0xc2: {  	[dreg:$0x0] =	wrdreg $0xFFFFFFFF;
	(pc) =	sbr.abs _section_cstart, $3  }
0xc3: {  	[dreg:$0x1] =	wrdreg $0xFFFFFFFF  }
0xc4: {  	_ =	task.clear_ibuf [dreg:s8], $0x2FFFF;
	_ =	strace $0x9FFFFFFF  }
0xc5: {  	(tm) =	ssettm $0x7FFFFFFF  }
tec
execute0_lowered:
.L_overlay_start_1:
0x0: {  	(tag) =	ssettag $0x1  }
0x1: {  	s0 =	rddreg [dreg:$0x0]  }
0x2: {  	s2 =	rddreg [dreg:$0x1]  }
0x3: {  	s6 =	rddreg [dreg:$0x2]  }
0x4: {  	s1 =	rddreg [dreg:$0x3]  }
0x5: {  	s3 =	simm.s32 $0x0;
	s4 =	srdreg.scid;
	s10 =	stileid.u32  }
0x6: {  	s12 =	simm.s32 $0x4800;
	s13 =	simm.s32 $0x5;
	s16 =	simm.s32 $0x80  }
0x7: {  	s18 =	simm.s32 $0x8800;
	s20 =	simm.s32 $0xC800;
	s29 =	simm.s32 $0x3  }
0x8: {  	s15 =	simm.s32 $0x4000;
	s28 =	simm.s32 $0x4480;
	s30 =	simm.s32 $0x4280  }
0x9: {  	s31 =	simm.s32 $0x4500;
	[smem:$0x7FF] =	sst s3;
	s7 =	sand.u32 $0x1, s4  }
0xa: {  	s5 =	sshll.u32 s10, $0xB;
	s4 =	sadd.s32 $0x21400, s0;
	s9 =	sshll.u32 s10, $0xE  }
0xb: {  	s10 =	sshll.u32 s10, $0x9;
	_ =	strace $0x8000004D;
	s8 =	ssub.s32 $0x2, s7  }
0xc: {  	s0 =	sadd.s32 s5, s0;
	s11 =	sshll.u32 s7, $0x8;
	s22 =	sadd.s32 s9, s1  }
0xd: {  	s7 =	sshll.u32 s7, $0xF;
	s21 =	sshrl.u32 s8, $0x1;
	[dreg:$0xb] =	wrdreg s22  }
0xe: {  	s23 =	sor.u32 s11, s10;
	s0 =	sadd.s32 s7, s0;
	s22 =	simm.s32 $0x10800  }
0xf: {  	s11 =	simm.s32 $0x0;
	s7 =	simm.s32 $0x4380;
	s8 =	ssub.s32 s8, s21  }
0x10: {  	s10 =	sadd.s32 s2, s23;
	s24 =	sor.u32 $0x80, s23;
	s9 =	sadd.s32 s6, s23  }
0x11: {  	s0 =	sadd.s32 $0x2600, s0;
	s23 =	simm.s32 $0x1;
	[dreg:$0x5] =	wrdreg s10  }
0x12: {  	s21 =	simm.s32 $0x4100;
	[dreg:$0x6] =	wrdreg s9;
	s2 =	sadd.s32 s2, s24  }
0x13: {  	s25 =	sadd.s32 s6, s24;
	[dreg:$0x9] =	wrdreg s0;
	s26 =	smax.u32 s8, $0x1  }
0x14: {  	s0 =	simm.s32 $0x4;
	s24 =	simm.s32 $0x4180;
	[dreg:$0x7] =	wrdreg s2  }
0x15: {  	s6 =	simm.s32 $0x4580;
	s8 =	simm.s32 $0x4600;
	[dreg:$0x8] =	wrdreg s25  }
0x16: {  	s9 =	simm.s32 $0x4680;
	s10 =	simm.s32 $0x4700;
	[dreg:$0xa] =	wrdreg s26  }
0x17: {  	v0 =	vimm.f32 $0.0e+00;
	s25 =	simm.s32 $0x2;
	s2 =	simm.s32 $0x0;
	s26 =	simm.s32 $0x4200  }
.LBB2_1:
0x18: {  	s17 =	simm.s32 $0x0;
	s19 =	simm.s32 $0x200  }
.LBB2_2:
0x19: {  	p0 =	sne.s32 s19, $0xFE00;
	[tilespmem:s17+$0x4870] =	vst v0  }
0x1a: {  	[tilespmem:s17+$0x4800] =	vst v0  }
0x1b: {  	[tilespmem:s17+$0x4810] =	vst v0  }
.Ltmp0:
0x1c: {  	[tilespmem:s17+$0x4820] =	vst v0;
	(pc) =	sbr.rel @p0 .LBB2_2-.Ltmp0, $4  }
0x1d: {  	[tilespmem:s17+$0x4830] =	vst v0  }
0x1e: {  	[tilespmem:s17+$0x4840] =	vst v0  }
0x1f: {  	[tilespmem:s17+$0x4850] =	vst v0  }
0x20: {  	[tilespmem:s17+$0x4860] =	vst v0;
	s17 =	sshra.s32 s19, $0x2;
	s19 =	sadd.s32 $0x200, s19  }
0x21: {  	[tilespmem:s17+$0x4870] =	vst v0  }
0x22: {  	[tilespmem:s17+$0x4800] =	vst v0  }
0x23: {  	[tilespmem:s17+$0x4810] =	vst v0  }
0x24: {  	[tilespmem:s17+$0x4820] =	vst v0  }
0x25: {  	[tilespmem:s17+$0x4830] =	vst v0  }
0x26: {  	[tilespmem:s17+$0x4840] =	vst v0  }
0x27: {  	[tilespmem:s17+$0x4850] =	vst v0  }
0x28: {  	[tilespmem:s17+$0x4860] =	vst v0;
	s14 =	rddreg [dreg:$0xb]  }
0x29: {  	[spmem:s14] =	stream.linear.scatter [tilespmem:s12], [sflag:$0x5], $0x4000, $0x38;
	[tilespmem:$0x14800] =	vst v63  }
0x2a: {  	_ =	swait.ge [sflag:s13], $0x4000  }
0x2b: {  	[sflag:s13] =	ssyncset.done $0x0  }
0x2c: {  	[sflag:s13] =	ssyncadd.s32 $0xFFFFC000  }
0x2d: {  	[bflag:$0x0] =	sbarrier.arrive $0xFFFF  }
0x2e: {  	s3 =	rddreg [dreg:$0x5]  }
0x2f: {  	[tilespmem:s15], [sflag:$0x5] =	stream.linear.gather [hbm4b:s3+s2], $0x400, $0x38;
	[tilespmem:$0x14800] =	vst v63  }
0x30: {  	_ =	swait.ge [sflag:s13], $0x400  }
0x31: {  	[sflag:s13] =	ssyncset.done $0x0  }
0x32: {  	s3 =	simm.s32 $0x4400;
	s5 =	rddreg [dreg:$0x6];
	[sflag:s13] =	ssyncadd.s32 $0xFFFFFC00  }
0x33: {  	[tilespmem:s3], [sflag:$0x5] =	stream.linear.gather [hbm4b:s5+s2], $0x400, $0x38;
	[tilespmem:$0x14800] =	vst v63  }
0x34: {  	_ =	swait.ge [sflag:s13], $0x400  }
0x35: {  	[sflag:s13] =	ssyncset.done $0x0  }
0x36: {  	[sflag:s13] =	ssyncadd.s32 $0xFFFFFC00  }
0x37: {  	[tilespmem:s12], [sflag:$0x1] =	stream.indirect.gather [hbm4b:s4+s16], $0x80, s15, s16, $0xb8;
	[tilespmem:$0x14800] =	vst v63  }
0x38: {  	s19 =	simm.s32 $0x4080  }
0x39: {  	[tilespmem:s18], [sflag:$0x2] =	stream.indirect.gather [hbm4b:s4+s16], $0x80, s19, s16, $0xb8;
	[tilespmem:$0x14800] =	vst v63  }
0x3a: {  	_ = 	snop  }
0x3b: {  	[tilespmem:s20], [sflag:$0x3] =	stream.indirect.gather [hbm4b:s4+s16], $0x80, s21, s16, $0xb8;
	[tilespmem:$0x14800] =	vst v63  }
0x3c: {  	_ = 	snop  }
0x3d: {  	[tilespmem:s22], [sflag:$0x4] =	stream.indirect.gather [hbm4b:s4+s16], $0x80, s24, s16, $0xb8;
	[tilespmem:$0x14800] =	vst v63  }
0x3e: {  	_ =	swait.ge [sflag:s23], $0x4000  }
0x3f: {  	[sflag:s23] =	ssyncset.done $0x0  }
0x40: {  	[sflag:s23] =	ssyncadd.s32 $0xFFFFC000  }
0x41: {  	[spmem:s1] =	stream.indirect.scatter.add.f32 [tilespmem:s12], [sflag:$0x5], $0x80, s3, s16, $0xb8;
	[tilespmem:$0x14800] =	vst v63  }
0x42: {  	_ =	swait.ge [sflag:s13], $0x4000  }
0x43: {  	[sflag:s13] =	ssyncset.done $0x0  }
0x44: {  	[sflag:s13] =	ssyncadd.s32 $0xFFFFC000  }
0x45: {  	[tilespmem:s12], [sflag:$0x1] =	stream.indirect.gather [hbm4b:s4+s16], $0x80, s26, s16, $0xb8;
	[tilespmem:$0x14800] =	vst v63  }
0x46: {  	_ =	swait.ge [sflag:s25], $0x4000  }
0x47: {  	[sflag:s25] =	ssyncset.done $0x0  }
0x48: {  	[sflag:s25] =	ssyncadd.s32 $0xFFFFC000  }
0x49: {  	[spmem:s1] =	stream.indirect.scatter.add.f32 [tilespmem:s18], [sflag:$0x5], $0x80, s28, s16, $0xb8;
	[tilespmem:$0x14800] =	vst v63  }
0x4a: {  	_ =	swait.ge [sflag:s13], $0x4000  }
0x4b: {  	[sflag:s13] =	ssyncset.done $0x0  }
0x4c: {  	[sflag:s13] =	ssyncadd.s32 $0xFFFFC000  }
0x4d: {  	[tilespmem:s18], [sflag:$0x2] =	stream.indirect.gather [hbm4b:s4+s16], $0x80, s30, s16, $0xb8;
	[tilespmem:$0x14800] =	vst v63  }
0x4e: {  	_ =	swait.ge [sflag:s29], $0x4000  }
0x4f: {  	[sflag:s29] =	ssyncset.done $0x0  }
0x50: {  	[sflag:s29] =	ssyncadd.s32 $0xFFFFC000  }
0x51: {  	[spmem:s1] =	stream.indirect.scatter.add.f32 [tilespmem:s20], [sflag:$0x5], $0x80, s31, s16, $0xb8;
	[tilespmem:$0x14800] =	vst v63  }
0x52: {  	_ =	swait.ge [sflag:s13], $0x4000  }
0x53: {  	[sflag:s13] =	ssyncset.done $0x0  }
0x54: {  	s5 =	simm.s32 $0x4300;
	[sflag:s13] =	ssyncadd.s32 $0xFFFFC000  }
0x55: {  	[tilespmem:s20], [sflag:$0x3] =	stream.indirect.gather [hbm4b:s4+s16], $0x80, s5, s16, $0xb8;
	[tilespmem:$0x14800] =	vst v63  }
0x56: {  	_ =	swait.ge [sflag:s0], $0x4000  }
0x57: {  	[sflag:s0] =	ssyncset.done $0x0  }
0x58: {  	[sflag:s0] =	ssyncadd.s32 $0xFFFFC000  }
0x59: {  	[spmem:s1] =	stream.indirect.scatter.add.f32 [tilespmem:s22], [sflag:$0x5], $0x80, s6, s16, $0xb8;
	[tilespmem:$0x14800] =	vst v63  }
0x5a: {  	_ =	swait.ge [sflag:s13], $0x4000  }
0x5b: {  	[sflag:s13] =	ssyncset.done $0x0  }
0x5c: {  	[sflag:s13] =	ssyncadd.s32 $0xFFFFC000  }
0x5d: {  	[tilespmem:s22], [sflag:$0x4] =	stream.indirect.gather [hbm4b:s4+s16], $0x80, s7, s16, $0xb8;
	[tilespmem:$0x14800] =	vst v63  }
0x5e: {  	_ =	swait.ge [sflag:s23], $0x4000  }
0x5f: {  	[sflag:s23] =	ssyncset.done $0x0  }
0x60: {  	[sflag:s23] =	ssyncadd.s32 $0xFFFFC000  }
0x61: {  	[spmem:s1] =	stream.indirect.scatter.add.f32 [tilespmem:s12], [sflag:$0x5], $0x80, s8, s16, $0xb8;
	[tilespmem:$0x14800] =	vst v63  }
0x62: {  	_ =	swait.ge [sflag:s13], $0x4000  }
0x63: {  	[sflag:s13] =	ssyncset.done $0x0  }
0x64: {  	[sflag:s13] =	ssyncadd.s32 $0xFFFFC000  }
0x65: {  	_ =	swait.ge [sflag:s25], $0x4000  }
0x66: {  	[sflag:s25] =	ssyncset.done $0x0  }
0x67: {  	[sflag:s25] =	ssyncadd.s32 $0xFFFFC000  }
0x68: {  	[spmem:s1] =	stream.indirect.scatter.add.f32 [tilespmem:s18], [sflag:$0x5], $0x80, s9, s16, $0xb8;
	[tilespmem:$0x14800] =	vst v63  }
0x69: {  	_ =	swait.ge [sflag:s13], $0x4000  }
0x6a: {  	[sflag:s13] =	ssyncset.done $0x0  }
0x6b: {  	[sflag:s13] =	ssyncadd.s32 $0xFFFFC000  }
0x6c: {  	_ =	swait.ge [sflag:s29], $0x4000  }
0x6d: {  	[sflag:s29] =	ssyncset.done $0x0  }
0x6e: {  	[sflag:s29] =	ssyncadd.s32 $0xFFFFC000  }
0x6f: {  	[spmem:s1] =	stream.indirect.scatter.add.f32 [tilespmem:s20], [sflag:$0x5], $0x80, s10, s16, $0xb8;
	[tilespmem:$0x14800] =	vst v63  }
0x70: {  	_ =	swait.ge [sflag:s13], $0x4000  }
0x71: {  	[sflag:s13] =	ssyncset.done $0x0  }
0x72: {  	[sflag:s13] =	ssyncadd.s32 $0xFFFFC000  }
0x73: {  	_ =	swait.ge [sflag:s0], $0x4000  }
0x74: {  	[sflag:s0] =	ssyncset.done $0x0  }
0x75: {  	s5 =	simm.s32 $0x4780;
	[sflag:s0] =	ssyncadd.s32 $0xFFFFC000  }
0x76: {  	[spmem:s1] =	stream.indirect.scatter.add.f32 [tilespmem:s22], [sflag:$0x5], $0x80, s5, s16, $0xb8;
	[tilespmem:$0x14800] =	vst v63  }
0x77: {  	_ =	swait.ge [sflag:s13], $0x4000  }
0x78: {  	[sflag:s13] =	ssyncset.done $0x0  }
0x79: {  	s17 =	rddreg [dreg:$0x7];
	[sflag:s13] =	ssyncadd.s32 $0xFFFFC000  }
0x7a: {  	[tilespmem:s15], [sflag:$0x5] =	stream.linear.gather [hbm4b:s17+s2], $0x400, $0x38;
	[tilespmem:$0x14800] =	vst v63  }
0x7b: {  	_ =	swait.ge [sflag:s13], $0x400  }
0x7c: {  	[sflag:s13] =	ssyncset.done $0x0  }
0x7d: {  	s17 =	rddreg [dreg:$0x8];
	[sflag:s13] =	ssyncadd.s32 $0xFFFFFC00  }
0x7e: {  	[tilespmem:s3], [sflag:$0x5] =	stream.linear.gather [hbm4b:s17+s2], $0x400, $0x38;
	[tilespmem:$0x14800] =	vst v63  }
0x7f: {  	_ =	swait.ge [sflag:s13], $0x400  }
0x80: {  	[sflag:s13] =	ssyncset.done $0x0  }
0x81: {  	[sflag:s13] =	ssyncadd.s32 $0xFFFFFC00  }
0x82: {  	[tilespmem:s12], [sflag:$0x1] =	stream.indirect.gather [hbm4b:s4+s16], $0x80, s15, s16, $0xb8;
	[tilespmem:$0x14800] =	vst v63  }
0x83: {  	_ = 	snop  }
0x84: {  	[tilespmem:s18], [sflag:$0x2] =	stream.indirect.gather [hbm4b:s4+s16], $0x80, s19, s16, $0xb8;
	[tilespmem:$0x14800] =	vst v63  }
0x85: {  	_ = 	snop  }
0x86: {  	[tilespmem:s20], [sflag:$0x3] =	stream.indirect.gather [hbm4b:s4+s16], $0x80, s21, s16, $0xb8;
	[tilespmem:$0x14800] =	vst v63  }
0x87: {  	_ = 	snop  }
0x88: {  	[tilespmem:s22], [sflag:$0x4] =	stream.indirect.gather [hbm4b:s4+s16], $0x80, s24, s16, $0xb8;
	[tilespmem:$0x14800] =	vst v63  }
0x89: {  	_ =	swait.ge [sflag:s23], $0x4000  }
0x8a: {  	[sflag:s23] =	ssyncset.done $0x0  }
0x8b: {  	[sflag:s23] =	ssyncadd.s32 $0xFFFFC000  }
0x8c: {  	[spmem:s1] =	stream.indirect.scatter.add.f32 [tilespmem:s12], [sflag:$0x5], $0x80, s3, s16, $0xb8;
	[tilespmem:$0x14800] =	vst v63  }
0x8d: {  	_ =	swait.ge [sflag:s13], $0x4000  }
0x8e: {  	[sflag:s13] =	ssyncset.done $0x0  }
0x8f: {  	[sflag:s13] =	ssyncadd.s32 $0xFFFFC000  }
0x90: {  	[tilespmem:s12], [sflag:$0x1] =	stream.indirect.gather [hbm4b:s4+s16], $0x80, s26, s16, $0xb8;
	[tilespmem:$0x14800] =	vst v63  }
0x91: {  	_ =	swait.ge [sflag:s25], $0x4000  }
0x92: {  	[sflag:s25] =	ssyncset.done $0x0  }
0x93: {  	[sflag:s25] =	ssyncadd.s32 $0xFFFFC000  }
0x94: {  	[spmem:s1] =	stream.indirect.scatter.add.f32 [tilespmem:s18], [sflag:$0x5], $0x80, s28, s16, $0xb8;
	[tilespmem:$0x14800] =	vst v63  }
0x95: {  	_ =	swait.ge [sflag:s13], $0x4000  }
0x96: {  	[sflag:s13] =	ssyncset.done $0x0  }
0x97: {  	[sflag:s13] =	ssyncadd.s32 $0xFFFFC000  }
0x98: {  	[tilespmem:s18], [sflag:$0x2] =	stream.indirect.gather [hbm4b:s4+s16], $0x80, s30, s16, $0xb8;
	[tilespmem:$0x14800] =	vst v63  }
0x99: {  	_ =	swait.ge [sflag:s29], $0x4000  }
0x9a: {  	[sflag:s29] =	ssyncset.done $0x0  }
0x9b: {  	[sflag:s29] =	ssyncadd.s32 $0xFFFFC000  }
0x9c: {  	[spmem:s1] =	stream.indirect.scatter.add.f32 [tilespmem:s20], [sflag:$0x5], $0x80, s31, s16, $0xb8;
	[tilespmem:$0x14800] =	vst v63  }
0x9d: {  	_ =	swait.ge [sflag:s13], $0x4000  }
0x9e: {  	[sflag:s13] =	ssyncset.done $0x0  }
0x9f: {  	s19 =	simm.s32 $0x4300;
	[sflag:s13] =	ssyncadd.s32 $0xFFFFC000  }
0xa0: {  	[tilespmem:s20], [sflag:$0x3] =	stream.indirect.gather [hbm4b:s4+s16], $0x80, s19, s16, $0xb8;
	[tilespmem:$0x14800] =	vst v63  }
0xa1: {  	_ =	swait.ge [sflag:s0], $0x4000  }
0xa2: {  	[sflag:s0] =	ssyncset.done $0x0  }
0xa3: {  	[sflag:s0] =	ssyncadd.s32 $0xFFFFC000  }
0xa4: {  	[spmem:s1] =	stream.indirect.scatter.add.f32 [tilespmem:s22], [sflag:$0x5], $0x80, s6, s16, $0xb8;
	[tilespmem:$0x14800] =	vst v63  }
0xa5: {  	_ =	swait.ge [sflag:s13], $0x4000  }
0xa6: {  	[sflag:s13] =	ssyncset.done $0x0  }
0xa7: {  	[sflag:s13] =	ssyncadd.s32 $0xFFFFC000  }
0xa8: {  	[tilespmem:s22], [sflag:$0x4] =	stream.indirect.gather [hbm4b:s4+s16], $0x80, s7, s16, $0xb8;
	[tilespmem:$0x14800] =	vst v63  }
0xa9: {  	_ =	swait.ge [sflag:s23], $0x4000  }
0xaa: {  	[sflag:s23] =	ssyncset.done $0x0  }
0xab: {  	[sflag:s23] =	ssyncadd.s32 $0xFFFFC000  }
0xac: {  	[spmem:s1] =	stream.indirect.scatter.add.f32 [tilespmem:s12], [sflag:$0x5], $0x80, s8, s16, $0xb8;
	[tilespmem:$0x14800] =	vst v63  }
0xad: {  	_ =	swait.ge [sflag:s13], $0x4000  }
0xae: {  	[sflag:s13] =	ssyncset.done $0x0  }
0xaf: {  	[sflag:s13] =	ssyncadd.s32 $0xFFFFC000  }
0xb0: {  	_ =	swait.ge [sflag:s25], $0x4000  }
0xb1: {  	[sflag:s25] =	ssyncset.done $0x0  }
0xb2: {  	[sflag:s25] =	ssyncadd.s32 $0xFFFFC000  }
0xb3: {  	[spmem:s1] =	stream.indirect.scatter.add.f32 [tilespmem:s18], [sflag:$0x5], $0x80, s9, s16, $0xb8;
	[tilespmem:$0x14800] =	vst v63  }
0xb4: {  	_ =	swait.ge [sflag:s13], $0x4000  }
0xb5: {  	[sflag:s13] =	ssyncset.done $0x0  }
0xb6: {  	[sflag:s13] =	ssyncadd.s32 $0xFFFFC000  }
0xb7: {  	_ =	swait.ge [sflag:s29], $0x4000  }
0xb8: {  	[sflag:s29] =	ssyncset.done $0x0  }
0xb9: {  	[sflag:s29] =	ssyncadd.s32 $0xFFFFC000  }
0xba: {  	[spmem:s1] =	stream.indirect.scatter.add.f32 [tilespmem:s20], [sflag:$0x5], $0x80, s10, s16, $0xb8;
	[tilespmem:$0x14800] =	vst v63  }
0xbb: {  	_ =	swait.ge [sflag:s13], $0x4000  }
0xbc: {  	[sflag:s13] =	ssyncset.done $0x0  }
0xbd: {  	[sflag:s13] =	ssyncadd.s32 $0xFFFFC000  }
0xbe: {  	_ =	swait.ge [sflag:s0], $0x4000  }
0xbf: {  	[sflag:s0] =	ssyncset.done $0x0  }
0xc0: {  	[sflag:s0] =	ssyncadd.s32 $0xFFFFC000  }
0xc1: {  	[spmem:s1] =	stream.indirect.scatter.add.f32 [tilespmem:s22], [sflag:$0x5], $0x80, s5, s16, $0xb8;
	[tilespmem:$0x14800] =	vst v63  }
0xc2: {  	_ =	swait.ge [sflag:s13], $0x4000  }
0xc3: {  	[sflag:s13] =	ssyncset.done $0x0  }
0xc4: {  	[sflag:s13] =	ssyncadd.s32 $0xFFFFC000  }
0xc5: {  	[bflag:$0x0] =	sbarrier.arrive $0xFFFF  }
0xc6: {  	[tilespmem:s12], [sflag:$0x5] =	stream.linear.gather [spmem:s14], $0x4000, $0x38;
	[tilespmem:$0x14800] =	vst v63  }
0xc7: {  	_ =	swait.ge [sflag:s13], $0x4000  }
0xc8: {  	[sflag:s13] =	ssyncset.done $0x0  }
0xc9: {  	s14 =	rddreg [dreg:$0x9];
	[sflag:s13] =	ssyncadd.s32 $0xFFFFC000  }
0xca: {  	[hbm4b:s14+s2] =	stream.linear.scatter [tilespmem:s12], [sflag:$0x5], $0x4000, $0x38;
	[tilespmem:$0x14800] =	vst v63  }
0xcb: {  	_ =	swait.ge [sflag:s13], $0x4000  }
0xcc: {  	s11 =	sadd.s32 $0x1, s11;
	s19 =	rddreg [dreg:$0xa]  }
0xcd: {  	p0 =	sne.s32 s11, s19  }
.Ltmp1:
0xce: {  	_ = 	snop;
	(pc) =	sbr.rel @p0 .LBB2_1-.Ltmp1, $3  }
0xcf: {  	_ =	sdelay $0x1  }
0xd0: {  	[sflag:s13] =	ssyncset.done $0x0  }
0xd1: {  	[sflag:s13] =	ssyncadd.s32 $0xFFFFC000  }
0xd2: {  	_ =	sfence.sel $0x180000  }
0xd3: {  	[bflag:$0x0] =	sbarrier.arrive $0xFFFF  }
0xd4: {  	_ =	strace $0x9000004D  }
0xd5: {  	s0 =	stileid.u32;
	[bflag:$0x2] =	sbarrier.arrive $0xFFFF  }
0xd6: {  	p0 =	sne.s32 s0, $0x0;
	s0 =	rddreg [dreg:$0x4]  }
0xd7: {  	s0 =	sadd.s32 @!p0 $0x100000, s0  }
0xd8: {  	[sflag:s0] =	ssyncadd.tile.s32 @!p0 $0x1;
	_ =	shalt  }
.Lfunc_end2:
_tile_overlayer_lowered:
.L_overlay_start_2:
0xd9: {  	(tag) =	ssettag $0x2  }
0xda: {  	s0 =	rddreg [dreg:$0x0];
	s2 =	stileid.u32  }
0xdb: {  	s1 =	rddreg [dreg:$0x1];
	p0 =	sne.s32 s2, $0x0  }
0xdc: {  	s3 =	rddreg [dreg:$0x2];
	[bflag:$0x3] =	sbarrier.arrive $0xFFFF;
	s2 =	simm.s32 @!p0 $0x1C05  }
0xdd: {  	[timem:s3], [sflag:s2] =	dma.local @!p0 [hbm:s0], s1  }
0xde: {  	s0 =	simm.s32 @!p0 $0x5  }
0xdf: {  	_ =	swait.ge @!p0 [sflag:s0], s1  }
0xe0: {  	s1 =	ssub.s32 @!p0 $0x0, s1;
	[sflag:s0] =	ssyncset.done @!p0 $0x0  }
0xe1: {  	[sflag:s0] =	ssyncadd.s32 @!p0 s1  }
0xe2: {  	[bflag:$0x3] =	sbarrier.arrive $0xFFFF  }
0xe3: {  	_ =	shalt  }

// kernel: kernel.8.cloned.1.call-start
scs
__scs_entry_jumppad:
0x0: {  	(pc) =	sbr.rel $0x88, $3  }
0x1: {  	(tag) =	ssettag $0x0;
	lr =	simm.s32 $0x1  }
0x2: {  	[smem:$0x3F98] =	sst lr;
	_ =	strace $0xD0000000  }
0x3: {  	_ = 	snop  }
0x4: {  	_ = 	snop  }
0x5: {  	_ = 	snop  }
0x6: {  	_ = 	snop  }
0x7: {  	_ = 	snop  }
__scs_overlays_trampoline_lowered:
0x8: {  	[smem:$0x3FA7] =	sst s0  }
0x9: {  	[smem:$0x3FA8] =	sst s1  }
0xa: {  	[smem:$0x3FA9] =	sst s2  }
0xb: {  	[smem:$0x3FAA] =	sst s3  }
0xc: {  	[smem:$0x3FAB] =	sst s4  }
0xd: {  	[smem:$0x3FAC] =	sst s5  }
0xe: {  	[smem:$0x3FAD] =	sst s6  }
0xf: {  	[smem:$0x3FAE] =	sst s7  }
0x10: {  	[smem:$0x3FAF] =	sst s8  }
0x11: {  	[smem:$0x3FB0] =	sst s9;
	s0 =	simm.s32 @!p0 $0x0  }
0x12: {  	s1 =	sld [smem:$0x3F96];
	s0 =	simm.s32 @p0 $0x1  }
0x13: {  	[smem:$0x3FB1] =	sst s0;
	s0 =	simm.s32 @!p1 $0x0  }
0x14: {  	s2 =	sld [smem:$0x3F95];
	s0 =	simm.s32 @p1 $0x1  }
0x15: {  	[smem:$0x3FB2] =	sst s0;
	s0 =	simm.s32 @!p2 $0x0  }
0x16: {  	s3 =	sld [smem:$0x3FDB];
	s0 =	simm.s32 @p2 $0x1  }
0x17: {  	s4 =	simm.s32 $0x1BF5;
	[smem:$0x3FB4] =	sst s0  }
0x18: {  	s0 =	sld [smem:$0x3F97];
	_ =	swait.ge [sflag:s4], $0x0  }
0x19: {  	s7 =	sld [smem:$0x3F98]  }
0x1a: {  	s8 =	sadd.s32 $0xFFFFE003, lr  }
0x1b: {  	s9 =	sadd.s32 $0xFFFFFEF7, lr;
	s5 =	simm.s32 $0xFFFFFFFF;
	p2 =	slt.u32 s8, $0xFFFFF086  }
0x1c: {  	p1 =	slt.u32 s9, $0xF7A;
	s5 =	simm.s32 @!p2 $0x0  }
0x1d: {  	s5 =	simm.s32 @p1 $0x1;
	p0 =	seq.s32 s7, s2  }
0x1e: {  	s7 =	smul.u32 @!p0 $0xF7A, s2;
	p2 =	seq.s32 @!p0 s5, $0x0  }
0x1f: {  	s9 =	smul.u32 $0xF7A, s1;
	s8 =	simm.s32 @!p0 $0x1BF5;
	p2 =	por !p2, p0  }
0x20: {  	[sflag:s8] =	ssyncset.s32 @!p0 $0xFFFFF086;
	s6 =	sadd.s32 @!p0 s3, s7;
	s7 =	simm.s32 @!p0 $0x108  }
0x21: {  	s3 =	sadd.s32 s3, s9;
	s6 =	sadd.s32 @!p0 $0x88, s6;
	s7 =	simm.s32 @p2 $0x1082  }
0x22: {  	[simem:s7], [sflag:s8] =	dma.local @!p0 [hbm:s6], $0xF7A  }
0x23: {  	s9 =	sor.u32 $0xD0000000, s2;
	s6 =	simm.s32 $0x108;
	_ =	swait.ge @!p0 [sflag:s8], $0x0  }
0x24: {  	s3 =	sadd.s32 $0x88, s3;
	s6 =	simm.s32 @!p1 $0x1082;
	[sflag:s4] =	ssyncset.s32 $0xFFFFF086  }
0x25: {  	[simem:s6], [sflag:s4] =	dma.local [hbm:s3], $0xF7A  }
0x26: {  	[smem:$0x3F98] =	sst s1;
	(tag) =	ssettag s2;
	_ =	strace s9  }
0x27: {  	s1 =	sld [smem:$0x3FA8]  }
0x28: {  	s2 =	sld [smem:$0x3FA9]  }
0x29: {  	s4 =	sld [smem:$0x3FAB]  }
0x2a: {  	p0 =	seq.s32 s5, $0x0;
	s5 =	sld [smem:$0x3FAC]  }
0x2b: {  	s6 =	sld [smem:$0x3FAD]  }
0x2c: {  	s7 =	sld [smem:$0x3FAE]  }
0x2d: {  	s3 =	simm.s32 $0x108;
	s8 =	sld [smem:$0x3FAF]  }
0x2e: {  	s3 =	simm.s32 @!p0 $0x1082;
	s9 =	sld [smem:$0x3FB0]  }
0x2f: {  	lr =	sadd.s32 s0, s3;
	s0 =	sld [smem:$0x3FA7]  }
0x30: {  	s3 =	sld [smem:$0x3FAA]  }
0x31: {  	[smem:$0x3FB3] =	sst s10  }
0x32: {  	s10 =	sld [smem:$0x3FB1];
	_ =	sdelay $0x3  }
0x33: {  	p0 =	seq.s32 s10, $0x1;
	s10 =	sld [smem:$0x3FB3];
	_ =	sdelay $0x3  }
0x34: {  	[smem:$0x3FB3] =	sst s10  }
0x35: {  	s10 =	sld [smem:$0x3FB2];
	_ =	sdelay $0x3  }
0x36: {  	p1 =	seq.s32 s10, $0x1;
	s10 =	sld [smem:$0x3FB3];
	_ =	sdelay $0x3  }
0x37: {  	[smem:$0x3FB3] =	sst s10  }
0x38: {  	s10 =	sld [smem:$0x3FB4]  }
0x39: {  	_ = 	snop;
	(pc) =	sbr.ind lr, $3  }
0x3a: {  	_ = 	snop  }
0x3b: {  	_ = 	snop  }
0x3c: {  	p2 =	seq.s32 s10, $0x1;
	s10 =	sld [smem:$0x3FB3]  }
0x3d: {  	_ =	shalt  }
0x3e: {  	_ =	shalt  }
0x3f: {  	_ =	shalt  }
0x40: {  	_ =	shalt  }
0x41: {  	_ =	shalt  }
0x42: {  	_ =	shalt  }
0x43: {  	_ =	shalt  }
0x44: {  	_ =	shalt  }
0x45: {  	_ =	shalt  }
0x46: {  	_ =	shalt  }
0x47: {  	_ =	shalt  }
0x48: {  	_ =	shalt  }
0x49: {  	_ =	shalt  }
0x4a: {  	_ =	shalt  }
0x4b: {  	_ =	shalt  }
0x4c: {  	_ =	shalt  }
0x4d: {  	_ =	shalt  }
0x4e: {  	_ =	shalt  }
0x4f: {  	_ =	shalt  }
0x50: {  	_ =	shalt  }
0x51: {  	_ =	shalt  }
0x52: {  	_ =	shalt  }
0x53: {  	_ =	shalt  }
0x54: {  	_ =	shalt  }
0x55: {  	_ =	shalt  }
0x56: {  	_ =	shalt  }
0x57: {  	_ =	shalt  }
0x58: {  	_ =	shalt  }
0x59: {  	_ =	shalt  }
0x5a: {  	_ =	shalt  }
0x5b: {  	_ =	shalt  }
0x5c: {  	_ =	shalt  }
0x5d: {  	_ =	shalt  }
0x5e: {  	_ =	shalt  }
0x5f: {  	_ =	shalt  }
0x60: {  	_ =	shalt  }
0x61: {  	_ =	shalt  }
0x62: {  	_ =	shalt  }
0x63: {  	_ =	shalt  }
0x64: {  	_ =	shalt  }
0x65: {  	_ =	shalt  }
0x66: {  	_ =	shalt  }
0x67: {  	_ =	shalt  }
0x68: {  	_ =	shalt  }
0x69: {  	_ =	shalt  }
0x6a: {  	_ =	shalt  }
0x6b: {  	_ =	shalt  }
0x6c: {  	_ =	shalt  }
0x6d: {  	_ =	shalt  }
0x6e: {  	_ =	shalt  }
0x6f: {  	_ =	shalt  }
0x70: {  	_ =	shalt  }
0x71: {  	_ =	shalt  }
0x72: {  	_ =	shalt  }
0x73: {  	_ =	shalt  }
0x74: {  	_ =	shalt  }
0x75: {  	_ =	shalt  }
0x76: {  	_ =	shalt  }
0x77: {  	_ =	shalt  }
0x78: {  	_ =	shalt  }
0x79: {  	_ =	shalt  }
0x7a: {  	_ =	shalt  }
0x7b: {  	_ =	shalt  }
0x7c: {  	_ =	shalt  }
0x7d: {  	_ =	shalt  }
0x7e: {  	_ =	shalt  }
0x7f: {  	_ =	shalt  }
0x80: {  	_ =	shalt  }
0x81: {  	_ =	shalt  }
0x82: {  	_ =	shalt  }
0x83: {  	_ =	shalt  }
0x84: {  	_ =	shalt  }
0x85: {  	_ =	shalt  }
0x86: {  	_ =	shalt  }
0x87: {  	_ =	shalt  }
.Lfunc_end0:
.L_simem_size_0:
called_computation_lowered:
.L_overlay_start_0:
0x88: {  	s2 =	sld [smem:$0x3FD9]  }
0x89: {  	s3 =	sld [smem:$0x3FFE];
	_ =	sdelay $0x1  }
0x8a: {  	s1 =	srdreg.scid  }
0x8b: {  	s0 =	sand.u32 $0x1, s1  }
0x8c: {  	s17 =	sshll.u32 s0, $0xA;
	s2 =	sadd.s32 s3, s2  }
0x8d: {  	s2 =	sadd.s32 s2, s17  }
0x8e: {  	[smem:$0x3FBF] =	sst s2  }
0x8f: {  	_ = 	snop  }
0x90: {  	s2 =	sld [smem:$0x3FC6]  }
0x91: {  	s18 =	sld [smem:$0x3FC5]  }
0x92: {  	s4 =	sld [smem:$0x3FD0];
	(tm) =	ssettm $0x1  }
0x93: {  	s5 =	sld [smem:$0x3FFB];
	_ =	sdelay $0x3  }
0x94: {  	_ =	strace s5  }
0x95: {  	s5 =	sld [smem:$0x3FFC];
	_ =	sdelay $0x3  }
0x96: {  	_ =	strace s5  }
0x97: {  	s5 =	sld [smem:$0x3FFD];
	_ =	sdelay $0x3  }
0x98: {  	_ =	strace s5  }
0x99: {  	_ =	strace $0x8FFFFFFF  }
0x9a: {  	s19 =	sld [smem:$0x3FDB];
	_ =	sdelay $0x1  }
0x9b: {  	s6 =	simm.s32 $_scs_section_size  }
0x9c: {  	s7 =	simm.s32 $_size__tile_overlayer_lowered;
	s8 =	simm.s32 $_tile_overlayer_lowered  }
0x9d: {  	s22 =	simm.s32 $0x1BFF;
	s21 =	sshll.u32 s8, $0x1;
	s5 =	sadd.s32 s6, s19  }
0x9e: {  	s9 =	simm.s32 $0x0;
	s20 =	sshll.u32 s7, $0x1;
	s7 =	sadd.s32 s21, s5  }
0x9f: {  	[timem:s9], [sflag:s22] =	dma.local [hbm:s7], s20  }
0xa0: {  	_ =	swait.ge [sflag:s22], s20  }
0xa1: {  	s6 =	ssub.s32 $0x0, s20;
	[sflag:s22] =	ssyncset.done $0x0  }
0xa2: {  	[sflag:s22] =	ssyncadd.s32 s6;
	_ =	sdelay $0x1  }
0xa3: {  	s23 =	simm.s32 $0x1B8B  }
0xa4: {  	_ =	swait.ge [sflag:s23], $0x1  }
0xa5: {  	[sflag:s23] =	ssyncset.done $0x0  }
0xa6: {  	s25 =	simm.s32 $0x1B8E;
	s24 =	sld [smem:$0x3FFE];
	[sflag:s23] =	ssyncadd.s32 $0xFFFFFFFF  }
0xa7: {  	s26 =	simm.s32 $execute0_lowered;
	[smem:$0x3FD2] =	sst s25  }
0xa8: {  	s7 =	sshll.u32 s26, $0x1;
	_ =	strace $0x80000046;
	[dreg:$0x1] =	wrdreg $0xFFFFFFFF  }
0xa9: {  	s28 =	simm.s32 $_size_execute0_lowered;
	s5 =	sadd.s32 s5, s7;
	[dreg:$0x0] =	wrdreg $0x0  }
0xaa: {  	s7 =	sshll.u32 s28, $0x1;
	[dreg:$0x2] =	wrdreg s5  }
0xab: {  	[dreg:$0x3] =	wrdreg s7  }
0xac: {  	[dreg:$0x4] =	wrdreg $0xC0  }
0xad: {  	_ =	task [dreg:s9], $0x5FFFF  }
0xae: {  	[dreg:$0x1] =	wrdreg $0xFFFFFFFF  }
0xaf: {  	[dreg:$0x0] =	wrdreg $0x60  }
0xb0: {  	[dreg:$0x2] =	wrdreg s24  }
0xb1: {  	[dreg:$0x3] =	wrdreg s2  }
0xb2: {  	[dreg:$0x4] =	wrdreg s18  }
0xb3: {  	[dreg:$0x5] =	wrdreg s4  }
0xb4: {  	[dreg:$0x6] =	wrdreg $0x0  }
0xb5: {  	[dreg:$0x7] =	wrdreg $0xC800  }
0xb6: {  	[dreg:$0x8] =	wrdreg $0xF000  }
0xb7: {  	[dreg:$0x9] =	wrdreg $0x11800  }
0xb8: {  	[dreg:$0xa] =	wrdreg $0x9  }
0xb9: {  	_ =	task.clear_ibuf [dreg:s9], $0xBFFFF;
	_ =	strace $0x90000046  }
0xba: {  	s29 =	simm.s32 $0x9;
	_ =	strace $0x80000048  }
0xbb: {  	_ =	swait.ge [sflag:s29], $0x1  }
0xbc: {  	[sflag:s29] =	ssyncadd.s32 $0xFFFFFFFF  }
0xbd: {  	_ =	strace $0x90000048  }
0xbe: {  	_ =	sfence  }
0xbf: {  	s30 =	sld [smem:$0x0];
	_ =	sdelay $0x2  }
0xc0: {  	s31 =	sshll.u32 s1, $0xD;
	s1 =	sshrl.u32 s1, $0x2  }
0xc1: {  	s3 =	sand.u32 $0x4000, s31;
	s1 =	sadd.s32 s1, s30  }
0xc2: {  	s0 =	sor.u32 s3, s0;
	s1 =	sshll.u32 s1, $0x11  }
0xc3: {  	s0 =	sor.u32 s1, s0  }
0xc4: {  	s0 =	sadd.s32 $0x8F2B, s0  }
0xc5: {  	[sflag:s0] =	ssyncadd.remote.s32 $0x1  }
0xc6: {  	_ =	sfence.sel $0xFFFF  }
0xc7: {  	[dreg:$0x0] =	wrdreg $0xFFFFFFFF;
	(pc) =	sbr.abs _section_cstart, $3  }
0xc8: {  	[dreg:$0x1] =	wrdreg $0xFFFFFFFF  }
0xc9: {  	_ =	task.clear_ibuf [dreg:s9], $0x2FFFF;
	_ =	strace $0x9FFFFFFF  }
0xca: {  	(tm) =	ssettm $0x7FFFFFFF  }
0xcb: {  	_ =	shalt  }
tec
execute0_lowered:
.L_overlay_start_1:
0x0: {  	(tag) =	ssettag $0x1  }
0x1: {  	s2 =	rddreg [dreg:$0x0]  }
0x2: {  	s7 =	rddreg [dreg:$0x1]  }
0x3: {  	s8 =	rddreg [dreg:$0x2]  }
0x4: {  	s9 =	rddreg [dreg:$0x3]  }
0x5: {  	s1 =	rddreg [dreg:$0x4]  }
0x6: {  	s3 =	rddreg [dreg:$0x5]  }
0x7: {  	s4 =	rddreg [dreg:$0x6]  }
0x8: {  	s5 =	rddreg [dreg:$0x7];
	s23 =	stileid.u32  }
0x9: {  	s6 =	simm.s32 $0x0;
	s10 =	srdreg.scid;
	s0 =	smul.u32 $0x280, s23  }
0xa: {  	[smem:$0x7FF] =	sst s6;
	s10 =	sand.u32 $0x1, s10;
	s11 =	smul.u32 $0xC80, s23  }
0xb: {  	s12 =	sadd.s32 $0x2600, s2;
	s24 =	smul.u32 $0x5000, s23;
	s25 =	sshll.u32 s23, $0x4  }
0xc: {  	_ =	strace $0x80000047;
	s13 =	ssub.s32 $0x2, s10;
	p0 =	seq.s32 s10, $0x0  }
0xd: {  	s10 =	sadd.s32 s25, s2;
	s14 =	sshrl.u32 s0, $0x3;
	s15 =	sshrl.u32 s13, $0x1  }
0xe: {  	s16 =	sadd.s32 $0x280, s11;
	s19 =	sshrl.u32 s11, $0x3;
	s18 =	sadd.s32 $0x780, s11  }
0xf: {  	s13 =	ssub.s32 s13, s15;
	s17 =	sshrl.u32 s16, $0x3;
	s15 =	sadd.s32 s9, s19  }
0x10: {  	s19 =	sadd.s32 $0xA00, s11;
	s22 =	sshrl.u32 s18, $0x3;
	s14 =	sadd.s32 s14, s2  }
0x11: {  	s16 =	sadd.s32 s16, s1;
	[dreg:$0x9] =	wrdreg s15;
	s15 =	sadd.s32 $0x500, s11  }
0x12: {  	s20 =	sadd.s32 s9, s17;
	[dreg:$0x1c] =	wrdreg s16;
	s21 =	sshrl.u32 s15, $0x3  }
0x13: {  	s2 =	sadd.s32 $0x16600, s2;
	[dreg:$0xa] =	wrdreg s20;
	s17 =	sadd.s32 s9, s21  }
0x14: {  	s20 =	sshrl.u32 s19, $0x3;
	[dreg:$0xb] =	wrdreg s17;
	s17 =	sadd.s32 s9, s22  }
0x15: {  	s9 =	sadd.s32 s9, s20;
	[dreg:$0xc] =	wrdreg s17;
	s17 =	smul.u32 $0xA00, s23  }
0x16: {  	s18 =	sadd.s32 s18, s1;
	[dreg:$0xd] =	wrdreg s9;
	s9 =	sshrl.u32 s24, $0x3  }
0x17: {  	[dreg:$0x1e] =	wrdreg s18;
	s20 =	sadd.s32 $0x200, s9;
	s24 =	sadd.s32 s2, s17  }
0x18: {  	s21 =	sadd.s32 $0x400, s9;
	s26 =	sadd.s32 s2, s20;
	[dreg:$0xe] =	wrdreg s24  }
0x19: {  	s22 =	sadd.s32 $0x600, s9;
	s25 =	sadd.s32 s2, s21;
	[dreg:$0xf] =	wrdreg s26  }
0x1a: {  	s9 =	sadd.s32 $0x800, s9;
	[dreg:$0x10] =	wrdreg s25;
	s26 =	sadd.s32 s2, s22  }
0x1b: {  	s2 =	sadd.s32 s2, s9;
	[dreg:$0x11] =	wrdreg s26  }
0x1c: {  	s24 =	sadd.s32 s12, s20;
	[dreg:$0x12] =	wrdreg s2  }
0x1d: {  	s25 =	sadd.s32 s12, s21;
	[dreg:$0x13] =	wrdreg s24  }
0x1e: {  	s20 =	sadd.s32 s12, s9;
	[dreg:$0x14] =	wrdreg s25  }
0x1f: {  	s21 =	sadd.s32 s12, s17;
	[dreg:$0x16] =	wrdreg s20  }
0x20: {  	s9 =	sadd.s32 $0x21200, s10;
	[dreg:$0x17] =	wrdreg s21  }
0x21: {  	s26 =	sadd.s32 s12, s22;
	[dreg:$0x1a] =	wrdreg s9  }
0x22: {  	s12 =	sadd.s32 s11, s1;
	[dreg:$0x15] =	wrdreg s26  }
0x23: {  	s22 =	sshrl.u32 s17, $0x2;
	s17 =	sadd.s32 s15, s1;
	[dreg:$0x1b] =	wrdreg s12  }
0x24: {  	s20 =	sadd.s32 s19, s1;
	[dreg:$0x1d] =	wrdreg s17  }
0x25: {  	s21 =	sadd.s32 s0, s4;
	[dreg:$0x1f] =	wrdreg s20  }
0x26: {  	s25 =	sshll.u32 s23, $0x9;
	s0 =	sadd.s32 s0, s3;
	[smem:$0x7E7] =	sst s21  }
0x27: {  	s8 =	sadd.s32 s8, s25;
	[smem:$0x7E8] =	sst s0  }
0x28: {  	s7 =	sadd.s32 s7, s25;
	s28 =	sadd.s32 s22, s4;
	[dreg:$0x18] =	wrdreg s8  }
0x29: {  	s29 =	sadd.s32 s22, s3;
	s22 =	sadd.s32 $0x20600, s14;
	[dreg:$0x19] =	wrdreg s7  }
0x2a: {  	s26 =	smul.u32 $0x3200, s23;
	s23 =	sadd.s32 $0x20C00, s14;
	[smem:$0x7E9] =	sst s22  }
0x2b: {  	s8 =	sshrl.u32 s25, $0x2;
	[smem:$0x7EA] =	sst s23;
	s25 =	sadd.s32 $0x80, s28  }
0x2c: {  	s2 =	sadd.s32 $0x100, s28;
	s7 =	sadd.s32 $0x180, s28;
	[smem:$0x7EB] =	sst s25  }
0x2d: {  	s24 =	sadd.s32 s8, s5;
	s10 =	sshrl.u32 s26, $0x2;
	[smem:$0x7EC] =	sst s2  }
0x2e: {  	[smem:$0x7ED] =	sst s7;
	s8 =	sadd.s32 $0x200, s28;
	s26 =	sadd.s32 s10, s1  }
0x2f: {  	[smem:$0x7EE] =	sst s8;
	s9 =	sadd.s32 $0x80, s26  }
0x30: {  	s10 =	sadd.s32 $0x100, s26;
	[smem:$0x7EF] =	sst s9  }
0x31: {  	s11 =	sadd.s32 $0x180, s26;
	[smem:$0x7F0] =	sst s10  }
0x32: {  	s12 =	smax.u32 s13, $0x1;
	s13 =	sadd.s32 $0x200, s26;
	[smem:$0x7F1] =	sst s11  }
0x33: {  	s14 =	sadd.s32 $0x280, s26;
	[smem:$0x7F2] =	sst s13  }
0x34: {  	s15 =	sadd.s32 $0x300, s26;
	[smem:$0x7F3] =	sst s14  }
0x35: {  	s16 =	sadd.s32 $0x380, s26;
	[smem:$0x7F4] =	sst s15  }
0x36: {  	s17 =	sadd.s32 $0x400, s26;
	[smem:$0x7F5] =	sst s16  }
0x37: {  	s18 =	sadd.s32 $0x480, s26;
	[smem:$0x7F6] =	sst s17  }
0x38: {  	s19 =	sadd.s32 $0x500, s26;
	[smem:$0x7F7] =	sst s18  }
0x39: {  	s20 =	sadd.s32 $0x580, s26;
	[smem:$0x7F8] =	sst s19  }
0x3a: {  	s21 =	sadd.s32 $0x600, s26;
	[smem:$0x7F9] =	sst s20  }
0x3b: {  	s30 =	simm.s32 $0x1;
	s22 =	sadd.s32 $0x680, s26;
	[smem:$0x7FA] =	sst s21  }
0x3c: {  	s31 =	simm.s32 $0x1200;
	s23 =	sadd.s32 $0x700, s26;
	[smem:$0x7FB] =	sst s22  }
0x3d: {  	s0 =	simm.s32 $0x80;
	s25 =	sadd.s32 $0x780, s26;
	[smem:$0x7FC] =	sst s23  }
0x3e: {  	s2 =	simm.s32 $0x2200;
	s7 =	simm.s32 $0x0;
	[smem:$0x7FD] =	sst s25  }
.Ltmp0:
0x3f: {  	s10 =	sadd.s32 $0x800, s26;
	s11 =	sadd.s32 $0x880, s26;
	(pc) =	sbr.rel .LBB2_1-.Ltmp0, $4  }
0x40: {  	s13 =	sadd.s32 $0x900, s26;
	s14 =	sadd.s32 $0x980, s26;
	s15 =	sadd.s32 $0xA00, s26  }
0x41: {  	s16 =	sadd.s32 $0xA80, s26;
	s17 =	sadd.s32 $0xB00, s26;
	s18 =	sadd.s32 $0xB80, s26  }
0x42: {  	s19 =	sadd.s32 $0xC00, s26;
	s20 =	sadd.s32 $0x80, s29;
	s21 =	sadd.s32 $0x100, s29  }
0x43: {  	v0 =	vimm.f32 $1.000000000e+00;
	v1 =	vimm.f32 $0.0e+00;
	s22 =	sadd.s32 $0x180, s29;
	s23 =	sadd.s32 $0x200, s29;
	s25 =	simm.s32 $0x2280  }
.LBB2_27:
0x44: {  	[sflag:s30] =	ssyncset.done $0x0  }
0x45: {  	[sflag:s30] =	ssyncadd.s32 $0xFFFFFF80  }
0x46: {  	[bflag:$0x0] =	sbarrier.arrive $0xFFFF  }
0x47: {  	s8 =	rddreg [dreg:$0x1b]  }
0x48: {  	[tilespmem:s25], [sflag:$0x1] =	stream.linear.gather [spmem:s8], $0x280, $0x38;
	[tilespmem:$0x2500] =	vst v63  }
0x49: {  	_ =	swait.ge [sflag:s30], $0x280  }
0x4a: {  	[sflag:s30] =	ssyncset.done $0x0  }
0x4b: {  	s9 =	rddreg [dreg:$0x9];
	[sflag:s30] =	ssyncadd.s32 $0xFFFFFD80  }
0x4c: {  	[hbm4b:s9+s6] =	stream.linear.scatter [tilespmem:s25], [sflag:$0x1], $0x280, $0x38;
	[tilespmem:$0x2500] =	vst v63  }
0x4d: {  	_ =	swait.ge [sflag:s30], $0x280  }
0x4e: {  	[sflag:s30] =	ssyncset.done $0x0  }
0x4f: {  	s9 =	rddreg [dreg:$0x1c];
	[sflag:s30] =	ssyncadd.s32 $0xFFFFFD80  }
0x50: {  	[tilespmem:s25], [sflag:$0x1] =	stream.linear.gather [spmem:s9], $0x280, $0x38;
	[tilespmem:$0x2500] =	vst v63  }
0x51: {  	_ =	swait.ge [sflag:s30], $0x280  }
0x52: {  	[sflag:s30] =	ssyncset.done $0x0  }
0x53: {  	s9 =	rddreg [dreg:$0xa];
	[sflag:s30] =	ssyncadd.s32 $0xFFFFFD80  }
0x54: {  	[hbm4b:s9+s6] =	stream.linear.scatter [tilespmem:s25], [sflag:$0x1], $0x280, $0x38;
	[tilespmem:$0x2500] =	vst v63  }
0x55: {  	_ =	swait.ge [sflag:s30], $0x280  }
0x56: {  	[sflag:s30] =	ssyncset.done $0x0  }
0x57: {  	s9 =	rddreg [dreg:$0x1d];
	[sflag:s30] =	ssyncadd.s32 $0xFFFFFD80  }
0x58: {  	[tilespmem:s25], [sflag:$0x1] =	stream.linear.gather [spmem:s9], $0x280, $0x38;
	[tilespmem:$0x2500] =	vst v63  }
0x59: {  	_ =	swait.ge [sflag:s30], $0x280  }
0x5a: {  	[sflag:s30] =	ssyncset.done $0x0  }
0x5b: {  	s9 =	rddreg [dreg:$0xb];
	[sflag:s30] =	ssyncadd.s32 $0xFFFFFD80  }
0x5c: {  	[hbm4b:s9+s6] =	stream.linear.scatter [tilespmem:s25], [sflag:$0x1], $0x280, $0x38;
	[tilespmem:$0x2500] =	vst v63  }
0x5d: {  	_ =	swait.ge [sflag:s30], $0x280  }
0x5e: {  	[sflag:s30] =	ssyncset.done $0x0  }
0x5f: {  	s9 =	rddreg [dreg:$0x1e];
	[sflag:s30] =	ssyncadd.s32 $0xFFFFFD80  }
0x60: {  	[tilespmem:s25], [sflag:$0x1] =	stream.linear.gather [spmem:s9], $0x280, $0x38;
	[tilespmem:$0x2500] =	vst v63  }
0x61: {  	_ =	swait.ge [sflag:s30], $0x280  }
0x62: {  	[sflag:s30] =	ssyncset.done $0x0  }
0x63: {  	s9 =	rddreg [dreg:$0xc];
	[sflag:s30] =	ssyncadd.s32 $0xFFFFFD80  }
0x64: {  	[hbm4b:s9+s6] =	stream.linear.scatter [tilespmem:s25], [sflag:$0x1], $0x280, $0x38;
	[tilespmem:$0x2500] =	vst v63  }
0x65: {  	_ =	swait.ge [sflag:s30], $0x280  }
0x66: {  	[sflag:s30] =	ssyncset.done $0x0  }
0x67: {  	s9 =	rddreg [dreg:$0x1f];
	[sflag:s30] =	ssyncadd.s32 $0xFFFFFD80  }
0x68: {  	[tilespmem:s25], [sflag:$0x1] =	stream.linear.gather [spmem:s9], $0x280, $0x38;
	[tilespmem:$0x2500] =	vst v63  }
0x69: {  	_ =	swait.ge [sflag:s30], $0x280  }
0x6a: {  	[sflag:s30] =	ssyncset.done $0x0  }
0x6b: {  	s9 =	rddreg [dreg:$0xd];
	[sflag:s30] =	ssyncadd.s32 $0xFFFFFD80  }
0x6c: {  	[hbm4b:s9+s6] =	stream.linear.scatter [tilespmem:s25], [sflag:$0x1], $0x280, $0x38;
	[tilespmem:$0x2500] =	vst v63  }
0x6d: {  	_ =	swait.ge [sflag:s30], $0x280  }
0x6e: {  	s9 =	sld [smem:$0x7E8]  }
0x6f: {  	[sflag:s30] =	ssyncset.done $0x0  }
0x70: {  	[sflag:s30] =	ssyncadd.s32 $0xFFFFFD80  }
0x71: {  	[tilespmem:s25], [sflag:$0x1] =	stream.linear.gather [spmem:s9], $0x280, $0x38;
	[tilespmem:$0x2500] =	vst v63  }
0x72: {  	_ =	swait.ge [sflag:s30], $0x280  }
0x73: {  	s9 =	sld [smem:$0x7EA]  }
0x74: {  	[sflag:s30] =	ssyncset.done $0x0  }
0x75: {  	[sflag:s30] =	ssyncadd.s32 $0xFFFFFD80  }
0x76: {  	[hbm4b:s9+s6] =	stream.linear.scatter [tilespmem:s25], [sflag:$0x1], $0x280, $0x38;
	[tilespmem:$0x2500] =	vst v63  }
0x77: {  	_ =	swait.ge [sflag:s30], $0x280  }
0x78: {  	[sflag:s30] =	ssyncset.done $0x0  }
0x79: {  	[sflag:s30] =	ssyncadd.s32 $0xFFFFFD80  }
.LBB2_28:
0x7a: {  	s7 =	sadd.s32 $0x1, s7  }
0x7b: {  	p1 =	sne.s32 s7, s12  }
.Ltmp1:
0x7c: {  	_ = 	snop;
	(pc) =	sbr.rel @!p1 .LBB2_29-.Ltmp1, $1  }
0x7d: {  	_ =	sdelay $0x3  }
.LBB2_1:
0x7e: {  	[tilespmem:$0x2200] =	vst v0  }
0x7f: {  	[tilespmem:$0x2210] =	vst v0  }
0x80: {  	[tilespmem:$0x2220] =	vst v0  }
0x81: {  	[tilespmem:$0x2230] =	vst v0  }
0x82: {  	[tilespmem:$0x2240] =	vst v0  }
0x83: {  	[tilespmem:$0x2250] =	vst v0  }
0x84: {  	[tilespmem:$0x2260] =	vst v0  }
0x85: {  	[tilespmem:$0x2270] =	vst v0  }
0x86: {  	[tilespmem:$0x2280] =	vst v1  }
0x87: {  	[tilespmem:$0x2290] =	vst v1  }
0x88: {  	[tilespmem:$0x22A0] =	vst v1  }
0x89: {  	[tilespmem:$0x22B0] =	vst v1  }
0x8a: {  	[tilespmem:$0x22C0] =	vst v1  }
0x8b: {  	[tilespmem:$0x22D0] =	vst v1  }
0x8c: {  	[tilespmem:$0x22E0] =	vst v1  }
0x8d: {  	[tilespmem:$0x22F0] =	vst v1  }
0x8e: {  	[tilespmem:$0x2300] =	vst v1  }
0x8f: {  	[tilespmem:$0x2310] =	vst v1  }
0x90: {  	[tilespmem:$0x2320] =	vst v1  }
0x91: {  	[tilespmem:$0x2330] =	vst v1  }
0x92: {  	[tilespmem:$0x2340] =	vst v1  }
0x93: {  	[tilespmem:$0x2350] =	vst v1  }
0x94: {  	[tilespmem:$0x2360] =	vst v1  }
0x95: {  	[tilespmem:$0x2370] =	vst v1  }
0x96: {  	[tilespmem:$0x2380] =	vst v1  }
0x97: {  	[tilespmem:$0x2390] =	vst v1  }
0x98: {  	[tilespmem:$0x23A0] =	vst v1  }
0x99: {  	[tilespmem:$0x23B0] =	vst v1  }
0x9a: {  	[tilespmem:$0x23C0] =	vst v1  }
0x9b: {  	[tilespmem:$0x23D0] =	vst v1  }
0x9c: {  	[tilespmem:$0x23E0] =	vst v1  }
0x9d: {  	[tilespmem:$0x23F0] =	vst v1  }
0x9e: {  	[tilespmem:$0x2400] =	vst v1  }
0x9f: {  	[tilespmem:$0x2410] =	vst v1  }
0xa0: {  	[tilespmem:$0x2420] =	vst v1  }
0xa1: {  	[tilespmem:$0x2430] =	vst v1  }
0xa2: {  	[tilespmem:$0x2440] =	vst v1  }
0xa3: {  	[tilespmem:$0x2450] =	vst v1  }
0xa4: {  	[tilespmem:$0x2460] =	vst v1  }
0xa5: {  	[tilespmem:$0x2470] =	vst v1  }
0xa6: {  	[tilespmem:$0x2480] =	vst v1  }
0xa7: {  	[tilespmem:$0x2490] =	vst v1  }
0xa8: {  	[tilespmem:$0x24A0] =	vst v1  }
.Ltmp2:
0xa9: {  	[tilespmem:$0x24B0] =	vst v1;
	(pc) =	sbr.rel @!p0 .LBB2_2-.Ltmp2, $4  }
0xaa: {  	[tilespmem:$0x24C0] =	vst v1  }
0xab: {  	[tilespmem:$0x24D0] =	vst v1  }
0xac: {  	[tilespmem:$0x24E0] =	vst v1  }
0xad: {  	[tilespmem:$0x24F0] =	vst v1  }
0xae: {  	[spmem:s26] =	stream.linear.scatter [tilespmem:s25], [sflag:$0x1], $0x80, $0x38;
	[tilespmem:$0x2500] =	vst v63  }
0xaf: {  	_ =	swait.ge [sflag:s30], $0x80  }
0xb0: {  	s8 =	sld [smem:$0x7EF]  }
0xb1: {  	[sflag:s30] =	ssyncset.done $0x0  }
0xb2: {  	[sflag:s30] =	ssyncadd.s32 $0xFFFFFF80  }
0xb3: {  	[spmem:s8] =	stream.linear.scatter [tilespmem:s25], [sflag:$0x1], $0x80, $0x38;
	[tilespmem:$0x2500] =	vst v63  }
0xb4: {  	_ =	swait.ge [sflag:s30], $0x80  }
0xb5: {  	s9 =	sld [smem:$0x7F0]  }
0xb6: {  	[sflag:s30] =	ssyncset.done $0x0  }
0xb7: {  	[sflag:s30] =	ssyncadd.s32 $0xFFFFFF80  }
0xb8: {  	[spmem:s9] =	stream.linear.scatter [tilespmem:s25], [sflag:$0x1], $0x80, $0x38;
	[tilespmem:$0x2500] =	vst v63  }
0xb9: {  	_ =	swait.ge [sflag:s30], $0x80  }
0xba: {  	s9 =	sld [smem:$0x7F1]  }
0xbb: {  	[sflag:s30] =	ssyncset.done $0x0  }
0xbc: {  	[sflag:s30] =	ssyncadd.s32 $0xFFFFFF80  }
0xbd: {  	[spmem:s9] =	stream.linear.scatter [tilespmem:s25], [sflag:$0x1], $0x80, $0x38;
	[tilespmem:$0x2500] =	vst v63  }
0xbe: {  	_ =	swait.ge [sflag:s30], $0x80  }
0xbf: {  	s9 =	sld [smem:$0x7F2]  }
0xc0: {  	[sflag:s30] =	ssyncset.done $0x0  }
0xc1: {  	[sflag:s30] =	ssyncadd.s32 $0xFFFFFF80  }
0xc2: {  	[spmem:s9] =	stream.linear.scatter [tilespmem:s25], [sflag:$0x1], $0x80, $0x38;
	[tilespmem:$0x2500] =	vst v63  }
0xc3: {  	_ =	swait.ge [sflag:s30], $0x80  }
0xc4: {  	s9 =	sld [smem:$0x7F3]  }
0xc5: {  	[sflag:s30] =	ssyncset.done $0x0  }
0xc6: {  	[sflag:s30] =	ssyncadd.s32 $0xFFFFFF80  }
0xc7: {  	[spmem:s9] =	stream.linear.scatter [tilespmem:s25], [sflag:$0x1], $0x80, $0x38;
	[tilespmem:$0x2500] =	vst v63  }
0xc8: {  	_ =	swait.ge [sflag:s30], $0x80  }
0xc9: {  	s9 =	sld [smem:$0x7F4]  }
0xca: {  	[sflag:s30] =	ssyncset.done $0x0  }
0xcb: {  	[sflag:s30] =	ssyncadd.s32 $0xFFFFFF80  }
0xcc: {  	[spmem:s9] =	stream.linear.scatter [tilespmem:s25], [sflag:$0x1], $0x80, $0x38;
	[tilespmem:$0x2500] =	vst v63  }
0xcd: {  	_ =	swait.ge [sflag:s30], $0x80  }
0xce: {  	s9 =	sld [smem:$0x7F5]  }
0xcf: {  	[sflag:s30] =	ssyncset.done $0x0  }
0xd0: {  	[sflag:s30] =	ssyncadd.s32 $0xFFFFFF80  }
0xd1: {  	[spmem:s9] =	stream.linear.scatter [tilespmem:s25], [sflag:$0x1], $0x80, $0x38;
	[tilespmem:$0x2500] =	vst v63  }
0xd2: {  	_ =	swait.ge [sflag:s30], $0x80  }
0xd3: {  	s9 =	sld [smem:$0x7F6]  }
0xd4: {  	[sflag:s30] =	ssyncset.done $0x0  }
0xd5: {  	[sflag:s30] =	ssyncadd.s32 $0xFFFFFF80  }
0xd6: {  	[spmem:s9] =	stream.linear.scatter [tilespmem:s25], [sflag:$0x1], $0x80, $0x38;
	[tilespmem:$0x2500] =	vst v63  }
0xd7: {  	_ =	swait.ge [sflag:s30], $0x80  }
0xd8: {  	s9 =	sld [smem:$0x7F7]  }
0xd9: {  	[sflag:s30] =	ssyncset.done $0x0  }
0xda: {  	[sflag:s30] =	ssyncadd.s32 $0xFFFFFF80  }
0xdb: {  	[spmem:s9] =	stream.linear.scatter [tilespmem:s25], [sflag:$0x1], $0x80, $0x38;
	[tilespmem:$0x2500] =	vst v63  }
0xdc: {  	_ =	swait.ge [sflag:s30], $0x80  }
0xdd: {  	s9 =	sld [smem:$0x7F8]  }
0xde: {  	[sflag:s30] =	ssyncset.done $0x0  }
0xdf: {  	[sflag:s30] =	ssyncadd.s32 $0xFFFFFF80  }
0xe0: {  	[spmem:s9] =	stream.linear.scatter [tilespmem:s25], [sflag:$0x1], $0x80, $0x38;
	[tilespmem:$0x2500] =	vst v63  }
0xe1: {  	_ =	swait.ge [sflag:s30], $0x80  }
0xe2: {  	s9 =	sld [smem:$0x7F9]  }
0xe3: {  	[sflag:s30] =	ssyncset.done $0x0  }
0xe4: {  	[sflag:s30] =	ssyncadd.s32 $0xFFFFFF80  }
0xe5: {  	[spmem:s9] =	stream.linear.scatter [tilespmem:s25], [sflag:$0x1], $0x80, $0x38;
	[tilespmem:$0x2500] =	vst v63  }
0xe6: {  	_ =	swait.ge [sflag:s30], $0x80  }
0xe7: {  	s9 =	sld [smem:$0x7FA]  }
0xe8: {  	[sflag:s30] =	ssyncset.done $0x0  }
0xe9: {  	[sflag:s30] =	ssyncadd.s32 $0xFFFFFF80  }
0xea: {  	[spmem:s9] =	stream.linear.scatter [tilespmem:s25], [sflag:$0x1], $0x80, $0x38;
	[tilespmem:$0x2500] =	vst v63  }
0xeb: {  	_ =	swait.ge [sflag:s30], $0x80  }
0xec: {  	s9 =	sld [smem:$0x7FB]  }
0xed: {  	[sflag:s30] =	ssyncset.done $0x0  }
0xee: {  	[sflag:s30] =	ssyncadd.s32 $0xFFFFFF80  }
0xef: {  	[spmem:s9] =	stream.linear.scatter [tilespmem:s25], [sflag:$0x1], $0x80, $0x38;
	[tilespmem:$0x2500] =	vst v63  }
0xf0: {  	_ =	swait.ge [sflag:s30], $0x80  }
0xf1: {  	s9 =	sld [smem:$0x7FC]  }
0xf2: {  	[sflag:s30] =	ssyncset.done $0x0  }
0xf3: {  	[sflag:s30] =	ssyncadd.s32 $0xFFFFFF80  }
0xf4: {  	[spmem:s9] =	stream.linear.scatter [tilespmem:s25], [sflag:$0x1], $0x80, $0x38;
	[tilespmem:$0x2500] =	vst v63  }
0xf5: {  	_ =	swait.ge [sflag:s30], $0x80  }
0xf6: {  	s9 =	sld [smem:$0x7FD]  }
0xf7: {  	[sflag:s30] =	ssyncset.done $0x0  }
0xf8: {  	[sflag:s30] =	ssyncadd.s32 $0xFFFFFF80  }
0xf9: {  	[spmem:s9] =	stream.linear.scatter [tilespmem:s25], [sflag:$0x1], $0x80, $0x38;
	[tilespmem:$0x2500] =	vst v63  }
0xfa: {  	_ =	swait.ge [sflag:s30], $0x80  }
0xfb: {  	[sflag:s30] =	ssyncset.done $0x0  }
0xfc: {  	[sflag:s30] =	ssyncadd.s32 $0xFFFFFF80  }
0xfd: {  	[spmem:s10] =	stream.linear.scatter [tilespmem:s25], [sflag:$0x1], $0x80, $0x38;
	[tilespmem:$0x2500] =	vst v63  }
0xfe: {  	_ =	swait.ge [sflag:s30], $0x80  }
0xff: {  	[sflag:s30] =	ssyncset.done $0x0  }
0x100: {  	[sflag:s30] =	ssyncadd.s32 $0xFFFFFF80  }
0x101: {  	[spmem:s11] =	stream.linear.scatter [tilespmem:s25], [sflag:$0x1], $0x80, $0x38;
	[tilespmem:$0x2500] =	vst v63  }
0x102: {  	_ =	swait.ge [sflag:s30], $0x80  }
0x103: {  	[sflag:s30] =	ssyncset.done $0x0  }
0x104: {  	[sflag:s30] =	ssyncadd.s32 $0xFFFFFF80  }
0x105: {  	[spmem:s13] =	stream.linear.scatter [tilespmem:s25], [sflag:$0x1], $0x80, $0x38;
	[tilespmem:$0x2500] =	vst v63  }
0x106: {  	_ =	swait.ge [sflag:s30], $0x80  }
0x107: {  	[sflag:s30] =	ssyncset.done $0x0  }
0x108: {  	[sflag:s30] =	ssyncadd.s32 $0xFFFFFF80  }
0x109: {  	[spmem:s14] =	stream.linear.scatter [tilespmem:s25], [sflag:$0x1], $0x80, $0x38;
	[tilespmem:$0x2500] =	vst v63  }
0x10a: {  	_ =	swait.ge [sflag:s30], $0x80  }
0x10b: {  	[sflag:s30] =	ssyncset.done $0x0  }
0x10c: {  	[sflag:s30] =	ssyncadd.s32 $0xFFFFFF80  }
0x10d: {  	[spmem:s15] =	stream.linear.scatter [tilespmem:s25], [sflag:$0x1], $0x80, $0x38;
	[tilespmem:$0x2500] =	vst v63  }
0x10e: {  	_ =	swait.ge [sflag:s30], $0x80  }
0x10f: {  	[sflag:s30] =	ssyncset.done $0x0  }
0x110: {  	[sflag:s30] =	ssyncadd.s32 $0xFFFFFF80  }
0x111: {  	[spmem:s16] =	stream.linear.scatter [tilespmem:s25], [sflag:$0x1], $0x80, $0x38;
	[tilespmem:$0x2500] =	vst v63  }
0x112: {  	_ =	swait.ge [sflag:s30], $0x80  }
0x113: {  	[sflag:s30] =	ssyncset.done $0x0  }
0x114: {  	[sflag:s30] =	ssyncadd.s32 $0xFFFFFF80  }
0x115: {  	[spmem:s17] =	stream.linear.scatter [tilespmem:s25], [sflag:$0x1], $0x80, $0x38;
	[tilespmem:$0x2500] =	vst v63  }
0x116: {  	_ =	swait.ge [sflag:s30], $0x80  }
0x117: {  	[sflag:s30] =	ssyncset.done $0x0  }
0x118: {  	[sflag:s30] =	ssyncadd.s32 $0xFFFFFF80  }
0x119: {  	[spmem:s18] =	stream.linear.scatter [tilespmem:s25], [sflag:$0x1], $0x80, $0x38;
	[tilespmem:$0x2500] =	vst v63  }
0x11a: {  	_ =	swait.ge [sflag:s30], $0x80  }
0x11b: {  	[sflag:s30] =	ssyncset.done $0x0  }
0x11c: {  	[sflag:s30] =	ssyncadd.s32 $0xFFFFFF80  }
0x11d: {  	[spmem:s19] =	stream.linear.scatter [tilespmem:s25], [sflag:$0x1], $0x80, $0x38;
	[tilespmem:$0x2500] =	vst v63  }
0x11e: {  	_ =	swait.ge [sflag:s30], $0x80  }
0x11f: {  	[sflag:s30] =	ssyncset.done $0x0  }
0x120: {  	[sflag:s30] =	ssyncadd.s32 $0xFFFFFF80  }
0x121: {  	[spmem:s29] =	stream.linear.scatter [tilespmem:s25], [sflag:$0x1], $0x80, $0x38;
	[tilespmem:$0x2500] =	vst v63  }
0x122: {  	_ =	swait.ge [sflag:s30], $0x80  }
0x123: {  	[sflag:s30] =	ssyncset.done $0x0  }
0x124: {  	[sflag:s30] =	ssyncadd.s32 $0xFFFFFF80  }
0x125: {  	[spmem:s20] =	stream.linear.scatter [tilespmem:s25], [sflag:$0x1], $0x80, $0x38;
	[tilespmem:$0x2500] =	vst v63  }
0x126: {  	_ =	swait.ge [sflag:s30], $0x80  }
0x127: {  	[sflag:s30] =	ssyncset.done $0x0  }
0x128: {  	[sflag:s30] =	ssyncadd.s32 $0xFFFFFF80  }
0x129: {  	[spmem:s21] =	stream.linear.scatter [tilespmem:s25], [sflag:$0x1], $0x80, $0x38;
	[tilespmem:$0x2500] =	vst v63  }
0x12a: {  	_ =	swait.ge [sflag:s30], $0x80  }
0x12b: {  	[sflag:s30] =	ssyncset.done $0x0  }
0x12c: {  	[sflag:s30] =	ssyncadd.s32 $0xFFFFFF80  }
0x12d: {  	[spmem:s22] =	stream.linear.scatter [tilespmem:s25], [sflag:$0x1], $0x80, $0x38;
	[tilespmem:$0x2500] =	vst v63  }
0x12e: {  	_ =	swait.ge [sflag:s30], $0x80  }
0x12f: {  	[sflag:s30] =	ssyncset.done $0x0  }
0x130: {  	[sflag:s30] =	ssyncadd.s32 $0xFFFFFF80  }
0x131: {  	[spmem:s23] =	stream.linear.scatter [tilespmem:s25], [sflag:$0x1], $0x80, $0x38;
	[tilespmem:$0x2500] =	vst v63  }
0x132: {  	_ =	swait.ge [sflag:s30], $0x80  }
0x133: {  	[sflag:s30] =	ssyncset.done $0x0  }
0x134: {  	[sflag:s30] =	ssyncadd.s32 $0xFFFFFF80  }
0x135: {  	[bflag:$0x0] =	sbarrier.arrive $0xFFFF  }
0x136: {  	s8 =	simm.s32 $0x0;
	s9 =	rddreg [dreg:$0x17]  }
0x137: {  	[tilespmem:s31], [sflag:$0x1] =	stream.linear.gather [hbm4b:s9+s8], $0x1000, $0x38;
	[tilespmem:$0x2500] =	vst v63  }
0x138: {  	_ =	swait.ge [sflag:s30], $0x1000  }
0x139: {  	[sflag:s30] =	ssyncset.done $0x0  }
0x13a: {  	s9 =	simm.s32 $0x1200;
	[sflag:s30] =	ssyncadd.s32 $0xFFFFF000  }
0x13b: {  	[spmem:s1] =	stream.indirect.scatter.add.f32 [tilespmem:s2], [sflag:$0x1], $0x1, s9, s0, $0xb8;
	[tilespmem:$0x2500] =	vst v63  }
0x13c: {  	s8 =	simm.s32 $0x200;
	_ =	swait.ge [sflag:s30], $0x80  }
.LBB2_16:
0x13d: {  	s9 =	sshra.s32 s8, $0x2;
	[sflag:s30] =	ssyncset.done $0x0;
	p1 =	sne.s32 s8, $0x3E00  }
.Ltmp3:
0x13e: {  	s9 =	sadd.s32 $0x1200, s9;
	[sflag:s30] =	ssyncadd.s32 $0xFFFFFF80;
	(pc) =	sbr.rel @p1 .LBB2_16-.Ltmp3, $3  }
0x13f: {  	[spmem:s1] =	stream.indirect.scatter.add.f32 [tilespmem:s2], [sflag:$0x1], $0x1, s9, s0, $0xb8;
	[tilespmem:$0x2500] =	vst v63  }
0x140: {  	s8 =	sadd.s32 $0x200, s8;
	_ =	sdelay $0x1  }
0x141: {  	_ =	swait.ge [sflag:s30], $0x80  }
0x142: {  	[sflag:s30] =	ssyncset.done $0x0  }
0x143: {  	s8 =	simm.s32 $0x0;
	s9 =	rddreg [dreg:$0x13];
	[sflag:s30] =	ssyncadd.s32 $0xFFFFFF80  }
0x144: {  	[tilespmem:s31], [sflag:$0x1] =	stream.linear.gather [hbm4b:s9+s8], $0x1000, $0x38;
	[tilespmem:$0x2500] =	vst v63  }
0x145: {  	_ =	swait.ge [sflag:s30], $0x1000  }
0x146: {  	[sflag:s30] =	ssyncset.done $0x0  }
0x147: {  	s9 =	simm.s32 $0x1200;
	[sflag:s30] =	ssyncadd.s32 $0xFFFFF000  }
0x148: {  	[spmem:s1] =	stream.indirect.scatter.add.f32 [tilespmem:s2], [sflag:$0x1], $0x1, s9, s0, $0xb8;
	[tilespmem:$0x2500] =	vst v63  }
0x149: {  	s8 =	simm.s32 $0x200;
	_ =	swait.ge [sflag:s30], $0x80  }
.LBB2_18:
0x14a: {  	s9 =	sshra.s32 s8, $0x2;
	[sflag:s30] =	ssyncset.done $0x0;
	p1 =	sne.s32 s8, $0x3E00  }
.Ltmp4:
0x14b: {  	s9 =	sadd.s32 $0x1200, s9;
	[sflag:s30] =	ssyncadd.s32 $0xFFFFFF80;
	(pc) =	sbr.rel @p1 .LBB2_18-.Ltmp4, $3  }
0x14c: {  	[spmem:s1] =	stream.indirect.scatter.add.f32 [tilespmem:s2], [sflag:$0x1], $0x1, s9, s0, $0xb8;
	[tilespmem:$0x2500] =	vst v63  }
0x14d: {  	s8 =	sadd.s32 $0x200, s8;
	_ =	sdelay $0x1  }
0x14e: {  	_ =	swait.ge [sflag:s30], $0x80  }
0x14f: {  	[sflag:s30] =	ssyncset.done $0x0  }
0x150: {  	s8 =	simm.s32 $0x0;
	s9 =	rddreg [dreg:$0x14];
	[sflag:s30] =	ssyncadd.s32 $0xFFFFFF80  }
0x151: {  	[tilespmem:s31], [sflag:$0x1] =	stream.linear.gather [hbm4b:s9+s8], $0x1000, $0x38;
	[tilespmem:$0x2500] =	vst v63  }
0x152: {  	_ =	swait.ge [sflag:s30], $0x1000  }
0x153: {  	[sflag:s30] =	ssyncset.done $0x0  }
0x154: {  	s9 =	simm.s32 $0x1200;
	[sflag:s30] =	ssyncadd.s32 $0xFFFFF000  }
0x155: {  	[spmem:s1] =	stream.indirect.scatter.add.f32 [tilespmem:s2], [sflag:$0x1], $0x1, s9, s0, $0xb8;
	[tilespmem:$0x2500] =	vst v63  }
0x156: {  	s8 =	simm.s32 $0x200;
	_ =	swait.ge [sflag:s30], $0x80  }
.LBB2_20:
0x157: {  	s9 =	sshra.s32 s8, $0x2;
	[sflag:s30] =	ssyncset.done $0x0;
	p1 =	sne.s32 s8, $0x3E00  }
.Ltmp5:
0x158: {  	s9 =	sadd.s32 $0x1200, s9;
	[sflag:s30] =	ssyncadd.s32 $0xFFFFFF80;
	(pc) =	sbr.rel @p1 .LBB2_20-.Ltmp5, $3  }
0x159: {  	[spmem:s1] =	stream.indirect.scatter.add.f32 [tilespmem:s2], [sflag:$0x1], $0x1, s9, s0, $0xb8;
	[tilespmem:$0x2500] =	vst v63  }
0x15a: {  	s8 =	sadd.s32 $0x200, s8;
	_ =	sdelay $0x1  }
0x15b: {  	_ =	swait.ge [sflag:s30], $0x80  }
0x15c: {  	[sflag:s30] =	ssyncset.done $0x0  }
0x15d: {  	s8 =	simm.s32 $0x0;
	s9 =	rddreg [dreg:$0x15];
	[sflag:s30] =	ssyncadd.s32 $0xFFFFFF80  }
0x15e: {  	[tilespmem:s31], [sflag:$0x1] =	stream.linear.gather [hbm4b:s9+s8], $0x1000, $0x38;
	[tilespmem:$0x2500] =	vst v63  }
0x15f: {  	_ =	swait.ge [sflag:s30], $0x1000  }
0x160: {  	[sflag:s30] =	ssyncset.done $0x0  }
0x161: {  	s9 =	simm.s32 $0x1200;
	[sflag:s30] =	ssyncadd.s32 $0xFFFFF000  }
0x162: {  	[spmem:s1] =	stream.indirect.scatter.add.f32 [tilespmem:s2], [sflag:$0x1], $0x1, s9, s0, $0xb8;
	[tilespmem:$0x2500] =	vst v63  }
0x163: {  	s8 =	simm.s32 $0x200;
	_ =	swait.ge [sflag:s30], $0x80  }
.LBB2_22:
0x164: {  	s9 =	sshra.s32 s8, $0x2;
	[sflag:s30] =	ssyncset.done $0x0;
	p1 =	sne.s32 s8, $0x3E00  }
.Ltmp6:
0x165: {  	s9 =	sadd.s32 $0x1200, s9;
	[sflag:s30] =	ssyncadd.s32 $0xFFFFFF80;
	(pc) =	sbr.rel @p1 .LBB2_22-.Ltmp6, $3  }
0x166: {  	[spmem:s1] =	stream.indirect.scatter.add.f32 [tilespmem:s2], [sflag:$0x1], $0x1, s9, s0, $0xb8;
	[tilespmem:$0x2500] =	vst v63  }
0x167: {  	s8 =	sadd.s32 $0x200, s8;
	_ =	sdelay $0x1  }
0x168: {  	_ =	swait.ge [sflag:s30], $0x80  }
0x169: {  	[sflag:s30] =	ssyncset.done $0x0  }
0x16a: {  	s8 =	simm.s32 $0x0;
	s9 =	rddreg [dreg:$0x16];
	[sflag:s30] =	ssyncadd.s32 $0xFFFFFF80  }
0x16b: {  	[tilespmem:s31], [sflag:$0x1] =	stream.linear.gather [hbm4b:s9+s8], $0x1000, $0x38;
	[tilespmem:$0x2500] =	vst v63  }
0x16c: {  	_ =	swait.ge [sflag:s30], $0x1000  }
0x16d: {  	[sflag:s30] =	ssyncset.done $0x0  }
0x16e: {  	s9 =	simm.s32 $0x1200;
	[sflag:s30] =	ssyncadd.s32 $0xFFFFF000  }
0x16f: {  	[spmem:s1] =	stream.indirect.scatter.add.f32 [tilespmem:s2], [sflag:$0x1], $0x1, s9, s0, $0xb8;
	[tilespmem:$0x2500] =	vst v63  }
0x170: {  	s8 =	simm.s32 $0x200;
	_ =	swait.ge [sflag:s30], $0x80  }
.LBB2_24:
0x171: {  	s9 =	sshra.s32 s8, $0x2;
	[sflag:s30] =	ssyncset.done $0x0;
	p1 =	sne.s32 s8, $0x3E00  }
.Ltmp7:
0x172: {  	s9 =	sadd.s32 $0x1200, s9;
	[sflag:s30] =	ssyncadd.s32 $0xFFFFFF80;
	(pc) =	sbr.rel @p1 .LBB2_24-.Ltmp7, $3  }
0x173: {  	[spmem:s1] =	stream.indirect.scatter.add.f32 [tilespmem:s2], [sflag:$0x1], $0x1, s9, s0, $0xb8;
	[tilespmem:$0x2500] =	vst v63  }
0x174: {  	s8 =	sadd.s32 $0x200, s8;
	_ =	sdelay $0x1  }
0x175: {  	_ =	swait.ge [sflag:s30], $0x80  }
0x176: {  	[sflag:s30] =	ssyncset.done $0x0  }
0x177: {  	s8 =	simm.s32 $0x0;
	s9 =	rddreg [dreg:$0x19];
	[sflag:s30] =	ssyncadd.s32 $0xFFFFFF80  }
0x178: {  	[tilespmem:s31], [sflag:$0x1] =	stream.linear.gather [hbm4b:s9+s8], $0x1000, $0x38;
	[tilespmem:$0x2500] =	vst v63  }
0x179: {  	_ =	swait.ge [sflag:s30], $0x1000  }
0x17a: {  	[sflag:s30] =	ssyncset.done $0x0  }
0x17b: {  	s9 =	simm.s32 $0x1200;
	[sflag:s30] =	ssyncadd.s32 $0xFFFFF000  }
0x17c: {  	[spmem:s3] =	stream.indirect.scatter.add.f32 [tilespmem:s2], [sflag:$0x1], $0x1, s9, s0, $0xb8;
	[tilespmem:$0x2500] =	vst v63  }
0x17d: {  	s8 =	simm.s32 $0x200;
	_ =	swait.ge [sflag:s30], $0x80  }
.LBB2_26:
0x17e: {  	s9 =	sshra.s32 s8, $0x2;
	[sflag:s30] =	ssyncset.done $0x0;
	p1 =	sne.s32 s8, $0x3E00  }
.Ltmp8:
0x17f: {  	s9 =	sadd.s32 $0x1200, s9;
	[sflag:s30] =	ssyncadd.s32 $0xFFFFFF80;
	(pc) =	sbr.rel @p1 .LBB2_26-.Ltmp8, $3  }
0x180: {  	[spmem:s3] =	stream.indirect.scatter.add.f32 [tilespmem:s2], [sflag:$0x1], $0x1, s9, s0, $0xb8;
	[tilespmem:$0x2500] =	vst v63  }
0x181: {  	s8 =	sadd.s32 $0x200, s8;
	_ =	sdelay $0x1  }
0x182: {  	_ =	swait.ge [sflag:s30], $0x80  }
.Ltmp9:
0x183: {  	_ = 	snop;
	(pc) =	sbr.rel .LBB2_27-.Ltmp9, $1  }
0x184: {  	_ =	sdelay $0x3  }
.LBB2_2:
0x185: {  	[spmem:s28] =	stream.linear.scatter [tilespmem:s25], [sflag:$0x1], $0x80, $0x38;
	[tilespmem:$0x2500] =	vst v63  }
0x186: {  	_ =	swait.ge [sflag:s30], $0x80  }
0x187: {  	s8 =	sld [smem:$0x7EB]  }
0x188: {  	[sflag:s30] =	ssyncset.done $0x0  }
0x189: {  	[sflag:s30] =	ssyncadd.s32 $0xFFFFFF80  }
0x18a: {  	[spmem:s8] =	stream.linear.scatter [tilespmem:s25], [sflag:$0x1], $0x80, $0x38;
	[tilespmem:$0x2500] =	vst v63  }
0x18b: {  	_ =	swait.ge [sflag:s30], $0x80  }
0x18c: {  	s9 =	sld [smem:$0x7EC]  }
0x18d: {  	[sflag:s30] =	ssyncset.done $0x0  }
0x18e: {  	[sflag:s30] =	ssyncadd.s32 $0xFFFFFF80  }
0x18f: {  	[spmem:s9] =	stream.linear.scatter [tilespmem:s25], [sflag:$0x1], $0x80, $0x38;
	[tilespmem:$0x2500] =	vst v63  }
0x190: {  	_ =	swait.ge [sflag:s30], $0x80  }
0x191: {  	s9 =	sld [smem:$0x7ED]  }
0x192: {  	[sflag:s30] =	ssyncset.done $0x0  }
0x193: {  	[sflag:s30] =	ssyncadd.s32 $0xFFFFFF80  }
0x194: {  	[spmem:s9] =	stream.linear.scatter [tilespmem:s25], [sflag:$0x1], $0x80, $0x38;
	[tilespmem:$0x2500] =	vst v63  }
0x195: {  	_ =	swait.ge [sflag:s30], $0x80  }
0x196: {  	s9 =	sld [smem:$0x7EE]  }
0x197: {  	[sflag:s30] =	ssyncset.done $0x0  }
0x198: {  	[sflag:s30] =	ssyncadd.s32 $0xFFFFFF80  }
0x199: {  	[spmem:s9] =	stream.linear.scatter [tilespmem:s25], [sflag:$0x1], $0x80, $0x38;
	[tilespmem:$0x2500] =	vst v63  }
0x19a: {  	_ =	swait.ge [sflag:s30], $0x80  }
0x19b: {  	[sflag:s30] =	ssyncset.done $0x0  }
0x19c: {  	[sflag:s30] =	ssyncadd.s32 $0xFFFFFF80  }
0x19d: {  	[spmem:s24] =	stream.linear.scatter [tilespmem:s25], [sflag:$0x1], $0x80, $0x38;
	[tilespmem:$0x2500] =	vst v63  }
0x19e: {  	_ =	swait.ge [sflag:s30], $0x80  }
0x19f: {  	[sflag:s30] =	ssyncset.done $0x0  }
0x1a0: {  	[sflag:s30] =	ssyncadd.s32 $0xFFFFFF80  }
0x1a1: {  	[bflag:$0x0] =	sbarrier.arrive $0xFFFF  }
0x1a2: {  	s8 =	simm.s32 $0x0;
	s9 =	rddreg [dreg:$0xe]  }
0x1a3: {  	[tilespmem:s31], [sflag:$0x1] =	stream.linear.gather [hbm4b:s9+s8], $0x1000, $0x38;
	[tilespmem:$0x2500] =	vst v63  }
0x1a4: {  	_ =	swait.ge [sflag:s30], $0x1000  }
0x1a5: {  	[sflag:s30] =	ssyncset.done $0x0  }
0x1a6: {  	s9 =	simm.s32 $0x1200;
	[sflag:s30] =	ssyncadd.s32 $0xFFFFF000  }
0x1a7: {  	[spmem:s4] =	stream.indirect.scatter.add.f32 [tilespmem:s2], [sflag:$0x1], $0x1, s9, s0, $0xb8;
	[tilespmem:$0x2500] =	vst v63  }
0x1a8: {  	s8 =	simm.s32 $0x200;
	_ =	swait.ge [sflag:s30], $0x80  }
.LBB2_3:
0x1a9: {  	s9 =	sshra.s32 s8, $0x2;
	[sflag:s30] =	ssyncset.done $0x0;
	p1 =	sne.s32 s8, $0x3E00  }
.Ltmp10:
0x1aa: {  	s9 =	sadd.s32 $0x1200, s9;
	[sflag:s30] =	ssyncadd.s32 $0xFFFFFF80;
	(pc) =	sbr.rel @p1 .LBB2_3-.Ltmp10, $3  }
0x1ab: {  	[spmem:s4] =	stream.indirect.scatter.add.f32 [tilespmem:s2], [sflag:$0x1], $0x1, s9, s0, $0xb8;
	[tilespmem:$0x2500] =	vst v63  }
0x1ac: {  	s8 =	sadd.s32 $0x200, s8;
	_ =	sdelay $0x1  }
0x1ad: {  	_ =	swait.ge [sflag:s30], $0x80  }
0x1ae: {  	[sflag:s30] =	ssyncset.done $0x0  }
0x1af: {  	s8 =	simm.s32 $0x0;
	s9 =	rddreg [dreg:$0xf];
	[sflag:s30] =	ssyncadd.s32 $0xFFFFFF80  }
0x1b0: {  	[tilespmem:s31], [sflag:$0x1] =	stream.linear.gather [hbm4b:s9+s8], $0x1000, $0x38;
	[tilespmem:$0x2500] =	vst v63  }
0x1b1: {  	_ =	swait.ge [sflag:s30], $0x1000  }
0x1b2: {  	[sflag:s30] =	ssyncset.done $0x0  }
0x1b3: {  	s9 =	simm.s32 $0x1200;
	[sflag:s30] =	ssyncadd.s32 $0xFFFFF000  }
0x1b4: {  	[spmem:s4] =	stream.indirect.scatter.add.f32 [tilespmem:s2], [sflag:$0x1], $0x1, s9, s0, $0xb8;
	[tilespmem:$0x2500] =	vst v63  }
0x1b5: {  	s8 =	simm.s32 $0x200;
	_ =	swait.ge [sflag:s30], $0x80  }
.LBB2_5:
0x1b6: {  	s9 =	sshra.s32 s8, $0x2;
	[sflag:s30] =	ssyncset.done $0x0;
	p1 =	sne.s32 s8, $0x3E00  }
.Ltmp11:
0x1b7: {  	s9 =	sadd.s32 $0x1200, s9;
	[sflag:s30] =	ssyncadd.s32 $0xFFFFFF80;
	(pc) =	sbr.rel @p1 .LBB2_5-.Ltmp11, $3  }
0x1b8: {  	[spmem:s4] =	stream.indirect.scatter.add.f32 [tilespmem:s2], [sflag:$0x1], $0x1, s9, s0, $0xb8;
	[tilespmem:$0x2500] =	vst v63  }
0x1b9: {  	s8 =	sadd.s32 $0x200, s8;
	_ =	sdelay $0x1  }
0x1ba: {  	_ =	swait.ge [sflag:s30], $0x80  }
0x1bb: {  	[sflag:s30] =	ssyncset.done $0x0  }
0x1bc: {  	s8 =	simm.s32 $0x0;
	s9 =	rddreg [dreg:$0x10];
	[sflag:s30] =	ssyncadd.s32 $0xFFFFFF80  }
0x1bd: {  	[tilespmem:s31], [sflag:$0x1] =	stream.linear.gather [hbm4b:s9+s8], $0x1000, $0x38;
	[tilespmem:$0x2500] =	vst v63  }
0x1be: {  	_ =	swait.ge [sflag:s30], $0x1000  }
0x1bf: {  	[sflag:s30] =	ssyncset.done $0x0  }
0x1c0: {  	s9 =	simm.s32 $0x1200;
	[sflag:s30] =	ssyncadd.s32 $0xFFFFF000  }
0x1c1: {  	[spmem:s4] =	stream.indirect.scatter.add.f32 [tilespmem:s2], [sflag:$0x1], $0x1, s9, s0, $0xb8;
	[tilespmem:$0x2500] =	vst v63  }
0x1c2: {  	s8 =	simm.s32 $0x200;
	_ =	swait.ge [sflag:s30], $0x80  }
.LBB2_7:
0x1c3: {  	s9 =	sshra.s32 s8, $0x2;
	[sflag:s30] =	ssyncset.done $0x0;
	p1 =	sne.s32 s8, $0x3E00  }
.Ltmp12:
0x1c4: {  	s9 =	sadd.s32 $0x1200, s9;
	[sflag:s30] =	ssyncadd.s32 $0xFFFFFF80;
	(pc) =	sbr.rel @p1 .LBB2_7-.Ltmp12, $3  }
0x1c5: {  	[spmem:s4] =	stream.indirect.scatter.add.f32 [tilespmem:s2], [sflag:$0x1], $0x1, s9, s0, $0xb8;
	[tilespmem:$0x2500] =	vst v63  }
0x1c6: {  	s8 =	sadd.s32 $0x200, s8;
	_ =	sdelay $0x1  }
0x1c7: {  	_ =	swait.ge [sflag:s30], $0x80  }
0x1c8: {  	[sflag:s30] =	ssyncset.done $0x0  }
0x1c9: {  	s8 =	simm.s32 $0x0;
	s9 =	rddreg [dreg:$0x11];
	[sflag:s30] =	ssyncadd.s32 $0xFFFFFF80  }
0x1ca: {  	[tilespmem:s31], [sflag:$0x1] =	stream.linear.gather [hbm4b:s9+s8], $0x1000, $0x38;
	[tilespmem:$0x2500] =	vst v63  }
0x1cb: {  	_ =	swait.ge [sflag:s30], $0x1000  }
0x1cc: {  	[sflag:s30] =	ssyncset.done $0x0  }
0x1cd: {  	s9 =	simm.s32 $0x1200;
	[sflag:s30] =	ssyncadd.s32 $0xFFFFF000  }
0x1ce: {  	[spmem:s4] =	stream.indirect.scatter.add.f32 [tilespmem:s2], [sflag:$0x1], $0x1, s9, s0, $0xb8;
	[tilespmem:$0x2500] =	vst v63  }
0x1cf: {  	s8 =	simm.s32 $0x200;
	_ =	swait.ge [sflag:s30], $0x80  }
.LBB2_9:
0x1d0: {  	s9 =	sshra.s32 s8, $0x2;
	[sflag:s30] =	ssyncset.done $0x0;
	p1 =	sne.s32 s8, $0x3E00  }
.Ltmp13:
0x1d1: {  	s9 =	sadd.s32 $0x1200, s9;
	[sflag:s30] =	ssyncadd.s32 $0xFFFFFF80;
	(pc) =	sbr.rel @p1 .LBB2_9-.Ltmp13, $3  }
0x1d2: {  	[spmem:s4] =	stream.indirect.scatter.add.f32 [tilespmem:s2], [sflag:$0x1], $0x1, s9, s0, $0xb8;
	[tilespmem:$0x2500] =	vst v63  }
0x1d3: {  	s8 =	sadd.s32 $0x200, s8;
	_ =	sdelay $0x1  }
0x1d4: {  	_ =	swait.ge [sflag:s30], $0x80  }
0x1d5: {  	[sflag:s30] =	ssyncset.done $0x0  }
0x1d6: {  	s8 =	simm.s32 $0x0;
	s9 =	rddreg [dreg:$0x12];
	[sflag:s30] =	ssyncadd.s32 $0xFFFFFF80  }
0x1d7: {  	[tilespmem:s31], [sflag:$0x1] =	stream.linear.gather [hbm4b:s9+s8], $0x1000, $0x38;
	[tilespmem:$0x2500] =	vst v63  }
0x1d8: {  	_ =	swait.ge [sflag:s30], $0x1000  }
0x1d9: {  	[sflag:s30] =	ssyncset.done $0x0  }
0x1da: {  	s9 =	simm.s32 $0x1200;
	[sflag:s30] =	ssyncadd.s32 $0xFFFFF000  }
0x1db: {  	[spmem:s4] =	stream.indirect.scatter.add.f32 [tilespmem:s2], [sflag:$0x1], $0x1, s9, s0, $0xb8;
	[tilespmem:$0x2500] =	vst v63  }
0x1dc: {  	s8 =	simm.s32 $0x200;
	_ =	swait.ge [sflag:s30], $0x80  }
.LBB2_11:
0x1dd: {  	s9 =	sshra.s32 s8, $0x2;
	[sflag:s30] =	ssyncset.done $0x0;
	p1 =	sne.s32 s8, $0x3E00  }
.Ltmp14:
0x1de: {  	s9 =	sadd.s32 $0x1200, s9;
	[sflag:s30] =	ssyncadd.s32 $0xFFFFFF80;
	(pc) =	sbr.rel @p1 .LBB2_11-.Ltmp14, $3  }
0x1df: {  	[spmem:s4] =	stream.indirect.scatter.add.f32 [tilespmem:s2], [sflag:$0x1], $0x1, s9, s0, $0xb8;
	[tilespmem:$0x2500] =	vst v63  }
0x1e0: {  	s8 =	sadd.s32 $0x200, s8;
	_ =	sdelay $0x1  }
0x1e1: {  	_ =	swait.ge [sflag:s30], $0x80  }
0x1e2: {  	[sflag:s30] =	ssyncset.done $0x0  }
0x1e3: {  	s8 =	simm.s32 $0x0;
	s9 =	rddreg [dreg:$0x18];
	[sflag:s30] =	ssyncadd.s32 $0xFFFFFF80  }
0x1e4: {  	[tilespmem:s31], [sflag:$0x1] =	stream.linear.gather [hbm4b:s9+s8], $0x1000, $0x38;
	[tilespmem:$0x2500] =	vst v63  }
0x1e5: {  	_ =	swait.ge [sflag:s30], $0x1000  }
0x1e6: {  	[sflag:s30] =	ssyncset.done $0x0  }
0x1e7: {  	s9 =	simm.s32 $0x1200;
	[sflag:s30] =	ssyncadd.s32 $0xFFFFF000  }
0x1e8: {  	[spmem:s5] =	stream.indirect.scatter.add.f32 [tilespmem:s2], [sflag:$0x1], $0x1, s9, s0, $0xb8;
	[tilespmem:$0x2500] =	vst v63  }
0x1e9: {  	s8 =	simm.s32 $0x200;
	_ =	swait.ge [sflag:s30], $0x80  }
.LBB2_13:
0x1ea: {  	s9 =	sshra.s32 s8, $0x2;
	[sflag:s30] =	ssyncset.done $0x0;
	p1 =	sne.s32 s8, $0x3E00  }
.Ltmp15:
0x1eb: {  	s9 =	sadd.s32 $0x1200, s9;
	[sflag:s30] =	ssyncadd.s32 $0xFFFFFF80;
	(pc) =	sbr.rel @p1 .LBB2_13-.Ltmp15, $3  }
0x1ec: {  	[spmem:s5] =	stream.indirect.scatter.add.f32 [tilespmem:s2], [sflag:$0x1], $0x1, s9, s0, $0xb8;
	[tilespmem:$0x2500] =	vst v63  }
0x1ed: {  	s8 =	sadd.s32 $0x200, s8;
	_ =	sdelay $0x1  }
0x1ee: {  	_ =	swait.ge [sflag:s30], $0x80  }
0x1ef: {  	[sflag:s30] =	ssyncset.done $0x0  }
0x1f0: {  	[sflag:s30] =	ssyncadd.s32 $0xFFFFFF80  }
0x1f1: {  	[bflag:$0x0] =	sbarrier.arrive $0xFFFF  }
0x1f2: {  	s8 =	sld [smem:$0x7E7];
	_ =	sdelay $0x2  }
0x1f3: {  	[tilespmem:s25], [sflag:$0x1] =	stream.linear.gather [spmem:s8], $0x280, $0x38;
	[tilespmem:$0x2500] =	vst v63  }
0x1f4: {  	_ =	swait.ge [sflag:s30], $0x280  }
0x1f5: {  	s9 =	sld [smem:$0x7E9]  }
0x1f6: {  	[sflag:s30] =	ssyncset.done $0x0  }
0x1f7: {  	[sflag:s30] =	ssyncadd.s32 $0xFFFFFD80  }
0x1f8: {  	[hbm4b:s9+s6] =	stream.linear.scatter [tilespmem:s25], [sflag:$0x1], $0x280, $0x38;
	[tilespmem:$0x2500] =	vst v63  }
0x1f9: {  	_ =	swait.ge [sflag:s30], $0x280  }
0x1fa: {  	[sflag:s30] =	ssyncset.done $0x0  }
0x1fb: {  	[sflag:s30] =	ssyncadd.s32 $0xFFFFFD80  }
0x1fc: {  	[tilespmem:s25], [sflag:$0x1] =	stream.linear.gather [spmem:s24], $0x80, $0x38;
	[tilespmem:$0x2500] =	vst v63  }
0x1fd: {  	_ =	swait.ge [sflag:s30], $0x80  }
0x1fe: {  	[sflag:s30] =	ssyncset.done $0x0  }
.Ltmp16:
0x1ff: {  	s9 =	rddreg [dreg:$0x1a];
	[sflag:s30] =	ssyncadd.s32 $0xFFFFFF80;
	(pc) =	sbr.rel .LBB2_28-.Ltmp16, $4  }
0x200: {  	[hbm4b:s9+s6] =	stream.linear.scatter [tilespmem:s25], [sflag:$0x1], $0x80, $0x38;
	[tilespmem:$0x2500] =	vst v63  }
0x201: {  	_ =	swait.ge [sflag:s30], $0x80  }
0x202: {  	[sflag:s30] =	ssyncset.done $0x0  }
0x203: {  	[sflag:s30] =	ssyncadd.s32 $0xFFFFFF80  }
.LBB2_29:
0x204: {  	_ =	sfence.sel $0x180000  }
0x205: {  	[bflag:$0x0] =	sbarrier.arrive $0xFFFF  }
0x206: {  	_ =	strace $0x90000047  }
0x207: {  	s0 =	stileid.u32;
	[bflag:$0x2] =	sbarrier.arrive $0xFFFF  }
0x208: {  	p0 =	sne.s32 s0, $0x0;
	s0 =	rddreg [dreg:$0x8]  }
0x209: {  	s0 =	sadd.s32 @!p0 $0x100000, s0  }
0x20a: {  	[sflag:s0] =	ssyncadd.tile.s32 @!p0 $0x1;
	_ =	shalt  }
.Lfunc_end2:
_tile_overlayer_lowered:
.L_overlay_start_2:
0x20b: {  	(tag) =	ssettag $0x2  }
0x20c: {  	s0 =	rddreg [dreg:$0x0];
	s2 =	stileid.u32  }
0x20d: {  	s1 =	rddreg [dreg:$0x1];
	p0 =	sne.s32 s2, $0x0  }
0x20e: {  	s3 =	rddreg [dreg:$0x2];
	[bflag:$0x3] =	sbarrier.arrive $0xFFFF;
	s2 =	simm.s32 @!p0 $0x1C01  }
0x20f: {  	[timem:s3], [sflag:s2] =	dma.local @!p0 [hbm:s0], s1  }
0x210: {  	s0 =	simm.s32 @!p0 $0x1  }
0x211: {  	_ =	swait.ge @!p0 [sflag:s0], s1  }
0x212: {  	s1 =	ssub.s32 @!p0 $0x0, s1;
	[sflag:s0] =	ssyncset.done @!p0 $0x0  }
0x213: {  	[sflag:s0] =	ssyncadd.s32 @!p0 s1  }
0x214: {  	[bflag:$0x3] =	sbarrier.arrive $0xFFFF  }
0x215: {  	_ =	shalt  }

</sc_bundles>
